<compile_context>
chip_gen: v7x
topology: tpu7x:2x2x1
jax: 0.10.2.dev20260603
libtpu: 0.0.44.dev20260713+nightly
codegen_flags: <defaults>
</compile_context>

<pallas_src>
import functools

import jax
import jax.numpy as jnp
import numpy as np
from jax import lax
from jax.experimental import pallas as pl
from jax.experimental.pallas import tpu as pltpu
from jax.experimental.pallas import tpu_sc as plsc

D = 128
H = 2
DH = D // H
L = 2

_NC = 2
_NS = 16
_LANES = 16



def _edge_body(x_ref, t_ref, w1_ref, b1_ref, w2_ref, b2_ref, wef_ref, wt_ref,
               tf_ref, tp_ref, kv0_ref, kv1_ref):
    x = x_ref[...]
    h1 = jnp.maximum(
        jnp.dot(x, w1_ref[...], preferred_element_type=jnp.float32) + b1_ref[...], 0.0)
    ef = jnp.dot(h1, w2_ref[...], preferred_element_type=jnp.float32) + b2_ref[...]
    phi = jnp.cos(t_ref[...] * tf_ref[...] + tp_ref[...])
    out = (jnp.dot(ef, wef_ref[...], preferred_element_type=jnp.float32)
           + jnp.dot(phi, wt_ref[...], preferred_element_type=jnp.float32))
    kv0_ref[...] = out[:, :2 * D]
    kv1_ref[...] = out[:, 2 * D:]


def _edge_kv(edge_feat, t, w1, b1, w2, b2, wef, wt, tfreq, tphase, blk=512):
    E = edge_feat.shape[0]
    nout = wef.shape[1]
    grid = (E // blk,)
    return pl.pallas_call(
        _edge_body,
        grid=grid,
        in_specs=[
            pl.BlockSpec((blk, D), lambda i: (i, 0)),
            pl.BlockSpec((blk, 1), lambda i: (i, 0)),
            pl.BlockSpec((D, D), lambda i: (0, 0)),
            pl.BlockSpec((1, D), lambda i: (0, 0)),
            pl.BlockSpec((D, D), lambda i: (0, 0)),
            pl.BlockSpec((1, D), lambda i: (0, 0)),
            pl.BlockSpec((D, nout), lambda i: (0, 0)),
            pl.BlockSpec((D, nout), lambda i: (0, 0)),
            pl.BlockSpec((1, D), lambda i: (0, 0)),
            pl.BlockSpec((1, D), lambda i: (0, 0)),
        ],
        out_specs=[pl.BlockSpec((blk, 2 * D), lambda i: (i, 0)),
                   pl.BlockSpec((blk, 2 * D), lambda i: (i, 0))],
        out_shape=[jax.ShapeDtypeStruct((E, 2 * D), jnp.float32),
                   jax.ShapeDtypeStruct((E, 2 * D), jnp.float32)],
    )(edge_feat, t, w1, b1, w2, b2, wef, wt, tfreq, tphase)


def _mlp2_body(x_ref, w1_ref, b1_ref, w2_ref, b2_ref, out_ref):
    h1 = jnp.maximum(
        jnp.dot(x_ref[...], w1_ref[...], preferred_element_type=jnp.float32)
        + b1_ref[...], 0.0)
    out_ref[...] = (jnp.dot(h1, w2_ref[...], preferred_element_type=jnp.float32)
                    + b2_ref[...])


def _mlp2(x, w1, b1, w2, b2, blk=512):
    M, K = x.shape
    K2, N2 = w2.shape
    grid = (pl.cdiv(M, blk),)
    return pl.pallas_call(
        _mlp2_body,
        grid=grid,
        in_specs=[
            pl.BlockSpec((blk, K), lambda i: (i, 0)),
            pl.BlockSpec((K, K2), lambda i: (0, 0)),
            pl.BlockSpec((1, K2), lambda i: (0, 0)),
            pl.BlockSpec((K2, N2), lambda i: (0, 0)),
            pl.BlockSpec((1, N2), lambda i: (0, 0)),
        ],
        out_specs=pl.BlockSpec((blk, N2), lambda i: (i, 0)),
        out_shape=jax.ShapeDtypeStruct((M, N2), jnp.float32),
    )(x, w1, b1, w2, b2)


def _proj_body(h_ref, w_ref, b_ref, out_ref):
    out_ref[...] = (jnp.dot(h_ref[...], w_ref[...], preferred_element_type=jnp.float32)
                    + b_ref[...])


def _proj(h, w, b, blk=512):
    M, K = h.shape
    N2 = w.shape[1]
    grid = (pl.cdiv(M, blk),)
    return pl.pallas_call(
        _proj_body,
        grid=grid,
        in_specs=[
            pl.BlockSpec((blk, K), lambda i: (i, 0)),
            pl.BlockSpec((K, N2), lambda i: (0, 0)),
            pl.BlockSpec((1, N2), lambda i: (0, 0)),
        ],
        out_specs=pl.BlockSpec((blk, N2), lambda i: (i, 0)),
        out_shape=jax.ShapeDtypeStruct((M, N2), jnp.float32),
    )(h, w, b)


def _upd_body(blk, acc0_ref, acc1_ref, den0_ref, den1_ref, h_ref,
              w1a_ref, w1b_ref, b1_ref, w2_ref, b2_ref, out_ref):
    den = den0_ref[0] + den1_ref[0]
    div = jnp.concatenate(
        [jnp.broadcast_to(den[:, 0:1], (blk, DH)),
         jnp.broadcast_to(den[:, 1:2], (blk, DH))], axis=1) + 1e-10
    agg = (acc0_ref[0] + acc1_ref[0]) / div
    z = (jnp.dot(agg, w1a_ref[...], preferred_element_type=jnp.float32)
         + jnp.dot(h_ref[...], w1b_ref[...], preferred_element_type=jnp.float32)
         + b1_ref[...])
    z = jnp.maximum(z, 0.0)
    out_ref[...] = (jnp.dot(z, w2_ref[...], preferred_element_type=jnp.float32)
                    + b2_ref[...])


def _upd(accp, denp, h, w1a, w1b, b1, w2, b2, blk=512):
    M = h.shape[0]
    grid = (pl.cdiv(M, blk),)
    return pl.pallas_call(
        functools.partial(_upd_body, blk),
        grid=grid,
        in_specs=[
            pl.BlockSpec((1, blk, D), lambda i: (0, i, 0)),
            pl.BlockSpec((1, blk, D), lambda i: (1, i, 0)),
            pl.BlockSpec((1, blk, D), lambda i: (0, i, 0)),
            pl.BlockSpec((1, blk, D), lambda i: (1, i, 0)),
            pl.BlockSpec((blk, D), lambda i: (i, 0)),
            pl.BlockSpec((D, D), lambda i: (0, 0)),
            pl.BlockSpec((D, D), lambda i: (0, 0)),
            pl.BlockSpec((1, D), lambda i: (0, 0)),
            pl.BlockSpec((D, D), lambda i: (0, 0)),
            pl.BlockSpec((1, D), lambda i: (0, 0)),
        ],
        out_specs=pl.BlockSpec((blk, D), lambda i: (i, 0)),
        out_shape=jax.ShapeDtypeStruct((M, D), jnp.float32),
    )(accp, accp, denp, denp, h, w1a, w1b, b1, w2, b2)



def _sc_edge_pass(dst3, src3, qn, kn, vn, kv):
    NW, NCH3, C3 = dst3.shape
    E = NW * NCH3 * C3
    N = qn.shape[0]
    EPW = E // NW
    C = 40
    NCH = EPW // C
    assert EPW * NW == E and NCH * C == EPW
    RPT = (N // _NS) // 8 * 8
    TAIL = N - RPT * _NS
    NFULL, REM = RPT // C, RPT % C
    assert REM % 8 == 0 and TAIL <= C and TAIL % 8 == 0
    scale = np.float32(1.0 / np.sqrt(DH))

    mesh = plsc.VectorSubcoreMesh(core_axis_name="c", subcore_axis_name="s",
                                  num_cores=_NC, num_subcores=_NS)

    @functools.partial(
        pl.kernel,
        out_type=[jax.ShapeDtypeStruct((_NC, N, D), jnp.float32),
                  jax.ShapeDtypeStruct((E, _LANES), jnp.float32)],
        mesh=mesh,
        scratch_types=[
            pltpu.VMEM((C,), jnp.int32),
            pltpu.VMEM((C,), jnp.int32),
            pltpu.VMEM((C, D), jnp.float32),
            pltpu.VMEM((C, D), jnp.float32),
            pltpu.VMEM((C, D), jnp.float32),
            pltpu.VMEM((C, 2 * D), jnp.float32),
            pltpu.VMEM((C, D), jnp.float32),
            pltpu.VMEM((C, _LANES), jnp.float32),
            pltpu.VMEM_SHARED((N, D), jnp.float32),
            pltpu.SemaphoreType.DMA,
        ],
    )
    def sc_kernel(dst_hbm, src_hbm, qn_hbm, kn_hbm, vn_hbm, kv_hbm,
                  acc_hbm, exr_hbm,
                  dst_v, src_v, q_v, k_v, v_v, kv_v, out_v, dden_v,
                  acc_sh, sem):
        cid = lax.axis_index("c")
        sid = lax.axis_index("s")
        wid = sid * _NC + cid

        def zrow(i, _):
            z = jnp.zeros((_LANES,), jnp.float32)
            for j in range(D // _LANES):
                out_v[i, _LANES * j:_LANES * (j + 1)] = z
            return 0
        lax.fori_loop(0, C, zrow, 0)

        def zcopy(m, _):
            pltpu.sync_copy(out_v, acc_sh.at[pl.ds(sid * RPT + m * C, C)])
            return 0
        lax.fori_loop(0, NFULL, zcopy, 0)
        if REM:
            pltpu.sync_copy(out_v.at[pl.ds(0, REM)],
                            acc_sh.at[pl.ds(sid * RPT + NFULL * C, REM)])
        @pl.when(sid == 0)
        def _():
            pltpu.sync_copy(out_v.at[pl.ds(0, TAIL)],
                            acc_sh.at[pl.ds(_NS * RPT, TAIL)])
        plsc.subcore_barrier()

        def edge_body(i, _):
            lane = lax.broadcasted_iota(jnp.int32, (_LANES,), 0)

            def bfly(v):
                for sh in (8, 4, 2, 1):
                    v = v + v.at[lane ^ sh].get(mode="promise_in_bounds")
                return v

            s0 = jnp.zeros((_LANES,), jnp.float32)
            s1 = jnp.zeros((_LANES,), jnp.float32)
            for j in range(4):
                o = _LANES * j
                s0 = s0 + q_v[i, o:o + _LANES] * (
                    k_v[i, o:o + _LANES] + kv_v[i, o:o + _LANES])
            for j in range(4, 8):
                o = _LANES * j
                s1 = s1 + q_v[i, o:o + _LANES] * (
                    k_v[i, o:o + _LANES] + kv_v[i, o:o + _LANES])
            ex0 = jnp.exp(bfly(s0) * scale)
            ex1 = jnp.exp(bfly(s1) * scale)
            for j in range(4):
                o = _LANES * j
                out_v[i, o:o + _LANES] = ex0 * (
                    v_v[i, o:o + _LANES] + kv_v[i, D + o:D + o + _LANES])
            for j in range(4, 8):
                o = _LANES * j
                out_v[i, o:o + _LANES] = ex1 * (
                    v_v[i, o:o + _LANES] + kv_v[i, D + o:D + o + _LANES])
            dden_v[i, :] = jnp.where(lane == 0, ex0,
                                     jnp.where(lane == 1, ex1, 0.0))
            return 0

        def chunk_body(j, _):
            base = wid * EPW + j * C
            pltpu.sync_copy(dst_hbm.at[wid, j], dst_v)
            pltpu.sync_copy(src_hbm.at[wid, j], src_v)
            pltpu.async_copy(qn_hbm.at[dst_v], q_v, sem).wait()
            pltpu.async_copy(kn_hbm.at[src_v], k_v, sem).wait()
            pltpu.async_copy(vn_hbm.at[src_v], v_v, sem).wait()
            pltpu.sync_copy(kv_hbm.at[pl.ds(base, C)], kv_v)
            lax.fori_loop(0, C, edge_body, 0)
            pltpu.sync_copy(out_v, acc_sh.at[dst_v], add=True)
            pltpu.sync_copy(dden_v, exr_hbm.at[pl.ds(base, C)])
            return 0

        lax.fori_loop(0, NCH, chunk_body, 0)
        plsc.subcore_barrier()

        def wb(m, _):
            r0 = sid * RPT + m * C
            pltpu.sync_copy(acc_sh.at[pl.ds(r0, C)], out_v)
            pltpu.sync_copy(out_v, acc_hbm.at[cid, pl.ds(r0, C)])
            return 0
        lax.fori_loop(0, NFULL, wb, 0)
        if REM:
            r0 = sid * RPT + NFULL * C
            pltpu.sync_copy(acc_sh.at[pl.ds(r0, REM)], out_v.at[pl.ds(0, REM)])
            pltpu.sync_copy(out_v.at[pl.ds(0, REM)],
                            acc_hbm.at[cid, pl.ds(r0, REM)])
        @pl.when(sid == 0)
        def _():
            pltpu.sync_copy(acc_sh.at[pl.ds(_NS * RPT, TAIL)],
                            out_v.at[pl.ds(0, TAIL)])
            pltpu.sync_copy(out_v.at[pl.ds(0, TAIL)],
                            acc_hbm.at[cid, pl.ds(_NS * RPT, TAIL)])

    return sc_kernel(dst3, src3, qn, kn, vn, kv)


def _sc_den_pass(dst3d, exr, N):
    NW, NCH, C = dst3d.shape
    E = NW * NCH * C
    EPW = E // NW
    RPT = (N // _NS) // 8 * 8
    TAIL = N - RPT * _NS
    NFULL, REM = RPT // C, RPT % C
    assert REM % 8 == 0 and TAIL <= C and TAIL % 8 == 0

    mesh = plsc.VectorSubcoreMesh(core_axis_name="c", subcore_axis_name="s",
                                  num_cores=_NC, num_subcores=_NS)

    @functools.partial(
        pl.kernel,
        out_type=jax.ShapeDtypeStruct((_NC, N, D), jnp.float32),
        mesh=mesh,
        scratch_types=[
            pltpu.VMEM((C,), jnp.int32),
            pltpu.VMEM((C, _LANES), jnp.float32),
            pltpu.VMEM((C, D), jnp.float32),
            pltpu.VMEM_SHARED((N, D), jnp.float32),
            pltpu.SemaphoreType.DMA,
        ],
    )
    def sc_kernel(dst_hbm, exr_hbm, den_hbm, dst_v, ex_v, row_v, den_sh, sem):
        cid = lax.axis_index("c")
        sid = lax.axis_index("s")
        wid = sid * _NC + cid

        def zrow(i, _):
            z = jnp.zeros((_LANES,), jnp.float32)
            for j in range(D // _LANES):
                row_v[i, _LANES * j:_LANES * (j + 1)] = z
            return 0
        lax.fori_loop(0, C, zrow, 0)

        def zcopy(m, _):
            pltpu.sync_copy(row_v, den_sh.at[pl.ds(sid * RPT + m * C, C)])
            return 0
        lax.fori_loop(0, NFULL, zcopy, 0)
        if REM:
            pltpu.sync_copy(row_v.at[pl.ds(0, REM)],
                            den_sh.at[pl.ds(sid * RPT + NFULL * C, REM)])
        @pl.when(sid == 0)
        def _():
            pltpu.sync_copy(row_v.at[pl.ds(0, TAIL)],
                            den_sh.at[pl.ds(_NS * RPT, TAIL)])
        plsc.subcore_barrier()

        def fill_body(i, _):
            row_v[i, 0:_LANES] = ex_v[i, :]
            return 0

        def chunk_body(j, _):
            base = wid * EPW + j * C
            pltpu.sync_copy(dst_hbm.at[wid, j], dst_v)
            pltpu.sync_copy(exr_hbm.at[pl.ds(base, C)], ex_v)
            lax.fori_loop(0, C, fill_body, 0)
            pltpu.sync_copy(row_v, den_sh.at[dst_v], add=True)
            return 0

        lax.fori_loop(0, NCH, chunk_body, 0)
        plsc.subcore_barrier()

        def wb(m, _):
            r0 = sid * RPT + m * C
            pltpu.sync_copy(den_sh.at[pl.ds(r0, C)], row_v)
            pltpu.sync_copy(row_v, den_hbm.at[cid, pl.ds(r0, C)])
            return 0
        lax.fori_loop(0, NFULL, wb, 0)
        if REM:
            r0 = sid * RPT + NFULL * C
            pltpu.sync_copy(den_sh.at[pl.ds(r0, REM)], row_v.at[pl.ds(0, REM)])
            pltpu.sync_copy(row_v.at[pl.ds(0, REM)],
                            den_hbm.at[cid, pl.ds(r0, REM)])
        @pl.when(sid == 0)
        def _():
            pltpu.sync_copy(den_sh.at[pl.ds(_NS * RPT, TAIL)],
                            row_v.at[pl.ds(0, TAIL)])
            pltpu.sync_copy(row_v.at[pl.ds(0, TAIL)],
                            den_hbm.at[cid, pl.ds(_NS * RPT, TAIL)])

    return sc_kernel(dst3d, exr)



def kernel(src_org_edge_feat, src_edge_to_time, src_center_node_idx,
           src_neigh_edge, src_node_features, params):
    p = params
    E = src_neigh_edge.shape[0]
    N = src_node_features.shape[0]
    dst = src_neigh_edge[:, 0]
    src = src_neigh_edge[:, 1]

    phi0 = jnp.cos(p["time_phase"])
    wef = jnp.concatenate([p[f"W{kv}{l}"][D:2 * D] for l in range(L)
                           for kv in ("k", "v")], axis=1)
    wt = jnp.concatenate([p[f"W{kv}{l}"][2 * D:3 * D] for l in range(L)
                          for kv in ("k", "v")], axis=1)
    projs = []
    for l in range(L):
        w = jnp.concatenate([p[f"Wq{l}"][:D], p[f"Wk{l}"][:D], p[f"Wv{l}"][:D]],
                            axis=1)
        q0 = phi0 @ p[f"Wq{l}"][D:]
        b = jnp.concatenate([q0, jnp.zeros((2 * D,), jnp.float32)])[None, :]
        projs.append((w, b))
    wa1 = p["Wa1"][:D] + p["Wa1"][D:]

    t2 = src_edge_to_time[:, None]
    tf2 = p["time_freq"][None, :]
    tp2 = p["time_phase"][None, :]

    NW = _NC * _NS
    dst3a = dst.reshape(NW, -1, 40)
    src3a = src.reshape(NW, -1, 40)
    dst3b = dst.reshape(NW, -1, 40)

    kvs = _edge_kv(src_org_edge_feat, t2, p["edge_W1"], p["edge_b1"][None, :],
                   p["edge_W2"], p["edge_b2"][None, :], wef, wt, tf2, tp2)
    h = _mlp2(src_node_features, p["node_W1"], p["node_b1"][None, :],
              p["node_W2"], p["node_b2"][None, :])

    for l in range(L):
        qkvn = _proj(h, projs[l][0], projs[l][1])
        qn, kn, vn = qkvn[:, :D], qkvn[:, D:2 * D], qkvn[:, 2 * D:]
        accp, exr = _sc_edge_pass(dst3a, src3a, qn, kn, vn, kvs[l])
        denp = _sc_den_pass(dst3b, exr, N)
        h = _upd(accp, denp, h, p[f"Wm1_{l}"][:D], p[f"Wm1_{l}"][D:],
                 p[f"bm1_{l}"][None, :], p[f"Wm2_{l}"], p[f"bm2_{l}"][None, :])

    x = h[src_center_node_idx]
    score = _mlp2(x, wa1, p["ba1"][None, :], p["Wa2"],
                  p["ba2"][None, :], blk=1024)
    return score

# --- scband reference (transcript-rebuilt; emitter-appended) ---
"""Pipeline reference for scband-tgat-67259187855840 (READ-ONLY COPY).

The authoritative reference and input builder live on the scoring server;
editing this copy changes nothing except your own understanding.
"""

import jax, jax.numpy as jnp
import numpy as np

N_NODES = 10000
N_EDGES = 320000
D_IN = 128
D = 128
H = 2
L = 2
B = 1024


def _linear_init(key, fan_in, fan_out):
    return jax.random.normal(key, (fan_in, fan_out), dtype=jnp.float32) / np.sqrt(fan_in)


def setup_inputs(seed: int = 0):
    key = jax.random.key(seed)
    ks = jax.random.split(key, 24)
    inp = {}
    inp["src_org_edge_feat"] = jax.random.normal(ks[0], (N_EDGES, D_IN), dtype=jnp.float32)
    inp["src_edge_to_time"] = jax.random.uniform(ks[1], (N_EDGES,), dtype=jnp.float32, minval=0.0, maxval=1000.0)
    inp["src_center_node_idx"] = jax.random.randint(ks[2], (B,), 0, N_NODES)
    inp["src_neigh_edge"] = jax.random.randint(ks[3], (N_EDGES, 2), 0, N_NODES)
    inp["src_node_features"] = jax.random.normal(ks[4], (N_NODES, D_IN), dtype=jnp.float32)
    p = {}
    p["node_W1"] = _linear_init(ks[5], D_IN, D); p["node_b1"] = jnp.zeros((D,), jnp.float32)
    p["node_W2"] = _linear_init(ks[6], D, D); p["node_b2"] = jnp.zeros((D,), jnp.float32)
    p["edge_W1"] = _linear_init(ks[7], D_IN, D); p["edge_b1"] = jnp.zeros((D,), jnp.float32)
    p["edge_W2"] = _linear_init(ks[8], D, D); p["edge_b2"] = jnp.zeros((D,), jnp.float32)
    p["time_freq"] = (1.0 / (10.0 ** jnp.linspace(0.0, 9.0, D))).astype(jnp.float32)
    p["time_phase"] = jnp.zeros((D,), jnp.float32)
    for l in range(L):
        p[f"Wq{l}"] = _linear_init(ks[9 + 5 * l], 2 * D, D)
        p[f"Wk{l}"] = _linear_init(ks[10 + 5 * l], 3 * D, D)
        p[f"Wv{l}"] = _linear_init(ks[11 + 5 * l], 3 * D, D)
        p[f"Wm1_{l}"] = _linear_init(ks[12 + 5 * l], 2 * D, D); p[f"bm1_{l}"] = jnp.zeros((D,), jnp.float32)
        p[f"Wm2_{l}"] = _linear_init(ks[13 + 5 * l], D, D); p[f"bm2_{l}"] = jnp.zeros((D,), jnp.float32)
    p["Wa1"] = _linear_init(ks[19], 2 * D, D); p["ba1"] = jnp.zeros((D,), jnp.float32)
    p["Wa2"] = _linear_init(ks[20], D, 1); p["ba2"] = jnp.zeros((1,), jnp.float32)
    inp["params"] = p
    return inp


def _forward(src_org_edge_feat, src_edge_to_time, src_node_features, params, src_center_node_idx, src_neigh_edge):
    p = params
    E = src_neigh_edge.shape[0]
    dst = src_neigh_edge[:, 0]
    src = src_neigh_edge[:, 1]
    # Feat_Process_Layer: 2-layer MLP on nodes and edges
    h = jnp.maximum(src_node_features @ p["node_W1"] + p["node_b1"], 0.0) @ p["node_W2"] + p["node_b2"]
    ef = jnp.maximum(src_org_edge_feat @ p["edge_W1"] + p["edge_b1"], 0.0) @ p["edge_W2"] + p["edge_b2"]
    # TimeEncode: cos(t * w + phi)
    phi_t = jnp.cos(src_edge_to_time[:, None] * p["time_freq"][None, :] + p["time_phase"][None, :])
    phi_0 = jnp.broadcast_to(jnp.cos(p["time_phase"])[None, :], (E, D))
    dh = D // H
    for l in range(L):
        # temporal graph attention over the edge list (dropout is identity in eval)
        q = jnp.concatenate([h[dst], phi_0], axis=-1) @ p[f"Wq{l}"]
        kv_in = jnp.concatenate([h[src], ef, phi_t], axis=-1)
        k = kv_in @ p[f"Wk{l}"]
        v = kv_in @ p[f"Wv{l}"]
        qh = q.reshape(E, H, dh); kh = k.reshape(E, H, dh); vh = v.reshape(E, H, dh)
        scores = jnp.sum(qh * kh, axis=-1) / np.sqrt(dh)
        seg_max = jax.ops.segment_max(scores, dst, num_segments=N_NODES)
        seg_max = jnp.where(jnp.isfinite(seg_max), seg_max, 0.0)
        ex = jnp.exp(scores - seg_max[dst])
        denom = jax.ops.segment_sum(ex, dst, num_segments=N_NODES)
        attn = ex / (denom[dst] + 1e-10)
        agg = jax.ops.segment_sum(attn[:, :, None] * vh, dst, num_segments=N_NODES).reshape(N_NODES, D)
        h = jnp.maximum(jnp.concatenate([agg, h], axis=-1) @ p[f"Wm1_{l}"] + p[f"bm1_{l}"], 0.0) @ p[f"Wm2_{l}"] + p[f"bm2_{l}"]
    x = h[src_center_node_idx]
    # MergeLayer_output(x1, x2) with x1 == x2 == center embeddings
    score = jnp.maximum(jnp.concatenate([x, x], axis=-1) @ p["Wa1"] + p["ba1"], 0.0) @ p["Wa2"] + p["ba2"]
    return score


def reference(src_org_edge_feat, src_edge_to_time, src_center_node_idx, src_neigh_edge, src_node_features, params):
    return _forward(src_org_edge_feat, src_edge_to_time, src_node_features, params, src_center_node_idx, src_neigh_edge)

if __name__ == "__main__":
    import jax
    _d = setup_inputs()
    print(jax.jit(kernel)(*tuple(_d.values())))

</pallas_src>

<mosaic_0001>
#map = affine_map<(d0, d1) -> (0, 0, 0)>
#map1 = affine_map<(d0, d1) -> (0, 0)>
module attributes {stable_mosaic.version = 14 : i64} {
  func.func @sc_kernel(%arg0: i32, %arg1: i32, %arg2: memref<32x250x40xi32, #tpu.memory_space<hbm>>, %arg3: memref<320000x16xf32, #tpu.memory_space<hbm>>, %arg4: memref<2x10000x128xf32, #tpu.memory_space<hbm>>, %arg5: memref<40xi32, #tpu.memory_space<vmem>>, %arg6: memref<40x16xf32, #tpu.memory_space<vmem>>, %arg7: memref<40x128xf32, #tpu.memory_space<vmem>>, %arg8: memref<10000x128xf32, #tpu.memory_space<vmem_shared>>, %arg9: memref<!tpu.dma_semaphore, #tpu.memory_space<semaphore_mem>>) attributes {dimension_semantics = [#tpu.dimension_semantics<core_parallel>, #tpu.dimension_semantics<subcore_parallel>], iteration_bounds = array<i64: 2, 16>, scalar_prefetch = 0 : i64, scratch_operands = 5 : i64, tpu.core_type = #tpu.core_type<sc_vector_subcore>, window_params = [{transform_indices = #map}, {transform_indices = #map1}, {transform_indices = #map}]} {
    %mul3A = arith.constant 2 : i32
    %mul3A_0 = arith.muli %arg1, %mul3A : i32
    %add3A = arith.addi %mul3A_0, %arg0 : i32
    %scan3A = arith.constant 0 : i32
    %scan3A_1 = arith.constant 0 : i32
    %scan3A_2 = arith.constant 40 : i32
    %scan3A_3 = arith.addi %scan3A_1, %scan3A_2 : i32
    %scan3A_4 = arith.constant 1 : i32
    %scan3A_5 = scf.for %scan3A_44 = %scan3A_1 to %scan3A_3 step %scan3A_4 iter_args(%scan3A_45 = %scan3A) -> (i32)  : i32 {
      %broadcast_in_dim3A = arith.constant 0.000000e+00 : f32
      %broadcast_in_dim3A_46 = vector.broadcast %broadcast_in_dim3A : f32 to vector<16xf32>
      %swap3A = arith.index_cast %scan3A_44 : i32 to index
      %swap3A_47 = arith.constant 0 : index
      %swap3A_48 = tpu.vector_load %arg7[%swap3A, %swap3A_47] {strides = array<i32>} : memref<40x128xf32, #tpu.memory_space<vmem>>, vector<1x16xf32>,
      %swap3A_49 = vector.shape_cast %swap3A_48 : vector<1x16xf32> to vector<16xf32>
      %swap3A_50 = vector.shape_cast %broadcast_in_dim3A_46 : vector<16xf32> to vector<1x16xf32>
      tpu.vector_store %arg7[%swap3A, %swap3A_47], %swap3A_50 {strides = array<i32>} : memref<40x128xf32, #tpu.memory_space<vmem>>, vector<1x16xf32>,
      %swap3A_51 = arith.index_cast %scan3A_44 : i32 to index
      %swap3A_52 = arith.constant 16 : index
      %swap3A_53 = tpu.vector_load %arg7[%swap3A_51, %swap3A_52] {strides = array<i32>} : memref<40x128xf32, #tpu.memory_space<vmem>>, vector<1x16xf32>,
      %swap3A_54 = vector.shape_cast %swap3A_53 : vector<1x16xf32> to vector<16xf32>
      %swap3A_55 = vector.shape_cast %broadcast_in_dim3A_46 : vector<16xf32> to vector<1x16xf32>
      tpu.vector_store %arg7[%swap3A_51, %swap3A_52], %swap3A_55 {strides = array<i32>} : memref<40x128xf32, #tpu.memory_space<vmem>>, vector<1x16xf32>,
      %swap3A_56 = arith.index_cast %scan3A_44 : i32 to index
      %swap3A_57 = arith.constant 32 : index
      %swap3A_58 = tpu.vector_load %arg7[%swap3A_56, %swap3A_57] {strides = array<i32>} : memref<40x128xf32, #tpu.memory_space<vmem>>, vector<1x16xf32>,
      %swap3A_59 = vector.shape_cast %swap3A_58 : vector<1x16xf32> to vector<16xf32>
      %swap3A_60 = vector.shape_cast %broadcast_in_dim3A_46 : vector<16xf32> to vector<1x16xf32>
      tpu.vector_store %arg7[%swap3A_56, %swap3A_57], %swap3A_60 {strides = array<i32>} : memref<40x128xf32, #tpu.memory_space<vmem>>, vector<1x16xf32>,
      %swap3A_61 = arith.index_cast %scan3A_44 : i32 to index
      %swap3A_62 = arith.constant 48 : index
      %swap3A_63 = tpu.vector_load %arg7[%swap3A_61, %swap3A_62] {strides = array<i32>} : memref<40x128xf32, #tpu.memory_space<vmem>>, vector<1x16xf32>,
      %swap3A_64 = vector.shape_cast %swap3A_63 : vector<1x16xf32> to vector<16xf32>
      %swap3A_65 = vector.shape_cast %broadcast_in_dim3A_46 : vector<16xf32> to vector<1x16xf32>
      tpu.vector_store %arg7[%swap3A_61, %swap3A_62], %swap3A_65 {strides = array<i32>} : memref<40x128xf32, #tpu.memory_space<vmem>>, vector<1x16xf32>,
      %swap3A_66 = arith.index_cast %scan3A_44 : i32 to index
      %swap3A_67 = arith.constant 64 : index
      %swap3A_68 = tpu.vector_load %arg7[%swap3A_66, %swap3A_67] {strides = array<i32>} : memref<40x128xf32, #tpu.memory_space<vmem>>, vector<1x16xf32>,
      %swap3A_69 = vector.shape_cast %swap3A_68 : vector<1x16xf32> to vector<16xf32>
      %swap3A_70 = vector.shape_cast %broadcast_in_dim3A_46 : vector<16xf32> to vector<1x16xf32>
      tpu.vector_store %arg7[%swap3A_66, %swap3A_67], %swap3A_70 {strides = array<i32>} : memref<40x128xf32, #tpu.memory_space<vmem>>, vector<1x16xf32>,
      %swap3A_71 = arith.index_cast %scan3A_44 : i32 to index
      %swap3A_72 = arith.constant 80 : index
      %swap3A_73 = tpu.vector_load %arg7[%swap3A_71, %swap3A_72] {strides = array<i32>} : memref<40x128xf32, #tpu.memory_space<vmem>>, vector<1x16xf32>,
      %swap3A_74 = vector.shape_cast %swap3A_73 : vector<1x16xf32> to vector<16xf32>
      %swap3A_75 = vector.shape_cast %broadcast_in_dim3A_46 : vector<16xf32> to vector<1x16xf32>
      tpu.vector_store %arg7[%swap3A_71, %swap3A_72], %swap3A_75 {strides = array<i32>} : memref<40x128xf32, #tpu.memory_space<vmem>>, vector<1x16xf32>,
      %swap3A_76 = arith.index_cast %scan3A_44 : i32 to index
      %swap3A_77 = arith.constant 96 : index
      %swap3A_78 = tpu.vector_load %arg7[%swap3A_76, %swap3A_77] {strides = array<i32>} : memref<40x128xf32, #tpu.memory_space<vmem>>, vector<1x16xf32>,
      %swap3A_79 = vector.shape_cast %swap3A_78 : vector<1x16xf32> to vector<16xf32>
      %swap3A_80 = vector.shape_cast %broadcast_in_dim3A_46 : vector<16xf32> to vector<1x16xf32>
      tpu.vector_store %arg7[%swap3A_76, %swap3A_77], %swap3A_80 {strides = array<i32>} : memref<40x128xf32, #tpu.memory_space<vmem>>, vector<1x16xf32>,
      %swap3A_81 = arith.index_cast %scan3A_44 : i32 to index
      %swap3A_82 = arith.constant 112 : index
      %swap3A_83 = tpu.vector_load %arg7[%swap3A_81, %swap3A_82] {strides = array<i32>} : memref<40x128xf32, #tpu.memory_space<vmem>>, vector<1x16xf32>,
      %swap3A_84 = vector.shape_cast %swap3A_83 : vector<1x16xf32> to vector<16xf32>
      %swap3A_85 = vector.shape_cast %broadcast_in_dim3A_46 : vector<16xf32> to vector<1x16xf32>
      tpu.vector_store %arg7[%swap3A_81, %swap3A_82], %swap3A_85 {strides = array<i32>} : memref<40x128xf32, #tpu.memory_space<vmem>>, vector<1x16xf32>,
      %scan3A_86 = arith.constant 0 : i32
      scf.yield %scan3A_86 : i32
    }
    %scan3A_6 = arith.constant 40 : i32
    %scan3A_7 = arith.constant 0 : i32
    %scan3A_8 = arith.constant 0 : i32
    %scan3A_9 = arith.constant 15 : i32
    %scan3A_10 = arith.addi %scan3A_8, %scan3A_9 : i32
    %scan3A_11 = arith.constant 1 : i32
    %scan3A_12 = scf.for %scan3A_44 = %scan3A_8 to %scan3A_10 step %scan3A_11 iter_args(%scan3A_45 = %scan3A_7) -> (i32)  : i32 {
      %mul3A_46 = arith.constant 624 : i32
      %mul3A_47 = arith.muli %arg1, %mul3A_46 : i32
      %mul3A_48 = arith.constant 40 : i32
      %mul3A_49 = arith.muli %scan3A_44, %mul3A_48 : i32
      %add3A_50 = arith.addi %mul3A_47, %mul3A_49 : i32
      "tpu.region"() ({
        %run_scoped3A = tpu.sem_alloc : memref<!tpu.dma_semaphore, #tpu.memory_space<semaphore_mem>>
        %dma_start3A = arith.constant 0 : i32
        %dma_start3A_52 = tpu.memref_slice %arg8[%add3A_50, %dma_start3A] : memref<10000x128xf32, #tpu.memory_space<vmem_shared>> -> memref<40x128xf32, #tpu.memory_space<vmem_shared>>
        %dma_start3A_53 = arith.constant 0 : i32
        %dma_start3A_54 = tpu.memref_slice %arg8[%add3A_50, %dma_start3A_53] : memref<10000x128xf32, #tpu.memory_space<vmem_shared>> -> memref<40x128xf32, #tpu.memory_space<vmem_shared>>
        tpu.enqueue_dma source(%arg7 : memref<40x128xf32, #tpu.memory_space<vmem>>) target(%dma_start3A_54 : memref<40x128xf32, #tpu.memory_space<vmem_shared>>) target_semaphore(%run_scoped3A : memref<!tpu.dma_semaphore, #tpu.memory_space<semaphore_mem>>)
        %dma_wait3A = arith.constant 0 : i32
        %dma_wait3A_55 = tpu.memref_slice %arg8[%add3A_50, %dma_wait3A] : memref<10000x128xf32, #tpu.memory_space<vmem_shared>> -> memref<40x128xf32, #tpu.memory_space<vmem_shared>>
        %dma_wait3A_56 = arith.constant 0 : i32
        %dma_wait3A_57 = tpu.memref_slice %arg8[%add3A_50, %dma_wait3A_56] : memref<10000x128xf32, #tpu.memory_space<vmem_shared>> -> memref<40x128xf32, #tpu.memory_space<vmem_shared>>
        tpu.wait_dma2 semaphore(%run_scoped3A : memref<!tpu.dma_semaphore, #tpu.memory_space<semaphore_mem>>) src(%arg7 : memref<40x128xf32, #tpu.memory_space<vmem>>) dst(%dma_wait3A_57 : memref<40x128xf32, #tpu.memory_space<vmem_shared>>)
        tpu.yield
      }) : () -> ()
      %scan3A_51 = arith.constant 0 : i32
      scf.yield %scan3A_51 : i32
    }
    %scan3A_13 = arith.constant 15 : i32
    %mul3A_14 = arith.constant 624 : i32
    %mul3A_15 = arith.muli %arg1, %mul3A_14 : i32
    %add3A_16 = arith.constant 600 : i32
    %add3A_17 = arith.addi %mul3A_15, %add3A_16 : i32
    "tpu.region"() ({
      %run_scoped3A = tpu.sem_alloc : memref<!tpu.dma_semaphore, #tpu.memory_space<semaphore_mem>>
      %dma_start3A = arith.constant 0 : i32
      %dma_start3A_44 = arith.constant 0 : i32
      %dma_start3A_45 = tpu.memref_slice %arg7[%dma_start3A, %dma_start3A_44] : memref<40x128xf32, #tpu.memory_space<vmem>> -> memref<24x128xf32, #tpu.memory_space<vmem>>
      %dma_start3A_46 = arith.constant 0 : i32
      %dma_start3A_47 = tpu.memref_slice %arg8[%add3A_17, %dma_start3A_46] : memref<10000x128xf32, #tpu.memory_space<vmem_shared>> -> memref<24x128xf32, #tpu.memory_space<vmem_shared>>
      %dma_start3A_48 = arith.constant 0 : i32
      %dma_start3A_49 = tpu.memref_slice %arg8[%add3A_17, %dma_start3A_48] : memref<10000x128xf32, #tpu.memory_space<vmem_shared>> -> memref<24x128xf32, #tpu.memory_space<vmem_shared>>
      %dma_start3A_50 = arith.constant 0 : i32
      %dma_start3A_51 = arith.constant 0 : i32
      %dma_start3A_52 = tpu.memref_slice %arg7[%dma_start3A_50, %dma_start3A_51] : memref<40x128xf32, #tpu.memory_space<vmem>> -> memref<24x128xf32, #tpu.memory_space<vmem>>
      tpu.enqueue_dma source(%dma_start3A_52 : memref<24x128xf32, #tpu.memory_space<vmem>>) target(%dma_start3A_49 : memref<24x128xf32, #tpu.memory_space<vmem_shared>>) target_semaphore(%run_scoped3A : memref<!tpu.dma_semaphore, #tpu.memory_space<semaphore_mem>>)
      %dma_wait3A = arith.constant 0 : i32
      %dma_wait3A_53 = arith.constant 0 : i32
      %dma_wait3A_54 = tpu.memref_slice %arg7[%dma_wait3A, %dma_wait3A_53] : memref<40x128xf32, #tpu.memory_space<vmem>> -> memref<24x128xf32, #tpu.memory_space<vmem>>
      %dma_wait3A_55 = arith.constant 0 : i32
      %dma_wait3A_56 = tpu.memref_slice %arg8[%add3A_17, %dma_wait3A_55] : memref<10000x128xf32, #tpu.memory_space<vmem_shared>> -> memref<24x128xf32, #tpu.memory_space<vmem_shared>>
      %dma_wait3A_57 = arith.constant 0 : i32
      %dma_wait3A_58 = tpu.memref_slice %arg8[%add3A_17, %dma_wait3A_57] : memref<10000x128xf32, #tpu.memory_space<vmem_shared>> -> memref<24x128xf32, #tpu.memory_space<vmem_shared>>
      %dma_wait3A_59 = arith.constant 0 : i32
      %dma_wait3A_60 = arith.constant 0 : i32
      %dma_wait3A_61 = tpu.memref_slice %arg7[%dma_wait3A_59, %dma_wait3A_60] : memref<40x128xf32, #tpu.memory_space<vmem>> -> memref<24x128xf32, #tpu.memory_space<vmem>>
      tpu.wait_dma2 semaphore(%run_scoped3A : memref<!tpu.dma_semaphore, #tpu.memory_space<semaphore_mem>>) src(%dma_wait3A_61 : memref<24x128xf32, #tpu.memory_space<vmem>>) dst(%dma_wait3A_58 : memref<24x128xf32, #tpu.memory_space<vmem_shared>>)
      tpu.yield
    }) : () -> ()
    %eq3A = arith.constant 0 : i32
    %eq3A_18 = arith.cmpi eq, %arg1, %eq3A : i32
    %convert_element_type3A = arith.extui %eq3A_18 : i1 to i32
    %cond3A = arith.constant 0 : i32
    %cond3A_19 = arith.cmpi ne, %convert_element_type3A, %cond3A : i32
    scf.if %cond3A_19 {
      "tpu.region"() ({
        %run_scoped3A = tpu.sem_alloc : memref<!tpu.dma_semaphore, #tpu.memory_space<semaphore_mem>>
        %dma_start3A = arith.constant 0 : i32
        %dma_start3A_44 = arith.constant 0 : i32
        %dma_start3A_45 = tpu.memref_slice %arg7[%dma_start3A, %dma_start3A_44] : memref<40x128xf32, #tpu.memory_space<vmem>> -> memref<16x128xf32, #tpu.memory_space<vmem>>
        %dma_start3A_46 = arith.constant 9984 : i32
        %dma_start3A_47 = arith.constant 0 : i32
        %dma_start3A_48 = tpu.memref_slice %arg8[%dma_start3A_46, %dma_start3A_47] : memref<10000x128xf32, #tpu.memory_space<vmem_shared>> -> memref<16x128xf32, #tpu.memory_space<vmem_shared>>
        %dma_start3A_49 = arith.constant 9984 : i32
        %dma_start3A_50 = arith.constant 0 : i32
        %dma_start3A_51 = tpu.memref_slice %arg8[%dma_start3A_49, %dma_start3A_50] : memref<10000x128xf32, #tpu.memory_space<vmem_shared>> -> memref<16x128xf32, #tpu.memory_space<vmem_shared>>
        %dma_start3A_52 = arith.constant 0 : i32
        %dma_start3A_53 = arith.constant 0 : i32
        %dma_start3A_54 = tpu.memref_slice %arg7[%dma_start3A_52, %dma_start3A_53] : memref<40x128xf32, #tpu.memory_space<vmem>> -> memref<16x128xf32, #tpu.memory_space<vmem>>
        tpu.enqueue_dma source(%dma_start3A_54 : memref<16x128xf32, #tpu.memory_space<vmem>>) target(%dma_start3A_51 : memref<16x128xf32, #tpu.memory_space<vmem_shared>>) target_semaphore(%run_scoped3A : memref<!tpu.dma_semaphore, #tpu.memory_space<semaphore_mem>>)
        %dma_wait3A = arith.constant 0 : i32
        %dma_wait3A_55 = arith.constant 0 : i32
        %dma_wait3A_56 = tpu.memref_slice %arg7[%dma_wait3A, %dma_wait3A_55] : memref<40x128xf32, #tpu.memory_space<vmem>> -> memref<16x128xf32, #tpu.memory_space<vmem>>
        %dma_wait3A_57 = arith.constant 9984 : i32
        %dma_wait3A_58 = arith.constant 0 : i32
        %dma_wait3A_59 = tpu.memref_slice %arg8[%dma_wait3A_57, %dma_wait3A_58] : memref<10000x128xf32, #tpu.memory_space<vmem_shared>> -> memref<16x128xf32, #tpu.memory_space<vmem_shared>>
        %dma_wait3A_60 = arith.constant 9984 : i32
        %dma_wait3A_61 = arith.constant 0 : i32
        %dma_wait3A_62 = tpu.memref_slice %arg8[%dma_wait3A_60, %dma_wait3A_61] : memref<10000x128xf32, #tpu.memory_space<vmem_shared>> -> memref<16x128xf32, #tpu.memory_space<vmem_shared>>
        %dma_wait3A_63 = arith.constant 0 : i32
        %dma_wait3A_64 = arith.constant 0 : i32
        %dma_wait3A_65 = tpu.memref_slice %arg7[%dma_wait3A_63, %dma_wait3A_64] : memref<40x128xf32, #tpu.memory_space<vmem>> -> memref<16x128xf32, #tpu.memory_space<vmem>>
        tpu.wait_dma2 semaphore(%run_scoped3A : memref<!tpu.dma_semaphore, #tpu.memory_space<semaphore_mem>>) src(%dma_wait3A_65 : memref<16x128xf32, #tpu.memory_space<vmem>>) dst(%dma_wait3A_62 : memref<16x128xf32, #tpu.memory_space<vmem_shared>>)
        tpu.yield
      }) : () -> ()
    } else {
    }
    %barrier3A = arith.constant 0 : index
    tpu.barrier barrier_id(%barrier3A)
    %scan3A_20 = arith.constant 0 : i32
    %scan3A_21 = arith.constant 0 : i32
    %scan3A_22 = arith.constant 250 : i32
    %scan3A_23 = arith.addi %scan3A_21, %scan3A_22 : i32
    %scan3A_24 = arith.constant 1 : i32
    %scan3A_25 = scf.for %scan3A_44 = %scan3A_21 to %scan3A_23 step %scan3A_24 iter_args(%scan3A_45 = %scan3A_20) -> (i32)  : i32 {
      %mul3A_46 = arith.constant 10000 : i32
      %mul3A_47 = arith.muli %add3A, %mul3A_46 : i32
      %mul3A_48 = arith.constant 40 : i32
      %mul3A_49 = arith.muli %scan3A_44, %mul3A_48 : i32
      %add3A_50 = arith.addi %mul3A_47, %mul3A_49 : i32
      "tpu.region"() ({
        %run_scoped3A = tpu.sem_alloc : memref<!tpu.dma_semaphore, #tpu.memory_space<semaphore_mem>>
        %dma_start3A = arith.constant 0 : i32
        %dma_start3A_59 = tpu.memref_slice %arg2[%add3A, %scan3A_44, %dma_start3A] : memref<32x250x40xi32, #tpu.memory_space<hbm>> -> memref<1x1x40xi32, #tpu.memory_space<hbm>>
        %dma_start3A_60 = tpu.memref_squeeze %dma_start3A_59 : memref<1x1x40xi32, #tpu.memory_space<hbm>> -> memref<40xi32, #tpu.memory_space<hbm>>
        %dma_start3A_61 = arith.constant 0 : i32
        %dma_start3A_62 = tpu.memref_slice %arg2[%add3A, %scan3A_44, %dma_start3A_61] : memref<32x250x40xi32, #tpu.memory_space<hbm>> -> memref<1x1x40xi32, #tpu.memory_space<hbm>>
        %dma_start3A_63 = tpu.memref_squeeze %dma_start3A_62 : memref<1x1x40xi32, #tpu.memory_space<hbm>> -> memref<40xi32, #tpu.memory_space<hbm>>
        tpu.enqueue_dma source(%dma_start3A_63 : memref<40xi32, #tpu.memory_space<hbm>>) target(%arg5 : memref<40xi32, #tpu.memory_space<vmem>>) target_semaphore(%run_scoped3A : memref<!tpu.dma_semaphore, #tpu.memory_space<semaphore_mem>>)
        %dma_wait3A = arith.constant 0 : i32
        %dma_wait3A_64 = tpu.memref_slice %arg2[%add3A, %scan3A_44, %dma_wait3A] : memref<32x250x40xi32, #tpu.memory_space<hbm>> -> memref<1x1x40xi32, #tpu.memory_space<hbm>>
        %dma_wait3A_65 = tpu.memref_squeeze %dma_wait3A_64 : memref<1x1x40xi32, #tpu.memory_space<hbm>> -> memref<40xi32, #tpu.memory_space<hbm>>
        %dma_wait3A_66 = arith.constant 0 : i32
        %dma_wait3A_67 = tpu.memref_slice %arg2[%add3A, %scan3A_44, %dma_wait3A_66] : memref<32x250x40xi32, #tpu.memory_space<hbm>> -> memref<1x1x40xi32, #tpu.memory_space<hbm>>
        %dma_wait3A_68 = tpu.memref_squeeze %dma_wait3A_67 : memref<1x1x40xi32, #tpu.memory_space<hbm>> -> memref<40xi32, #tpu.memory_space<hbm>>
        tpu.wait_dma2 semaphore(%run_scoped3A : memref<!tpu.dma_semaphore, #tpu.memory_space<semaphore_mem>>) src(%dma_wait3A_68 : memref<40xi32, #tpu.memory_space<hbm>>) dst(%arg5 : memref<40xi32, #tpu.memory_space<vmem>>)
        tpu.yield
      }) : () -> ()
      "tpu.region"() ({
        %run_scoped3A = tpu.sem_alloc : memref<!tpu.dma_semaphore, #tpu.memory_space<semaphore_mem>>
        %dma_start3A = arith.constant 0 : i32
        %dma_start3A_59 = tpu.memref_slice %arg3[%add3A_50, %dma_start3A] : memref<320000x16xf32, #tpu.memory_space<hbm>> -> memref<40x16xf32, #tpu.memory_space<hbm>>
        %dma_start3A_60 = arith.constant 0 : i32
        %dma_start3A_61 = tpu.memref_slice %arg3[%add3A_50, %dma_start3A_60] : memref<320000x16xf32, #tpu.memory_space<hbm>> -> memref<40x16xf32, #tpu.memory_space<hbm>>
        tpu.enqueue_dma source(%dma_start3A_61 : memref<40x16xf32, #tpu.memory_space<hbm>>) target(%arg6 : memref<40x16xf32, #tpu.memory_space<vmem>>) target_semaphore(%run_scoped3A : memref<!tpu.dma_semaphore, #tpu.memory_space<semaphore_mem>>)
        %dma_wait3A = arith.constant 0 : i32
        %dma_wait3A_62 = tpu.memref_slice %arg3[%add3A_50, %dma_wait3A] : memref<320000x16xf32, #tpu.memory_space<hbm>> -> memref<40x16xf32, #tpu.memory_space<hbm>>
        %dma_wait3A_63 = arith.constant 0 : i32
        %dma_wait3A_64 = tpu.memref_slice %arg3[%add3A_50, %dma_wait3A_63] : memref<320000x16xf32, #tpu.memory_space<hbm>> -> memref<40x16xf32, #tpu.memory_space<hbm>>
        tpu.wait_dma2 semaphore(%run_scoped3A : memref<!tpu.dma_semaphore, #tpu.memory_space<semaphore_mem>>) src(%dma_wait3A_64 : memref<40x16xf32, #tpu.memory_space<hbm>>) dst(%arg6 : memref<40x16xf32, #tpu.memory_space<vmem>>)
        tpu.yield
      }) : () -> ()
      %scan3A_51 = arith.constant 0 : i32
      %scan3A_52 = arith.constant 0 : i32
      %scan3A_53 = arith.constant 40 : i32
      %scan3A_54 = arith.addi %scan3A_52, %scan3A_53 : i32
      %scan3A_55 = arith.constant 1 : i32
      %scan3A_56 = scf.for %scan3A_59 = %scan3A_52 to %scan3A_54 step %scan3A_55 iter_args(%scan3A_60 = %scan3A_51) -> (i32)  : i32 {
        %get3A = arith.index_cast %scan3A_59 : i32 to index
        %get3A_61 = arith.constant 0 : index
        %get3A_62 = tpu.vector_load %arg6[%get3A, %get3A_61] {strides = array<i32>} : memref<40x16xf32, #tpu.memory_space<vmem>>, vector<1x16xf32>,
        %get3A_63 = vector.shape_cast %get3A_62 : vector<1x16xf32> to vector<16xf32>
        %swap3A = arith.index_cast %scan3A_59 : i32 to index
        %swap3A_64 = arith.constant 0 : index
        %swap3A_65 = tpu.vector_load %arg7[%swap3A, %swap3A_64] {strides = array<i32>} : memref<40x128xf32, #tpu.memory_space<vmem>>, vector<1x16xf32>,
        %swap3A_66 = vector.shape_cast %swap3A_65 : vector<1x16xf32> to vector<16xf32>
        %swap3A_67 = vector.shape_cast %get3A_63 : vector<16xf32> to vector<1x16xf32>
        tpu.vector_store %arg7[%swap3A, %swap3A_64], %swap3A_67 {strides = array<i32>} : memref<40x128xf32, #tpu.memory_space<vmem>>, vector<1x16xf32>,
        %scan3A_68 = arith.constant 0 : i32
        scf.yield %scan3A_68 : i32
      }
      %scan3A_57 = arith.constant 40 : i32
      "tpu.region"() ({
        %run_scoped3A = tpu.sem_alloc : memref<!tpu.dma_semaphore, #tpu.memory_space<semaphore_mem>>
        %dma_start3A = arith.constant 0 : i32
        %dma_start3A_59 = arith.constant 0 : i32
        %dma_start3A_60 = tpu.memref_slice %arg8[%dma_start3A, %dma_start3A_59] : memref<10000x128xf32, #tpu.memory_space<vmem_shared>> -> memref<10000x128xf32, #tpu.memory_space<vmem_shared>>
        tpu.enqueue_indirect_dma source(%arg7 : memref<40x128xf32, #tpu.memory_space<vmem>>) target(%dma_start3A_60 : memref<10000x128xf32, #tpu.memory_space<vmem_shared>>) offsets(%arg5 : memref<40xi32, #tpu.memory_space<vmem>>) semaphore(%run_scoped3A : memref<!tpu.dma_semaphore, #tpu.memory_space<semaphore_mem>>) {add = true}
        %dma_wait3A = arith.constant 0 : i32
        %dma_wait3A_61 = arith.constant 0 : i32
        %dma_wait3A_62 = tpu.memref_slice %arg8[%dma_wait3A, %dma_wait3A_61] : memref<10000x128xf32, #tpu.memory_space<vmem_shared>> -> memref<10000x128xf32, #tpu.memory_space<vmem_shared>>
        tpu.wait_indirect_dma semaphore(%run_scoped3A : memref<!tpu.dma_semaphore, #tpu.memory_space<semaphore_mem>>) src(%arg7 : memref<40x128xf32, #tpu.memory_space<vmem>>) dst(%dma_wait3A_62 : memref<10000x128xf32, #tpu.memory_space<vmem_shared>>)
        tpu.yield
      }) : () -> ()
      %scan3A_58 = arith.constant 0 : i32
      scf.yield %scan3A_58 : i32
    }
    %scan3A_26 = arith.constant 250 : i32
    %barrier3A_27 = arith.constant 0 : index
    tpu.barrier barrier_id(%barrier3A_27)
    %scan3A_28 = arith.constant 0 : i32
    %scan3A_29 = arith.constant 0 : i32
    %scan3A_30 = arith.constant 15 : i32
    %scan3A_31 = arith.addi %scan3A_29, %scan3A_30 : i32
    %scan3A_32 = arith.constant 1 : i32
    %scan3A_33 = scf.for %scan3A_44 = %scan3A_29 to %scan3A_31 step %scan3A_32 iter_args(%scan3A_45 = %scan3A_28) -> (i32)  : i32 {
      %mul3A_46 = arith.constant 624 : i32
      %mul3A_47 = arith.muli %arg1, %mul3A_46 : i32
      %mul3A_48 = arith.constant 40 : i32
      %mul3A_49 = arith.muli %scan3A_44, %mul3A_48 : i32
      %add3A_50 = arith.addi %mul3A_47, %mul3A_49 : i32
      "tpu.region"() ({
        %run_scoped3A = tpu.sem_alloc : memref<!tpu.dma_semaphore, #tpu.memory_space<semaphore_mem>>
        %dma_start3A = arith.constant 0 : i32
        %dma_start3A_52 = tpu.memref_slice %arg8[%add3A_50, %dma_start3A] : memref<10000x128xf32, #tpu.memory_space<vmem_shared>> -> memref<40x128xf32, #tpu.memory_space<vmem_shared>>
        %dma_start3A_53 = arith.constant 0 : i32
        %dma_start3A_54 = tpu.memref_slice %arg8[%add3A_50, %dma_start3A_53] : memref<10000x128xf32, #tpu.memory_space<vmem_shared>> -> memref<40x128xf32, #tpu.memory_space<vmem_shared>>
        tpu.enqueue_dma source(%dma_start3A_54 : memref<40x128xf32, #tpu.memory_space<vmem_shared>>) target(%arg7 : memref<40x128xf32, #tpu.memory_space<vmem>>) target_semaphore(%run_scoped3A : memref<!tpu.dma_semaphore, #tpu.memory_space<semaphore_mem>>)
        %dma_wait3A = arith.constant 0 : i32
        %dma_wait3A_55 = tpu.memref_slice %arg8[%add3A_50, %dma_wait3A] : memref<10000x128xf32, #tpu.memory_space<vmem_shared>> -> memref<40x128xf32, #tpu.memory_space<vmem_shared>>
        %dma_wait3A_56 = arith.constant 0 : i32
        %dma_wait3A_57 = tpu.memref_slice %arg8[%add3A_50, %dma_wait3A_56] : memref<10000x128xf32, #tpu.memory_space<vmem_shared>> -> memref<40x128xf32, #tpu.memory_space<vmem_shared>>
        tpu.wait_dma2 semaphore(%run_scoped3A : memref<!tpu.dma_semaphore, #tpu.memory_space<semaphore_mem>>) src(%dma_wait3A_57 : memref<40x128xf32, #tpu.memory_space<vmem_shared>>) dst(%arg7 : memref<40x128xf32, #tpu.memory_space<vmem>>)
        tpu.yield
      }) : () -> ()
      "tpu.region"() ({
        %run_scoped3A = tpu.sem_alloc : memref<!tpu.dma_semaphore, #tpu.memory_space<semaphore_mem>>
        %dma_start3A = arith.constant 0 : i32
        %dma_start3A_52 = tpu.memref_slice %arg4[%arg0, %add3A_50, %dma_start3A] : memref<2x10000x128xf32, #tpu.memory_space<hbm>> -> memref<1x40x128xf32, #tpu.memory_space<hbm>>
        %dma_start3A_53 = tpu.memref_squeeze %dma_start3A_52 : memref<1x40x128xf32, #tpu.memory_space<hbm>> -> memref<40x128xf32, #tpu.memory_space<hbm>>
        %dma_start3A_54 = arith.constant 0 : i32
        %dma_start3A_55 = tpu.memref_slice %arg4[%arg0, %add3A_50, %dma_start3A_54] : memref<2x10000x128xf32, #tpu.memory_space<hbm>> -> memref<1x40x128xf32, #tpu.memory_space<hbm>>
        %dma_start3A_56 = tpu.memref_squeeze %dma_start3A_55 : memref<1x40x128xf32, #tpu.memory_space<hbm>> -> memref<40x128xf32, #tpu.memory_space<hbm>>
        tpu.enqueue_dma source(%arg7 : memref<40x128xf32, #tpu.memory_space<vmem>>) target(%dma_start3A_56 : memref<40x128xf32, #tpu.memory_space<hbm>>) target_semaphore(%run_scoped3A : memref<!tpu.dma_semaphore, #tpu.memory_space<semaphore_mem>>)
        %dma_wait3A = arith.constant 0 : i32
        %dma_wait3A_57 = tpu.memref_slice %arg4[%arg0, %add3A_50, %dma_wait3A] : memref<2x10000x128xf32, #tpu.memory_space<hbm>> -> memref<1x40x128xf32, #tpu.memory_space<hbm>>
        %dma_wait3A_58 = tpu.memref_squeeze %dma_wait3A_57 : memref<1x40x128xf32, #tpu.memory_space<hbm>> -> memref<40x128xf32, #tpu.memory_space<hbm>>
        %dma_wait3A_59 = arith.constant 0 : i32
        %dma_wait3A_60 = tpu.memref_slice %arg4[%arg0, %add3A_50, %dma_wait3A_59] : memref<2x10000x128xf32, #tpu.memory_space<hbm>> -> memref<1x40x128xf32, #tpu.memory_space<hbm>>
        %dma_wait3A_61 = tpu.memref_squeeze %dma_wait3A_60 : memref<1x40x128xf32, #tpu.memory_space<hbm>> -> memref<40x128xf32, #tpu.memory_space<hbm>>
        tpu.wait_dma2 semaphore(%run_scoped3A : memref<!tpu.dma_semaphore, #tpu.memory_space<semaphore_mem>>) src(%arg7 : memref<40x128xf32, #tpu.memory_space<vmem>>) dst(%dma_wait3A_61 : memref<40x128xf32, #tpu.memory_space<hbm>>)
        tpu.yield
      }) : () -> ()
      %scan3A_51 = arith.constant 0 : i32
      scf.yield %scan3A_51 : i32
    }
    %scan3A_34 = arith.constant 15 : i32
    %mul3A_35 = arith.constant 624 : i32
    %mul3A_36 = arith.muli %arg1, %mul3A_35 : i32
    %add3A_37 = arith.constant 600 : i32
    %add3A_38 = arith.addi %mul3A_36, %add3A_37 : i32
    "tpu.region"() ({
      %run_scoped3A = tpu.sem_alloc : memref<!tpu.dma_semaphore, #tpu.memory_space<semaphore_mem>>
      %dma_start3A = arith.constant 0 : i32
      %dma_start3A_44 = arith.constant 0 : i32
      %dma_start3A_45 = tpu.memref_slice %arg7[%dma_start3A, %dma_start3A_44] : memref<40x128xf32, #tpu.memory_space<vmem>> -> memref<24x128xf32, #tpu.memory_space<vmem>>
      %dma_start3A_46 = arith.constant 0 : i32
      %dma_start3A_47 = tpu.memref_slice %arg8[%add3A_38, %dma_start3A_46] : memref<10000x128xf32, #tpu.memory_space<vmem_shared>> -> memref<24x128xf32, #tpu.memory_space<vmem_shared>>
      %dma_start3A_48 = arith.constant 0 : i32
      %dma_start3A_49 = arith.constant 0 : i32
      %dma_start3A_50 = tpu.memref_slice %arg7[%dma_start3A_48, %dma_start3A_49] : memref<40x128xf32, #tpu.memory_space<vmem>> -> memref<24x128xf32, #tpu.memory_space<vmem>>
      %dma_start3A_51 = arith.constant 0 : i32
      %dma_start3A_52 = tpu.memref_slice %arg8[%add3A_38, %dma_start3A_51] : memref<10000x128xf32, #tpu.memory_space<vmem_shared>> -> memref<24x128xf32, #tpu.memory_space<vmem_shared>>
      tpu.enqueue_dma source(%dma_start3A_52 : memref<24x128xf32, #tpu.memory_space<vmem_shared>>) target(%dma_start3A_50 : memref<24x128xf32, #tpu.memory_space<vmem>>) target_semaphore(%run_scoped3A : memref<!tpu.dma_semaphore, #tpu.memory_space<semaphore_mem>>)
      %dma_wait3A = arith.constant 0 : i32
      %dma_wait3A_53 = arith.constant 0 : i32
      %dma_wait3A_54 = tpu.memref_slice %arg7[%dma_wait3A, %dma_wait3A_53] : memref<40x128xf32, #tpu.memory_space<vmem>> -> memref<24x128xf32, #tpu.memory_space<vmem>>
      %dma_wait3A_55 = arith.constant 0 : i32
      %dma_wait3A_56 = tpu.memref_slice %arg8[%add3A_38, %dma_wait3A_55] : memref<10000x128xf32, #tpu.memory_space<vmem_shared>> -> memref<24x128xf32, #tpu.memory_space<vmem_shared>>
      %dma_wait3A_57 = arith.constant 0 : i32
      %dma_wait3A_58 = arith.constant 0 : i32
      %dma_wait3A_59 = tpu.memref_slice %arg7[%dma_wait3A_57, %dma_wait3A_58] : memref<40x128xf32, #tpu.memory_space<vmem>> -> memref<24x128xf32, #tpu.memory_space<vmem>>
      %dma_wait3A_60 = arith.constant 0 : i32
      %dma_wait3A_61 = tpu.memref_slice %arg8[%add3A_38, %dma_wait3A_60] : memref<10000x128xf32, #tpu.memory_space<vmem_shared>> -> memref<24x128xf32, #tpu.memory_space<vmem_shared>>
      tpu.wait_dma2 semaphore(%run_scoped3A : memref<!tpu.dma_semaphore, #tpu.memory_space<semaphore_mem>>) src(%dma_wait3A_61 : memref<24x128xf32, #tpu.memory_space<vmem_shared>>) dst(%dma_wait3A_59 : memref<24x128xf32, #tpu.memory_space<vmem>>)
      tpu.yield
    }) : () -> ()
    "tpu.region"() ({
      %run_scoped3A = tpu.sem_alloc : memref<!tpu.dma_semaphore, #tpu.memory_space<semaphore_mem>>
      %dma_start3A = arith.constant 0 : i32
      %dma_start3A_44 = arith.constant 0 : i32
      %dma_start3A_45 = tpu.memref_slice %arg7[%dma_start3A, %dma_start3A_44] : memref<40x128xf32, #tpu.memory_space<vmem>> -> memref<24x128xf32, #tpu.memory_space<vmem>>
      %dma_start3A_46 = arith.constant 0 : i32
      %dma_start3A_47 = tpu.memref_slice %arg4[%arg0, %add3A_38, %dma_start3A_46] : memref<2x10000x128xf32, #tpu.memory_space<hbm>> -> memref<1x24x128xf32, #tpu.memory_space<hbm>>
      %dma_start3A_48 = tpu.memref_squeeze %dma_start3A_47 : memref<1x24x128xf32, #tpu.memory_space<hbm>> -> memref<24x128xf32, #tpu.memory_space<hbm>>
      %dma_start3A_49 = arith.constant 0 : i32
      %dma_start3A_50 = tpu.memref_slice %arg4[%arg0, %add3A_38, %dma_start3A_49] : memref<2x10000x128xf32, #tpu.memory_space<hbm>> -> memref<1x24x128xf32, #tpu.memory_space<hbm>>
      %dma_start3A_51 = tpu.memref_squeeze %dma_start3A_50 : memref<1x24x128xf32, #tpu.memory_space<hbm>> -> memref<24x128xf32, #tpu.memory_space<hbm>>
      %dma_start3A_52 = arith.constant 0 : i32
      %dma_start3A_53 = arith.constant 0 : i32
      %dma_start3A_54 = tpu.memref_slice %arg7[%dma_start3A_52, %dma_start3A_53] : memref<40x128xf32, #tpu.memory_space<vmem>> -> memref<24x128xf32, #tpu.memory_space<vmem>>
      tpu.enqueue_dma source(%dma_start3A_54 : memref<24x128xf32, #tpu.memory_space<vmem>>) target(%dma_start3A_51 : memref<24x128xf32, #tpu.memory_space<hbm>>) target_semaphore(%run_scoped3A : memref<!tpu.dma_semaphore, #tpu.memory_space<semaphore_mem>>)
      %dma_wait3A = arith.constant 0 : i32
      %dma_wait3A_55 = arith.constant 0 : i32
      %dma_wait3A_56 = tpu.memref_slice %arg7[%dma_wait3A, %dma_wait3A_55] : memref<40x128xf32, #tpu.memory_space<vmem>> -> memref<24x128xf32, #tpu.memory_space<vmem>>
      %dma_wait3A_57 = arith.constant 0 : i32
      %dma_wait3A_58 = tpu.memref_slice %arg4[%arg0, %add3A_38, %dma_wait3A_57] : memref<2x10000x128xf32, #tpu.memory_space<hbm>> -> memref<1x24x128xf32, #tpu.memory_space<hbm>>
      %dma_wait3A_59 = tpu.memref_squeeze %dma_wait3A_58 : memref<1x24x128xf32, #tpu.memory_space<hbm>> -> memref<24x128xf32, #tpu.memory_space<hbm>>
      %dma_wait3A_60 = arith.constant 0 : i32
      %dma_wait3A_61 = tpu.memref_slice %arg4[%arg0, %add3A_38, %dma_wait3A_60] : memref<2x10000x128xf32, #tpu.memory_space<hbm>> -> memref<1x24x128xf32, #tpu.memory_space<hbm>>
      %dma_wait3A_62 = tpu.memref_squeeze %dma_wait3A_61 : memref<1x24x128xf32, #tpu.memory_space<hbm>> -> memref<24x128xf32, #tpu.memory_space<hbm>>
      %dma_wait3A_63 = arith.constant 0 : i32
      %dma_wait3A_64 = arith.constant 0 : i32
      %dma_wait3A_65 = tpu.memref_slice %arg7[%dma_wait3A_63, %dma_wait3A_64] : memref<40x128xf32, #tpu.memory_space<vmem>> -> memref<24x128xf32, #tpu.memory_space<vmem>>
      tpu.wait_dma2 semaphore(%run_scoped3A : memref<!tpu.dma_semaphore, #tpu.memory_space<semaphore_mem>>) src(%dma_wait3A_65 : memref<24x128xf32, #tpu.memory_space<vmem>>) dst(%dma_wait3A_62 : memref<24x128xf32, #tpu.memory_space<hbm>>)
      tpu.yield
    }) : () -> ()
    %eq3A_39 = arith.constant 0 : i32
    %eq3A_40 = arith.cmpi eq, %arg1, %eq3A_39 : i32
    %convert_element_type3A_41 = arith.extui %eq3A_40 : i1 to i32
    %cond3A_42 = arith.constant 0 : i32
    %cond3A_43 = arith.cmpi ne, %convert_element_type3A_41, %cond3A_42 : i32
    scf.if %cond3A_43 {
      "tpu.region"() ({
        %run_scoped3A = tpu.sem_alloc : memref<!tpu.dma_semaphore, #tpu.memory_space<semaphore_mem>>
        %dma_start3A = arith.constant 0 : i32
        %dma_start3A_44 = arith.constant 0 : i32
        %dma_start3A_45 = tpu.memref_slice %arg7[%dma_start3A, %dma_start3A_44] : memref<40x128xf32, #tpu.memory_space<vmem>> -> memref<16x128xf32, #tpu.memory_space<vmem>>
        %dma_start3A_46 = arith.constant 9984 : i32
        %dma_start3A_47 = arith.constant 0 : i32
        %dma_start3A_48 = tpu.memref_slice %arg8[%dma_start3A_46, %dma_start3A_47] : memref<10000x128xf32, #tpu.memory_space<vmem_shared>> -> memref<16x128xf32, #tpu.memory_space<vmem_shared>>
        %dma_start3A_49 = arith.constant 0 : i32
        %dma_start3A_50 = arith.constant 0 : i32
        %dma_start3A_51 = tpu.memref_slice %arg7[%dma_start3A_49, %dma_start3A_50] : memref<40x128xf32, #tpu.memory_space<vmem>> -> memref<16x128xf32, #tpu.memory_space<vmem>>
        %dma_start3A_52 = arith.constant 9984 : i32
        %dma_start3A_53 = arith.constant 0 : i32
        %dma_start3A_54 = tpu.memref_slice %arg8[%dma_start3A_52, %dma_start3A_53] : memref<10000x128xf32, #tpu.memory_space<vmem_shared>> -> memref<16x128xf32, #tpu.memory_space<vmem_shared>>
        tpu.enqueue_dma source(%dma_start3A_54 : memref<16x128xf32, #tpu.memory_space<vmem_shared>>) target(%dma_start3A_51 : memref<16x128xf32, #tpu.memory_space<vmem>>) target_semaphore(%run_scoped3A : memref<!tpu.dma_semaphore, #tpu.memory_space<semaphore_mem>>)
        %dma_wait3A = arith.constant 0 : i32
        %dma_wait3A_55 = arith.constant 0 : i32
        %dma_wait3A_56 = tpu.memref_slice %arg7[%dma_wait3A, %dma_wait3A_55] : memref<40x128xf32, #tpu.memory_space<vmem>> -> memref<16x128xf32, #tpu.memory_space<vmem>>
        %dma_wait3A_57 = arith.constant 9984 : i32
        %dma_wait3A_58 = arith.constant 0 : i32
        %dma_wait3A_59 = tpu.memref_slice %arg8[%dma_wait3A_57, %dma_wait3A_58] : memref<10000x128xf32, #tpu.memory_space<vmem_shared>> -> memref<16x128xf32, #tpu.memory_space<vmem_shared>>
        %dma_wait3A_60 = arith.constant 0 : i32
        %dma_wait3A_61 = arith.constant 0 : i32
        %dma_wait3A_62 = tpu.memref_slice %arg7[%dma_wait3A_60, %dma_wait3A_61] : memref<40x128xf32, #tpu.memory_space<vmem>> -> memref<16x128xf32, #tpu.memory_space<vmem>>
        %dma_wait3A_63 = arith.constant 9984 : i32
        %dma_wait3A_64 = arith.constant 0 : i32
        %dma_wait3A_65 = tpu.memref_slice %arg8[%dma_wait3A_63, %dma_wait3A_64] : memref<10000x128xf32, #tpu.memory_space<vmem_shared>> -> memref<16x128xf32, #tpu.memory_space<vmem_shared>>
        tpu.wait_dma2 semaphore(%run_scoped3A : memref<!tpu.dma_semaphore, #tpu.memory_space<semaphore_mem>>) src(%dma_wait3A_65 : memref<16x128xf32, #tpu.memory_space<vmem_shared>>) dst(%dma_wait3A_62 : memref<16x128xf32, #tpu.memory_space<vmem>>)
        tpu.yield
      }) : () -> ()
      "tpu.region"() ({
        %run_scoped3A = tpu.sem_alloc : memref<!tpu.dma_semaphore, #tpu.memory_space<semaphore_mem>>
        %dma_start3A = arith.constant 0 : i32
        %dma_start3A_44 = arith.constant 0 : i32
        %dma_start3A_45 = tpu.memref_slice %arg7[%dma_start3A, %dma_start3A_44] : memref<40x128xf32, #tpu.memory_space<vmem>> -> memref<16x128xf32, #tpu.memory_space<vmem>>
        %dma_start3A_46 = arith.constant 9984 : i32
        %dma_start3A_47 = arith.constant 0 : i32
        %dma_start3A_48 = tpu.memref_slice %arg4[%arg0, %dma_start3A_46, %dma_start3A_47] : memref<2x10000x128xf32, #tpu.memory_space<hbm>> -> memref<1x16x128xf32, #tpu.memory_space<hbm>>
        %dma_start3A_49 = tpu.memref_squeeze %dma_start3A_48 : memref<1x16x128xf32, #tpu.memory_space<hbm>> -> memref<16x128xf32, #tpu.memory_space<hbm>>
        %dma_start3A_50 = arith.constant 9984 : i32
        %dma_start3A_51 = arith.constant 0 : i32
        %dma_start3A_52 = tpu.memref_slice %arg4[%arg0, %dma_start3A_50, %dma_start3A_51] : memref<2x10000x128xf32, #tpu.memory_space<hbm>> -> memref<1x16x128xf32, #tpu.memory_space<hbm>>
        %dma_start3A_53 = tpu.memref_squeeze %dma_start3A_52 : memref<1x16x128xf32, #tpu.memory_space<hbm>> -> memref<16x128xf32, #tpu.memory_space<hbm>>
        %dma_start3A_54 = arith.constant 0 : i32
        %dma_start3A_55 = arith.constant 0 : i32
        %dma_start3A_56 = tpu.memref_slice %arg7[%dma_start3A_54, %dma_start3A_55] : memref<40x128xf32, #tpu.memory_space<vmem>> -> memref<16x128xf32, #tpu.memory_space<vmem>>
        tpu.enqueue_dma source(%dma_start3A_56 : memref<16x128xf32, #tpu.memory_space<vmem>>) target(%dma_start3A_53 : memref<16x128xf32, #tpu.memory_space<hbm>>) target_semaphore(%run_scoped3A : memref<!tpu.dma_semaphore, #tpu.memory_space<semaphore_mem>>)
        %dma_wait3A = arith.constant 0 : i32
        %dma_wait3A_57 = arith.constant 0 : i32
        %dma_wait3A_58 = tpu.memref_slice %arg7[%dma_wait3A, %dma_wait3A_57] : memref<40x128xf32, #tpu.memory_space<vmem>> -> memref<16x128xf32, #tpu.memory_space<vmem>>
        %dma_wait3A_59 = arith.constant 9984 : i32
        %dma_wait3A_60 = arith.constant 0 : i32
        %dma_wait3A_61 = tpu.memref_slice %arg4[%arg0, %dma_wait3A_59, %dma_wait3A_60] : memref<2x10000x128xf32, #tpu.memory_space<hbm>> -> memref<1x16x128xf32, #tpu.memory_space<hbm>>
        %dma_wait3A_62 = tpu.memref_squeeze %dma_wait3A_61 : memref<1x16x128xf32, #tpu.memory_space<hbm>> -> memref<16x128xf32, #tpu.memory_space<hbm>>
        %dma_wait3A_63 = arith.constant 9984 : i32
        %dma_wait3A_64 = arith.constant 0 : i32
        %dma_wait3A_65 = tpu.memref_slice %arg4[%arg0, %dma_wait3A_63, %dma_wait3A_64] : memref<2x10000x128xf32, #tpu.memory_space<hbm>> -> memref<1x16x128xf32, #tpu.memory_space<hbm>>
        %dma_wait3A_66 = tpu.memref_squeeze %dma_wait3A_65 : memref<1x16x128xf32, #tpu.memory_space<hbm>> -> memref<16x128xf32, #tpu.memory_space<hbm>>
        %dma_wait3A_67 = arith.constant 0 : i32
        %dma_wait3A_68 = arith.constant 0 : i32
        %dma_wait3A_69 = tpu.memref_slice %arg7[%dma_wait3A_67, %dma_wait3A_68] : memref<40x128xf32, #tpu.memory_space<vmem>> -> memref<16x128xf32, #tpu.memory_space<vmem>>
        tpu.wait_dma2 semaphore(%run_scoped3A : memref<!tpu.dma_semaphore, #tpu.memory_space<semaphore_mem>>) src(%dma_wait3A_69 : memref<16x128xf32, #tpu.memory_space<vmem>>) dst(%dma_wait3A_66 : memref<16x128xf32, #tpu.memory_space<hbm>>)
        tpu.yield
      }) : () -> ()
    } else {
    }
    return
  }
}

#map = affine_map<(d0, d1) -> (0, 0, 0)>
#map1 = affine_map<(d0, d1) -> (0, 0)>
module attributes {stable_mosaic.version = 14 : i64} {
  func.func @sc_kernel(%arg0: i32, %arg1: i32, %arg2: memref<32x250x40xi32, #tpu.memory_space<hbm>>, %arg3: memref<320000x16xf32, #tpu.memory_space<hbm>>, %arg4: memref<2x10000x128xf32, #tpu.memory_space<hbm>>, %arg5: memref<40xi32, #tpu.memory_space<vmem>>, %arg6: memref<40x16xf32, #tpu.memory_space<vmem>>, %arg7: memref<40x128xf32, #tpu.memory_space<vmem>>, %arg8: memref<10000x128xf32, #tpu.memory_space<vmem_shared>>, %arg9: memref<!tpu.dma_semaphore, #tpu.memory_space<semaphore_mem>>) attributes {dimension_semantics = [#tpu.dimension_semantics<core_parallel>, #tpu.dimension_semantics<subcore_parallel>], iteration_bounds = array<i64: 2, 16>, scalar_prefetch = 0 : i64, scratch_operands = 5 : i64, tpu.core_type = #tpu.core_type<sc_vector_subcore>, window_params = [{transform_indices = #map}, {transform_indices = #map1}, {transform_indices = #map}]} {
    %mul3A = arith.constant 2 : i32
    %mul3A_0 = arith.muli %arg1, %mul3A : i32
    %add3A = arith.addi %mul3A_0, %arg0 : i32
    %scan3A = arith.constant 0 : i32
    %scan3A_1 = arith.constant 0 : i32
    %scan3A_2 = arith.constant 40 : i32
    %scan3A_3 = arith.addi %scan3A_1, %scan3A_2 : i32
    %scan3A_4 = arith.constant 1 : i32
    %scan3A_5 = scf.for %scan3A_44 = %scan3A_1 to %scan3A_3 step %scan3A_4 iter_args(%scan3A_45 = %scan3A) -> (i32)  : i32 {
      %broadcast_in_dim3A = arith.constant 0.000000e+00 : f32
      %broadcast_in_dim3A_46 = vector.broadcast %broadcast_in_dim3A : f32 to vector<16xf32>
      %swap3A = arith.index_cast %scan3A_44 : i32 to index
      %swap3A_47 = arith.constant 0 : index
      %swap3A_48 = tpu.vector_load %arg7[%swap3A, %swap3A_47] {strides = array<i32>} : memref<40x128xf32, #tpu.memory_space<vmem>>, vector<1x16xf32>,
      %swap3A_49 = vector.shape_cast %swap3A_48 : vector<1x16xf32> to vector<16xf32>
      %swap3A_50 = vector.shape_cast %broadcast_in_dim3A_46 : vector<16xf32> to vector<1x16xf32>
      tpu.vector_store %arg7[%swap3A, %swap3A_47], %swap3A_50 {strides = array<i32>} : memref<40x128xf32, #tpu.memory_space<vmem>>, vector<1x16xf32>,
      %swap3A_51 = arith.index_cast %scan3A_44 : i32 to index
      %swap3A_52 = arith.constant 16 : index
      %swap3A_53 = tpu.vector_load %arg7[%swap3A_51, %swap3A_52] {strides = array<i32>} : memref<40x128xf32, #tpu.memory_space<vmem>>, vector<1x16xf32>,
      %swap3A_54 = vector.shape_cast %swap3A_53 : vector<1x16xf32> to vector<16xf32>
      %swap3A_55 = vector.shape_cast %broadcast_in_dim3A_46 : vector<16xf32> to vector<1x16xf32>
      tpu.vector_store %arg7[%swap3A_51, %swap3A_52], %swap3A_55 {strides = array<i32>} : memref<40x128xf32, #tpu.memory_space<vmem>>, vector<1x16xf32>,
      %swap3A_56 = arith.index_cast %scan3A_44 : i32 to index
      %swap3A_57 = arith.constant 32 : index
      %swap3A_58 = tpu.vector_load %arg7[%swap3A_56, %swap3A_57] {strides = array<i32>} : memref<40x128xf32, #tpu.memory_space<vmem>>, vector<1x16xf32>,
      %swap3A_59 = vector.shape_cast %swap3A_58 : vector<1x16xf32> to vector<16xf32>
      %swap3A_60 = vector.shape_cast %broadcast_in_dim3A_46 : vector<16xf32> to vector<1x16xf32>
      tpu.vector_store %arg7[%swap3A_56, %swap3A_57], %swap3A_60 {strides = array<i32>} : memref<40x128xf32, #tpu.memory_space<vmem>>, vector<1x16xf32>,
      %swap3A_61 = arith.index_cast %scan3A_44 : i32 to index
      %swap3A_62 = arith.constant 48 : index
      %swap3A_63 = tpu.vector_load %arg7[%swap3A_61, %swap3A_62] {strides = array<i32>} : memref<40x128xf32, #tpu.memory_space<vmem>>, vector<1x16xf32>,
      %swap3A_64 = vector.shape_cast %swap3A_63 : vector<1x16xf32> to vector<16xf32>
      %swap3A_65 = vector.shape_cast %broadcast_in_dim3A_46 : vector<16xf32> to vector<1x16xf32>
      tpu.vector_store %arg7[%swap3A_61, %swap3A_62], %swap3A_65 {strides = array<i32>} : memref<40x128xf32, #tpu.memory_space<vmem>>, vector<1x16xf32>,
      %swap3A_66 = arith.index_cast %scan3A_44 : i32 to index
      %swap3A_67 = arith.constant 64 : index
      %swap3A_68 = tpu.vector_load %arg7[%swap3A_66, %swap3A_67] {strides = array<i32>} : memref<40x128xf32, #tpu.memory_space<vmem>>, vector<1x16xf32>,
      %swap3A_69 = vector.shape_cast %swap3A_68 : vector<1x16xf32> to vector<16xf32>
      %swap3A_70 = vector.shape_cast %broadcast_in_dim3A_46 : vector<16xf32> to vector<1x16xf32>
      tpu.vector_store %arg7[%swap3A_66, %swap3A_67], %swap3A_70 {strides = array<i32>} : memref<40x128xf32, #tpu.memory_space<vmem>>, vector<1x16xf32>,
      %swap3A_71 = arith.index_cast %scan3A_44 : i32 to index
      %swap3A_72 = arith.constant 80 : index
      %swap3A_73 = tpu.vector_load %arg7[%swap3A_71, %swap3A_72] {strides = array<i32>} : memref<40x128xf32, #tpu.memory_space<vmem>>, vector<1x16xf32>,
      %swap3A_74 = vector.shape_cast %swap3A_73 : vector<1x16xf32> to vector<16xf32>
      %swap3A_75 = vector.shape_cast %broadcast_in_dim3A_46 : vector<16xf32> to vector<1x16xf32>
      tpu.vector_store %arg7[%swap3A_71, %swap3A_72], %swap3A_75 {strides = array<i32>} : memref<40x128xf32, #tpu.memory_space<vmem>>, vector<1x16xf32>,
      %swap3A_76 = arith.index_cast %scan3A_44 : i32 to index
      %swap3A_77 = arith.constant 96 : index
      %swap3A_78 = tpu.vector_load %arg7[%swap3A_76, %swap3A_77] {strides = array<i32>} : memref<40x128xf32, #tpu.memory_space<vmem>>, vector<1x16xf32>,
      %swap3A_79 = vector.shape_cast %swap3A_78 : vector<1x16xf32> to vector<16xf32>
      %swap3A_80 = vector.shape_cast %broadcast_in_dim3A_46 : vector<16xf32> to vector<1x16xf32>
      tpu.vector_store %arg7[%swap3A_76, %swap3A_77], %swap3A_80 {strides = array<i32>} : memref<40x128xf32, #tpu.memory_space<vmem>>, vector<1x16xf32>,
      %swap3A_81 = arith.index_cast %scan3A_44 : i32 to index
      %swap3A_82 = arith.constant 112 : index
      %swap3A_83 = tpu.vector_load %arg7[%swap3A_81, %swap3A_82] {strides = array<i32>} : memref<40x128xf32, #tpu.memory_space<vmem>>, vector<1x16xf32>,
      %swap3A_84 = vector.shape_cast %swap3A_83 : vector<1x16xf32> to vector<16xf32>
      %swap3A_85 = vector.shape_cast %broadcast_in_dim3A_46 : vector<16xf32> to vector<1x16xf32>
      tpu.vector_store %arg7[%swap3A_81, %swap3A_82], %swap3A_85 {strides = array<i32>} : memref<40x128xf32, #tpu.memory_space<vmem>>, vector<1x16xf32>,
      %scan3A_86 = arith.constant 0 : i32
      scf.yield %scan3A_86 : i32
    }
    %scan3A_6 = arith.constant 40 : i32
    %scan3A_7 = arith.constant 0 : i32
    %scan3A_8 = arith.constant 0 : i32
    %scan3A_9 = arith.constant 15 : i32
    %scan3A_10 = arith.addi %scan3A_8, %scan3A_9 : i32
    %scan3A_11 = arith.constant 1 : i32
    %scan3A_12 = scf.for %scan3A_44 = %scan3A_8 to %scan3A_10 step %scan3A_11 iter_args(%scan3A_45 = %scan3A_7) -> (i32)  : i32 {
      %mul3A_46 = arith.constant 624 : i32
      %mul3A_47 = arith.muli %arg1, %mul3A_46 : i32
      %mul3A_48 = arith.constant 40 : i32
      %mul3A_49 = arith.muli %scan3A_44, %mul3A_48 : i32
      %add3A_50 = arith.addi %mul3A_47, %mul3A_49 : i32
      "tpu.region"() ({
        %run_scoped3A = tpu.sem_alloc : memref<!tpu.dma_semaphore, #tpu.memory_space<semaphore_mem>>
        %dma_start3A = arith.constant 0 : i32
        %dma_start3A_52 = tpu.memref_slice %arg8[%add3A_50, %dma_start3A] : memref<10000x128xf32, #tpu.memory_space<vmem_shared>> -> memref<40x128xf32, #tpu.memory_space<vmem_shared>>
        %dma_start3A_53 = arith.constant 0 : i32
        %dma_start3A_54 = tpu.memref_slice %arg8[%add3A_50, %dma_start3A_53] : memref<10000x128xf32, #tpu.memory_space<vmem_shared>> -> memref<40x128xf32, #tpu.memory_space<vmem_shared>>
        tpu.enqueue_dma source(%arg7 : memref<40x128xf32, #tpu.memory_space<vmem>>) target(%dma_start3A_54 : memref<40x128xf32, #tpu.memory_space<vmem_shared>>) target_semaphore(%run_scoped3A : memref<!tpu.dma_semaphore, #tpu.memory_space<semaphore_mem>>)
        %dma_wait3A = arith.constant 0 : i32
        %dma_wait3A_55 = tpu.memref_slice %arg8[%add3A_50, %dma_wait3A] : memref<10000x128xf32, #tpu.memory_space<vmem_shared>> -> memref<40x128xf32, #tpu.memory_space<vmem_shared>>
        %dma_wait3A_56 = arith.constant 0 : i32
        %dma_wait3A_57 = tpu.memref_slice %arg8[%add3A_50, %dma_wait3A_56] : memref<10000x128xf32, #tpu.memory_space<vmem_shared>> -> memref<40x128xf32, #tpu.memory_space<vmem_shared>>
        tpu.wait_dma2 semaphore(%run_scoped3A : memref<!tpu.dma_semaphore, #tpu.memory_space<semaphore_mem>>) src(%arg7 : memref<40x128xf32, #tpu.memory_space<vmem>>) dst(%dma_wait3A_57 : memref<40x128xf32, #tpu.memory_space<vmem_shared>>)
        tpu.yield
      }) : () -> ()
      %scan3A_51 = arith.constant 0 : i32
      scf.yield %scan3A_51 : i32
    }
    %scan3A_13 = arith.constant 15 : i32
    %mul3A_14 = arith.constant 624 : i32
    %mul3A_15 = arith.muli %arg1, %mul3A_14 : i32
    %add3A_16 = arith.constant 600 : i32
    %add3A_17 = arith.addi %mul3A_15, %add3A_16 : i32
    "tpu.region"() ({
      %run_scoped3A = tpu.sem_alloc : memref<!tpu.dma_semaphore, #tpu.memory_space<semaphore_mem>>
      %dma_start3A = arith.constant 0 : i32
      %dma_start3A_44 = arith.constant 0 : i32
      %dma_start3A_45 = tpu.memref_slice %arg7[%dma_start3A, %dma_start3A_44] : memref<40x128xf32, #tpu.memory_space<vmem>> -> memref<24x128xf32, #tpu.memory_space<vmem>>
      %dma_start3A_46 = arith.constant 0 : i32
      %dma_start3A_47 = tpu.memref_slice %arg8[%add3A_17, %dma_start3A_46] : memref<10000x128xf32, #tpu.memory_space<vmem_shared>> -> memref<24x128xf32, #tpu.memory_space<vmem_shared>>
      %dma_start3A_48 = arith.constant 0 : i32
      %dma_start3A_49 = tpu.memref_slice %arg8[%add3A_17, %dma_start3A_48] : memref<10000x128xf32, #tpu.memory_space<vmem_shared>> -> memref<24x128xf32, #tpu.memory_space<vmem_shared>>
      %dma_start3A_50 = arith.constant 0 : i32
      %dma_start3A_51 = arith.constant 0 : i32
      %dma_start3A_52 = tpu.memref_slice %arg7[%dma_start3A_50, %dma_start3A_51] : memref<40x128xf32, #tpu.memory_space<vmem>> -> memref<24x128xf32, #tpu.memory_space<vmem>>
      tpu.enqueue_dma source(%dma_start3A_52 : memref<24x128xf32, #tpu.memory_space<vmem>>) target(%dma_start3A_49 : memref<24x128xf32, #tpu.memory_space<vmem_shared>>) target_semaphore(%run_scoped3A : memref<!tpu.dma_semaphore, #tpu.memory_space<semaphore_mem>>)
      %dma_wait3A = arith.constant 0 : i32
      %dma_wait3A_53 = arith.constant 0 : i32
      %dma_wait3A_54 = tpu.memref_slice %arg7[%dma_wait3A, %dma_wait3A_53] : memref<40x128xf32, #tpu.memory_space<vmem>> -> memref<24x128xf32, #tpu.memory_space<vmem>>
      %dma_wait3A_55 = arith.constant 0 : i32
      %dma_wait3A_56 = tpu.memref_slice %arg8[%add3A_17, %dma_wait3A_55] : memref<10000x128xf32, #tpu.memory_space<vmem_shared>> -> memref<24x128xf32, #tpu.memory_space<vmem_shared>>
      %dma_wait3A_57 = arith.constant 0 : i32
      %dma_wait3A_58 = tpu.memref_slice %arg8[%add3A_17, %dma_wait3A_57] : memref<10000x128xf32, #tpu.memory_space<vmem_shared>> -> memref<24x128xf32, #tpu.memory_space<vmem_shared>>
      %dma_wait3A_59 = arith.constant 0 : i32
      %dma_wait3A_60 = arith.constant 0 : i32
      %dma_wait3A_61 = tpu.memref_slice %arg7[%dma_wait3A_59, %dma_wait3A_60] : memref<40x128xf32, #tpu.memory_space<vmem>> -> memref<24x128xf32, #tpu.memory_space<vmem>>
      tpu.wait_dma2 semaphore(%run_scoped3A : memref<!tpu.dma_semaphore, #tpu.memory_space<semaphore_mem>>) src(%dma_wait3A_61 : memref<24x128xf32, #tpu.memory_space<vmem>>) dst(%dma_wait3A_58 : memref<24x128xf32, #tpu.memory_space<vmem_shared>>)
      tpu.yield
    }) : () -> ()
    %eq3A = arith.constant 0 : i32
    %eq3A_18 = arith.cmpi eq, %arg1, %eq3A : i32
    %convert_element_type3A = arith.extui %eq3A_18 : i1 to i32
    %cond3A = arith.constant 0 : i32
    %cond3A_19 = arith.cmpi ne, %convert_element_type3A, %cond3A : i32
    scf.if %cond3A_19 {
      "tpu.region"() ({
        %run_scoped3A = tpu.sem_alloc : memref<!tpu.dma_semaphore, #tpu.memory_space<semaphore_mem>>
        %dma_start3A = arith.constant 0 : i32
        %dma_start3A_44 = arith.constant 0 : i32
        %dma_start3A_45 = tpu.memref_slice %arg7[%dma_start3A, %dma_start3A_44] : memref<40x128xf32, #tpu.memory_space<vmem>> -> memref<16x128xf32, #tpu.memory_space<vmem>>
        %dma_start3A_46 = arith.constant 9984 : i32
        %dma_start3A_47 = arith.constant 0 : i32
        %dma_start3A_48 = tpu.memref_slice %arg8[%dma_start3A_46, %dma_start3A_47] : memref<10000x128xf32, #tpu.memory_space<vmem_shared>> -> memref<16x128xf32, #tpu.memory_space<vmem_shared>>
        %dma_start3A_49 = arith.constant 9984 : i32
        %dma_start3A_50 = arith.constant 0 : i32
        %dma_start3A_51 = tpu.memref_slice %arg8[%dma_start3A_49, %dma_start3A_50] : memref<10000x128xf32, #tpu.memory_space<vmem_shared>> -> memref<16x128xf32, #tpu.memory_space<vmem_shared>>
        %dma_start3A_52 = arith.constant 0 : i32
        %dma_start3A_53 = arith.constant 0 : i32
        %dma_start3A_54 = tpu.memref_slice %arg7[%dma_start3A_52, %dma_start3A_53] : memref<40x128xf32, #tpu.memory_space<vmem>> -> memref<16x128xf32, #tpu.memory_space<vmem>>
        tpu.enqueue_dma source(%dma_start3A_54 : memref<16x128xf32, #tpu.memory_space<vmem>>) target(%dma_start3A_51 : memref<16x128xf32, #tpu.memory_space<vmem_shared>>) target_semaphore(%run_scoped3A : memref<!tpu.dma_semaphore, #tpu.memory_space<semaphore_mem>>)
        %dma_wait3A = arith.constant 0 : i32
        %dma_wait3A_55 = arith.constant 0 : i32
        %dma_wait3A_56 = tpu.memref_slice %arg7[%dma_wait3A, %dma_wait3A_55] : memref<40x128xf32, #tpu.memory_space<vmem>> -> memref<16x128xf32, #tpu.memory_space<vmem>>
        %dma_wait3A_57 = arith.constant 9984 : i32
        %dma_wait3A_58 = arith.constant 0 : i32
        %dma_wait3A_59 = tpu.memref_slice %arg8[%dma_wait3A_57, %dma_wait3A_58] : memref<10000x128xf32, #tpu.memory_space<vmem_shared>> -> memref<16x128xf32, #tpu.memory_space<vmem_shared>>
        %dma_wait3A_60 = arith.constant 9984 : i32
        %dma_wait3A_61 = arith.constant 0 : i32
        %dma_wait3A_62 = tpu.memref_slice %arg8[%dma_wait3A_60, %dma_wait3A_61] : memref<10000x128xf32, #tpu.memory_space<vmem_shared>> -> memref<16x128xf32, #tpu.memory_space<vmem_shared>>
        %dma_wait3A_63 = arith.constant 0 : i32
        %dma_wait3A_64 = arith.constant 0 : i32
        %dma_wait3A_65 = tpu.memref_slice %arg7[%dma_wait3A_63, %dma_wait3A_64] : memref<40x128xf32, #tpu.memory_space<vmem>> -> memref<16x128xf32, #tpu.memory_space<vmem>>
        tpu.wait_dma2 semaphore(%run_scoped3A : memref<!tpu.dma_semaphore, #tpu.memory_space<semaphore_mem>>) src(%dma_wait3A_65 : memref<16x128xf32, #tpu.memory_space<vmem>>) dst(%dma_wait3A_62 : memref<16x128xf32, #tpu.memory_space<vmem_shared>>)
        tpu.yield
      }) : () -> ()
    } else {
    }
    %barrier3A = arith.constant 0 : index
    tpu.barrier barrier_id(%barrier3A)
    %scan3A_20 = arith.constant 0 : i32
    %scan3A_21 = arith.constant 0 : i32
    %scan3A_22 = arith.constant 250 : i32
    %scan3A_23 = arith.addi %scan3A_21, %scan3A_22 : i32
    %scan3A_24 = arith.constant 1 : i32
    %scan3A_25 = scf.for %scan3A_44 = %scan3A_21 to %scan3A_23 step %scan3A_24 iter_args(%scan3A_45 = %scan3A_20) -> (i32)  : i32 {
      %mul3A_46 = arith.constant 10000 : i32
      %mul3A_47 = arith.muli %add3A, %mul3A_46 : i32
      %mul3A_48 = arith.constant 40 : i32
      %mul3A_49 = arith.muli %scan3A_44, %mul3A_48 : i32
      %add3A_50 = arith.addi %mul3A_47, %mul3A_49 : i32
      "tpu.region"() ({
        %run_scoped3A = tpu.sem_alloc : memref<!tpu.dma_semaphore, #tpu.memory_space<semaphore_mem>>
        %dma_start3A = arith.constant 0 : i32
        %dma_start3A_59 = tpu.memref_slice %arg2[%add3A, %scan3A_44, %dma_start3A] : memref<32x250x40xi32, #tpu.memory_space<hbm>> -> memref<1x1x40xi32, #tpu.memory_space<hbm>>
        %dma_start3A_60 = tpu.memref_squeeze %dma_start3A_59 : memref<1x1x40xi32, #tpu.memory_space<hbm>> -> memref<40xi32, #tpu.memory_space<hbm>>
        %dma_start3A_61 = arith.constant 0 : i32
        %dma_start3A_62 = tpu.memref_slice %arg2[%add3A, %scan3A_44, %dma_start3A_61] : memref<32x250x40xi32, #tpu.memory_space<hbm>> -> memref<1x1x40xi32, #tpu.memory_space<hbm>>
        %dma_start3A_63 = tpu.memref_squeeze %dma_start3A_62 : memref<1x1x40xi32, #tpu.memory_space<hbm>> -> memref<40xi32, #tpu.memory_space<hbm>>
        tpu.enqueue_dma source(%dma_start3A_63 : memref<40xi32, #tpu.memory_space<hbm>>) target(%arg5 : memref<40xi32, #tpu.memory_space<vmem>>) target_semaphore(%run_scoped3A : memref<!tpu.dma_semaphore, #tpu.memory_space<semaphore_mem>>)
        %dma_wait3A = arith.constant 0 : i32
        %dma_wait3A_64 = tpu.memref_slice %arg2[%add3A, %scan3A_44, %dma_wait3A] : memref<32x250x40xi32, #tpu.memory_space<hbm>> -> memref<1x1x40xi32, #tpu.memory_space<hbm>>
        %dma_wait3A_65 = tpu.memref_squeeze %dma_wait3A_64 : memref<1x1x40xi32, #tpu.memory_space<hbm>> -> memref<40xi32, #tpu.memory_space<hbm>>
        %dma_wait3A_66 = arith.constant 0 : i32
        %dma_wait3A_67 = tpu.memref_slice %arg2[%add3A, %scan3A_44, %dma_wait3A_66] : memref<32x250x40xi32, #tpu.memory_space<hbm>> -> memref<1x1x40xi32, #tpu.memory_space<hbm>>
        %dma_wait3A_68 = tpu.memref_squeeze %dma_wait3A_67 : memref<1x1x40xi32, #tpu.memory_space<hbm>> -> memref<40xi32, #tpu.memory_space<hbm>>
        tpu.wait_dma2 semaphore(%run_scoped3A : memref<!tpu.dma_semaphore, #tpu.memory_space<semaphore_mem>>) src(%dma_wait3A_68 : memref<40xi32, #tpu.memory_space<hbm>>) dst(%arg5 : memref<40xi32, #tpu.memory_space<vmem>>)
        tpu.yield
      }) : () -> ()
      "tpu.region"() ({
        %run_scoped3A = tpu.sem_alloc : memref<!tpu.dma_semaphore, #tpu.memory_space<semaphore_mem>>
        %dma_start3A = arith.constant 0 : i32
        %dma_start3A_59 = tpu.memref_slice %arg3[%add3A_50, %dma_start3A] : memref<320000x16xf32, #tpu.memory_space<hbm>> -> memref<40x16xf32, #tpu.memory_space<hbm>>
        %dma_start3A_60 = arith.constant 0 : i32
        %dma_start3A_61 = tpu.memref_slice %arg3[%add3A_50, %dma_start3A_60] : memref<320000x16xf32, #tpu.memory_space<hbm>> -> memref<40x16xf32, #tpu.memory_space<hbm>>
        tpu.enqueue_dma source(%dma_start3A_61 : memref<40x16xf32, #tpu.memory_space<hbm>>) target(%arg6 : memref<40x16xf32, #tpu.memory_space<vmem>>) target_semaphore(%run_scoped3A : memref<!tpu.dma_semaphore, #tpu.memory_space<semaphore_mem>>)
        %dma_wait3A = arith.constant 0 : i32
        %dma_wait3A_62 = tpu.memref_slice %arg3[%add3A_50, %dma_wait3A] : memref<320000x16xf32, #tpu.memory_space<hbm>> -> memref<40x16xf32, #tpu.memory_space<hbm>>
        %dma_wait3A_63 = arith.constant 0 : i32
        %dma_wait3A_64 = tpu.memref_slice %arg3[%add3A_50, %dma_wait3A_63] : memref<320000x16xf32, #tpu.memory_space<hbm>> -> memref<40x16xf32, #tpu.memory_space<hbm>>
        tpu.wait_dma2 semaphore(%run_scoped3A : memref<!tpu.dma_semaphore, #tpu.memory_space<semaphore_mem>>) src(%dma_wait3A_64 : memref<40x16xf32, #tpu.memory_space<hbm>>) dst(%arg6 : memref<40x16xf32, #tpu.memory_space<vmem>>)
        tpu.yield
      }) : () -> ()
      %scan3A_51 = arith.constant 0 : i32
      %scan3A_52 = arith.constant 0 : i32
      %scan3A_53 = arith.constant 40 : i32
      %scan3A_54 = arith.addi %scan3A_52, %scan3A_53 : i32
      %scan3A_55 = arith.constant 1 : i32
      %scan3A_56 = scf.for %scan3A_59 = %scan3A_52 to %scan3A_54 step %scan3A_55 iter_args(%scan3A_60 = %scan3A_51) -> (i32)  : i32 {
        %get3A = arith.index_cast %scan3A_59 : i32 to index
        %get3A_61 = arith.constant 0 : index
        %get3A_62 = tpu.vector_load %arg6[%get3A, %get3A_61] {strides = array<i32>} : memref<40x16xf32, #tpu.memory_space<vmem>>, vector<1x16xf32>,
        %get3A_63 = vector.shape_cast %get3A_62 : vector<1x16xf32> to vector<16xf32>
        %swap3A = arith.index_cast %scan3A_59 : i32 to index
        %swap3A_64 = arith.constant 0 : index
        %swap3A_65 = tpu.vector_load %arg7[%swap3A, %swap3A_64] {strides = array<i32>} : memref<40x128xf32, #tpu.memory_space<vmem>>, vector<1x16xf32>,
        %swap3A_66 = vector.shape_cast %swap3A_65 : vector<1x16xf32> to vector<16xf32>
        %swap3A_67 = vector.shape_cast %get3A_63 : vector<16xf32> to vector<1x16xf32>
        tpu.vector_store %arg7[%swap3A, %swap3A_64], %swap3A_67 {strides = array<i32>} : memref<40x128xf32, #tpu.memory_space<vmem>>, vector<1x16xf32>,
        %scan3A_68 = arith.constant 0 : i32
        scf.yield %scan3A_68 : i32
      }
      %scan3A_57 = arith.constant 40 : i32
      "tpu.region"() ({
        %run_scoped3A = tpu.sem_alloc : memref<!tpu.dma_semaphore, #tpu.memory_space<semaphore_mem>>
        %dma_start3A = arith.constant 0 : i32
        %dma_start3A_59 = arith.constant 0 : i32
        %dma_start3A_60 = tpu.memref_slice %arg8[%dma_start3A, %dma_start3A_59] : memref<10000x128xf32, #tpu.memory_space<vmem_shared>> -> memref<10000x128xf32, #tpu.memory_space<vmem_shared>>
        tpu.enqueue_indirect_dma source(%arg7 : memref<40x128xf32, #tpu.memory_space<vmem>>) target(%dma_start3A_60 : memref<10000x128xf32, #tpu.memory_space<vmem_shared>>) offsets(%arg5 : memref<40xi32, #tpu.memory_space<vmem>>) semaphore(%run_scoped3A : memref<!tpu.dma_semaphore, #tpu.memory_space<semaphore_mem>>) {add = true}
        %dma_wait3A = arith.constant 0 : i32
        %dma_wait3A_61 = arith.constant 0 : i32
        %dma_wait3A_62 = tpu.memref_slice %arg8[%dma_wait3A, %dma_wait3A_61] : memref<10000x128xf32, #tpu.memory_space<vmem_shared>> -> memref<10000x128xf32, #tpu.memory_space<vmem_shared>>
        tpu.wait_indirect_dma semaphore(%run_scoped3A : memref<!tpu.dma_semaphore, #tpu.memory_space<semaphore_mem>>) src(%arg7 : memref<40x128xf32, #tpu.memory_space<vmem>>) dst(%dma_wait3A_62 : memref<10000x128xf32, #tpu.memory_space<vmem_shared>>)
        tpu.yield
      }) : () -> ()
      %scan3A_58 = arith.constant 0 : i32
      scf.yield %scan3A_58 : i32
    }
    %scan3A_26 = arith.constant 250 : i32
    %barrier3A_27 = arith.constant 0 : index
    tpu.barrier barrier_id(%barrier3A_27)
    %scan3A_28 = arith.constant 0 : i32
    %scan3A_29 = arith.constant 0 : i32
    %scan3A_30 = arith.constant 15 : i32
    %scan3A_31 = arith.addi %scan3A_29, %scan3A_30 : i32
    %scan3A_32 = arith.constant 1 : i32
    %scan3A_33 = scf.for %scan3A_44 = %scan3A_29 to %scan3A_31 step %scan3A_32 iter_args(%scan3A_45 = %scan3A_28) -> (i32)  : i32 {
      %mul3A_46 = arith.constant 624 : i32
      %mul3A_47 = arith.muli %arg1, %mul3A_46 : i32
      %mul3A_48 = arith.constant 40 : i32
      %mul3A_49 = arith.muli %scan3A_44, %mul3A_48 : i32
      %add3A_50 = arith.addi %mul3A_47, %mul3A_49 : i32
      "tpu.region"() ({
        %run_scoped3A = tpu.sem_alloc : memref<!tpu.dma_semaphore, #tpu.memory_space<semaphore_mem>>
        %dma_start3A = arith.constant 0 : i32
        %dma_start3A_52 = tpu.memref_slice %arg8[%add3A_50, %dma_start3A] : memref<10000x128xf32, #tpu.memory_space<vmem_shared>> -> memref<40x128xf32, #tpu.memory_space<vmem_shared>>
        %dma_start3A_53 = arith.constant 0 : i32
        %dma_start3A_54 = tpu.memref_slice %arg8[%add3A_50, %dma_start3A_53] : memref<10000x128xf32, #tpu.memory_space<vmem_shared>> -> memref<40x128xf32, #tpu.memory_space<vmem_shared>>
        tpu.enqueue_dma source(%dma_start3A_54 : memref<40x128xf32, #tpu.memory_space<vmem_shared>>) target(%arg7 : memref<40x128xf32, #tpu.memory_space<vmem>>) target_semaphore(%run_scoped3A : memref<!tpu.dma_semaphore, #tpu.memory_space<semaphore_mem>>)
        %dma_wait3A = arith.constant 0 : i32
        %dma_wait3A_55 = tpu.memref_slice %arg8[%add3A_50, %dma_wait3A] : memref<10000x128xf32, #tpu.memory_space<vmem_shared>> -> memref<40x128xf32, #tpu.memory_space<vmem_shared>>
        %dma_wait3A_56 = arith.constant 0 : i32
        %dma_wait3A_57 = tpu.memref_slice %arg8[%add3A_50, %dma_wait3A_56] : memref<10000x128xf32, #tpu.memory_space<vmem_shared>> -> memref<40x128xf32, #tpu.memory_space<vmem_shared>>
        tpu.wait_dma2 semaphore(%run_scoped3A : memref<!tpu.dma_semaphore, #tpu.memory_space<semaphore_mem>>) src(%dma_wait3A_57 : memref<40x128xf32, #tpu.memory_space<vmem_shared>>) dst(%arg7 : memref<40x128xf32, #tpu.memory_space<vmem>>)
        tpu.yield
      }) : () -> ()
      "tpu.region"() ({
        %run_scoped3A = tpu.sem_alloc : memref<!tpu.dma_semaphore, #tpu.memory_space<semaphore_mem>>
        %dma_start3A = arith.constant 0 : i32
        %dma_start3A_52 = tpu.memref_slice %arg4[%arg0, %add3A_50, %dma_start3A] : memref<2x10000x128xf32, #tpu.memory_space<hbm>> -> memref<1x40x128xf32, #tpu.memory_space<hbm>>
        %dma_start3A_53 = tpu.memref_squeeze %dma_start3A_52 : memref<1x40x128xf32, #tpu.memory_space<hbm>> -> memref<40x128xf32, #tpu.memory_space<hbm>>
        %dma_start3A_54 = arith.constant 0 : i32
        %dma_start3A_55 = tpu.memref_slice %arg4[%arg0, %add3A_50, %dma_start3A_54] : memref<2x10000x128xf32, #tpu.memory_space<hbm>> -> memref<1x40x128xf32, #tpu.memory_space<hbm>>
        %dma_start3A_56 = tpu.memref_squeeze %dma_start3A_55 : memref<1x40x128xf32, #tpu.memory_space<hbm>> -> memref<40x128xf32, #tpu.memory_space<hbm>>
        tpu.enqueue_dma source(%arg7 : memref<40x128xf32, #tpu.memory_space<vmem>>) target(%dma_start3A_56 : memref<40x128xf32, #tpu.memory_space<hbm>>) target_semaphore(%run_scoped3A : memref<!tpu.dma_semaphore, #tpu.memory_space<semaphore_mem>>)
        %dma_wait3A = arith.constant 0 : i32
        %dma_wait3A_57 = tpu.memref_slice %arg4[%arg0, %add3A_50, %dma_wait3A] : memref<2x10000x128xf32, #tpu.memory_space<hbm>> -> memref<1x40x128xf32, #tpu.memory_space<hbm>>
        %dma_wait3A_58 = tpu.memref_squeeze %dma_wait3A_57 : memref<1x40x128xf32, #tpu.memory_space<hbm>> -> memref<40x128xf32, #tpu.memory_space<hbm>>
        %dma_wait3A_59 = arith.constant 0 : i32
        %dma_wait3A_60 = tpu.memref_slice %arg4[%arg0, %add3A_50, %dma_wait3A_59] : memref<2x10000x128xf32, #tpu.memory_space<hbm>> -> memref<1x40x128xf32, #tpu.memory_space<hbm>>
        %dma_wait3A_61 = tpu.memref_squeeze %dma_wait3A_60 : memref<1x40x128xf32, #tpu.memory_space<hbm>> -> memref<40x128xf32, #tpu.memory_space<hbm>>
        tpu.wait_dma2 semaphore(%run_scoped3A : memref<!tpu.dma_semaphore, #tpu.memory_space<semaphore_mem>>) src(%arg7 : memref<40x128xf32, #tpu.memory_space<vmem>>) dst(%dma_wait3A_61 : memref<40x128xf32, #tpu.memory_space<hbm>>)
        tpu.yield
      }) : () -> ()
      %scan3A_51 = arith.constant 0 : i32
      scf.yield %scan3A_51 : i32
    }
    %scan3A_34 = arith.constant 15 : i32
    %mul3A_35 = arith.constant 624 : i32
    %mul3A_36 = arith.muli %arg1, %mul3A_35 : i32
    %add3A_37 = arith.constant 600 : i32
    %add3A_38 = arith.addi %mul3A_36, %add3A_37 : i32
    "tpu.region"() ({
      %run_scoped3A = tpu.sem_alloc : memref<!tpu.dma_semaphore, #tpu.memory_space<semaphore_mem>>
      %dma_start3A = arith.constant 0 : i32
      %dma_start3A_44 = arith.constant 0 : i32
      %dma_start3A_45 = tpu.memref_slice %arg7[%dma_start3A, %dma_start3A_44] : memref<40x128xf32, #tpu.memory_space<vmem>> -> memref<24x128xf32, #tpu.memory_space<vmem>>
      %dma_start3A_46 = arith.constant 0 : i32
      %dma_start3A_47 = tpu.memref_slice %arg8[%add3A_38, %dma_start3A_46] : memref<10000x128xf32, #tpu.memory_space<vmem_shared>> -> memref<24x128xf32, #tpu.memory_space<vmem_shared>>
      %dma_start3A_48 = arith.constant 0 : i32
      %dma_start3A_49 = arith.constant 0 : i32
      %dma_start3A_50 = tpu.memref_slice %arg7[%dma_start3A_48, %dma_start3A_49] : memref<40x128xf32, #tpu.memory_space<vmem>> -> memref<24x128xf32, #tpu.memory_space<vmem>>
      %dma_start3A_51 = arith.constant 0 : i32
      %dma_start3A_52 = tpu.memref_slice %arg8[%add3A_38, %dma_start3A_51] : memref<10000x128xf32, #tpu.memory_space<vmem_shared>> -> memref<24x128xf32, #tpu.memory_space<vmem_shared>>
      tpu.enqueue_dma source(%dma_start3A_52 : memref<24x128xf32, #tpu.memory_space<vmem_shared>>) target(%dma_start3A_50 : memref<24x128xf32, #tpu.memory_space<vmem>>) target_semaphore(%run_scoped3A : memref<!tpu.dma_semaphore, #tpu.memory_space<semaphore_mem>>)
      %dma_wait3A = arith.constant 0 : i32
      %dma_wait3A_53 = arith.constant 0 : i32
      %dma_wait3A_54 = tpu.memref_slice %arg7[%dma_wait3A, %dma_wait3A_53] : memref<40x128xf32, #tpu.memory_space<vmem>> -> memref<24x128xf32, #tpu.memory_space<vmem>>
      %dma_wait3A_55 = arith.constant 0 : i32
      %dma_wait3A_56 = tpu.memref_slice %arg8[%add3A_38, %dma_wait3A_55] : memref<10000x128xf32, #tpu.memory_space<vmem_shared>> -> memref<24x128xf32, #tpu.memory_space<vmem_shared>>
      %dma_wait3A_57 = arith.constant 0 : i32
      %dma_wait3A_58 = arith.constant 0 : i32
      %dma_wait3A_59 = tpu.memref_slice %arg7[%dma_wait3A_57, %dma_wait3A_58] : memref<40x128xf32, #tpu.memory_space<vmem>> -> memref<24x128xf32, #tpu.memory_space<vmem>>
      %dma_wait3A_60 = arith.constant 0 : i32
      %dma_wait3A_61 = tpu.memref_slice %arg8[%add3A_38, %dma_wait3A_60] : memref<10000x128xf32, #tpu.memory_space<vmem_shared>> -> memref<24x128xf32, #tpu.memory_space<vmem_shared>>
      tpu.wait_dma2 semaphore(%run_scoped3A : memref<!tpu.dma_semaphore, #tpu.memory_space<semaphore_mem>>) src(%dma_wait3A_61 : memref<24x128xf32, #tpu.memory_space<vmem_shared>>) dst(%dma_wait3A_59 : memref<24x128xf32, #tpu.memory_space<vmem>>)
      tpu.yield
    }) : () -> ()
    "tpu.region"() ({
      %run_scoped3A = tpu.sem_alloc : memref<!tpu.dma_semaphore, #tpu.memory_space<semaphore_mem>>
      %dma_start3A = arith.constant 0 : i32
      %dma_start3A_44 = arith.constant 0 : i32
      %dma_start3A_45 = tpu.memref_slice %arg7[%dma_start3A, %dma_start3A_44] : memref<40x128xf32, #tpu.memory_space<vmem>> -> memref<24x128xf32, #tpu.memory_space<vmem>>
      %dma_start3A_46 = arith.constant 0 : i32
      %dma_start3A_47 = tpu.memref_slice %arg4[%arg0, %add3A_38, %dma_start3A_46] : memref<2x10000x128xf32, #tpu.memory_space<hbm>> -> memref<1x24x128xf32, #tpu.memory_space<hbm>>
      %dma_start3A_48 = tpu.memref_squeeze %dma_start3A_47 : memref<1x24x128xf32, #tpu.memory_space<hbm>> -> memref<24x128xf32, #tpu.memory_space<hbm>>
      %dma_start3A_49 = arith.constant 0 : i32
      %dma_start3A_50 = tpu.memref_slice %arg4[%arg0, %add3A_38, %dma_start3A_49] : memref<2x10000x128xf32, #tpu.memory_space<hbm>> -> memref<1x24x128xf32, #tpu.memory_space<hbm>>
      %dma_start3A_51 = tpu.memref_squeeze %dma_start3A_50 : memref<1x24x128xf32, #tpu.memory_space<hbm>> -> memref<24x128xf32, #tpu.memory_space<hbm>>
      %dma_start3A_52 = arith.constant 0 : i32
      %dma_start3A_53 = arith.constant 0 : i32
      %dma_start3A_54 = tpu.memref_slice %arg7[%dma_start3A_52, %dma_start3A_53] : memref<40x128xf32, #tpu.memory_space<vmem>> -> memref<24x128xf32, #tpu.memory_space<vmem>>
      tpu.enqueue_dma source(%dma_start3A_54 : memref<24x128xf32, #tpu.memory_space<vmem>>) target(%dma_start3A_51 : memref<24x128xf32, #tpu.memory_space<hbm>>) target_semaphore(%run_scoped3A : memref<!tpu.dma_semaphore, #tpu.memory_space<semaphore_mem>>)
      %dma_wait3A = arith.constant 0 : i32
      %dma_wait3A_55 = arith.constant 0 : i32
      %dma_wait3A_56 = tpu.memref_slice %arg7[%dma_wait3A, %dma_wait3A_55] : memref<40x128xf32, #tpu.memory_space<vmem>> -> memref<24x128xf32, #tpu.memory_space<vmem>>
      %dma_wait3A_57 = arith.constant 0 : i32
      %dma_wait3A_58 = tpu.memref_slice %arg4[%arg0, %add3A_38, %dma_wait3A_57] : memref<2x10000x128xf32, #tpu.memory_space<hbm>> -> memref<1x24x128xf32, #tpu.memory_space<hbm>>
      %dma_wait3A_59 = tpu.memref_squeeze %dma_wait3A_58 : memref<1x24x128xf32, #tpu.memory_space<hbm>> -> memref<24x128xf32, #tpu.memory_space<hbm>>
      %dma_wait3A_60 = arith.constant 0 : i32
      %dma_wait3A_61 = tpu.memref_slice %arg4[%arg0, %add3A_38, %dma_wait3A_60] : memref<2x10000x128xf32, #tpu.memory_space<hbm>> -> memref<1x24x128xf32, #tpu.memory_space<hbm>>
      %dma_wait3A_62 = tpu.memref_squeeze %dma_wait3A_61 : memref<1x24x128xf32, #tpu.memory_space<hbm>> -> memref<24x128xf32, #tpu.memory_space<hbm>>
      %dma_wait3A_63 = arith.constant 0 : i32
      %dma_wait3A_64 = arith.constant 0 : i32
      %dma_wait3A_65 = tpu.memref_slice %arg7[%dma_wait3A_63, %dma_wait3A_64] : memref<40x128xf32, #tpu.memory_space<vmem>> -> memref<24x128xf32, #tpu.memory_space<vmem>>
      tpu.wait_dma2 semaphore(%run_scoped3A : memref<!tpu.dma_semaphore, #tpu.memory_space<semaphore_mem>>) src(%dma_wait3A_65 : memref<24x128xf32, #tpu.memory_space<vmem>>) dst(%dma_wait3A_62 : memref<24x128xf32, #tpu.memory_space<hbm>>)
      tpu.yield
    }) : () -> ()
    %eq3A_39 = arith.constant 0 : i32
    %eq3A_40 = arith.cmpi eq, %arg1, %eq3A_39 : i32
    %convert_element_type3A_41 = arith.extui %eq3A_40 : i1 to i32
    %cond3A_42 = arith.constant 0 : i32
    %cond3A_43 = arith.cmpi ne, %convert_element_type3A_41, %cond3A_42 : i32
    scf.if %cond3A_43 {
      "tpu.region"() ({
        %run_scoped3A = tpu.sem_alloc : memref<!tpu.dma_semaphore, #tpu.memory_space<semaphore_mem>>
        %dma_start3A = arith.constant 0 : i32
        %dma_start3A_44 = arith.constant 0 : i32
        %dma_start3A_45 = tpu.memref_slice %arg7[%dma_start3A, %dma_start3A_44] : memref<40x128xf32, #tpu.memory_space<vmem>> -> memref<16x128xf32, #tpu.memory_space<vmem>>
        %dma_start3A_46 = arith.constant 9984 : i32
        %dma_start3A_47 = arith.constant 0 : i32
        %dma_start3A_48 = tpu.memref_slice %arg8[%dma_start3A_46, %dma_start3A_47] : memref<10000x128xf32, #tpu.memory_space<vmem_shared>> -> memref<16x128xf32, #tpu.memory_space<vmem_shared>>
        %dma_start3A_49 = arith.constant 0 : i32
        %dma_start3A_50 = arith.constant 0 : i32
        %dma_start3A_51 = tpu.memref_slice %arg7[%dma_start3A_49, %dma_start3A_50] : memref<40x128xf32, #tpu.memory_space<vmem>> -> memref<16x128xf32, #tpu.memory_space<vmem>>
        %dma_start3A_52 = arith.constant 9984 : i32
        %dma_start3A_53 = arith.constant 0 : i32
        %dma_start3A_54 = tpu.memref_slice %arg8[%dma_start3A_52, %dma_start3A_53] : memref<10000x128xf32, #tpu.memory_space<vmem_shared>> -> memref<16x128xf32, #tpu.memory_space<vmem_shared>>
        tpu.enqueue_dma source(%dma_start3A_54 : memref<16x128xf32, #tpu.memory_space<vmem_shared>>) target(%dma_start3A_51 : memref<16x128xf32, #tpu.memory_space<vmem>>) target_semaphore(%run_scoped3A : memref<!tpu.dma_semaphore, #tpu.memory_space<semaphore_mem>>)
        %dma_wait3A = arith.constant 0 : i32
        %dma_wait3A_55 = arith.constant 0 : i32
        %dma_wait3A_56 = tpu.memref_slice %arg7[%dma_wait3A, %dma_wait3A_55] : memref<40x128xf32, #tpu.memory_space<vmem>> -> memref<16x128xf32, #tpu.memory_space<vmem>>
        %dma_wait3A_57 = arith.constant 9984 : i32
        %dma_wait3A_58 = arith.constant 0 : i32
        %dma_wait3A_59 = tpu.memref_slice %arg8[%dma_wait3A_57, %dma_wait3A_58] : memref<10000x128xf32, #tpu.memory_space<vmem_shared>> -> memref<16x128xf32, #tpu.memory_space<vmem_shared>>
        %dma_wait3A_60 = arith.constant 0 : i32
        %dma_wait3A_61 = arith.constant 0 : i32
        %dma_wait3A_62 = tpu.memref_slice %arg7[%dma_wait3A_60, %dma_wait3A_61] : memref<40x128xf32, #tpu.memory_space<vmem>> -> memref<16x128xf32, #tpu.memory_space<vmem>>
        %dma_wait3A_63 = arith.constant 9984 : i32
        %dma_wait3A_64 = arith.constant 0 : i32
        %dma_wait3A_65 = tpu.memref_slice %arg8[%dma_wait3A_63, %dma_wait3A_64] : memref<10000x128xf32, #tpu.memory_space<vmem_shared>> -> memref<16x128xf32, #tpu.memory_space<vmem_shared>>
        tpu.wait_dma2 semaphore(%run_scoped3A : memref<!tpu.dma_semaphore, #tpu.memory_space<semaphore_mem>>) src(%dma_wait3A_65 : memref<16x128xf32, #tpu.memory_space<vmem_shared>>) dst(%dma_wait3A_62 : memref<16x128xf32, #tpu.memory_space<vmem>>)
        tpu.yield
      }) : () -> ()
      "tpu.region"() ({
        %run_scoped3A = tpu.sem_alloc : memref<!tpu.dma_semaphore, #tpu.memory_space<semaphore_mem>>
        %dma_start3A = arith.constant 0 : i32
        %dma_start3A_44 = arith.constant 0 : i32
        %dma_start3A_45 = tpu.memref_slice %arg7[%dma_start3A, %dma_start3A_44] : memref<40x128xf32, #tpu.memory_space<vmem>> -> memref<16x128xf32, #tpu.memory_space<vmem>>
        %dma_start3A_46 = arith.constant 9984 : i32
        %dma_start3A_47 = arith.constant 0 : i32
        %dma_start3A_48 = tpu.memref_slice %arg4[%arg0, %dma_start3A_46, %dma_start3A_47] : memref<2x10000x128xf32, #tpu.memory_space<hbm>> -> memref<1x16x128xf32, #tpu.memory_space<hbm>>
        %dma_start3A_49 = tpu.memref_squeeze %dma_start3A_48 : memref<1x16x128xf32, #tpu.memory_space<hbm>> -> memref<16x128xf32, #tpu.memory_space<hbm>>
        %dma_start3A_50 = arith.constant 9984 : i32
        %dma_start3A_51 = arith.constant 0 : i32
        %dma_start3A_52 = tpu.memref_slice %arg4[%arg0, %dma_start3A_50, %dma_start3A_51] : memref<2x10000x128xf32, #tpu.memory_space<hbm>> -> memref<1x16x128xf32, #tpu.memory_space<hbm>>
        %dma_start3A_53 = tpu.memref_squeeze %dma_start3A_52 : memref<1x16x128xf32, #tpu.memory_space<hbm>> -> memref<16x128xf32, #tpu.memory_space<hbm>>
        %dma_start3A_54 = arith.constant 0 : i32
        %dma_start3A_55 = arith.constant 0 : i32
        %dma_start3A_56 = tpu.memref_slice %arg7[%dma_start3A_54, %dma_start3A_55] : memref<40x128xf32, #tpu.memory_space<vmem>> -> memref<16x128xf32, #tpu.memory_space<vmem>>
        tpu.enqueue_dma source(%dma_start3A_56 : memref<16x128xf32, #tpu.memory_space<vmem>>) target(%dma_start3A_53 : memref<16x128xf32, #tpu.memory_space<hbm>>) target_semaphore(%run_scoped3A : memref<!tpu.dma_semaphore, #tpu.memory_space<semaphore_mem>>)
        %dma_wait3A = arith.constant 0 : i32
        %dma_wait3A_57 = arith.constant 0 : i32
        %dma_wait3A_58 = tpu.memref_slice %arg7[%dma_wait3A, %dma_wait3A_57] : memref<40x128xf32, #tpu.memory_space<vmem>> -> memref<16x128xf32, #tpu.memory_space<vmem>>
        %dma_wait3A_59 = arith.constant 9984 : i32
        %dma_wait3A_60 = arith.constant 0 : i32
        %dma_wait3A_61 = tpu.memref_slice %arg4[%arg0, %dma_wait3A_59, %dma_wait3A_60] : memref<2x10000x128xf32, #tpu.memory_space<hbm>> -> memref<1x16x128xf32, #tpu.memory_space<hbm>>
        %dma_wait3A_62 = tpu.memref_squeeze %dma_wait3A_61 : memref<1x16x128xf32, #tpu.memory_space<hbm>> -> memref<16x128xf32, #tpu.memory_space<hbm>>
        %dma_wait3A_63 = arith.constant 9984 : i32
        %dma_wait3A_64 = arith.constant 0 : i32
        %dma_wait3A_65 = tpu.memref_slice %arg4[%arg0, %dma_wait3A_63, %dma_wait3A_64] : memref<2x10000x128xf32, #tpu.memory_space<hbm>> -> memref<1x16x128xf32, #tpu.memory_space<hbm>>
        %dma_wait3A_66 = tpu.memref_squeeze %dma_wait3A_65 : memref<1x16x128xf32, #tpu.memory_space<hbm>> -> memref<16x128xf32, #tpu.memory_space<hbm>>
        %dma_wait3A_67 = arith.constant 0 : i32
        %dma_wait3A_68 = arith.constant 0 : i32
        %dma_wait3A_69 = tpu.memref_slice %arg7[%dma_wait3A_67, %dma_wait3A_68] : memref<40x128xf32, #tpu.memory_space<vmem>> -> memref<16x128xf32, #tpu.memory_space<vmem>>
        tpu.wait_dma2 semaphore(%run_scoped3A : memref<!tpu.dma_semaphore, #tpu.memory_space<semaphore_mem>>) src(%dma_wait3A_69 : memref<16x128xf32, #tpu.memory_space<vmem>>) dst(%dma_wait3A_66 : memref<16x128xf32, #tpu.memory_space<hbm>>)
        tpu.yield
      }) : () -> ()
    } else {
    }
    return
  }
}

#map = affine_map<(d0, d1) -> (0, 0, 0)>
#map1 = affine_map<(d0, d1) -> (0, 0)>
module attributes {stable_mosaic.version = 14 : i64} {
  func.func @sc_kernel(%arg0: i32, %arg1: i32, %arg2: memref<32x250x40xi32, #tpu.memory_space<hbm>>, %arg3: memref<32x250x40xi32, #tpu.memory_space<hbm>>, %arg4: memref<10000x128xf32, #tpu.memory_space<hbm>>, %arg5: memref<10000x128xf32, #tpu.memory_space<hbm>>, %arg6: memref<10000x128xf32, #tpu.memory_space<hbm>>, %arg7: memref<320000x256xf32, #tpu.memory_space<hbm>>, %arg8: memref<2x10000x128xf32, #tpu.memory_space<hbm>>, %arg9: memref<320000x16xf32, #tpu.memory_space<hbm>>, %arg10: memref<40xi32, #tpu.memory_space<vmem>>, %arg11: memref<40xi32, #tpu.memory_space<vmem>>, %arg12: memref<40x128xf32, #tpu.memory_space<vmem>>, %arg13: memref<40x128xf32, #tpu.memory_space<vmem>>, %arg14: memref<40x128xf32, #tpu.memory_space<vmem>>, %arg15: memref<40x256xf32, #tpu.memory_space<vmem>>, %arg16: memref<40x128xf32, #tpu.memory_space<vmem>>, %arg17: memref<40x16xf32, #tpu.memory_space<vmem>>, %arg18: memref<10000x128xf32, #tpu.memory_space<vmem_shared>>, %arg19: memref<!tpu.dma_semaphore, #tpu.memory_space<semaphore_mem>>) attributes {dimension_semantics = [#tpu.dimension_semantics<core_parallel>, #tpu.dimension_semantics<subcore_parallel>], iteration_bounds = array<i64: 2, 16>, scalar_prefetch = 0 : i64, scratch_operands = 10 : i64, tpu.core_type = #tpu.core_type<sc_vector_subcore>, window_params = [{transform_indices = #map}, {transform_indices = #map}, {transform_indices = #map1}, {transform_indices = #map1}, {transform_indices = #map1}, {transform_indices = #map1}, {transform_indices = #map}, {transform_indices = #map1}]} {
    %mul3A = arith.constant 2 : i32
    %mul3A_0 = arith.muli %arg1, %mul3A : i32
    %add3A = arith.addi %mul3A_0, %arg0 : i32
    %scan3A = arith.constant 0 : i32
    %scan3A_1 = arith.constant 0 : i32
    %scan3A_2 = arith.constant 40 : i32
    %scan3A_3 = arith.addi %scan3A_1, %scan3A_2 : i32
    %scan3A_4 = arith.constant 1 : i32
    %scan3A_5 = scf.for %scan3A_44 = %scan3A_1 to %scan3A_3 step %scan3A_4 iter_args(%scan3A_45 = %scan3A) -> (i32)  : i32 {
      %broadcast_in_dim3A = arith.constant 0.000000e+00 : f32
      %broadcast_in_dim3A_46 = vector.broadcast %broadcast_in_dim3A : f32 to vector<16xf32>
      %swap3A = arith.index_cast %scan3A_44 : i32 to index
      %swap3A_47 = arith.constant 0 : index
      %swap3A_48 = tpu.vector_load %arg16[%swap3A, %swap3A_47] {strides = array<i32>} : memref<40x128xf32, #tpu.memory_space<vmem>>, vector<1x16xf32>,
      %swap3A_49 = vector.shape_cast %swap3A_48 : vector<1x16xf32> to vector<16xf32>
      %swap3A_50 = vector.shape_cast %broadcast_in_dim3A_46 : vector<16xf32> to vector<1x16xf32>
      tpu.vector_store %arg16[%swap3A, %swap3A_47], %swap3A_50 {strides = array<i32>} : memref<40x128xf32, #tpu.memory_space<vmem>>, vector<1x16xf32>,
      %swap3A_51 = arith.index_cast %scan3A_44 : i32 to index
      %swap3A_52 = arith.constant 16 : index
      %swap3A_53 = tpu.vector_load %arg16[%swap3A_51, %swap3A_52] {strides = array<i32>} : memref<40x128xf32, #tpu.memory_space<vmem>>, vector<1x16xf32>,
      %swap3A_54 = vector.shape_cast %swap3A_53 : vector<1x16xf32> to vector<16xf32>
      %swap3A_55 = vector.shape_cast %broadcast_in_dim3A_46 : vector<16xf32> to vector<1x16xf32>
      tpu.vector_store %arg16[%swap3A_51, %swap3A_52], %swap3A_55 {strides = array<i32>} : memref<40x128xf32, #tpu.memory_space<vmem>>, vector<1x16xf32>,
      %swap3A_56 = arith.index_cast %scan3A_44 : i32 to index
      %swap3A_57 = arith.constant 32 : index
      %swap3A_58 = tpu.vector_load %arg16[%swap3A_56, %swap3A_57] {strides = array<i32>} : memref<40x128xf32, #tpu.memory_space<vmem>>, vector<1x16xf32>,
      %swap3A_59 = vector.shape_cast %swap3A_58 : vector<1x16xf32> to vector<16xf32>
      %swap3A_60 = vector.shape_cast %broadcast_in_dim3A_46 : vector<16xf32> to vector<1x16xf32>
      tpu.vector_store %arg16[%swap3A_56, %swap3A_57], %swap3A_60 {strides = array<i32>} : memref<40x128xf32, #tpu.memory_space<vmem>>, vector<1x16xf32>,
      %swap3A_61 = arith.index_cast %scan3A_44 : i32 to index
      %swap3A_62 = arith.constant 48 : index
      %swap3A_63 = tpu.vector_load %arg16[%swap3A_61, %swap3A_62] {strides = array<i32>} : memref<40x128xf32, #tpu.memory_space<vmem>>, vector<1x16xf32>,
      %swap3A_64 = vector.shape_cast %swap3A_63 : vector<1x16xf32> to vector<16xf32>
      %swap3A_65 = vector.shape_cast %broadcast_in_dim3A_46 : vector<16xf32> to vector<1x16xf32>
      tpu.vector_store %arg16[%swap3A_61, %swap3A_62], %swap3A_65 {strides = array<i32>} : memref<40x128xf32, #tpu.memory_space<vmem>>, vector<1x16xf32>,
      %swap3A_66 = arith.index_cast %scan3A_44 : i32 to index
      %swap3A_67 = arith.constant 64 : index
      %swap3A_68 = tpu.vector_load %arg16[%swap3A_66, %swap3A_67] {strides = array<i32>} : memref<40x128xf32, #tpu.memory_space<vmem>>, vector<1x16xf32>,
      %swap3A_69 = vector.shape_cast %swap3A_68 : vector<1x16xf32> to vector<16xf32>
      %swap3A_70 = vector.shape_cast %broadcast_in_dim3A_46 : vector<16xf32> to vector<1x16xf32>
      tpu.vector_store %arg16[%swap3A_66, %swap3A_67], %swap3A_70 {strides = array<i32>} : memref<40x128xf32, #tpu.memory_space<vmem>>, vector<1x16xf32>,
      %swap3A_71 = arith.index_cast %scan3A_44 : i32 to index
      %swap3A_72 = arith.constant 80 : index
      %swap3A_73 = tpu.vector_load %arg16[%swap3A_71, %swap3A_72] {strides = array<i32>} : memref<40x128xf32, #tpu.memory_space<vmem>>, vector<1x16xf32>,
      %swap3A_74 = vector.shape_cast %swap3A_73 : vector<1x16xf32> to vector<16xf32>
      %swap3A_75 = vector.shape_cast %broadcast_in_dim3A_46 : vector<16xf32> to vector<1x16xf32>
      tpu.vector_store %arg16[%swap3A_71, %swap3A_72], %swap3A_75 {strides = array<i32>} : memref<40x128xf32, #tpu.memory_space<vmem>>, vector<1x16xf32>,
      %swap3A_76 = arith.index_cast %scan3A_44 : i32 to index
      %swap3A_77 = arith.constant 96 : index
      %swap3A_78 = tpu.vector_load %arg16[%swap3A_76, %swap3A_77] {strides = array<i32>} : memref<40x128xf32, #tpu.memory_space<vmem>>, vector<1x16xf32>,
      %swap3A_79 = vector.shape_cast %swap3A_78 : vector<1x16xf32> to vector<16xf32>
      %swap3A_80 = vector.shape_cast %broadcast_in_dim3A_46 : vector<16xf32> to vector<1x16xf32>
      tpu.vector_store %arg16[%swap3A_76, %swap3A_77], %swap3A_80 {strides = array<i32>} : memref<40x128xf32, #tpu.memory_space<vmem>>, vector<1x16xf32>,
      %swap3A_81 = arith.index_cast %scan3A_44 : i32 to index
      %swap3A_82 = arith.constant 112 : index
      %swap3A_83 = tpu.vector_load %arg16[%swap3A_81, %swap3A_82] {strides = array<i32>} : memref<40x128xf32, #tpu.memory_space<vmem>>, vector<1x16xf32>,
      %swap3A_84 = vector.shape_cast %swap3A_83 : vector<1x16xf32> to vector<16xf32>
      %swap3A_85 = vector.shape_cast %broadcast_in_dim3A_46 : vector<16xf32> to vector<1x16xf32>
      tpu.vector_store %arg16[%swap3A_81, %swap3A_82], %swap3A_85 {strides = array<i32>} : memref<40x128xf32, #tpu.memory_space<vmem>>, vector<1x16xf32>,
      %scan3A_86 = arith.constant 0 : i32
      scf.yield %scan3A_86 : i32
    }
    %scan3A_6 = arith.constant 40 : i32
    %scan3A_7 = arith.constant 0 : i32
    %scan3A_8 = arith.constant 0 : i32
    %scan3A_9 = arith.constant 15 : i32
    %scan3A_10 = arith.addi %scan3A_8, %scan3A_9 : i32
    %scan3A_11 = arith.constant 1 : i32
    %scan3A_12 = scf.for %scan3A_44 = %scan3A_8 to %scan3A_10 step %scan3A_11 iter_args(%scan3A_45 = %scan3A_7) -> (i32)  : i32 {
      %mul3A_46 = arith.constant 624 : i32
      %mul3A_47 = arith.muli %arg1, %mul3A_46 : i32
      %mul3A_48 = arith.constant 40 : i32
      %mul3A_49 = arith.muli %scan3A_44, %mul3A_48 : i32
      %add3A_50 = arith.addi %mul3A_47, %mul3A_49 : i32
      "tpu.region"() ({
        %run_scoped3A = tpu.sem_alloc : memref<!tpu.dma_semaphore, #tpu.memory_space<semaphore_mem>>
        %dma_start3A = arith.constant 0 : i32
        %dma_start3A_52 = tpu.memref_slice %arg18[%add3A_50, %dma_start3A] : memref<10000x128xf32, #tpu.memory_space<vmem_shared>> -> memref<40x128xf32, #tpu.memory_space<vmem_shared>>
        %dma_start3A_53 = arith.constant 0 : i32
        %dma_start3A_54 = tpu.memref_slice %arg18[%add3A_50, %dma_start3A_53] : memref<10000x128xf32, #tpu.memory_space<vmem_shared>> -> memref<40x128xf32, #tpu.memory_space<vmem_shared>>
        tpu.enqueue_dma source(%arg16 : memref<40x128xf32, #tpu.memory_space<vmem>>) target(%dma_start3A_54 : memref<40x128xf32, #tpu.memory_space<vmem_shared>>) target_semaphore(%run_scoped3A : memref<!tpu.dma_semaphore, #tpu.memory_space<semaphore_mem>>)
        %dma_wait3A = arith.constant 0 : i32
        %dma_wait3A_55 = tpu.memref_slice %arg18[%add3A_50, %dma_wait3A] : memref<10000x128xf32, #tpu.memory_space<vmem_shared>> -> memref<40x128xf32, #tpu.memory_space<vmem_shared>>
        %dma_wait3A_56 = arith.constant 0 : i32
        %dma_wait3A_57 = tpu.memref_slice %arg18[%add3A_50, %dma_wait3A_56] : memref<10000x128xf32, #tpu.memory_space<vmem_shared>> -> memref<40x128xf32, #tpu.memory_space<vmem_shared>>
        tpu.wait_dma2 semaphore(%run_scoped3A : memref<!tpu.dma_semaphore, #tpu.memory_space<semaphore_mem>>) src(%arg16 : memref<40x128xf32, #tpu.memory_space<vmem>>) dst(%dma_wait3A_57 : memref<40x128xf32, #tpu.memory_space<vmem_shared>>)
        tpu.yield
      }) : () -> ()
      %scan3A_51 = arith.constant 0 : i32
      scf.yield %scan3A_51 : i32
    }
    %scan3A_13 = arith.constant 15 : i32
    %mul3A_14 = arith.constant 624 : i32
    %mul3A_15 = arith.muli %arg1, %mul3A_14 : i32
    %add3A_16 = arith.constant 600 : i32
    %add3A_17 = arith.addi %mul3A_15, %add3A_16 : i32
    "tpu.region"() ({
      %run_scoped3A = tpu.sem_alloc : memref<!tpu.dma_semaphore, #tpu.memory_space<semaphore_mem>>
      %dma_start3A = arith.constant 0 : i32
      %dma_start3A_44 = arith.constant 0 : i32
      %dma_start3A_45 = tpu.memref_slice %arg16[%dma_start3A, %dma_start3A_44] : memref<40x128xf32, #tpu.memory_space<vmem>> -> memref<24x128xf32, #tpu.memory_space<vmem>>
      %dma_start3A_46 = arith.constant 0 : i32
      %dma_start3A_47 = tpu.memref_slice %arg18[%add3A_17, %dma_start3A_46] : memref<10000x128xf32, #tpu.memory_space<vmem_shared>> -> memref<24x128xf32, #tpu.memory_space<vmem_shared>>
      %dma_start3A_48 = arith.constant 0 : i32
      %dma_start3A_49 = tpu.memref_slice %arg18[%add3A_17, %dma_start3A_48] : memref<10000x128xf32, #tpu.memory_space<vmem_shared>> -> memref<24x128xf32, #tpu.memory_space<vmem_shared>>
      %dma_start3A_50 = arith.constant 0 : i32
      %dma_start3A_51 = arith.constant 0 : i32
      %dma_start3A_52 = tpu.memref_slice %arg16[%dma_start3A_50, %dma_start3A_51] : memref<40x128xf32, #tpu.memory_space<vmem>> -> memref<24x128xf32, #tpu.memory_space<vmem>>
      tpu.enqueue_dma source(%dma_start3A_52 : memref<24x128xf32, #tpu.memory_space<vmem>>) target(%dma_start3A_49 : memref<24x128xf32, #tpu.memory_space<vmem_shared>>) target_semaphore(%run_scoped3A : memref<!tpu.dma_semaphore, #tpu.memory_space<semaphore_mem>>)
      %dma_wait3A = arith.constant 0 : i32
      %dma_wait3A_53 = arith.constant 0 : i32
      %dma_wait3A_54 = tpu.memref_slice %arg16[%dma_wait3A, %dma_wait3A_53] : memref<40x128xf32, #tpu.memory_space<vmem>> -> memref<24x128xf32, #tpu.memory_space<vmem>>
      %dma_wait3A_55 = arith.constant 0 : i32
      %dma_wait3A_56 = tpu.memref_slice %arg18[%add3A_17, %dma_wait3A_55] : memref<10000x128xf32, #tpu.memory_space<vmem_shared>> -> memref<24x128xf32, #tpu.memory_space<vmem_shared>>
      %dma_wait3A_57 = arith.constant 0 : i32
      %dma_wait3A_58 = tpu.memref_slice %arg18[%add3A_17, %dma_wait3A_57] : memref<10000x128xf32, #tpu.memory_space<vmem_shared>> -> memref<24x128xf32, #tpu.memory_space<vmem_shared>>
      %dma_wait3A_59 = arith.constant 0 : i32
      %dma_wait3A_60 = arith.constant 0 : i32
      %dma_wait3A_61 = tpu.memref_slice %arg16[%dma_wait3A_59, %dma_wait3A_60] : memref<40x128xf32, #tpu.memory_space<vmem>> -> memref<24x128xf32, #tpu.memory_space<vmem>>
      tpu.wait_dma2 semaphore(%run_scoped3A : memref<!tpu.dma_semaphore, #tpu.memory_space<semaphore_mem>>) src(%dma_wait3A_61 : memref<24x128xf32, #tpu.memory_space<vmem>>) dst(%dma_wait3A_58 : memref<24x128xf32, #tpu.memory_space<vmem_shared>>)
      tpu.yield
    }) : () -> ()
    %eq3A = arith.constant 0 : i32
    %eq3A_18 = arith.cmpi eq, %arg1, %eq3A : i32
    %convert_element_type3A = arith.extui %eq3A_18 : i1 to i32
    %cond3A = arith.constant 0 : i32
    %cond3A_19 = arith.cmpi ne, %convert_element_type3A, %cond3A : i32
    scf.if %cond3A_19 {
      "tpu.region"() ({
        %run_scoped3A = tpu.sem_alloc : memref<!tpu.dma_semaphore, #tpu.memory_space<semaphore_mem>>
        %dma_start3A = arith.constant 0 : i32
        %dma_start3A_44 = arith.constant 0 : i32
        %dma_start3A_45 = tpu.memref_slice %arg16[%dma_start3A, %dma_start3A_44] : memref<40x128xf32, #tpu.memory_space<vmem>> -> memref<16x128xf32, #tpu.memory_space<vmem>>
        %dma_start3A_46 = arith.constant 9984 : i32
        %dma_start3A_47 = arith.constant 0 : i32
        %dma_start3A_48 = tpu.memref_slice %arg18[%dma_start3A_46, %dma_start3A_47] : memref<10000x128xf32, #tpu.memory_space<vmem_shared>> -> memref<16x128xf32, #tpu.memory_space<vmem_shared>>
        %dma_start3A_49 = arith.constant 9984 : i32
        %dma_start3A_50 = arith.constant 0 : i32
        %dma_start3A_51 = tpu.memref_slice %arg18[%dma_start3A_49, %dma_start3A_50] : memref<10000x128xf32, #tpu.memory_space<vmem_shared>> -> memref<16x128xf32, #tpu.memory_space<vmem_shared>>
        %dma_start3A_52 = arith.constant 0 : i32
        %dma_start3A_53 = arith.constant 0 : i32
        %dma_start3A_54 = tpu.memref_slice %arg16[%dma_start3A_52, %dma_start3A_53] : memref<40x128xf32, #tpu.memory_space<vmem>> -> memref<16x128xf32, #tpu.memory_space<vmem>>
        tpu.enqueue_dma source(%dma_start3A_54 : memref<16x128xf32, #tpu.memory_space<vmem>>) target(%dma_start3A_51 : memref<16x128xf32, #tpu.memory_space<vmem_shared>>) target_semaphore(%run_scoped3A : memref<!tpu.dma_semaphore, #tpu.memory_space<semaphore_mem>>)
        %dma_wait3A = arith.constant 0 : i32
        %dma_wait3A_55 = arith.constant 0 : i32
        %dma_wait3A_56 = tpu.memref_slice %arg16[%dma_wait3A, %dma_wait3A_55] : memref<40x128xf32, #tpu.memory_space<vmem>> -> memref<16x128xf32, #tpu.memory_space<vmem>>
        %dma_wait3A_57 = arith.constant 9984 : i32
        %dma_wait3A_58 = arith.constant 0 : i32
        %dma_wait3A_59 = tpu.memref_slice %arg18[%dma_wait3A_57, %dma_wait3A_58] : memref<10000x128xf32, #tpu.memory_space<vmem_shared>> -> memref<16x128xf32, #tpu.memory_space<vmem_shared>>
        %dma_wait3A_60 = arith.constant 9984 : i32
        %dma_wait3A_61 = arith.constant 0 : i32
        %dma_wait3A_62 = tpu.memref_slice %arg18[%dma_wait3A_60, %dma_wait3A_61] : memref<10000x128xf32, #tpu.memory_space<vmem_shared>> -> memref<16x128xf32, #tpu.memory_space<vmem_shared>>
        %dma_wait3A_63 = arith.constant 0 : i32
        %dma_wait3A_64 = arith.constant 0 : i32
        %dma_wait3A_65 = tpu.memref_slice %arg16[%dma_wait3A_63, %dma_wait3A_64] : memref<40x128xf32, #tpu.memory_space<vmem>> -> memref<16x128xf32, #tpu.memory_space<vmem>>
        tpu.wait_dma2 semaphore(%run_scoped3A : memref<!tpu.dma_semaphore, #tpu.memory_space<semaphore_mem>>) src(%dma_wait3A_65 : memref<16x128xf32, #tpu.memory_space<vmem>>) dst(%dma_wait3A_62 : memref<16x128xf32, #tpu.memory_space<vmem_shared>>)
        tpu.yield
      }) : () -> ()
    } else {
    }
    %barrier3A = arith.constant 0 : index
    tpu.barrier barrier_id(%barrier3A)
    %scan3A_20 = arith.constant 0 : i32
    %scan3A_21 = arith.constant 0 : i32
    %scan3A_22 = arith.constant 250 : i32
    %scan3A_23 = arith.addi %scan3A_21, %scan3A_22 : i32
    %scan3A_24 = arith.constant 1 : i32
    %scan3A_25 = scf.for %scan3A_44 = %scan3A_21 to %scan3A_23 step %scan3A_24 iter_args(%scan3A_45 = %scan3A_20) -> (i32)  : i32 {
      %mul3A_46 = arith.constant 10000 : i32
      %mul3A_47 = arith.muli %add3A, %mul3A_46 : i32
      %mul3A_48 = arith.constant 40 : i32
      %mul3A_49 = arith.muli %scan3A_44, %mul3A_48 : i32
      %add3A_50 = arith.addi %mul3A_47, %mul3A_49 : i32
      "tpu.region"() ({
        %run_scoped3A = tpu.sem_alloc : memref<!tpu.dma_semaphore, #tpu.memory_space<semaphore_mem>>
        %dma_start3A_75 = arith.constant 0 : i32
        %dma_start3A_76 = tpu.memref_slice %arg2[%add3A, %scan3A_44, %dma_start3A_75] : memref<32x250x40xi32, #tpu.memory_space<hbm>> -> memref<1x1x40xi32, #tpu.memory_space<hbm>>
        %dma_start3A_77 = tpu.memref_squeeze %dma_start3A_76 : memref<1x1x40xi32, #tpu.memory_space<hbm>> -> memref<40xi32, #tpu.memory_space<hbm>>
        %dma_start3A_78 = arith.constant 0 : i32
        %dma_start3A_79 = tpu.memref_slice %arg2[%add3A, %scan3A_44, %dma_start3A_78] : memref<32x250x40xi32, #tpu.memory_space<hbm>> -> memref<1x1x40xi32, #tpu.memory_space<hbm>>
        %dma_start3A_80 = tpu.memref_squeeze %dma_start3A_79 : memref<1x1x40xi32, #tpu.memory_space<hbm>> -> memref<40xi32, #tpu.memory_space<hbm>>
        tpu.enqueue_dma source(%dma_start3A_80 : memref<40xi32, #tpu.memory_space<hbm>>) target(%arg10 : memref<40xi32, #tpu.memory_space<vmem>>) target_semaphore(%run_scoped3A : memref<!tpu.dma_semaphore, #tpu.memory_space<semaphore_mem>>)
        %dma_wait3A_81 = arith.constant 0 : i32
        %dma_wait3A_82 = tpu.memref_slice %arg2[%add3A, %scan3A_44, %dma_wait3A_81] : memref<32x250x40xi32, #tpu.memory_space<hbm>> -> memref<1x1x40xi32, #tpu.memory_space<hbm>>
        %dma_wait3A_83 = tpu.memref_squeeze %dma_wait3A_82 : memref<1x1x40xi32, #tpu.memory_space<hbm>> -> memref<40xi32, #tpu.memory_space<hbm>>
        %dma_wait3A_84 = arith.constant 0 : i32
        %dma_wait3A_85 = tpu.memref_slice %arg2[%add3A, %scan3A_44, %dma_wait3A_84] : memref<32x250x40xi32, #tpu.memory_space<hbm>> -> memref<1x1x40xi32, #tpu.memory_space<hbm>>
        %dma_wait3A_86 = tpu.memref_squeeze %dma_wait3A_85 : memref<1x1x40xi32, #tpu.memory_space<hbm>> -> memref<40xi32, #tpu.memory_space<hbm>>
        tpu.wait_dma2 semaphore(%run_scoped3A : memref<!tpu.dma_semaphore, #tpu.memory_space<semaphore_mem>>) src(%dma_wait3A_86 : memref<40xi32, #tpu.memory_space<hbm>>) dst(%arg10 : memref<40xi32, #tpu.memory_space<vmem>>)
        tpu.yield
      }) : () -> ()
      "tpu.region"() ({
        %run_scoped3A = tpu.sem_alloc : memref<!tpu.dma_semaphore, #tpu.memory_space<semaphore_mem>>
        %dma_start3A_75 = arith.constant 0 : i32
        %dma_start3A_76 = tpu.memref_slice %arg3[%add3A, %scan3A_44, %dma_start3A_75] : memref<32x250x40xi32, #tpu.memory_space<hbm>> -> memref<1x1x40xi32, #tpu.memory_space<hbm>>
        %dma_start3A_77 = tpu.memref_squeeze %dma_start3A_76 : memref<1x1x40xi32, #tpu.memory_space<hbm>> -> memref<40xi32, #tpu.memory_space<hbm>>
        %dma_start3A_78 = arith.constant 0 : i32
        %dma_start3A_79 = tpu.memref_slice %arg3[%add3A, %scan3A_44, %dma_start3A_78] : memref<32x250x40xi32, #tpu.memory_space<hbm>> -> memref<1x1x40xi32, #tpu.memory_space<hbm>>
        %dma_start3A_80 = tpu.memref_squeeze %dma_start3A_79 : memref<1x1x40xi32, #tpu.memory_space<hbm>> -> memref<40xi32, #tpu.memory_space<hbm>>
        tpu.enqueue_dma source(%dma_start3A_80 : memref<40xi32, #tpu.memory_space<hbm>>) target(%arg11 : memref<40xi32, #tpu.memory_space<vmem>>) target_semaphore(%run_scoped3A : memref<!tpu.dma_semaphore, #tpu.memory_space<semaphore_mem>>)
        %dma_wait3A_81 = arith.constant 0 : i32
        %dma_wait3A_82 = tpu.memref_slice %arg3[%add3A, %scan3A_44, %dma_wait3A_81] : memref<32x250x40xi32, #tpu.memory_space<hbm>> -> memref<1x1x40xi32, #tpu.memory_space<hbm>>
        %dma_wait3A_83 = tpu.memref_squeeze %dma_wait3A_82 : memref<1x1x40xi32, #tpu.memory_space<hbm>> -> memref<40xi32, #tpu.memory_space<hbm>>
        %dma_wait3A_84 = arith.constant 0 : i32
        %dma_wait3A_85 = tpu.memref_slice %arg3[%add3A, %scan3A_44, %dma_wait3A_84] : memref<32x250x40xi32, #tpu.memory_space<hbm>> -> memref<1x1x40xi32, #tpu.memory_space<hbm>>
        %dma_wait3A_86 = tpu.memref_squeeze %dma_wait3A_85 : memref<1x1x40xi32, #tpu.memory_space<hbm>> -> memref<40xi32, #tpu.memory_space<hbm>>
        tpu.wait_dma2 semaphore(%run_scoped3A : memref<!tpu.dma_semaphore, #tpu.memory_space<semaphore_mem>>) src(%dma_wait3A_86 : memref<40xi32, #tpu.memory_space<hbm>>) dst(%arg11 : memref<40xi32, #tpu.memory_space<vmem>>)
        tpu.yield
      }) : () -> ()
      %dma_start3A = arith.constant 0 : i32
      %dma_start3A_51 = arith.constant 0 : i32
      %dma_start3A_52 = tpu.memref_slice %arg4[%dma_start3A, %dma_start3A_51] : memref<10000x128xf32, #tpu.memory_space<hbm>> -> memref<10000x128xf32, #tpu.memory_space<hbm>>
      tpu.enqueue_indirect_dma source(%dma_start3A_52 : memref<10000x128xf32, #tpu.memory_space<hbm>>) target(%arg12 : memref<40x128xf32, #tpu.memory_space<vmem>>) offsets(%arg10 : memref<40xi32, #tpu.memory_space<vmem>>) semaphore(%arg19 : memref<!tpu.dma_semaphore, #tpu.memory_space<semaphore_mem>>)
      %dma_wait3A = arith.constant 0 : i32
      %dma_wait3A_53 = arith.constant 0 : i32
      %dma_wait3A_54 = tpu.memref_slice %arg4[%dma_wait3A, %dma_wait3A_53] : memref<10000x128xf32, #tpu.memory_space<hbm>> -> memref<10000x128xf32, #tpu.memory_space<hbm>>
      tpu.wait_indirect_dma semaphore(%arg19 : memref<!tpu.dma_semaphore, #tpu.memory_space<semaphore_mem>>) src(%dma_wait3A_54 : memref<10000x128xf32, #tpu.memory_space<hbm>>) dst(%arg12 : memref<40x128xf32, #tpu.memory_space<vmem>>)
      %dma_start3A_55 = arith.constant 0 : i32
      %dma_start3A_56 = arith.constant 0 : i32
      %dma_start3A_57 = tpu.memref_slice %arg5[%dma_start3A_55, %dma_start3A_56] : memref<10000x128xf32, #tpu.memory_space<hbm>> -> memref<10000x128xf32, #tpu.memory_space<hbm>>
      tpu.enqueue_indirect_dma source(%dma_start3A_57 : memref<10000x128xf32, #tpu.memory_space<hbm>>) target(%arg13 : memref<40x128xf32, #tpu.memory_space<vmem>>) offsets(%arg11 : memref<40xi32, #tpu.memory_space<vmem>>) semaphore(%arg19 : memref<!tpu.dma_semaphore, #tpu.memory_space<semaphore_mem>>)
      %dma_wait3A_58 = arith.constant 0 : i32
      %dma_wait3A_59 = arith.constant 0 : i32
      %dma_wait3A_60 = tpu.memref_slice %arg5[%dma_wait3A_58, %dma_wait3A_59] : memref<10000x128xf32, #tpu.memory_space<hbm>> -> memref<10000x128xf32, #tpu.memory_space<hbm>>
      tpu.wait_indirect_dma semaphore(%arg19 : memref<!tpu.dma_semaphore, #tpu.memory_space<semaphore_mem>>) src(%dma_wait3A_60 : memref<10000x128xf32, #tpu.memory_space<hbm>>) dst(%arg13 : memref<40x128xf32, #tpu.memory_space<vmem>>)
      %dma_start3A_61 = arith.constant 0 : i32
      %dma_start3A_62 = arith.constant 0 : i32
      %dma_start3A_63 = tpu.memref_slice %arg6[%dma_start3A_61, %dma_start3A_62] : memref<10000x128xf32, #tpu.memory_space<hbm>> -> memref<10000x128xf32, #tpu.memory_space<hbm>>
      tpu.enqueue_indirect_dma source(%dma_start3A_63 : memref<10000x128xf32, #tpu.memory_space<hbm>>) target(%arg14 : memref<40x128xf32, #tpu.memory_space<vmem>>) offsets(%arg11 : memref<40xi32, #tpu.memory_space<vmem>>) semaphore(%arg19 : memref<!tpu.dma_semaphore, #tpu.memory_space<semaphore_mem>>)
      %dma_wait3A_64 = arith.constant 0 : i32
      %dma_wait3A_65 = arith.constant 0 : i32
      %dma_wait3A_66 = tpu.memref_slice %arg6[%dma_wait3A_64, %dma_wait3A_65] : memref<10000x128xf32, #tpu.memory_space<hbm>> -> memref<10000x128xf32, #tpu.memory_space<hbm>>
      tpu.wait_indirect_dma semaphore(%arg19 : memref<!tpu.dma_semaphore, #tpu.memory_space<semaphore_mem>>) src(%dma_wait3A_66 : memref<10000x128xf32, #tpu.memory_space<hbm>>) dst(%arg14 : memref<40x128xf32, #tpu.memory_space<vmem>>)
      "tpu.region"() ({
        %run_scoped3A = tpu.sem_alloc : memref<!tpu.dma_semaphore, #tpu.memory_space<semaphore_mem>>
        %dma_start3A_75 = arith.constant 0 : i32
        %dma_start3A_76 = tpu.memref_slice %arg7[%add3A_50, %dma_start3A_75] : memref<320000x256xf32, #tpu.memory_space<hbm>> -> memref<40x256xf32, #tpu.memory_space<hbm>>
        %dma_start3A_77 = arith.constant 0 : i32
        %dma_start3A_78 = tpu.memref_slice %arg7[%add3A_50, %dma_start3A_77] : memref<320000x256xf32, #tpu.memory_space<hbm>> -> memref<40x256xf32, #tpu.memory_space<hbm>>
        tpu.enqueue_dma source(%dma_start3A_78 : memref<40x256xf32, #tpu.memory_space<hbm>>) target(%arg15 : memref<40x256xf32, #tpu.memory_space<vmem>>) target_semaphore(%run_scoped3A : memref<!tpu.dma_semaphore, #tpu.memory_space<semaphore_mem>>)
        %dma_wait3A_79 = arith.constant 0 : i32
        %dma_wait3A_80 = tpu.memref_slice %arg7[%add3A_50, %dma_wait3A_79] : memref<320000x256xf32, #tpu.memory_space<hbm>> -> memref<40x256xf32, #tpu.memory_space<hbm>>
        %dma_wait3A_81 = arith.constant 0 : i32
        %dma_wait3A_82 = tpu.memref_slice %arg7[%add3A_50, %dma_wait3A_81] : memref<320000x256xf32, #tpu.memory_space<hbm>> -> memref<40x256xf32, #tpu.memory_space<hbm>>
        tpu.wait_dma2 semaphore(%run_scoped3A : memref<!tpu.dma_semaphore, #tpu.memory_space<semaphore_mem>>) src(%dma_wait3A_82 : memref<40x256xf32, #tpu.memory_space<hbm>>) dst(%arg15 : memref<40x256xf32, #tpu.memory_space<vmem>>)
        tpu.yield
      }) : () -> ()
      %scan3A_67 = arith.constant 0 : i32
      %scan3A_68 = arith.constant 0 : i32
      %scan3A_69 = arith.constant 40 : i32
      %scan3A_70 = arith.addi %scan3A_68, %scan3A_69 : i32
      %scan3A_71 = arith.constant 1 : i32
      %scan3A_72 = scf.for %scan3A_75 = %scan3A_68 to %scan3A_70 step %scan3A_71 iter_args(%scan3A_76 = %scan3A_67) -> (i32)  : i32 {
        %iota3A = tpu.iota {dimensions = array<i32: 0>} : vector<16xi32>
        %broadcast_in_dim3A = arith.constant 0.000000e+00 : f32
        %broadcast_in_dim3A_77 = vector.broadcast %broadcast_in_dim3A : f32 to vector<16xf32>
        %broadcast_in_dim3A_78 = arith.constant 0.000000e+00 : f32
        %broadcast_in_dim3A_79 = vector.broadcast %broadcast_in_dim3A_78 : f32 to vector<16xf32>
        %get3A = arith.index_cast %scan3A_75 : i32 to index
        %get3A_80 = arith.constant 0 : index
        %get3A_81 = tpu.vector_load %arg12[%get3A, %get3A_80] {strides = array<i32>} : memref<40x128xf32, #tpu.memory_space<vmem>>, vector<1x16xf32>,
        %get3A_82 = vector.shape_cast %get3A_81 : vector<1x16xf32> to vector<16xf32>
        %get3A_83 = arith.index_cast %scan3A_75 : i32 to index
        %get3A_84 = arith.constant 0 : index
        %get3A_85 = tpu.vector_load %arg13[%get3A_83, %get3A_84] {strides = array<i32>} : memref<40x128xf32, #tpu.memory_space<vmem>>, vector<1x16xf32>,
        %get3A_86 = vector.shape_cast %get3A_85 : vector<1x16xf32> to vector<16xf32>
        %get3A_87 = arith.index_cast %scan3A_75 : i32 to index
        %get3A_88 = arith.constant 0 : index
        %get3A_89 = tpu.vector_load %arg15[%get3A_87, %get3A_88] {strides = array<i32>} : memref<40x256xf32, #tpu.memory_space<vmem>>, vector<1x16xf32>,
        %get3A_90 = vector.shape_cast %get3A_89 : vector<1x16xf32> to vector<16xf32>
        %add3A_91 = arith.addf %get3A_86, %get3A_90 : vector<16xf32>
        %mul3A_92 = arith.mulf %get3A_82, %add3A_91 : vector<16xf32>
        %add3A_93 = arith.addf %broadcast_in_dim3A_77, %mul3A_92 : vector<16xf32>
        %get3A_94 = arith.index_cast %scan3A_75 : i32 to index
        %get3A_95 = arith.constant 16 : index
        %get3A_96 = tpu.vector_load %arg12[%get3A_94, %get3A_95] {strides = array<i32>} : memref<40x128xf32, #tpu.memory_space<vmem>>, vector<1x16xf32>,
        %get3A_97 = vector.shape_cast %get3A_96 : vector<1x16xf32> to vector<16xf32>
        %get3A_98 = arith.index_cast %scan3A_75 : i32 to index
        %get3A_99 = arith.constant 16 : index
        %get3A_100 = tpu.vector_load %arg13[%get3A_98, %get3A_99] {strides = array<i32>} : memref<40x128xf32, #tpu.memory_space<vmem>>, vector<1x16xf32>,
        %get3A_101 = vector.shape_cast %get3A_100 : vector<1x16xf32> to vector<16xf32>
        %get3A_102 = arith.index_cast %scan3A_75 : i32 to index
        %get3A_103 = arith.constant 16 : index
        %get3A_104 = tpu.vector_load %arg15[%get3A_102, %get3A_103] {strides = array<i32>} : memref<40x256xf32, #tpu.memory_space<vmem>>, vector<1x16xf32>,
        %get3A_105 = vector.shape_cast %get3A_104 : vector<1x16xf32> to vector<16xf32>
        %add3A_106 = arith.addf %get3A_101, %get3A_105 : vector<16xf32>
        %mul3A_107 = arith.mulf %get3A_97, %add3A_106 : vector<16xf32>
        %add3A_108 = arith.addf %add3A_93, %mul3A_107 : vector<16xf32>
        %get3A_109 = arith.index_cast %scan3A_75 : i32 to index
        %get3A_110 = arith.constant 32 : index
        %get3A_111 = tpu.vector_load %arg12[%get3A_109, %get3A_110] {strides = array<i32>} : memref<40x128xf32, #tpu.memory_space<vmem>>, vector<1x16xf32>,
        %get3A_112 = vector.shape_cast %get3A_111 : vector<1x16xf32> to vector<16xf32>
        %get3A_113 = arith.index_cast %scan3A_75 : i32 to index
        %get3A_114 = arith.constant 32 : index
        %get3A_115 = tpu.vector_load %arg13[%get3A_113, %get3A_114] {strides = array<i32>} : memref<40x128xf32, #tpu.memory_space<vmem>>, vector<1x16xf32>,
        %get3A_116 = vector.shape_cast %get3A_115 : vector<1x16xf32> to vector<16xf32>
        %get3A_117 = arith.index_cast %scan3A_75 : i32 to index
        %get3A_118 = arith.constant 32 : index
        %get3A_119 = tpu.vector_load %arg15[%get3A_117, %get3A_118] {strides = array<i32>} : memref<40x256xf32, #tpu.memory_space<vmem>>, vector<1x16xf32>,
        %get3A_120 = vector.shape_cast %get3A_119 : vector<1x16xf32> to vector<16xf32>
        %add3A_121 = arith.addf %get3A_116, %get3A_120 : vector<16xf32>
        %mul3A_122 = arith.mulf %get3A_112, %add3A_121 : vector<16xf32>
        %add3A_123 = arith.addf %add3A_108, %mul3A_122 : vector<16xf32>
        %get3A_124 = arith.index_cast %scan3A_75 : i32 to index
        %get3A_125 = arith.constant 48 : index
        %get3A_126 = tpu.vector_load %arg12[%get3A_124, %get3A_125] {strides = array<i32>} : memref<40x128xf32, #tpu.memory_space<vmem>>, vector<1x16xf32>,
        %get3A_127 = vector.shape_cast %get3A_126 : vector<1x16xf32> to vector<16xf32>
        %get3A_128 = arith.index_cast %scan3A_75 : i32 to index
        %get3A_129 = arith.constant 48 : index
        %get3A_130 = tpu.vector_load %arg13[%get3A_128, %get3A_129] {strides = array<i32>} : memref<40x128xf32, #tpu.memory_space<vmem>>, vector<1x16xf32>,
        %get3A_131 = vector.shape_cast %get3A_130 : vector<1x16xf32> to vector<16xf32>
        %get3A_132 = arith.index_cast %scan3A_75 : i32 to index
        %get3A_133 = arith.constant 48 : index
        %get3A_134 = tpu.vector_load %arg15[%get3A_132, %get3A_133] {strides = array<i32>} : memref<40x256xf32, #tpu.memory_space<vmem>>, vector<1x16xf32>,
        %get3A_135 = vector.shape_cast %get3A_134 : vector<1x16xf32> to vector<16xf32>
        %add3A_136 = arith.addf %get3A_131, %get3A_135 : vector<16xf32>
        %mul3A_137 = arith.mulf %get3A_127, %add3A_136 : vector<16xf32>
        %add3A_138 = arith.addf %add3A_123, %mul3A_137 : vector<16xf32>
        %get3A_139 = arith.index_cast %scan3A_75 : i32 to index
        %get3A_140 = arith.constant 64 : index
        %get3A_141 = tpu.vector_load %arg12[%get3A_139, %get3A_140] {strides = array<i32>} : memref<40x128xf32, #tpu.memory_space<vmem>>, vector<1x16xf32>,
        %get3A_142 = vector.shape_cast %get3A_141 : vector<1x16xf32> to vector<16xf32>
        %get3A_143 = arith.index_cast %scan3A_75 : i32 to index
        %get3A_144 = arith.constant 64 : index
        %get3A_145 = tpu.vector_load %arg13[%get3A_143, %get3A_144] {strides = array<i32>} : memref<40x128xf32, #tpu.memory_space<vmem>>, vector<1x16xf32>,
        %get3A_146 = vector.shape_cast %get3A_145 : vector<1x16xf32> to vector<16xf32>
        %get3A_147 = arith.index_cast %scan3A_75 : i32 to index
        %get3A_148 = arith.constant 64 : index
        %get3A_149 = tpu.vector_load %arg15[%get3A_147, %get3A_148] {strides = array<i32>} : memref<40x256xf32, #tpu.memory_space<vmem>>, vector<1x16xf32>,
        %get3A_150 = vector.shape_cast %get3A_149 : vector<1x16xf32> to vector<16xf32>
        %add3A_151 = arith.addf %get3A_146, %get3A_150 : vector<16xf32>
        %mul3A_152 = arith.mulf %get3A_142, %add3A_151 : vector<16xf32>
        %add3A_153 = arith.addf %broadcast_in_dim3A_79, %mul3A_152 : vector<16xf32>
        %get3A_154 = arith.index_cast %scan3A_75 : i32 to index
        %get3A_155 = arith.constant 80 : index
        %get3A_156 = tpu.vector_load %arg12[%get3A_154, %get3A_155] {strides = array<i32>} : memref<40x128xf32, #tpu.memory_space<vmem>>, vector<1x16xf32>,
        %get3A_157 = vector.shape_cast %get3A_156 : vector<1x16xf32> to vector<16xf32>
        %get3A_158 = arith.index_cast %scan3A_75 : i32 to index
        %get3A_159 = arith.constant 80 : index
        %get3A_160 = tpu.vector_load %arg13[%get3A_158, %get3A_159] {strides = array<i32>} : memref<40x128xf32, #tpu.memory_space<vmem>>, vector<1x16xf32>,
        %get3A_161 = vector.shape_cast %get3A_160 : vector<1x16xf32> to vector<16xf32>
        %get3A_162 = arith.index_cast %scan3A_75 : i32 to index
        %get3A_163 = arith.constant 80 : index
        %get3A_164 = tpu.vector_load %arg15[%get3A_162, %get3A_163] {strides = array<i32>} : memref<40x256xf32, #tpu.memory_space<vmem>>, vector<1x16xf32>,
        %get3A_165 = vector.shape_cast %get3A_164 : vector<1x16xf32> to vector<16xf32>
        %add3A_166 = arith.addf %get3A_161, %get3A_165 : vector<16xf32>
        %mul3A_167 = arith.mulf %get3A_157, %add3A_166 : vector<16xf32>
        %add3A_168 = arith.addf %add3A_153, %mul3A_167 : vector<16xf32>
        %get3A_169 = arith.index_cast %scan3A_75 : i32 to index
        %get3A_170 = arith.constant 96 : index
        %get3A_171 = tpu.vector_load %arg12[%get3A_169, %get3A_170] {strides = array<i32>} : memref<40x128xf32, #tpu.memory_space<vmem>>, vector<1x16xf32>,
        %get3A_172 = vector.shape_cast %get3A_171 : vector<1x16xf32> to vector<16xf32>
        %get3A_173 = arith.index_cast %scan3A_75 : i32 to index
        %get3A_174 = arith.constant 96 : index
        %get3A_175 = tpu.vector_load %arg13[%get3A_173, %get3A_174] {strides = array<i32>} : memref<40x128xf32, #tpu.memory_space<vmem>>, vector<1x16xf32>,
        %get3A_176 = vector.shape_cast %get3A_175 : vector<1x16xf32> to vector<16xf32>
        %get3A_177 = arith.index_cast %scan3A_75 : i32 to index
        %get3A_178 = arith.constant 96 : index
        %get3A_179 = tpu.vector_load %arg15[%get3A_177, %get3A_178] {strides = array<i32>} : memref<40x256xf32, #tpu.memory_space<vmem>>, vector<1x16xf32>,
        %get3A_180 = vector.shape_cast %get3A_179 : vector<1x16xf32> to vector<16xf32>
        %add3A_181 = arith.addf %get3A_176, %get3A_180 : vector<16xf32>
        %mul3A_182 = arith.mulf %get3A_172, %add3A_181 : vector<16xf32>
        %add3A_183 = arith.addf %add3A_168, %mul3A_182 : vector<16xf32>
        %get3A_184 = arith.index_cast %scan3A_75 : i32 to index
        %get3A_185 = arith.constant 112 : index
        %get3A_186 = tpu.vector_load %arg12[%get3A_184, %get3A_185] {strides = array<i32>} : memref<40x128xf32, #tpu.memory_space<vmem>>, vector<1x16xf32>,
        %get3A_187 = vector.shape_cast %get3A_186 : vector<1x16xf32> to vector<16xf32>
        %get3A_188 = arith.index_cast %scan3A_75 : i32 to index
        %get3A_189 = arith.constant 112 : index
        %get3A_190 = tpu.vector_load %arg13[%get3A_188, %get3A_189] {strides = array<i32>} : memref<40x128xf32, #tpu.memory_space<vmem>>, vector<1x16xf32>,
        %get3A_191 = vector.shape_cast %get3A_190 : vector<1x16xf32> to vector<16xf32>
        %get3A_192 = arith.index_cast %scan3A_75 : i32 to index
        %get3A_193 = arith.constant 112 : index
        %get3A_194 = tpu.vector_load %arg15[%get3A_192, %get3A_193] {strides = array<i32>} : memref<40x256xf32, #tpu.memory_space<vmem>>, vector<1x16xf32>,
        %get3A_195 = vector.shape_cast %get3A_194 : vector<1x16xf32> to vector<16xf32>
        %add3A_196 = arith.addf %get3A_191, %get3A_195 : vector<16xf32>
        %mul3A_197 = arith.mulf %get3A_187, %add3A_196 : vector<16xf32>
        %add3A_198 = arith.addf %add3A_183, %mul3A_197 : vector<16xf32>
        %xor3A = arith.constant 8 : i32
        %xor3A_199 = vector.broadcast %xor3A : i32 to vector<16xi32>
        %xor3A_200 = arith.xori %iota3A, %xor3A_199 : vector<16xi32>
        %lt3A = arith.constant 0 : i32
        %lt3A_201 = vector.broadcast %lt3A : i32 to vector<16xi32>
        %lt3A_202 = arith.cmpi slt, %xor3A_200, %lt3A_201 : vector<16xi32>
        %add3A_203 = arith.constant 16 : i32
        %add3A_204 = vector.broadcast %add3A_203 : i32 to vector<16xi32>
        %add3A_205 = arith.addi %xor3A_200, %add3A_204 : vector<16xi32>
        %select_n3A = arith.select %lt3A_202, %add3A_205, %xor3A_200 : vector<16xi1>, vector<16xi32>
        %broadcast_in_dim3A_206 = vector.shape_cast %select_n3A : vector<16xi32> to vector<16x1xi32>
        %gather3A = vector.shape_cast %broadcast_in_dim3A_206 : vector<16x1xi32> to vector<16xi32>
        %gather3A_207 = tpu.dynamic_gather %add3A_138[%gather3A] in [0] : vector<16xf32>, vector<16xi32> -> vector<16xf32>
        %add3A_208 = arith.addf %add3A_138, %gather3A_207 : vector<16xf32>
        %xor3A_209 = arith.constant 4 : i32
        %xor3A_210 = vector.broadcast %xor3A_209 : i32 to vector<16xi32>
        %xor3A_211 = arith.xori %iota3A, %xor3A_210 : vector<16xi32>
        %lt3A_212 = arith.constant 0 : i32
        %lt3A_213 = vector.broadcast %lt3A_212 : i32 to vector<16xi32>
        %lt3A_214 = arith.cmpi slt, %xor3A_211, %lt3A_213 : vector<16xi32>
        %add3A_215 = arith.constant 16 : i32
        %add3A_216 = vector.broadcast %add3A_215 : i32 to vector<16xi32>
        %add3A_217 = arith.addi %xor3A_211, %add3A_216 : vector<16xi32>
        %select_n3A_218 = arith.select %lt3A_214, %add3A_217, %xor3A_211 : vector<16xi1>, vector<16xi32>
        %broadcast_in_dim3A_219 = vector.shape_cast %select_n3A_218 : vector<16xi32> to vector<16x1xi32>
        %gather3A_220 = vector.shape_cast %broadcast_in_dim3A_219 : vector<16x1xi32> to vector<16xi32>
        %gather3A_221 = tpu.dynamic_gather %add3A_208[%gather3A_220] in [0] : vector<16xf32>, vector<16xi32> -> vector<16xf32>
        %add3A_222 = arith.addf %add3A_208, %gather3A_221 : vector<16xf32>
        %xor3A_223 = arith.constant 2 : i32
        %xor3A_224 = vector.broadcast %xor3A_223 : i32 to vector<16xi32>
        %xor3A_225 = arith.xori %iota3A, %xor3A_224 : vector<16xi32>
        %lt3A_226 = arith.constant 0 : i32
        %lt3A_227 = vector.broadcast %lt3A_226 : i32 to vector<16xi32>
        %lt3A_228 = arith.cmpi slt, %xor3A_225, %lt3A_227 : vector<16xi32>
        %add3A_229 = arith.constant 16 : i32
        %add3A_230 = vector.broadcast %add3A_229 : i32 to vector<16xi32>
        %add3A_231 = arith.addi %xor3A_225, %add3A_230 : vector<16xi32>
        %select_n3A_232 = arith.select %lt3A_228, %add3A_231, %xor3A_225 : vector<16xi1>, vector<16xi32>
        %broadcast_in_dim3A_233 = vector.shape_cast %select_n3A_232 : vector<16xi32> to vector<16x1xi32>
        %gather3A_234 = vector.shape_cast %broadcast_in_dim3A_233 : vector<16x1xi32> to vector<16xi32>
        %gather3A_235 = tpu.dynamic_gather %add3A_222[%gather3A_234] in [0] : vector<16xf32>, vector<16xi32> -> vector<16xf32>
        %add3A_236 = arith.addf %add3A_222, %gather3A_235 : vector<16xf32>
        %xor3A_237 = arith.constant 1 : i32
        %xor3A_238 = vector.broadcast %xor3A_237 : i32 to vector<16xi32>
        %xor3A_239 = arith.xori %iota3A, %xor3A_238 : vector<16xi32>
        %lt3A_240 = arith.constant 0 : i32
        %lt3A_241 = vector.broadcast %lt3A_240 : i32 to vector<16xi32>
        %lt3A_242 = arith.cmpi slt, %xor3A_239, %lt3A_241 : vector<16xi32>
        %add3A_243 = arith.constant 16 : i32
        %add3A_244 = vector.broadcast %add3A_243 : i32 to vector<16xi32>
        %add3A_245 = arith.addi %xor3A_239, %add3A_244 : vector<16xi32>
        %select_n3A_246 = arith.select %lt3A_242, %add3A_245, %xor3A_239 : vector<16xi1>, vector<16xi32>
        %broadcast_in_dim3A_247 = vector.shape_cast %select_n3A_246 : vector<16xi32> to vector<16x1xi32>
        %gather3A_248 = vector.shape_cast %broadcast_in_dim3A_247 : vector<16x1xi32> to vector<16xi32>
        %gather3A_249 = tpu.dynamic_gather %add3A_236[%gather3A_248] in [0] : vector<16xf32>, vector<16xi32> -> vector<16xf32>
        %add3A_250 = arith.addf %add3A_236, %gather3A_249 : vector<16xf32>
        %mul3A_251 = arith.constant 1.250000e-01 : f32
        %mul3A_252 = vector.broadcast %mul3A_251 : f32 to vector<16xf32>
        %mul3A_253 = arith.mulf %add3A_250, %mul3A_252 : vector<16xf32>
        %exp3A = math.exp %mul3A_253 : vector<16xf32>
        %xor3A_254 = arith.constant 8 : i32
        %xor3A_255 = vector.broadcast %xor3A_254 : i32 to vector<16xi32>
        %xor3A_256 = arith.xori %iota3A, %xor3A_255 : vector<16xi32>
        %lt3A_257 = arith.constant 0 : i32
        %lt3A_258 = vector.broadcast %lt3A_257 : i32 to vector<16xi32>
        %lt3A_259 = arith.cmpi slt, %xor3A_256, %lt3A_258 : vector<16xi32>
        %add3A_260 = arith.constant 16 : i32
        %add3A_261 = vector.broadcast %add3A_260 : i32 to vector<16xi32>
        %add3A_262 = arith.addi %xor3A_256, %add3A_261 : vector<16xi32>
        %select_n3A_263 = arith.select %lt3A_259, %add3A_262, %xor3A_256 : vector<16xi1>, vector<16xi32>
        %broadcast_in_dim3A_264 = vector.shape_cast %select_n3A_263 : vector<16xi32> to vector<16x1xi32>
        %gather3A_265 = vector.shape_cast %broadcast_in_dim3A_264 : vector<16x1xi32> to vector<16xi32>
        %gather3A_266 = tpu.dynamic_gather %add3A_198[%gather3A_265] in [0] : vector<16xf32>, vector<16xi32> -> vector<16xf32>
        %add3A_267 = arith.addf %add3A_198, %gather3A_266 : vector<16xf32>
        %xor3A_268 = arith.constant 4 : i32
        %xor3A_269 = vector.broadcast %xor3A_268 : i32 to vector<16xi32>
        %xor3A_270 = arith.xori %iota3A, %xor3A_269 : vector<16xi32>
        %lt3A_271 = arith.constant 0 : i32
        %lt3A_272 = vector.broadcast %lt3A_271 : i32 to vector<16xi32>
        %lt3A_273 = arith.cmpi slt, %xor3A_270, %lt3A_272 : vector<16xi32>
        %add3A_274 = arith.constant 16 : i32
        %add3A_275 = vector.broadcast %add3A_274 : i32 to vector<16xi32>
        %add3A_276 = arith.addi %xor3A_270, %add3A_275 : vector<16xi32>
        %select_n3A_277 = arith.select %lt3A_273, %add3A_276, %xor3A_270 : vector<16xi1>, vector<16xi32>
        %broadcast_in_dim3A_278 = vector.shape_cast %select_n3A_277 : vector<16xi32> to vector<16x1xi32>
        %gather3A_279 = vector.shape_cast %broadcast_in_dim3A_278 : vector<16x1xi32> to vector<16xi32>
        %gather3A_280 = tpu.dynamic_gather %add3A_267[%gather3A_279] in [0] : vector<16xf32>, vector<16xi32> -> vector<16xf32>
        %add3A_281 = arith.addf %add3A_267, %gather3A_280 : vector<16xf32>
        %xor3A_282 = arith.constant 2 : i32
        %xor3A_283 = vector.broadcast %xor3A_282 : i32 to vector<16xi32>
        %xor3A_284 = arith.xori %iota3A, %xor3A_283 : vector<16xi32>
        %lt3A_285 = arith.constant 0 : i32
        %lt3A_286 = vector.broadcast %lt3A_285 : i32 to vector<16xi32>
        %lt3A_287 = arith.cmpi slt, %xor3A_284, %lt3A_286 : vector<16xi32>
        %add3A_288 = arith.constant 16 : i32
        %add3A_289 = vector.broadcast %add3A_288 : i32 to vector<16xi32>
        %add3A_290 = arith.addi %xor3A_284, %add3A_289 : vector<16xi32>
        %select_n3A_291 = arith.select %lt3A_287, %add3A_290, %xor3A_284 : vector<16xi1>, vector<16xi32>
        %broadcast_in_dim3A_292 = vector.shape_cast %select_n3A_291 : vector<16xi32> to vector<16x1xi32>
        %gather3A_293 = vector.shape_cast %broadcast_in_dim3A_292 : vector<16x1xi32> to vector<16xi32>
        %gather3A_294 = tpu.dynamic_gather %add3A_281[%gather3A_293] in [0] : vector<16xf32>, vector<16xi32> -> vector<16xf32>
        %add3A_295 = arith.addf %add3A_281, %gather3A_294 : vector<16xf32>
        %xor3A_296 = arith.constant 1 : i32
        %xor3A_297 = vector.broadcast %xor3A_296 : i32 to vector<16xi32>
        %xor3A_298 = arith.xori %iota3A, %xor3A_297 : vector<16xi32>
        %lt3A_299 = arith.constant 0 : i32
        %lt3A_300 = vector.broadcast %lt3A_299 : i32 to vector<16xi32>
        %lt3A_301 = arith.cmpi slt, %xor3A_298, %lt3A_300 : vector<16xi32>
        %add3A_302 = arith.constant 16 : i32
        %add3A_303 = vector.broadcast %add3A_302 : i32 to vector<16xi32>
        %add3A_304 = arith.addi %xor3A_298, %add3A_303 : vector<16xi32>
        %select_n3A_305 = arith.select %lt3A_301, %add3A_304, %xor3A_298 : vector<16xi1>, vector<16xi32>
        %broadcast_in_dim3A_306 = vector.shape_cast %select_n3A_305 : vector<16xi32> to vector<16x1xi32>
        %gather3A_307 = vector.shape_cast %broadcast_in_dim3A_306 : vector<16x1xi32> to vector<16xi32>
        %gather3A_308 = tpu.dynamic_gather %add3A_295[%gather3A_307] in [0] : vector<16xf32>, vector<16xi32> -> vector<16xf32>
        %add3A_309 = arith.addf %add3A_295, %gather3A_308 : vector<16xf32>
        %mul3A_310 = arith.constant 1.250000e-01 : f32
        %mul3A_311 = vector.broadcast %mul3A_310 : f32 to vector<16xf32>
        %mul3A_312 = arith.mulf %add3A_309, %mul3A_311 : vector<16xf32>
        %exp3A_313 = math.exp %mul3A_312 : vector<16xf32>
        %get3A_314 = arith.index_cast %scan3A_75 : i32 to index
        %get3A_315 = arith.constant 0 : index
        %get3A_316 = tpu.vector_load %arg14[%get3A_314, %get3A_315] {strides = array<i32>} : memref<40x128xf32, #tpu.memory_space<vmem>>, vector<1x16xf32>,
        %get3A_317 = vector.shape_cast %get3A_316 : vector<1x16xf32> to vector<16xf32>
        %get3A_318 = arith.index_cast %scan3A_75 : i32 to index
        %get3A_319 = arith.constant 128 : index
        %get3A_320 = tpu.vector_load %arg15[%get3A_318, %get3A_319] {strides = array<i32>} : memref<40x256xf32, #tpu.memory_space<vmem>>, vector<1x16xf32>,
        %get3A_321 = vector.shape_cast %get3A_320 : vector<1x16xf32> to vector<16xf32>
        %add3A_322 = arith.addf %get3A_317, %get3A_321 : vector<16xf32>
        %mul3A_323 = arith.mulf %exp3A, %add3A_322 : vector<16xf32>
        %swap3A = arith.index_cast %scan3A_75 : i32 to index
        %swap3A_324 = arith.constant 0 : index
        %swap3A_325 = tpu.vector_load %arg16[%swap3A, %swap3A_324] {strides = array<i32>} : memref<40x128xf32, #tpu.memory_space<vmem>>, vector<1x16xf32>,
        %swap3A_326 = vector.shape_cast %swap3A_325 : vector<1x16xf32> to vector<16xf32>
        %swap3A_327 = vector.shape_cast %mul3A_323 : vector<16xf32> to vector<1x16xf32>
        tpu.vector_store %arg16[%swap3A, %swap3A_324], %swap3A_327 {strides = array<i32>} : memref<40x128xf32, #tpu.memory_space<vmem>>, vector<1x16xf32>,
        %get3A_328 = arith.index_cast %scan3A_75 : i32 to index
        %get3A_329 = arith.constant 16 : index
        %get3A_330 = tpu.vector_load %arg14[%get3A_328, %get3A_329] {strides = array<i32>} : memref<40x128xf32, #tpu.memory_space<vmem>>, vector<1x16xf32>,
        %get3A_331 = vector.shape_cast %get3A_330 : vector<1x16xf32> to vector<16xf32>
        %get3A_332 = arith.index_cast %scan3A_75 : i32 to index
        %get3A_333 = arith.constant 144 : index
        %get3A_334 = tpu.vector_load %arg15[%get3A_332, %get3A_333] {strides = array<i32>} : memref<40x256xf32, #tpu.memory_space<vmem>>, vector<1x16xf32>,
        %get3A_335 = vector.shape_cast %get3A_334 : vector<1x16xf32> to vector<16xf32>
        %add3A_336 = arith.addf %get3A_331, %get3A_335 : vector<16xf32>
        %mul3A_337 = arith.mulf %exp3A, %add3A_336 : vector<16xf32>
        %swap3A_338 = arith.index_cast %scan3A_75 : i32 to index
        %swap3A_339 = arith.constant 16 : index
        %swap3A_340 = tpu.vector_load %arg16[%swap3A_338, %swap3A_339] {strides = array<i32>} : memref<40x128xf32, #tpu.memory_space<vmem>>, vector<1x16xf32>,
        %swap3A_341 = vector.shape_cast %swap3A_340 : vector<1x16xf32> to vector<16xf32>
        %swap3A_342 = vector.shape_cast %mul3A_337 : vector<16xf32> to vector<1x16xf32>
        tpu.vector_store %arg16[%swap3A_338, %swap3A_339], %swap3A_342 {strides = array<i32>} : memref<40x128xf32, #tpu.memory_space<vmem>>, vector<1x16xf32>,
        %get3A_343 = arith.index_cast %scan3A_75 : i32 to index
        %get3A_344 = arith.constant 32 : index
        %get3A_345 = tpu.vector_load %arg14[%get3A_343, %get3A_344] {strides = array<i32>} : memref<40x128xf32, #tpu.memory_space<vmem>>, vector<1x16xf32>,
        %get3A_346 = vector.shape_cast %get3A_345 : vector<1x16xf32> to vector<16xf32>
        %get3A_347 = arith.index_cast %scan3A_75 : i32 to index
        %get3A_348 = arith.constant 160 : index
        %get3A_349 = tpu.vector_load %arg15[%get3A_347, %get3A_348] {strides = array<i32>} : memref<40x256xf32, #tpu.memory_space<vmem>>, vector<1x16xf32>,
        %get3A_350 = vector.shape_cast %get3A_349 : vector<1x16xf32> to vector<16xf32>
        %add3A_351 = arith.addf %get3A_346, %get3A_350 : vector<16xf32>
        %mul3A_352 = arith.mulf %exp3A, %add3A_351 : vector<16xf32>
        %swap3A_353 = arith.index_cast %scan3A_75 : i32 to index
        %swap3A_354 = arith.constant 32 : index
        %swap3A_355 = tpu.vector_load %arg16[%swap3A_353, %swap3A_354] {strides = array<i32>} : memref<40x128xf32, #tpu.memory_space<vmem>>, vector<1x16xf32>,
        %swap3A_356 = vector.shape_cast %swap3A_355 : vector<1x16xf32> to vector<16xf32>
        %swap3A_357 = vector.shape_cast %mul3A_352 : vector<16xf32> to vector<1x16xf32>
        tpu.vector_store %arg16[%swap3A_353, %swap3A_354], %swap3A_357 {strides = array<i32>} : memref<40x128xf32, #tpu.memory_space<vmem>>, vector<1x16xf32>,
        %get3A_358 = arith.index_cast %scan3A_75 : i32 to index
        %get3A_359 = arith.constant 48 : index
        %get3A_360 = tpu.vector_load %arg14[%get3A_358, %get3A_359] {strides = array<i32>} : memref<40x128xf32, #tpu.memory_space<vmem>>, vector<1x16xf32>,
        %get3A_361 = vector.shape_cast %get3A_360 : vector<1x16xf32> to vector<16xf32>
        %get3A_362 = arith.index_cast %scan3A_75 : i32 to index
        %get3A_363 = arith.constant 176 : index
        %get3A_364 = tpu.vector_load %arg15[%get3A_362, %get3A_363] {strides = array<i32>} : memref<40x256xf32, #tpu.memory_space<vmem>>, vector<1x16xf32>,
        %get3A_365 = vector.shape_cast %get3A_364 : vector<1x16xf32> to vector<16xf32>
        %add3A_366 = arith.addf %get3A_361, %get3A_365 : vector<16xf32>
        %mul3A_367 = arith.mulf %exp3A, %add3A_366 : vector<16xf32>
        %swap3A_368 = arith.index_cast %scan3A_75 : i32 to index
        %swap3A_369 = arith.constant 48 : index
        %swap3A_370 = tpu.vector_load %arg16[%swap3A_368, %swap3A_369] {strides = array<i32>} : memref<40x128xf32, #tpu.memory_space<vmem>>, vector<1x16xf32>,
        %swap3A_371 = vector.shape_cast %swap3A_370 : vector<1x16xf32> to vector<16xf32>
        %swap3A_372 = vector.shape_cast %mul3A_367 : vector<16xf32> to vector<1x16xf32>
        tpu.vector_store %arg16[%swap3A_368, %swap3A_369], %swap3A_372 {strides = array<i32>} : memref<40x128xf32, #tpu.memory_space<vmem>>, vector<1x16xf32>,
        %get3A_373 = arith.index_cast %scan3A_75 : i32 to index
        %get3A_374 = arith.constant 64 : index
        %get3A_375 = tpu.vector_load %arg14[%get3A_373, %get3A_374] {strides = array<i32>} : memref<40x128xf32, #tpu.memory_space<vmem>>, vector<1x16xf32>,
        %get3A_376 = vector.shape_cast %get3A_375 : vector<1x16xf32> to vector<16xf32>
        %get3A_377 = arith.index_cast %scan3A_75 : i32 to index
        %get3A_378 = arith.constant 192 : index
        %get3A_379 = tpu.vector_load %arg15[%get3A_377, %get3A_378] {strides = array<i32>} : memref<40x256xf32, #tpu.memory_space<vmem>>, vector<1x16xf32>,
        %get3A_380 = vector.shape_cast %get3A_379 : vector<1x16xf32> to vector<16xf32>
        %add3A_381 = arith.addf %get3A_376, %get3A_380 : vector<16xf32>
        %mul3A_382 = arith.mulf %exp3A_313, %add3A_381 : vector<16xf32>
        %swap3A_383 = arith.index_cast %scan3A_75 : i32 to index
        %swap3A_384 = arith.constant 64 : index
        %swap3A_385 = tpu.vector_load %arg16[%swap3A_383, %swap3A_384] {strides = array<i32>} : memref<40x128xf32, #tpu.memory_space<vmem>>, vector<1x16xf32>,
        %swap3A_386 = vector.shape_cast %swap3A_385 : vector<1x16xf32> to vector<16xf32>
        %swap3A_387 = vector.shape_cast %mul3A_382 : vector<16xf32> to vector<1x16xf32>
        tpu.vector_store %arg16[%swap3A_383, %swap3A_384], %swap3A_387 {strides = array<i32>} : memref<40x128xf32, #tpu.memory_space<vmem>>, vector<1x16xf32>,
        %get3A_388 = arith.index_cast %scan3A_75 : i32 to index
        %get3A_389 = arith.constant 80 : index
        %get3A_390 = tpu.vector_load %arg14[%get3A_388, %get3A_389] {strides = array<i32>} : memref<40x128xf32, #tpu.memory_space<vmem>>, vector<1x16xf32>,
        %get3A_391 = vector.shape_cast %get3A_390 : vector<1x16xf32> to vector<16xf32>
        %get3A_392 = arith.index_cast %scan3A_75 : i32 to index
        %get3A_393 = arith.constant 208 : index
        %get3A_394 = tpu.vector_load %arg15[%get3A_392, %get3A_393] {strides = array<i32>} : memref<40x256xf32, #tpu.memory_space<vmem>>, vector<1x16xf32>,
        %get3A_395 = vector.shape_cast %get3A_394 : vector<1x16xf32> to vector<16xf32>
        %add3A_396 = arith.addf %get3A_391, %get3A_395 : vector<16xf32>
        %mul3A_397 = arith.mulf %exp3A_313, %add3A_396 : vector<16xf32>
        %swap3A_398 = arith.index_cast %scan3A_75 : i32 to index
        %swap3A_399 = arith.constant 80 : index
        %swap3A_400 = tpu.vector_load %arg16[%swap3A_398, %swap3A_399] {strides = array<i32>} : memref<40x128xf32, #tpu.memory_space<vmem>>, vector<1x16xf32>,
        %swap3A_401 = vector.shape_cast %swap3A_400 : vector<1x16xf32> to vector<16xf32>
        %swap3A_402 = vector.shape_cast %mul3A_397 : vector<16xf32> to vector<1x16xf32>
        tpu.vector_store %arg16[%swap3A_398, %swap3A_399], %swap3A_402 {strides = array<i32>} : memref<40x128xf32, #tpu.memory_space<vmem>>, vector<1x16xf32>,
        %get3A_403 = arith.index_cast %scan3A_75 : i32 to index
        %get3A_404 = arith.constant 96 : index
        %get3A_405 = tpu.vector_load %arg14[%get3A_403, %get3A_404] {strides = array<i32>} : memref<40x128xf32, #tpu.memory_space<vmem>>, vector<1x16xf32>,
        %get3A_406 = vector.shape_cast %get3A_405 : vector<1x16xf32> to vector<16xf32>
        %get3A_407 = arith.index_cast %scan3A_75 : i32 to index
        %get3A_408 = arith.constant 224 : index
        %get3A_409 = tpu.vector_load %arg15[%get3A_407, %get3A_408] {strides = array<i32>} : memref<40x256xf32, #tpu.memory_space<vmem>>, vector<1x16xf32>,
        %get3A_410 = vector.shape_cast %get3A_409 : vector<1x16xf32> to vector<16xf32>
        %add3A_411 = arith.addf %get3A_406, %get3A_410 : vector<16xf32>
        %mul3A_412 = arith.mulf %exp3A_313, %add3A_411 : vector<16xf32>
        %swap3A_413 = arith.index_cast %scan3A_75 : i32 to index
        %swap3A_414 = arith.constant 96 : index
        %swap3A_415 = tpu.vector_load %arg16[%swap3A_413, %swap3A_414] {strides = array<i32>} : memref<40x128xf32, #tpu.memory_space<vmem>>, vector<1x16xf32>,
        %swap3A_416 = vector.shape_cast %swap3A_415 : vector<1x16xf32> to vector<16xf32>
        %swap3A_417 = vector.shape_cast %mul3A_412 : vector<16xf32> to vector<1x16xf32>
        tpu.vector_store %arg16[%swap3A_413, %swap3A_414], %swap3A_417 {strides = array<i32>} : memref<40x128xf32, #tpu.memory_space<vmem>>, vector<1x16xf32>,
        %get3A_418 = arith.index_cast %scan3A_75 : i32 to index
        %get3A_419 = arith.constant 112 : index
        %get3A_420 = tpu.vector_load %arg14[%get3A_418, %get3A_419] {strides = array<i32>} : memref<40x128xf32, #tpu.memory_space<vmem>>, vector<1x16xf32>,
        %get3A_421 = vector.shape_cast %get3A_420 : vector<1x16xf32> to vector<16xf32>
        %get3A_422 = arith.index_cast %scan3A_75 : i32 to index
        %get3A_423 = arith.constant 240 : index
        %get3A_424 = tpu.vector_load %arg15[%get3A_422, %get3A_423] {strides = array<i32>} : memref<40x256xf32, #tpu.memory_space<vmem>>, vector<1x16xf32>,
        %get3A_425 = vector.shape_cast %get3A_424 : vector<1x16xf32> to vector<16xf32>
        %add3A_426 = arith.addf %get3A_421, %get3A_425 : vector<16xf32>
        %mul3A_427 = arith.mulf %exp3A_313, %add3A_426 : vector<16xf32>
        %swap3A_428 = arith.index_cast %scan3A_75 : i32 to index
        %swap3A_429 = arith.constant 112 : index
        %swap3A_430 = tpu.vector_load %arg16[%swap3A_428, %swap3A_429] {strides = array<i32>} : memref<40x128xf32, #tpu.memory_space<vmem>>, vector<1x16xf32>,
        %swap3A_431 = vector.shape_cast %swap3A_430 : vector<1x16xf32> to vector<16xf32>
        %swap3A_432 = vector.shape_cast %mul3A_427 : vector<16xf32> to vector<1x16xf32>
        tpu.vector_store %arg16[%swap3A_428, %swap3A_429], %swap3A_432 {strides = array<i32>} : memref<40x128xf32, #tpu.memory_space<vmem>>, vector<1x16xf32>,
        %eq3A_433 = arith.constant 0 : i32
        %eq3A_434 = vector.broadcast %eq3A_433 : i32 to vector<16xi32>
        %eq3A_435 = arith.cmpi eq, %iota3A, %eq3A_434 : vector<16xi32>
        %eq3A_436 = arith.constant 1 : i32
        %eq3A_437 = vector.broadcast %eq3A_436 : i32 to vector<16xi32>
        %eq3A_438 = arith.cmpi eq, %iota3A, %eq3A_437 : vector<16xi32>
        %jit3A = arith.constant 0.000000e+00 : f32
        %broadcast_in_dim3A_439 = vector.broadcast %jit3A : f32 to vector<16xf32>
        %select_n3A_440 = arith.select %eq3A_438, %exp3A_313, %broadcast_in_dim3A_439 : vector<16xi1>, vector<16xf32>
        %select_n3A_441 = arith.select %eq3A_435, %exp3A, %select_n3A_440 : vector<16xi1>, vector<16xf32>
        %swap3A_442 = arith.index_cast %scan3A_75 : i32 to index
        %swap3A_443 = arith.constant 0 : index
        %swap3A_444 = tpu.vector_load %arg17[%swap3A_442, %swap3A_443] {strides = array<i32>} : memref<40x16xf32, #tpu.memory_space<vmem>>, vector<1x16xf32>,
        %swap3A_445 = vector.shape_cast %swap3A_444 : vector<1x16xf32> to vector<16xf32>
        %swap3A_446 = vector.shape_cast %select_n3A_441 : vector<16xf32> to vector<1x16xf32>
        tpu.vector_store %arg17[%swap3A_442, %swap3A_443], %swap3A_446 {strides = array<i32>} : memref<40x16xf32, #tpu.memory_space<vmem>>, vector<1x16xf32>,
        %scan3A_447 = arith.constant 0 : i32
        scf.yield %scan3A_447 : i32
      }
      %scan3A_73 = arith.constant 40 : i32
      "tpu.region"() ({
        %run_scoped3A = tpu.sem_alloc : memref<!tpu.dma_semaphore, #tpu.memory_space<semaphore_mem>>
        %dma_start3A_75 = arith.constant 0 : i32
        %dma_start3A_76 = arith.constant 0 : i32
        %dma_start3A_77 = tpu.memref_slice %arg18[%dma_start3A_75, %dma_start3A_76] : memref<10000x128xf32, #tpu.memory_space<vmem_shared>> -> memref<10000x128xf32, #tpu.memory_space<vmem_shared>>
        tpu.enqueue_indirect_dma source(%arg16 : memref<40x128xf32, #tpu.memory_space<vmem>>) target(%dma_start3A_77 : memref<10000x128xf32, #tpu.memory_space<vmem_shared>>) offsets(%arg10 : memref<40xi32, #tpu.memory_space<vmem>>) semaphore(%run_scoped3A : memref<!tpu.dma_semaphore, #tpu.memory_space<semaphore_mem>>) {add = true}
        %dma_wait3A_78 = arith.constant 0 : i32
        %dma_wait3A_79 = arith.constant 0 : i32
        %dma_wait3A_80 = tpu.memref_slice %arg18[%dma_wait3A_78, %dma_wait3A_79] : memref<10000x128xf32, #tpu.memory_space<vmem_shared>> -> memref<10000x128xf32, #tpu.memory_space<vmem_shared>>
        tpu.wait_indirect_dma semaphore(%run_scoped3A : memref<!tpu.dma_semaphore, #tpu.memory_space<semaphore_mem>>) src(%arg16 : memref<40x128xf32, #tpu.memory_space<vmem>>) dst(%dma_wait3A_80 : memref<10000x128xf32, #tpu.memory_space<vmem_shared>>)
        tpu.yield
      }) : () -> ()
      "tpu.region"() ({
        %run_scoped3A = tpu.sem_alloc : memref<!tpu.dma_semaphore, #tpu.memory_space<semaphore_mem>>
        %dma_start3A_75 = arith.constant 0 : i32
        %dma_start3A_76 = tpu.memref_slice %arg9[%add3A_50, %dma_start3A_75] : memref<320000x16xf32, #tpu.memory_space<hbm>> -> memref<40x16xf32, #tpu.memory_space<hbm>>
        %dma_start3A_77 = arith.constant 0 : i32
        %dma_start3A_78 = tpu.memref_slice %arg9[%add3A_50, %dma_start3A_77] : memref<320000x16xf32, #tpu.memory_space<hbm>> -> memref<40x16xf32, #tpu.memory_space<hbm>>
        tpu.enqueue_dma source(%arg17 : memref<40x16xf32, #tpu.memory_space<vmem>>) target(%dma_start3A_78 : memref<40x16xf32, #tpu.memory_space<hbm>>) target_semaphore(%run_scoped3A : memref<!tpu.dma_semaphore, #tpu.memory_space<semaphore_mem>>)
        %dma_wait3A_79 = arith.constant 0 : i32
        %dma_wait3A_80 = tpu.memref_slice %arg9[%add3A_50, %dma_wait3A_79] : memref<320000x16xf32, #tpu.memory_space<hbm>> -> memref<40x16xf32, #tpu.memory_space<hbm>>
        %dma_wait3A_81 = arith.constant 0 : i32
        %dma_wait3A_82 = tpu.memref_slice %arg9[%add3A_50, %dma_wait3A_81] : memref<320000x16xf32, #tpu.memory_space<hbm>> -> memref<40x16xf32, #tpu.memory_space<hbm>>
        tpu.wait_dma2 semaphore(%run_scoped3A : memref<!tpu.dma_semaphore, #tpu.memory_space<semaphore_mem>>) src(%arg17 : memref<40x16xf32, #tpu.memory_space<vmem>>) dst(%dma_wait3A_82 : memref<40x16xf32, #tpu.memory_space<hbm>>)
        tpu.yield
      }) : () -> ()
      %scan3A_74 = arith.constant 0 : i32
      scf.yield %scan3A_74 : i32
    }
    %scan3A_26 = arith.constant 250 : i32
    %barrier3A_27 = arith.constant 0 : index
    tpu.barrier barrier_id(%barrier3A_27)
    %scan3A_28 = arith.constant 0 : i32
    %scan3A_29 = arith.constant 0 : i32
    %scan3A_30 = arith.constant 15 : i32
    %scan3A_31 = arith.addi %scan3A_29, %scan3A_30 : i32
    %scan3A_32 = arith.constant 1 : i32
    %scan3A_33 = scf.for %scan3A_44 = %scan3A_29 to %scan3A_31 step %scan3A_32 iter_args(%scan3A_45 = %scan3A_28) -> (i32)  : i32 {
      %mul3A_46 = arith.constant 624 : i32
      %mul3A_47 = arith.muli %arg1, %mul3A_46 : i32
      %mul3A_48 = arith.constant 40 : i32
      %mul3A_49 = arith.muli %scan3A_44, %mul3A_48 : i32
      %add3A_50 = arith.addi %mul3A_47, %mul3A_49 : i32
      "tpu.region"() ({
        %run_scoped3A = tpu.sem_alloc : memref<!tpu.dma_semaphore, #tpu.memory_space<semaphore_mem>>
        %dma_start3A = arith.constant 0 : i32
        %dma_start3A_52 = tpu.memref_slice %arg18[%add3A_50, %dma_start3A] : memref<10000x128xf32, #tpu.memory_space<vmem_shared>> -> memref<40x128xf32, #tpu.memory_space<vmem_shared>>
        %dma_start3A_53 = arith.constant 0 : i32
        %dma_start3A_54 = tpu.memref_slice %arg18[%add3A_50, %dma_start3A_53] : memref<10000x128xf32, #tpu.memory_space<vmem_shared>> -> memref<40x128xf32, #tpu.memory_space<vmem_shared>>
        tpu.enqueue_dma source(%dma_start3A_54 : memref<40x128xf32, #tpu.memory_space<vmem_shared>>) target(%arg16 : memref<40x128xf32, #tpu.memory_space<vmem>>) target_semaphore(%run_scoped3A : memref<!tpu.dma_semaphore, #tpu.memory_space<semaphore_mem>>)
        %dma_wait3A = arith.constant 0 : i32
        %dma_wait3A_55 = tpu.memref_slice %arg18[%add3A_50, %dma_wait3A] : memref<10000x128xf32, #tpu.memory_space<vmem_shared>> -> memref<40x128xf32, #tpu.memory_space<vmem_shared>>
        %dma_wait3A_56 = arith.constant 0 : i32
        %dma_wait3A_57 = tpu.memref_slice %arg18[%add3A_50, %dma_wait3A_56] : memref<10000x128xf32, #tpu.memory_space<vmem_shared>> -> memref<40x128xf32, #tpu.memory_space<vmem_shared>>
        tpu.wait_dma2 semaphore(%run_scoped3A : memref<!tpu.dma_semaphore, #tpu.memory_space<semaphore_mem>>) src(%dma_wait3A_57 : memref<40x128xf32, #tpu.memory_space<vmem_shared>>) dst(%arg16 : memref<40x128xf32, #tpu.memory_space<vmem>>)
        tpu.yield
      }) : () -> ()
      "tpu.region"() ({
        %run_scoped3A = tpu.sem_alloc : memref<!tpu.dma_semaphore, #tpu.memory_space<semaphore_mem>>
        %dma_start3A = arith.constant 0 : i32
        %dma_start3A_52 = tpu.memref_slice %arg8[%arg0, %add3A_50, %dma_start3A] : memref<2x10000x128xf32, #tpu.memory_space<hbm>> -> memref<1x40x128xf32, #tpu.memory_space<hbm>>
        %dma_start3A_53 = tpu.memref_squeeze %dma_start3A_52 : memref<1x40x128xf32, #tpu.memory_space<hbm>> -> memref<40x128xf32, #tpu.memory_space<hbm>>
        %dma_start3A_54 = arith.constant 0 : i32
        %dma_start3A_55 = tpu.memref_slice %arg8[%arg0, %add3A_50, %dma_start3A_54] : memref<2x10000x128xf32, #tpu.memory_space<hbm>> -> memref<1x40x128xf32, #tpu.memory_space<hbm>>
        %dma_start3A_56 = tpu.memref_squeeze %dma_start3A_55 : memref<1x40x128xf32, #tpu.memory_space<hbm>> -> memref<40x128xf32, #tpu.memory_space<hbm>>
        tpu.enqueue_dma source(%arg16 : memref<40x128xf32, #tpu.memory_space<vmem>>) target(%dma_start3A_56 : memref<40x128xf32, #tpu.memory_space<hbm>>) target_semaphore(%run_scoped3A : memref<!tpu.dma_semaphore, #tpu.memory_space<semaphore_mem>>)
        %dma_wait3A = arith.constant 0 : i32
        %dma_wait3A_57 = tpu.memref_slice %arg8[%arg0, %add3A_50, %dma_wait3A] : memref<2x10000x128xf32, #tpu.memory_space<hbm>> -> memref<1x40x128xf32, #tpu.memory_space<hbm>>
        %dma_wait3A_58 = tpu.memref_squeeze %dma_wait3A_57 : memref<1x40x128xf32, #tpu.memory_space<hbm>> -> memref<40x128xf32, #tpu.memory_space<hbm>>
        %dma_wait3A_59 = arith.constant 0 : i32
        %dma_wait3A_60 = tpu.memref_slice %arg8[%arg0, %add3A_50, %dma_wait3A_59] : memref<2x10000x128xf32, #tpu.memory_space<hbm>> -> memref<1x40x128xf32, #tpu.memory_space<hbm>>
        %dma_wait3A_61 = tpu.memref_squeeze %dma_wait3A_60 : memref<1x40x128xf32, #tpu.memory_space<hbm>> -> memref<40x128xf32, #tpu.memory_space<hbm>>
        tpu.wait_dma2 semaphore(%run_scoped3A : memref<!tpu.dma_semaphore, #tpu.memory_space<semaphore_mem>>) src(%arg16 : memref<40x128xf32, #tpu.memory_space<vmem>>) dst(%dma_wait3A_61 : memref<40x128xf32, #tpu.memory_space<hbm>>)
        tpu.yield
      }) : () -> ()
      %scan3A_51 = arith.constant 0 : i32
      scf.yield %scan3A_51 : i32
    }
    %scan3A_34 = arith.constant 15 : i32
    %mul3A_35 = arith.constant 624 : i32
    %mul3A_36 = arith.muli %arg1, %mul3A_35 : i32
    %add3A_37 = arith.constant 600 : i32
    %add3A_38 = arith.addi %mul3A_36, %add3A_37 : i32
    "tpu.region"() ({
      %run_scoped3A = tpu.sem_alloc : memref<!tpu.dma_semaphore, #tpu.memory_space<semaphore_mem>>
      %dma_start3A = arith.constant 0 : i32
      %dma_start3A_44 = arith.constant 0 : i32
      %dma_start3A_45 = tpu.memref_slice %arg16[%dma_start3A, %dma_start3A_44] : memref<40x128xf32, #tpu.memory_space<vmem>> -> memref<24x128xf32, #tpu.memory_space<vmem>>
      %dma_start3A_46 = arith.constant 0 : i32
      %dma_start3A_47 = tpu.memref_slice %arg18[%add3A_38, %dma_start3A_46] : memref<10000x128xf32, #tpu.memory_space<vmem_shared>> -> memref<24x128xf32, #tpu.memory_space<vmem_shared>>
      %dma_start3A_48 = arith.constant 0 : i32
      %dma_start3A_49 = arith.constant 0 : i32
      %dma_start3A_50 = tpu.memref_slice %arg16[%dma_start3A_48, %dma_start3A_49] : memref<40x128xf32, #tpu.memory_space<vmem>> -> memref<24x128xf32, #tpu.memory_space<vmem>>
      %dma_start3A_51 = arith.constant 0 : i32
      %dma_start3A_52 = tpu.memref_slice %arg18[%add3A_38, %dma_start3A_51] : memref<10000x128xf32, #tpu.memory_space<vmem_shared>> -> memref<24x128xf32, #tpu.memory_space<vmem_shared>>
      tpu.enqueue_dma source(%dma_start3A_52 : memref<24x128xf32, #tpu.memory_space<vmem_shared>>) target(%dma_start3A_50 : memref<24x128xf32, #tpu.memory_space<vmem>>) target_semaphore(%run_scoped3A : memref<!tpu.dma_semaphore, #tpu.memory_space<semaphore_mem>>)
      %dma_wait3A = arith.constant 0 : i32
      %dma_wait3A_53 = arith.constant 0 : i32
      %dma_wait3A_54 = tpu.memref_slice %arg16[%dma_wait3A, %dma_wait3A_53] : memref<40x128xf32, #tpu.memory_space<vmem>> -> memref<24x128xf32, #tpu.memory_space<vmem>>
      %dma_wait3A_55 = arith.constant 0 : i32
      %dma_wait3A_56 = tpu.memref_slice %arg18[%add3A_38, %dma_wait3A_55] : memref<10000x128xf32, #tpu.memory_space<vmem_shared>> -> memref<24x128xf32, #tpu.memory_space<vmem_shared>>
      %dma_wait3A_57 = arith.constant 0 : i32
      %dma_wait3A_58 = arith.constant 0 : i32
      %dma_wait3A_59 = tpu.memref_slice %arg16[%dma_wait3A_57, %dma_wait3A_58] : memref<40x128xf32, #tpu.memory_space<vmem>> -> memref<24x128xf32, #tpu.memory_space<vmem>>
      %dma_wait3A_60 = arith.constant 0 : i32
      %dma_wait3A_61 = tpu.memref_slice %arg18[%add3A_38, %dma_wait3A_60] : memref<10000x128xf32, #tpu.memory_space<vmem_shared>> -> memref<24x128xf32, #tpu.memory_space<vmem_shared>>
      tpu.wait_dma2 semaphore(%run_scoped3A : memref<!tpu.dma_semaphore, #tpu.memory_space<semaphore_mem>>) src(%dma_wait3A_61 : memref<24x128xf32, #tpu.memory_space<vmem_shared>>) dst(%dma_wait3A_59 : memref<24x128xf32, #tpu.memory_space<vmem>>)
      tpu.yield
    }) : () -> ()
    "tpu.region"() ({
      %run_scoped3A = tpu.sem_alloc : memref<!tpu.dma_semaphore, #tpu.memory_space<semaphore_mem>>
      %dma_start3A = arith.constant 0 : i32
      %dma_start3A_44 = arith.constant 0 : i32
      %dma_start3A_45 = tpu.memref_slice %arg16[%dma_start3A, %dma_start3A_44] : memref<40x128xf32, #tpu.memory_space<vmem>> -> memref<24x128xf32, #tpu.memory_space<vmem>>
      %dma_start3A_46 = arith.constant 0 : i32
      %dma_start3A_47 = tpu.memref_slice %arg8[%arg0, %add3A_38, %dma_start3A_46] : memref<2x10000x128xf32, #tpu.memory_space<hbm>> -> memref<1x24x128xf32, #tpu.memory_space<hbm>>
      %dma_start3A_48 = tpu.memref_squeeze %dma_start3A_47 : memref<1x24x128xf32, #tpu.memory_space<hbm>> -> memref<24x128xf32, #tpu.memory_space<hbm>>
      %dma_start3A_49 = arith.constant 0 : i32
      %dma_start3A_50 = tpu.memref_slice %arg8[%arg0, %add3A_38, %dma_start3A_49] : memref<2x10000x128xf32, #tpu.memory_space<hbm>> -> memref<1x24x128xf32, #tpu.memory_space<hbm>>
      %dma_start3A_51 = tpu.memref_squeeze %dma_start3A_50 : memref<1x24x128xf32, #tpu.memory_space<hbm>> -> memref<24x128xf32, #tpu.memory_space<hbm>>
      %dma_start3A_52 = arith.constant 0 : i32
      %dma_start3A_53 = arith.constant 0 : i32
      %dma_start3A_54 = tpu.memref_slice %arg16[%dma_start3A_52, %dma_start3A_53] : memref<40x128xf32, #tpu.memory_space<vmem>> -> memref<24x128xf32, #tpu.memory_space<vmem>>
      tpu.enqueue_dma source(%dma_start3A_54 : memref<24x128xf32, #tpu.memory_space<vmem>>) target(%dma_start3A_51 : memref<24x128xf32, #tpu.memory_space<hbm>>) target_semaphore(%run_scoped3A : memref<!tpu.dma_semaphore, #tpu.memory_space<semaphore_mem>>)
      %dma_wait3A = arith.constant 0 : i32
      %dma_wait3A_55 = arith.constant 0 : i32
      %dma_wait3A_56 = tpu.memref_slice %arg16[%dma_wait3A, %dma_wait3A_55] : memref<40x128xf32, #tpu.memory_space<vmem>> -> memref<24x128xf32, #tpu.memory_space<vmem>>
      %dma_wait3A_57 = arith.constant 0 : i32
      %dma_wait3A_58 = tpu.memref_slice %arg8[%arg0, %add3A_38, %dma_wait3A_57] : memref<2x10000x128xf32, #tpu.memory_space<hbm>> -> memref<1x24x128xf32, #tpu.memory_space<hbm>>
      %dma_wait3A_59 = tpu.memref_squeeze %dma_wait3A_58 : memref<1x24x128xf32, #tpu.memory_space<hbm>> -> memref<24x128xf32, #tpu.memory_space<hbm>>
      %dma_wait3A_60 = arith.constant 0 : i32
      %dma_wait3A_61 = tpu.memref_slice %arg8[%arg0, %add3A_38, %dma_wait3A_60] : memref<2x10000x128xf32, #tpu.memory_space<hbm>> -> memref<1x24x128xf32, #tpu.memory_space<hbm>>
      %dma_wait3A_62 = tpu.memref_squeeze %dma_wait3A_61 : memref<1x24x128xf32, #tpu.memory_space<hbm>> -> memref<24x128xf32, #tpu.memory_space<hbm>>
      %dma_wait3A_63 = arith.constant 0 : i32
      %dma_wait3A_64 = arith.constant 0 : i32
      %dma_wait3A_65 = tpu.memref_slice %arg16[%dma_wait3A_63, %dma_wait3A_64] : memref<40x128xf32, #tpu.memory_space<vmem>> -> memref<24x128xf32, #tpu.memory_space<vmem>>
      tpu.wait_dma2 semaphore(%run_scoped3A : memref<!tpu.dma_semaphore, #tpu.memory_space<semaphore_mem>>) src(%dma_wait3A_65 : memref<24x128xf32, #tpu.memory_space<vmem>>) dst(%dma_wait3A_62 : memref<24x128xf32, #tpu.memory_space<hbm>>)
      tpu.yield
    }) : () -> ()
    %eq3A_39 = arith.constant 0 : i32
    %eq3A_40 = arith.cmpi eq, %arg1, %eq3A_39 : i32
    %convert_element_type3A_41 = arith.extui %eq3A_40 : i1 to i32
    %cond3A_42 = arith.constant 0 : i32
    %cond3A_43 = arith.cmpi ne, %convert_element_type3A_41, %cond3A_42 : i32
    scf.if %cond3A_43 {
      "tpu.region"() ({
        %run_scoped3A = tpu.sem_alloc : memref<!tpu.dma_semaphore, #tpu.memory_space<semaphore_mem>>
        %dma_start3A = arith.constant 0 : i32
        %dma_start3A_44 = arith.constant 0 : i32
        %dma_start3A_45 = tpu.memref_slice %arg16[%dma_start3A, %dma_start3A_44] : memref<40x128xf32, #tpu.memory_space<vmem>> -> memref<16x128xf32, #tpu.memory_space<vmem>>
        %dma_start3A_46 = arith.constant 9984 : i32
        %dma_start3A_47 = arith.constant 0 : i32
        %dma_start3A_48 = tpu.memref_slice %arg18[%dma_start3A_46, %dma_start3A_47] : memref<10000x128xf32, #tpu.memory_space<vmem_shared>> -> memref<16x128xf32, #tpu.memory_space<vmem_shared>>
        %dma_start3A_49 = arith.constant 0 : i32
        %dma_start3A_50 = arith.constant 0 : i32
        %dma_start3A_51 = tpu.memref_slice %arg16[%dma_start3A_49, %dma_start3A_50] : memref<40x128xf32, #tpu.memory_space<vmem>> -> memref<16x128xf32, #tpu.memory_space<vmem>>
        %dma_start3A_52 = arith.constant 9984 : i32
        %dma_start3A_53 = arith.constant 0 : i32
        %dma_start3A_54 = tpu.memref_slice %arg18[%dma_start3A_52, %dma_start3A_53] : memref<10000x128xf32, #tpu.memory_space<vmem_shared>> -> memref<16x128xf32, #tpu.memory_space<vmem_shared>>
        tpu.enqueue_dma source(%dma_start3A_54 : memref<16x128xf32, #tpu.memory_space<vmem_shared>>) target(%dma_start3A_51 : memref<16x128xf32, #tpu.memory_space<vmem>>) target_semaphore(%run_scoped3A : memref<!tpu.dma_semaphore, #tpu.memory_space<semaphore_mem>>)
        %dma_wait3A = arith.constant 0 : i32
        %dma_wait3A_55 = arith.constant 0 : i32
        %dma_wait3A_56 = tpu.memref_slice %arg16[%dma_wait3A, %dma_wait3A_55] : memref<40x128xf32, #tpu.memory_space<vmem>> -> memref<16x128xf32, #tpu.memory_space<vmem>>
        %dma_wait3A_57 = arith.constant 9984 : i32
        %dma_wait3A_58 = arith.constant 0 : i32
        %dma_wait3A_59 = tpu.memref_slice %arg18[%dma_wait3A_57, %dma_wait3A_58] : memref<10000x128xf32, #tpu.memory_space<vmem_shared>> -> memref<16x128xf32, #tpu.memory_space<vmem_shared>>
        %dma_wait3A_60 = arith.constant 0 : i32
        %dma_wait3A_61 = arith.constant 0 : i32
        %dma_wait3A_62 = tpu.memref_slice %arg16[%dma_wait3A_60, %dma_wait3A_61] : memref<40x128xf32, #tpu.memory_space<vmem>> -> memref<16x128xf32, #tpu.memory_space<vmem>>
        %dma_wait3A_63 = arith.constant 9984 : i32
        %dma_wait3A_64 = arith.constant 0 : i32
        %dma_wait3A_65 = tpu.memref_slice %arg18[%dma_wait3A_63, %dma_wait3A_64] : memref<10000x128xf32, #tpu.memory_space<vmem_shared>> -> memref<16x128xf32, #tpu.memory_space<vmem_shared>>
        tpu.wait_dma2 semaphore(%run_scoped3A : memref<!tpu.dma_semaphore, #tpu.memory_space<semaphore_mem>>) src(%dma_wait3A_65 : memref<16x128xf32, #tpu.memory_space<vmem_shared>>) dst(%dma_wait3A_62 : memref<16x128xf32, #tpu.memory_space<vmem>>)
        tpu.yield
      }) : () -> ()
      "tpu.region"() ({
        %run_scoped3A = tpu.sem_alloc : memref<!tpu.dma_semaphore, #tpu.memory_space<semaphore_mem>>
        %dma_start3A = arith.constant 0 : i32
        %dma_start3A_44 = arith.constant 0 : i32
        %dma_start3A_45 = tpu.memref_slice %arg16[%dma_start3A, %dma_start3A_44] : memref<40x128xf32, #tpu.memory_space<vmem>> -> memref<16x128xf32, #tpu.memory_space<vmem>>
        %dma_start3A_46 = arith.constant 9984 : i32
        %dma_start3A_47 = arith.constant 0 : i32
        %dma_start3A_48 = tpu.memref_slice %arg8[%arg0, %dma_start3A_46, %dma_start3A_47] : memref<2x10000x128xf32, #tpu.memory_space<hbm>> -> memref<1x16x128xf32, #tpu.memory_space<hbm>>
        %dma_start3A_49 = tpu.memref_squeeze %dma_start3A_48 : memref<1x16x128xf32, #tpu.memory_space<hbm>> -> memref<16x128xf32, #tpu.memory_space<hbm>>
        %dma_start3A_50 = arith.constant 9984 : i32
        %dma_start3A_51 = arith.constant 0 : i32
        %dma_start3A_52 = tpu.memref_slice %arg8[%arg0, %dma_start3A_50, %dma_start3A_51] : memref<2x10000x128xf32, #tpu.memory_space<hbm>> -> memref<1x16x128xf32, #tpu.memory_space<hbm>>
        %dma_start3A_53 = tpu.memref_squeeze %dma_start3A_52 : memref<1x16x128xf32, #tpu.memory_space<hbm>> -> memref<16x128xf32, #tpu.memory_space<hbm>>
        %dma_start3A_54 = arith.constant 0 : i32
        %dma_start3A_55 = arith.constant 0 : i32
        %dma_start3A_56 = tpu.memref_slice %arg16[%dma_start3A_54, %dma_start3A_55] : memref<40x128xf32, #tpu.memory_space<vmem>> -> memref<16x128xf32, #tpu.memory_space<vmem>>
        tpu.enqueue_dma source(%dma_start3A_56 : memref<16x128xf32, #tpu.memory_space<vmem>>) target(%dma_start3A_53 : memref<16x128xf32, #tpu.memory_space<hbm>>) target_semaphore(%run_scoped3A : memref<!tpu.dma_semaphore, #tpu.memory_space<semaphore_mem>>)
        %dma_wait3A = arith.constant 0 : i32
        %dma_wait3A_57 = arith.constant 0 : i32
        %dma_wait3A_58 = tpu.memref_slice %arg16[%dma_wait3A, %dma_wait3A_57] : memref<40x128xf32, #tpu.memory_space<vmem>> -> memref<16x128xf32, #tpu.memory_space<vmem>>
        %dma_wait3A_59 = arith.constant 9984 : i32
        %dma_wait3A_60 = arith.constant 0 : i32
        %dma_wait3A_61 = tpu.memref_slice %arg8[%arg0, %dma_wait3A_59, %dma_wait3A_60] : memref<2x10000x128xf32, #tpu.memory_space<hbm>> -> memref<1x16x128xf32, #tpu.memory_space<hbm>>
        %dma_wait3A_62 = tpu.memref_squeeze %dma_wait3A_61 : memref<1x16x128xf32, #tpu.memory_space<hbm>> -> memref<16x128xf32, #tpu.memory_space<hbm>>
        %dma_wait3A_63 = arith.constant 9984 : i32
        %dma_wait3A_64 = arith.constant 0 : i32
        %dma_wait3A_65 = tpu.memref_slice %arg8[%arg0, %dma_wait3A_63, %dma_wait3A_64] : memref<2x10000x128xf32, #tpu.memory_space<hbm>> -> memref<1x16x128xf32, #tpu.memory_space<hbm>>
        %dma_wait3A_66 = tpu.memref_squeeze %dma_wait3A_65 : memref<1x16x128xf32, #tpu.memory_space<hbm>> -> memref<16x128xf32, #tpu.memory_space<hbm>>
        %dma_wait3A_67 = arith.constant 0 : i32
        %dma_wait3A_68 = arith.constant 0 : i32
        %dma_wait3A_69 = tpu.memref_slice %arg16[%dma_wait3A_67, %dma_wait3A_68] : memref<40x128xf32, #tpu.memory_space<vmem>> -> memref<16x128xf32, #tpu.memory_space<vmem>>
        tpu.wait_dma2 semaphore(%run_scoped3A : memref<!tpu.dma_semaphore, #tpu.memory_space<semaphore_mem>>) src(%dma_wait3A_69 : memref<16x128xf32, #tpu.memory_space<vmem>>) dst(%dma_wait3A_66 : memref<16x128xf32, #tpu.memory_space<hbm>>)
        tpu.yield
      }) : () -> ()
    } else {
    }
    return
  }
}

#map = affine_map<(d0, d1) -> (0, 0, 0)>
#map1 = affine_map<(d0, d1) -> (0, 0)>
module attributes {stable_mosaic.version = 14 : i64} {
  func.func @sc_kernel(%arg0: i32, %arg1: i32, %arg2: memref<32x250x40xi32, #tpu.memory_space<hbm>>, %arg3: memref<32x250x40xi32, #tpu.memory_space<hbm>>, %arg4: memref<10000x128xf32, #tpu.memory_space<hbm>>, %arg5: memref<10000x128xf32, #tpu.memory_space<hbm>>, %arg6: memref<10000x128xf32, #tpu.memory_space<hbm>>, %arg7: memref<320000x256xf32, #tpu.memory_space<hbm>>, %arg8: memref<2x10000x128xf32, #tpu.memory_space<hbm>>, %arg9: memref<320000x16xf32, #tpu.memory_space<hbm>>, %arg10: memref<40xi32, #tpu.memory_space<vmem>>, %arg11: memref<40xi32, #tpu.memory_space<vmem>>, %arg12: memref<40x128xf32, #tpu.memory_space<vmem>>, %arg13: memref<40x128xf32, #tpu.memory_space<vmem>>, %arg14: memref<40x128xf32, #tpu.memory_space<vmem>>, %arg15: memref<40x256xf32, #tpu.memory_space<vmem>>, %arg16: memref<40x128xf32, #tpu.memory_space<vmem>>, %arg17: memref<40x16xf32, #tpu.memory_space<vmem>>, %arg18: memref<10000x128xf32, #tpu.memory_space<vmem_shared>>, %arg19: memref<!tpu.dma_semaphore, #tpu.memory_space<semaphore_mem>>) attributes {dimension_semantics = [#tpu.dimension_semantics<core_parallel>, #tpu.dimension_semantics<subcore_parallel>], iteration_bounds = array<i64: 2, 16>, scalar_prefetch = 0 : i64, scratch_operands = 10 : i64, tpu.core_type = #tpu.core_type<sc_vector_subcore>, window_params = [{transform_indices = #map}, {transform_indices = #map}, {transform_indices = #map1}, {transform_indices = #map1}, {transform_indices = #map1}, {transform_indices = #map1}, {transform_indices = #map}, {transform_indices = #map1}]} {
    %mul3A = arith.constant 2 : i32
    %mul3A_0 = arith.muli %arg1, %mul3A : i32
    %add3A = arith.addi %mul3A_0, %arg0 : i32
    %scan3A = arith.constant 0 : i32
    %scan3A_1 = arith.constant 0 : i32
    %scan3A_2 = arith.constant 40 : i32
    %scan3A_3 = arith.addi %scan3A_1, %scan3A_2 : i32
    %scan3A_4 = arith.constant 1 : i32
    %scan3A_5 = scf.for %scan3A_44 = %scan3A_1 to %scan3A_3 step %scan3A_4 iter_args(%scan3A_45 = %scan3A) -> (i32)  : i32 {
      %broadcast_in_dim3A = arith.constant 0.000000e+00 : f32
      %broadcast_in_dim3A_46 = vector.broadcast %broadcast_in_dim3A : f32 to vector<16xf32>
      %swap3A = arith.index_cast %scan3A_44 : i32 to index
      %swap3A_47 = arith.constant 0 : index
      %swap3A_48 = tpu.vector_load %arg16[%swap3A, %swap3A_47] {strides = array<i32>} : memref<40x128xf32, #tpu.memory_space<vmem>>, vector<1x16xf32>,
      %swap3A_49 = vector.shape_cast %swap3A_48 : vector<1x16xf32> to vector<16xf32>
      %swap3A_50 = vector.shape_cast %broadcast_in_dim3A_46 : vector<16xf32> to vector<1x16xf32>
      tpu.vector_store %arg16[%swap3A, %swap3A_47], %swap3A_50 {strides = array<i32>} : memref<40x128xf32, #tpu.memory_space<vmem>>, vector<1x16xf32>,
      %swap3A_51 = arith.index_cast %scan3A_44 : i32 to index
      %swap3A_52 = arith.constant 16 : index
      %swap3A_53 = tpu.vector_load %arg16[%swap3A_51, %swap3A_52] {strides = array<i32>} : memref<40x128xf32, #tpu.memory_space<vmem>>, vector<1x16xf32>,
      %swap3A_54 = vector.shape_cast %swap3A_53 : vector<1x16xf32> to vector<16xf32>
      %swap3A_55 = vector.shape_cast %broadcast_in_dim3A_46 : vector<16xf32> to vector<1x16xf32>
      tpu.vector_store %arg16[%swap3A_51, %swap3A_52], %swap3A_55 {strides = array<i32>} : memref<40x128xf32, #tpu.memory_space<vmem>>, vector<1x16xf32>,
      %swap3A_56 = arith.index_cast %scan3A_44 : i32 to index
      %swap3A_57 = arith.constant 32 : index
      %swap3A_58 = tpu.vector_load %arg16[%swap3A_56, %swap3A_57] {strides = array<i32>} : memref<40x128xf32, #tpu.memory_space<vmem>>, vector<1x16xf32>,
      %swap3A_59 = vector.shape_cast %swap3A_58 : vector<1x16xf32> to vector<16xf32>
      %swap3A_60 = vector.shape_cast %broadcast_in_dim3A_46 : vector<16xf32> to vector<1x16xf32>
      tpu.vector_store %arg16[%swap3A_56, %swap3A_57], %swap3A_60 {strides = array<i32>} : memref<40x128xf32, #tpu.memory_space<vmem>>, vector<1x16xf32>,
      %swap3A_61 = arith.index_cast %scan3A_44 : i32 to index
      %swap3A_62 = arith.constant 48 : index
      %swap3A_63 = tpu.vector_load %arg16[%swap3A_61, %swap3A_62] {strides = array<i32>} : memref<40x128xf32, #tpu.memory_space<vmem>>, vector<1x16xf32>,
      %swap3A_64 = vector.shape_cast %swap3A_63 : vector<1x16xf32> to vector<16xf32>
      %swap3A_65 = vector.shape_cast %broadcast_in_dim3A_46 : vector<16xf32> to vector<1x16xf32>
      tpu.vector_store %arg16[%swap3A_61, %swap3A_62], %swap3A_65 {strides = array<i32>} : memref<40x128xf32, #tpu.memory_space<vmem>>, vector<1x16xf32>,
      %swap3A_66 = arith.index_cast %scan3A_44 : i32 to index
      %swap3A_67 = arith.constant 64 : index
      %swap3A_68 = tpu.vector_load %arg16[%swap3A_66, %swap3A_67] {strides = array<i32>} : memref<40x128xf32, #tpu.memory_space<vmem>>, vector<1x16xf32>,
      %swap3A_69 = vector.shape_cast %swap3A_68 : vector<1x16xf32> to vector<16xf32>
      %swap3A_70 = vector.shape_cast %broadcast_in_dim3A_46 : vector<16xf32> to vector<1x16xf32>
      tpu.vector_store %arg16[%swap3A_66, %swap3A_67], %swap3A_70 {strides = array<i32>} : memref<40x128xf32, #tpu.memory_space<vmem>>, vector<1x16xf32>,
      %swap3A_71 = arith.index_cast %scan3A_44 : i32 to index
      %swap3A_72 = arith.constant 80 : index
      %swap3A_73 = tpu.vector_load %arg16[%swap3A_71, %swap3A_72] {strides = array<i32>} : memref<40x128xf32, #tpu.memory_space<vmem>>, vector<1x16xf32>,
      %swap3A_74 = vector.shape_cast %swap3A_73 : vector<1x16xf32> to vector<16xf32>
      %swap3A_75 = vector.shape_cast %broadcast_in_dim3A_46 : vector<16xf32> to vector<1x16xf32>
      tpu.vector_store %arg16[%swap3A_71, %swap3A_72], %swap3A_75 {strides = array<i32>} : memref<40x128xf32, #tpu.memory_space<vmem>>, vector<1x16xf32>,
      %swap3A_76 = arith.index_cast %scan3A_44 : i32 to index
      %swap3A_77 = arith.constant 96 : index
      %swap3A_78 = tpu.vector_load %arg16[%swap3A_76, %swap3A_77] {strides = array<i32>} : memref<40x128xf32, #tpu.memory_space<vmem>>, vector<1x16xf32>,
      %swap3A_79 = vector.shape_cast %swap3A_78 : vector<1x16xf32> to vector<16xf32>
      %swap3A_80 = vector.shape_cast %broadcast_in_dim3A_46 : vector<16xf32> to vector<1x16xf32>
      tpu.vector_store %arg16[%swap3A_76, %swap3A_77], %swap3A_80 {strides = array<i32>} : memref<40x128xf32, #tpu.memory_space<vmem>>, vector<1x16xf32>,
      %swap3A_81 = arith.index_cast %scan3A_44 : i32 to index
      %swap3A_82 = arith.constant 112 : index
      %swap3A_83 = tpu.vector_load %arg16[%swap3A_81, %swap3A_82] {strides = array<i32>} : memref<40x128xf32, #tpu.memory_space<vmem>>, vector<1x16xf32>,
      %swap3A_84 = vector.shape_cast %swap3A_83 : vector<1x16xf32> to vector<16xf32>
      %swap3A_85 = vector.shape_cast %broadcast_in_dim3A_46 : vector<16xf32> to vector<1x16xf32>
      tpu.vector_store %arg16[%swap3A_81, %swap3A_82], %swap3A_85 {strides = array<i32>} : memref<40x128xf32, #tpu.memory_space<vmem>>, vector<1x16xf32>,
      %scan3A_86 = arith.constant 0 : i32
      scf.yield %scan3A_86 : i32
    }
    %scan3A_6 = arith.constant 40 : i32
    %scan3A_7 = arith.constant 0 : i32
    %scan3A_8 = arith.constant 0 : i32
    %scan3A_9 = arith.constant 15 : i32
    %scan3A_10 = arith.addi %scan3A_8, %scan3A_9 : i32
    %scan3A_11 = arith.constant 1 : i32
    %scan3A_12 = scf.for %scan3A_44 = %scan3A_8 to %scan3A_10 step %scan3A_11 iter_args(%scan3A_45 = %scan3A_7) -> (i32)  : i32 {
      %mul3A_46 = arith.constant 624 : i32
      %mul3A_47 = arith.muli %arg1, %mul3A_46 : i32
      %mul3A_48 = arith.constant 40 : i32
      %mul3A_49 = arith.muli %scan3A_44, %mul3A_48 : i32
      %add3A_50 = arith.addi %mul3A_47, %mul3A_49 : i32
      "tpu.region"() ({
        %run_scoped3A = tpu.sem_alloc : memref<!tpu.dma_semaphore, #tpu.memory_space<semaphore_mem>>
        %dma_start3A = arith.constant 0 : i32
        %dma_start3A_52 = tpu.memref_slice %arg18[%add3A_50, %dma_start3A] : memref<10000x128xf32, #tpu.memory_space<vmem_shared>> -> memref<40x128xf32, #tpu.memory_space<vmem_shared>>
        %dma_start3A_53 = arith.constant 0 : i32
        %dma_start3A_54 = tpu.memref_slice %arg18[%add3A_50, %dma_start3A_53] : memref<10000x128xf32, #tpu.memory_space<vmem_shared>> -> memref<40x128xf32, #tpu.memory_space<vmem_shared>>
        tpu.enqueue_dma source(%arg16 : memref<40x128xf32, #tpu.memory_space<vmem>>) target(%dma_start3A_54 : memref<40x128xf32, #tpu.memory_space<vmem_shared>>) target_semaphore(%run_scoped3A : memref<!tpu.dma_semaphore, #tpu.memory_space<semaphore_mem>>)
        %dma_wait3A = arith.constant 0 : i32
        %dma_wait3A_55 = tpu.memref_slice %arg18[%add3A_50, %dma_wait3A] : memref<10000x128xf32, #tpu.memory_space<vmem_shared>> -> memref<40x128xf32, #tpu.memory_space<vmem_shared>>
        %dma_wait3A_56 = arith.constant 0 : i32
        %dma_wait3A_57 = tpu.memref_slice %arg18[%add3A_50, %dma_wait3A_56] : memref<10000x128xf32, #tpu.memory_space<vmem_shared>> -> memref<40x128xf32, #tpu.memory_space<vmem_shared>>
        tpu.wait_dma2 semaphore(%run_scoped3A : memref<!tpu.dma_semaphore, #tpu.memory_space<semaphore_mem>>) src(%arg16 : memref<40x128xf32, #tpu.memory_space<vmem>>) dst(%dma_wait3A_57 : memref<40x128xf32, #tpu.memory_space<vmem_shared>>)
        tpu.yield
      }) : () -> ()
      %scan3A_51 = arith.constant 0 : i32
      scf.yield %scan3A_51 : i32
    }
    %scan3A_13 = arith.constant 15 : i32
    %mul3A_14 = arith.constant 624 : i32
    %mul3A_15 = arith.muli %arg1, %mul3A_14 : i32
    %add3A_16 = arith.constant 600 : i32
    %add3A_17 = arith.addi %mul3A_15, %add3A_16 : i32
    "tpu.region"() ({
      %run_scoped3A = tpu.sem_alloc : memref<!tpu.dma_semaphore, #tpu.memory_space<semaphore_mem>>
      %dma_start3A = arith.constant 0 : i32
      %dma_start3A_44 = arith.constant 0 : i32
      %dma_start3A_45 = tpu.memref_slice %arg16[%dma_start3A, %dma_start3A_44] : memref<40x128xf32, #tpu.memory_space<vmem>> -> memref<24x128xf32, #tpu.memory_space<vmem>>
      %dma_start3A_46 = arith.constant 0 : i32
      %dma_start3A_47 = tpu.memref_slice %arg18[%add3A_17, %dma_start3A_46] : memref<10000x128xf32, #tpu.memory_space<vmem_shared>> -> memref<24x128xf32, #tpu.memory_space<vmem_shared>>
      %dma_start3A_48 = arith.constant 0 : i32
      %dma_start3A_49 = tpu.memref_slice %arg18[%add3A_17, %dma_start3A_48] : memref<10000x128xf32, #tpu.memory_space<vmem_shared>> -> memref<24x128xf32, #tpu.memory_space<vmem_shared>>
      %dma_start3A_50 = arith.constant 0 : i32
      %dma_start3A_51 = arith.constant 0 : i32
      %dma_start3A_52 = tpu.memref_slice %arg16[%dma_start3A_50, %dma_start3A_51] : memref<40x128xf32, #tpu.memory_space<vmem>> -> memref<24x128xf32, #tpu.memory_space<vmem>>
      tpu.enqueue_dma source(%dma_start3A_52 : memref<24x128xf32, #tpu.memory_space<vmem>>) target(%dma_start3A_49 : memref<24x128xf32, #tpu.memory_space<vmem_shared>>) target_semaphore(%run_scoped3A : memref<!tpu.dma_semaphore, #tpu.memory_space<semaphore_mem>>)
      %dma_wait3A = arith.constant 0 : i32
      %dma_wait3A_53 = arith.constant 0 : i32
      %dma_wait3A_54 = tpu.memref_slice %arg16[%dma_wait3A, %dma_wait3A_53] : memref<40x128xf32, #tpu.memory_space<vmem>> -> memref<24x128xf32, #tpu.memory_space<vmem>>
      %dma_wait3A_55 = arith.constant 0 : i32
      %dma_wait3A_56 = tpu.memref_slice %arg18[%add3A_17, %dma_wait3A_55] : memref<10000x128xf32, #tpu.memory_space<vmem_shared>> -> memref<24x128xf32, #tpu.memory_space<vmem_shared>>
      %dma_wait3A_57 = arith.constant 0 : i32
      %dma_wait3A_58 = tpu.memref_slice %arg18[%add3A_17, %dma_wait3A_57] : memref<10000x128xf32, #tpu.memory_space<vmem_shared>> -> memref<24x128xf32, #tpu.memory_space<vmem_shared>>
      %dma_wait3A_59 = arith.constant 0 : i32
      %dma_wait3A_60 = arith.constant 0 : i32
      %dma_wait3A_61 = tpu.memref_slice %arg16[%dma_wait3A_59, %dma_wait3A_60] : memref<40x128xf32, #tpu.memory_space<vmem>> -> memref<24x128xf32, #tpu.memory_space<vmem>>
      tpu.wait_dma2 semaphore(%run_scoped3A : memref<!tpu.dma_semaphore, #tpu.memory_space<semaphore_mem>>) src(%dma_wait3A_61 : memref<24x128xf32, #tpu.memory_space<vmem>>) dst(%dma_wait3A_58 : memref<24x128xf32, #tpu.memory_space<vmem_shared>>)
      tpu.yield
    }) : () -> ()
    %eq3A = arith.constant 0 : i32
    %eq3A_18 = arith.cmpi eq, %arg1, %eq3A : i32
    %convert_element_type3A = arith.extui %eq3A_18 : i1 to i32
    %cond3A = arith.constant 0 : i32
    %cond3A_19 = arith.cmpi ne, %convert_element_type3A, %cond3A : i32
    scf.if %cond3A_19 {
      "tpu.region"() ({
        %run_scoped3A = tpu.sem_alloc : memref<!tpu.dma_semaphore, #tpu.memory_space<semaphore_mem>>
        %dma_start3A = arith.constant 0 : i32
        %dma_start3A_44 = arith.constant 0 : i32
        %dma_start3A_45 = tpu.memref_slice %arg16[%dma_start3A, %dma_start3A_44] : memref<40x128xf32, #tpu.memory_space<vmem>> -> memref<16x128xf32, #tpu.memory_space<vmem>>
        %dma_start3A_46 = arith.constant 9984 : i32
        %dma_start3A_47 = arith.constant 0 : i32
        %dma_start3A_48 = tpu.memref_slice %arg18[%dma_start3A_46, %dma_start3A_47] : memref<10000x128xf32, #tpu.memory_space<vmem_shared>> -> memref<16x128xf32, #tpu.memory_space<vmem_shared>>
        %dma_start3A_49 = arith.constant 9984 : i32
        %dma_start3A_50 = arith.constant 0 : i32
        %dma_start3A_51 = tpu.memref_slice %arg18[%dma_start3A_49, %dma_start3A_50] : memref<10000x128xf32, #tpu.memory_space<vmem_shared>> -> memref<16x128xf32, #tpu.memory_space<vmem_shared>>
        %dma_start3A_52 = arith.constant 0 : i32
        %dma_start3A_53 = arith.constant 0 : i32
        %dma_start3A_54 = tpu.memref_slice %arg16[%dma_start3A_52, %dma_start3A_53] : memref<40x128xf32, #tpu.memory_space<vmem>> -> memref<16x128xf32, #tpu.memory_space<vmem>>
        tpu.enqueue_dma source(%dma_start3A_54 : memref<16x128xf32, #tpu.memory_space<vmem>>) target(%dma_start3A_51 : memref<16x128xf32, #tpu.memory_space<vmem_shared>>) target_semaphore(%run_scoped3A : memref<!tpu.dma_semaphore, #tpu.memory_space<semaphore_mem>>)
        %dma_wait3A = arith.constant 0 : i32
        %dma_wait3A_55 = arith.constant 0 : i32
        %dma_wait3A_56 = tpu.memref_slice %arg16[%dma_wait3A, %dma_wait3A_55] : memref<40x128xf32, #tpu.memory_space<vmem>> -> memref<16x128xf32, #tpu.memory_space<vmem>>
        %dma_wait3A_57 = arith.constant 9984 : i32
        %dma_wait3A_58 = arith.constant 0 : i32
        %dma_wait3A_59 = tpu.memref_slice %arg18[%dma_wait3A_57, %dma_wait3A_58] : memref<10000x128xf32, #tpu.memory_space<vmem_shared>> -> memref<16x128xf32, #tpu.memory_space<vmem_shared>>
        %dma_wait3A_60 = arith.constant 9984 : i32
        %dma_wait3A_61 = arith.constant 0 : i32
        %dma_wait3A_62 = tpu.memref_slice %arg18[%dma_wait3A_60, %dma_wait3A_61] : memref<10000x128xf32, #tpu.memory_space<vmem_shared>> -> memref<16x128xf32, #tpu.memory_space<vmem_shared>>
        %dma_wait3A_63 = arith.constant 0 : i32
        %dma_wait3A_64 = arith.constant 0 : i32
        %dma_wait3A_65 = tpu.memref_slice %arg16[%dma_wait3A_63, %dma_wait3A_64] : memref<40x128xf32, #tpu.memory_space<vmem>> -> memref<16x128xf32, #tpu.memory_space<vmem>>
        tpu.wait_dma2 semaphore(%run_scoped3A : memref<!tpu.dma_semaphore, #tpu.memory_space<semaphore_mem>>) src(%dma_wait3A_65 : memref<16x128xf32, #tpu.memory_space<vmem>>) dst(%dma_wait3A_62 : memref<16x128xf32, #tpu.memory_space<vmem_shared>>)
        tpu.yield
      }) : () -> ()
    } else {
    }
    %barrier3A = arith.constant 0 : index
    tpu.barrier barrier_id(%barrier3A)
    %scan3A_20 = arith.constant 0 : i32
    %scan3A_21 = arith.constant 0 : i32
    %scan3A_22 = arith.constant 250 : i32
    %scan3A_23 = arith.addi %scan3A_21, %scan3A_22 : i32
    %scan3A_24 = arith.constant 1 : i32
    %scan3A_25 = scf.for %scan3A_44 = %scan3A_21 to %scan3A_23 step %scan3A_24 iter_args(%scan3A_45 = %scan3A_20) -> (i32)  : i32 {
      %mul3A_46 = arith.constant 10000 : i32
      %mul3A_47 = arith.muli %add3A, %mul3A_46 : i32
      %mul3A_48 = arith.constant 40 : i32
      %mul3A_49 = arith.muli %scan3A_44, %mul3A_48 : i32
      %add3A_50 = arith.addi %mul3A_47, %mul3A_49 : i32
      "tpu.region"() ({
        %run_scoped3A = tpu.sem_alloc : memref<!tpu.dma_semaphore, #tpu.memory_space<semaphore_mem>>
        %dma_start3A_75 = arith.constant 0 : i32
        %dma_start3A_76 = tpu.memref_slice %arg2[%add3A, %scan3A_44, %dma_start3A_75] : memref<32x250x40xi32, #tpu.memory_space<hbm>> -> memref<1x1x40xi32, #tpu.memory_space<hbm>>
        %dma_start3A_77 = tpu.memref_squeeze %dma_start3A_76 : memref<1x1x40xi32, #tpu.memory_space<hbm>> -> memref<40xi32, #tpu.memory_space<hbm>>
        %dma_start3A_78 = arith.constant 0 : i32
        %dma_start3A_79 = tpu.memref_slice %arg2[%add3A, %scan3A_44, %dma_start3A_78] : memref<32x250x40xi32, #tpu.memory_space<hbm>> -> memref<1x1x40xi32, #tpu.memory_space<hbm>>
        %dma_start3A_80 = tpu.memref_squeeze %dma_start3A_79 : memref<1x1x40xi32, #tpu.memory_space<hbm>> -> memref<40xi32, #tpu.memory_space<hbm>>
        tpu.enqueue_dma source(%dma_start3A_80 : memref<40xi32, #tpu.memory_space<hbm>>) target(%arg10 : memref<40xi32, #tpu.memory_space<vmem>>) target_semaphore(%run_scoped3A : memref<!tpu.dma_semaphore, #tpu.memory_space<semaphore_mem>>)
        %dma_wait3A_81 = arith.constant 0 : i32
        %dma_wait3A_82 = tpu.memref_slice %arg2[%add3A, %scan3A_44, %dma_wait3A_81] : memref<32x250x40xi32, #tpu.memory_space<hbm>> -> memref<1x1x40xi32, #tpu.memory_space<hbm>>
        %dma_wait3A_83 = tpu.memref_squeeze %dma_wait3A_82 : memref<1x1x40xi32, #tpu.memory_space<hbm>> -> memref<40xi32, #tpu.memory_space<hbm>>
        %dma_wait3A_84 = arith.constant 0 : i32
        %dma_wait3A_85 = tpu.memref_slice %arg2[%add3A, %scan3A_44, %dma_wait3A_84] : memref<32x250x40xi32, #tpu.memory_space<hbm>> -> memref<1x1x40xi32, #tpu.memory_space<hbm>>
        %dma_wait3A_86 = tpu.memref_squeeze %dma_wait3A_85 : memref<1x1x40xi32, #tpu.memory_space<hbm>> -> memref<40xi32, #tpu.memory_space<hbm>>
        tpu.wait_dma2 semaphore(%run_scoped3A : memref<!tpu.dma_semaphore, #tpu.memory_space<semaphore_mem>>) src(%dma_wait3A_86 : memref<40xi32, #tpu.memory_space<hbm>>) dst(%arg10 : memref<40xi32, #tpu.memory_space<vmem>>)
        tpu.yield
      }) : () -> ()
      "tpu.region"() ({
        %run_scoped3A = tpu.sem_alloc : memref<!tpu.dma_semaphore, #tpu.memory_space<semaphore_mem>>
        %dma_start3A_75 = arith.constant 0 : i32
        %dma_start3A_76 = tpu.memref_slice %arg3[%add3A, %scan3A_44, %dma_start3A_75] : memref<32x250x40xi32, #tpu.memory_space<hbm>> -> memref<1x1x40xi32, #tpu.memory_space<hbm>>
        %dma_start3A_77 = tpu.memref_squeeze %dma_start3A_76 : memref<1x1x40xi32, #tpu.memory_space<hbm>> -> memref<40xi32, #tpu.memory_space<hbm>>
        %dma_start3A_78 = arith.constant 0 : i32
        %dma_start3A_79 = tpu.memref_slice %arg3[%add3A, %scan3A_44, %dma_start3A_78] : memref<32x250x40xi32, #tpu.memory_space<hbm>> -> memref<1x1x40xi32, #tpu.memory_space<hbm>>
        %dma_start3A_80 = tpu.memref_squeeze %dma_start3A_79 : memref<1x1x40xi32, #tpu.memory_space<hbm>> -> memref<40xi32, #tpu.memory_space<hbm>>
        tpu.enqueue_dma source(%dma_start3A_80 : memref<40xi32, #tpu.memory_space<hbm>>) target(%arg11 : memref<40xi32, #tpu.memory_space<vmem>>) target_semaphore(%run_scoped3A : memref<!tpu.dma_semaphore, #tpu.memory_space<semaphore_mem>>)
        %dma_wait3A_81 = arith.constant 0 : i32
        %dma_wait3A_82 = tpu.memref_slice %arg3[%add3A, %scan3A_44, %dma_wait3A_81] : memref<32x250x40xi32, #tpu.memory_space<hbm>> -> memref<1x1x40xi32, #tpu.memory_space<hbm>>
        %dma_wait3A_83 = tpu.memref_squeeze %dma_wait3A_82 : memref<1x1x40xi32, #tpu.memory_space<hbm>> -> memref<40xi32, #tpu.memory_space<hbm>>
        %dma_wait3A_84 = arith.constant 0 : i32
        %dma_wait3A_85 = tpu.memref_slice %arg3[%add3A, %scan3A_44, %dma_wait3A_84] : memref<32x250x40xi32, #tpu.memory_space<hbm>> -> memref<1x1x40xi32, #tpu.memory_space<hbm>>
        %dma_wait3A_86 = tpu.memref_squeeze %dma_wait3A_85 : memref<1x1x40xi32, #tpu.memory_space<hbm>> -> memref<40xi32, #tpu.memory_space<hbm>>
        tpu.wait_dma2 semaphore(%run_scoped3A : memref<!tpu.dma_semaphore, #tpu.memory_space<semaphore_mem>>) src(%dma_wait3A_86 : memref<40xi32, #tpu.memory_space<hbm>>) dst(%arg11 : memref<40xi32, #tpu.memory_space<vmem>>)
        tpu.yield
      }) : () -> ()
      %dma_start3A = arith.constant 0 : i32
      %dma_start3A_51 = arith.constant 0 : i32
      %dma_start3A_52 = tpu.memref_slice %arg4[%dma_start3A, %dma_start3A_51] : memref<10000x128xf32, #tpu.memory_space<hbm>> -> memref<10000x128xf32, #tpu.memory_space<hbm>>
      tpu.enqueue_indirect_dma source(%dma_start3A_52 : memref<10000x128xf32, #tpu.memory_space<hbm>>) target(%arg12 : memref<40x128xf32, #tpu.memory_space<vmem>>) offsets(%arg10 : memref<40xi32, #tpu.memory_space<vmem>>) semaphore(%arg19 : memref<!tpu.dma_semaphore, #tpu.memory_space<semaphore_mem>>)
      %dma_wait3A = arith.constant 0 : i32
      %dma_wait3A_53 = arith.constant 0 : i32
      %dma_wait3A_54 = tpu.memref_slice %arg4[%dma_wait3A, %dma_wait3A_53] : memref<10000x128xf32, #tpu.memory_space<hbm>> -> memref<10000x128xf32, #tpu.memory_space<hbm>>
      tpu.wait_indirect_dma semaphore(%arg19 : memref<!tpu.dma_semaphore, #tpu.memory_space<semaphore_mem>>) src(%dma_wait3A_54 : memref<10000x128xf32, #tpu.memory_space<hbm>>) dst(%arg12 : memref<40x128xf32, #tpu.memory_space<vmem>>)
      %dma_start3A_55 = arith.constant 0 : i32
      %dma_start3A_56 = arith.constant 0 : i32
      %dma_start3A_57 = tpu.memref_slice %arg5[%dma_start3A_55, %dma_start3A_56] : memref<10000x128xf32, #tpu.memory_space<hbm>> -> memref<10000x128xf32, #tpu.memory_space<hbm>>
      tpu.enqueue_indirect_dma source(%dma_start3A_57 : memref<10000x128xf32, #tpu.memory_space<hbm>>) target(%arg13 : memref<40x128xf32, #tpu.memory_space<vmem>>) offsets(%arg11 : memref<40xi32, #tpu.memory_space<vmem>>) semaphore(%arg19 : memref<!tpu.dma_semaphore, #tpu.memory_space<semaphore_mem>>)
      %dma_wait3A_58 = arith.constant 0 : i32
      %dma_wait3A_59 = arith.constant 0 : i32
      %dma_wait3A_60 = tpu.memref_slice %arg5[%dma_wait3A_58, %dma_wait3A_59] : memref<10000x128xf32, #tpu.memory_space<hbm>> -> memref<10000x128xf32, #tpu.memory_space<hbm>>
      tpu.wait_indirect_dma semaphore(%arg19 : memref<!tpu.dma_semaphore, #tpu.memory_space<semaphore_mem>>) src(%dma_wait3A_60 : memref<10000x128xf32, #tpu.memory_space<hbm>>) dst(%arg13 : memref<40x128xf32, #tpu.memory_space<vmem>>)
      %dma_start3A_61 = arith.constant 0 : i32
      %dma_start3A_62 = arith.constant 0 : i32
      %dma_start3A_63 = tpu.memref_slice %arg6[%dma_start3A_61, %dma_start3A_62] : memref<10000x128xf32, #tpu.memory_space<hbm>> -> memref<10000x128xf32, #tpu.memory_space<hbm>>
      tpu.enqueue_indirect_dma source(%dma_start3A_63 : memref<10000x128xf32, #tpu.memory_space<hbm>>) target(%arg14 : memref<40x128xf32, #tpu.memory_space<vmem>>) offsets(%arg11 : memref<40xi32, #tpu.memory_space<vmem>>) semaphore(%arg19 : memref<!tpu.dma_semaphore, #tpu.memory_space<semaphore_mem>>)
      %dma_wait3A_64 = arith.constant 0 : i32
      %dma_wait3A_65 = arith.constant 0 : i32
      %dma_wait3A_66 = tpu.memref_slice %arg6[%dma_wait3A_64, %dma_wait3A_65] : memref<10000x128xf32, #tpu.memory_space<hbm>> -> memref<10000x128xf32, #tpu.memory_space<hbm>>
      tpu.wait_indirect_dma semaphore(%arg19 : memref<!tpu.dma_semaphore, #tpu.memory_space<semaphore_mem>>) src(%dma_wait3A_66 : memref<10000x128xf32, #tpu.memory_space<hbm>>) dst(%arg14 : memref<40x128xf32, #tpu.memory_space<vmem>>)
      "tpu.region"() ({
        %run_scoped3A = tpu.sem_alloc : memref<!tpu.dma_semaphore, #tpu.memory_space<semaphore_mem>>
        %dma_start3A_75 = arith.constant 0 : i32
        %dma_start3A_76 = tpu.memref_slice %arg7[%add3A_50, %dma_start3A_75] : memref<320000x256xf32, #tpu.memory_space<hbm>> -> memref<40x256xf32, #tpu.memory_space<hbm>>
        %dma_start3A_77 = arith.constant 0 : i32
        %dma_start3A_78 = tpu.memref_slice %arg7[%add3A_50, %dma_start3A_77] : memref<320000x256xf32, #tpu.memory_space<hbm>> -> memref<40x256xf32, #tpu.memory_space<hbm>>
        tpu.enqueue_dma source(%dma_start3A_78 : memref<40x256xf32, #tpu.memory_space<hbm>>) target(%arg15 : memref<40x256xf32, #tpu.memory_space<vmem>>) target_semaphore(%run_scoped3A : memref<!tpu.dma_semaphore, #tpu.memory_space<semaphore_mem>>)
        %dma_wait3A_79 = arith.constant 0 : i32
        %dma_wait3A_80 = tpu.memref_slice %arg7[%add3A_50, %dma_wait3A_79] : memref<320000x256xf32, #tpu.memory_space<hbm>> -> memref<40x256xf32, #tpu.memory_space<hbm>>
        %dma_wait3A_81 = arith.constant 0 : i32
        %dma_wait3A_82 = tpu.memref_slice %arg7[%add3A_50, %dma_wait3A_81] : memref<320000x256xf32, #tpu.memory_space<hbm>> -> memref<40x256xf32, #tpu.memory_space<hbm>>
        tpu.wait_dma2 semaphore(%run_scoped3A : memref<!tpu.dma_semaphore, #tpu.memory_space<semaphore_mem>>) src(%dma_wait3A_82 : memref<40x256xf32, #tpu.memory_space<hbm>>) dst(%arg15 : memref<40x256xf32, #tpu.memory_space<vmem>>)
        tpu.yield
      }) : () -> ()
      %scan3A_67 = arith.constant 0 : i32
      %scan3A_68 = arith.constant 0 : i32
      %scan3A_69 = arith.constant 40 : i32
      %scan3A_70 = arith.addi %scan3A_68, %scan3A_69 : i32
      %scan3A_71 = arith.constant 1 : i32
      %scan3A_72 = scf.for %scan3A_75 = %scan3A_68 to %scan3A_70 step %scan3A_71 iter_args(%scan3A_76 = %scan3A_67) -> (i32)  : i32 {
        %iota3A = tpu.iota {dimensions = array<i32: 0>} : vector<16xi32>
        %broadcast_in_dim3A = arith.constant 0.000000e+00 : f32
        %broadcast_in_dim3A_77 = vector.broadcast %broadcast_in_dim3A : f32 to vector<16xf32>
        %broadcast_in_dim3A_78 = arith.constant 0.000000e+00 : f32
        %broadcast_in_dim3A_79 = vector.broadcast %broadcast_in_dim3A_78 : f32 to vector<16xf32>
        %get3A = arith.index_cast %scan3A_75 : i32 to index
        %get3A_80 = arith.constant 0 : index
        %get3A_81 = tpu.vector_load %arg12[%get3A, %get3A_80] {strides = array<i32>} : memref<40x128xf32, #tpu.memory_space<vmem>>, vector<1x16xf32>,
        %get3A_82 = vector.shape_cast %get3A_81 : vector<1x16xf32> to vector<16xf32>
        %get3A_83 = arith.index_cast %scan3A_75 : i32 to index
        %get3A_84 = arith.constant 0 : index
        %get3A_85 = tpu.vector_load %arg13[%get3A_83, %get3A_84] {strides = array<i32>} : memref<40x128xf32, #tpu.memory_space<vmem>>, vector<1x16xf32>,
        %get3A_86 = vector.shape_cast %get3A_85 : vector<1x16xf32> to vector<16xf32>
        %get3A_87 = arith.index_cast %scan3A_75 : i32 to index
        %get3A_88 = arith.constant 0 : index
        %get3A_89 = tpu.vector_load %arg15[%get3A_87, %get3A_88] {strides = array<i32>} : memref<40x256xf32, #tpu.memory_space<vmem>>, vector<1x16xf32>,
        %get3A_90 = vector.shape_cast %get3A_89 : vector<1x16xf32> to vector<16xf32>
        %add3A_91 = arith.addf %get3A_86, %get3A_90 : vector<16xf32>
        %mul3A_92 = arith.mulf %get3A_82, %add3A_91 : vector<16xf32>
        %add3A_93 = arith.addf %broadcast_in_dim3A_77, %mul3A_92 : vector<16xf32>
        %get3A_94 = arith.index_cast %scan3A_75 : i32 to index
        %get3A_95 = arith.constant 16 : index
        %get3A_96 = tpu.vector_load %arg12[%get3A_94, %get3A_95] {strides = array<i32>} : memref<40x128xf32, #tpu.memory_space<vmem>>, vector<1x16xf32>,
        %get3A_97 = vector.shape_cast %get3A_96 : vector<1x16xf32> to vector<16xf32>
        %get3A_98 = arith.index_cast %scan3A_75 : i32 to index
        %get3A_99 = arith.constant 16 : index
        %get3A_100 = tpu.vector_load %arg13[%get3A_98, %get3A_99] {strides = array<i32>} : memref<40x128xf32, #tpu.memory_space<vmem>>, vector<1x16xf32>,
        %get3A_101 = vector.shape_cast %get3A_100 : vector<1x16xf32> to vector<16xf32>
        %get3A_102 = arith.index_cast %scan3A_75 : i32 to index
        %get3A_103 = arith.constant 16 : index
        %get3A_104 = tpu.vector_load %arg15[%get3A_102, %get3A_103] {strides = array<i32>} : memref<40x256xf32, #tpu.memory_space<vmem>>, vector<1x16xf32>,
        %get3A_105 = vector.shape_cast %get3A_104 : vector<1x16xf32> to vector<16xf32>
        %add3A_106 = arith.addf %get3A_101, %get3A_105 : vector<16xf32>
        %mul3A_107 = arith.mulf %get3A_97, %add3A_106 : vector<16xf32>
        %add3A_108 = arith.addf %add3A_93, %mul3A_107 : vector<16xf32>
        %get3A_109 = arith.index_cast %scan3A_75 : i32 to index
        %get3A_110 = arith.constant 32 : index
        %get3A_111 = tpu.vector_load %arg12[%get3A_109, %get3A_110] {strides = array<i32>} : memref<40x128xf32, #tpu.memory_space<vmem>>, vector<1x16xf32>,
        %get3A_112 = vector.shape_cast %get3A_111 : vector<1x16xf32> to vector<16xf32>
        %get3A_113 = arith.index_cast %scan3A_75 : i32 to index
        %get3A_114 = arith.constant 32 : index
        %get3A_115 = tpu.vector_load %arg13[%get3A_113, %get3A_114] {strides = array<i32>} : memref<40x128xf32, #tpu.memory_space<vmem>>, vector<1x16xf32>,
        %get3A_116 = vector.shape_cast %get3A_115 : vector<1x16xf32> to vector<16xf32>
        %get3A_117 = arith.index_cast %scan3A_75 : i32 to index
        %get3A_118 = arith.constant 32 : index
        %get3A_119 = tpu.vector_load %arg15[%get3A_117, %get3A_118] {strides = array<i32>} : memref<40x256xf32, #tpu.memory_space<vmem>>, vector<1x16xf32>,
        %get3A_120 = vector.shape_cast %get3A_119 : vector<1x16xf32> to vector<16xf32>
        %add3A_121 = arith.addf %get3A_116, %get3A_120 : vector<16xf32>
        %mul3A_122 = arith.mulf %get3A_112, %add3A_121 : vector<16xf32>
        %add3A_123 = arith.addf %add3A_108, %mul3A_122 : vector<16xf32>
        %get3A_124 = arith.index_cast %scan3A_75 : i32 to index
        %get3A_125 = arith.constant 48 : index
        %get3A_126 = tpu.vector_load %arg12[%get3A_124, %get3A_125] {strides = array<i32>} : memref<40x128xf32, #tpu.memory_space<vmem>>, vector<1x16xf32>,
        %get3A_127 = vector.shape_cast %get3A_126 : vector<1x16xf32> to vector<16xf32>
        %get3A_128 = arith.index_cast %scan3A_75 : i32 to index
        %get3A_129 = arith.constant 48 : index
        %get3A_130 = tpu.vector_load %arg13[%get3A_128, %get3A_129] {strides = array<i32>} : memref<40x128xf32, #tpu.memory_space<vmem>>, vector<1x16xf32>,
        %get3A_131 = vector.shape_cast %get3A_130 : vector<1x16xf32> to vector<16xf32>
        %get3A_132 = arith.index_cast %scan3A_75 : i32 to index
        %get3A_133 = arith.constant 48 : index
        %get3A_134 = tpu.vector_load %arg15[%get3A_132, %get3A_133] {strides = array<i32>} : memref<40x256xf32, #tpu.memory_space<vmem>>, vector<1x16xf32>,
        %get3A_135 = vector.shape_cast %get3A_134 : vector<1x16xf32> to vector<16xf32>
        %add3A_136 = arith.addf %get3A_131, %get3A_135 : vector<16xf32>
        %mul3A_137 = arith.mulf %get3A_127, %add3A_136 : vector<16xf32>
        %add3A_138 = arith.addf %add3A_123, %mul3A_137 : vector<16xf32>
        %get3A_139 = arith.index_cast %scan3A_75 : i32 to index
        %get3A_140 = arith.constant 64 : index
        %get3A_141 = tpu.vector_load %arg12[%get3A_139, %get3A_140] {strides = array<i32>} : memref<40x128xf32, #tpu.memory_space<vmem>>, vector<1x16xf32>,
        %get3A_142 = vector.shape_cast %get3A_141 : vector<1x16xf32> to vector<16xf32>
        %get3A_143 = arith.index_cast %scan3A_75 : i32 to index
        %get3A_144 = arith.constant 64 : index
        %get3A_145 = tpu.vector_load %arg13[%get3A_143, %get3A_144] {strides = array<i32>} : memref<40x128xf32, #tpu.memory_space<vmem>>, vector<1x16xf32>,
        %get3A_146 = vector.shape_cast %get3A_145 : vector<1x16xf32> to vector<16xf32>
        %get3A_147 = arith.index_cast %scan3A_75 : i32 to index
        %get3A_148 = arith.constant 64 : index
        %get3A_149 = tpu.vector_load %arg15[%get3A_147, %get3A_148] {strides = array<i32>} : memref<40x256xf32, #tpu.memory_space<vmem>>, vector<1x16xf32>,
        %get3A_150 = vector.shape_cast %get3A_149 : vector<1x16xf32> to vector<16xf32>
        %add3A_151 = arith.addf %get3A_146, %get3A_150 : vector<16xf32>
        %mul3A_152 = arith.mulf %get3A_142, %add3A_151 : vector<16xf32>
        %add3A_153 = arith.addf %broadcast_in_dim3A_79, %mul3A_152 : vector<16xf32>
        %get3A_154 = arith.index_cast %scan3A_75 : i32 to index
        %get3A_155 = arith.constant 80 : index
        %get3A_156 = tpu.vector_load %arg12[%get3A_154, %get3A_155] {strides = array<i32>} : memref<40x128xf32, #tpu.memory_space<vmem>>, vector<1x16xf32>,
        %get3A_157 = vector.shape_cast %get3A_156 : vector<1x16xf32> to vector<16xf32>
        %get3A_158 = arith.index_cast %scan3A_75 : i32 to index
        %get3A_159 = arith.constant 80 : index
        %get3A_160 = tpu.vector_load %arg13[%get3A_158, %get3A_159] {strides = array<i32>} : memref<40x128xf32, #tpu.memory_space<vmem>>, vector<1x16xf32>,
        %get3A_161 = vector.shape_cast %get3A_160 : vector<1x16xf32> to vector<16xf32>
        %get3A_162 = arith.index_cast %scan3A_75 : i32 to index
        %get3A_163 = arith.constant 80 : index
        %get3A_164 = tpu.vector_load %arg15[%get3A_162, %get3A_163] {strides = array<i32>} : memref<40x256xf32, #tpu.memory_space<vmem>>, vector<1x16xf32>,
        %get3A_165 = vector.shape_cast %get3A_164 : vector<1x16xf32> to vector<16xf32>
        %add3A_166 = arith.addf %get3A_161, %get3A_165 : vector<16xf32>
        %mul3A_167 = arith.mulf %get3A_157, %add3A_166 : vector<16xf32>
        %add3A_168 = arith.addf %add3A_153, %mul3A_167 : vector<16xf32>
        %get3A_169 = arith.index_cast %scan3A_75 : i32 to index
        %get3A_170 = arith.constant 96 : index
        %get3A_171 = tpu.vector_load %arg12[%get3A_169, %get3A_170] {strides = array<i32>} : memref<40x128xf32, #tpu.memory_space<vmem>>, vector<1x16xf32>,
        %get3A_172 = vector.shape_cast %get3A_171 : vector<1x16xf32> to vector<16xf32>
        %get3A_173 = arith.index_cast %scan3A_75 : i32 to index
        %get3A_174 = arith.constant 96 : index
        %get3A_175 = tpu.vector_load %arg13[%get3A_173, %get3A_174] {strides = array<i32>} : memref<40x128xf32, #tpu.memory_space<vmem>>, vector<1x16xf32>,
        %get3A_176 = vector.shape_cast %get3A_175 : vector<1x16xf32> to vector<16xf32>
        %get3A_177 = arith.index_cast %scan3A_75 : i32 to index
        %get3A_178 = arith.constant 96 : index
        %get3A_179 = tpu.vector_load %arg15[%get3A_177, %get3A_178] {strides = array<i32>} : memref<40x256xf32, #tpu.memory_space<vmem>>, vector<1x16xf32>,
        %get3A_180 = vector.shape_cast %get3A_179 : vector<1x16xf32> to vector<16xf32>
        %add3A_181 = arith.addf %get3A_176, %get3A_180 : vector<16xf32>
        %mul3A_182 = arith.mulf %get3A_172, %add3A_181 : vector<16xf32>
        %add3A_183 = arith.addf %add3A_168, %mul3A_182 : vector<16xf32>
        %get3A_184 = arith.index_cast %scan3A_75 : i32 to index
        %get3A_185 = arith.constant 112 : index
        %get3A_186 = tpu.vector_load %arg12[%get3A_184, %get3A_185] {strides = array<i32>} : memref<40x128xf32, #tpu.memory_space<vmem>>, vector<1x16xf32>,
        %get3A_187 = vector.shape_cast %get3A_186 : vector<1x16xf32> to vector<16xf32>
        %get3A_188 = arith.index_cast %scan3A_75 : i32 to index
        %get3A_189 = arith.constant 112 : index
        %get3A_190 = tpu.vector_load %arg13[%get3A_188, %get3A_189] {strides = array<i32>} : memref<40x128xf32, #tpu.memory_space<vmem>>, vector<1x16xf32>,
        %get3A_191 = vector.shape_cast %get3A_190 : vector<1x16xf32> to vector<16xf32>
        %get3A_192 = arith.index_cast %scan3A_75 : i32 to index
        %get3A_193 = arith.constant 112 : index
        %get3A_194 = tpu.vector_load %arg15[%get3A_192, %get3A_193] {strides = array<i32>} : memref<40x256xf32, #tpu.memory_space<vmem>>, vector<1x16xf32>,
        %get3A_195 = vector.shape_cast %get3A_194 : vector<1x16xf32> to vector<16xf32>
        %add3A_196 = arith.addf %get3A_191, %get3A_195 : vector<16xf32>
        %mul3A_197 = arith.mulf %get3A_187, %add3A_196 : vector<16xf32>
        %add3A_198 = arith.addf %add3A_183, %mul3A_197 : vector<16xf32>
        %xor3A = arith.constant 8 : i32
        %xor3A_199 = vector.broadcast %xor3A : i32 to vector<16xi32>
        %xor3A_200 = arith.xori %iota3A, %xor3A_199 : vector<16xi32>
        %lt3A = arith.constant 0 : i32
        %lt3A_201 = vector.broadcast %lt3A : i32 to vector<16xi32>
        %lt3A_202 = arith.cmpi slt, %xor3A_200, %lt3A_201 : vector<16xi32>
        %add3A_203 = arith.constant 16 : i32
        %add3A_204 = vector.broadcast %add3A_203 : i32 to vector<16xi32>
        %add3A_205 = arith.addi %xor3A_200, %add3A_204 : vector<16xi32>
        %select_n3A = arith.select %lt3A_202, %add3A_205, %xor3A_200 : vector<16xi1>, vector<16xi32>
        %broadcast_in_dim3A_206 = vector.shape_cast %select_n3A : vector<16xi32> to vector<16x1xi32>
        %gather3A = vector.shape_cast %broadcast_in_dim3A_206 : vector<16x1xi32> to vector<16xi32>
        %gather3A_207 = tpu.dynamic_gather %add3A_138[%gather3A] in [0] : vector<16xf32>, vector<16xi32> -> vector<16xf32>
        %add3A_208 = arith.addf %add3A_138, %gather3A_207 : vector<16xf32>
        %xor3A_209 = arith.constant 4 : i32
        %xor3A_210 = vector.broadcast %xor3A_209 : i32 to vector<16xi32>
        %xor3A_211 = arith.xori %iota3A, %xor3A_210 : vector<16xi32>
        %lt3A_212 = arith.constant 0 : i32
        %lt3A_213 = vector.broadcast %lt3A_212 : i32 to vector<16xi32>
        %lt3A_214 = arith.cmpi slt, %xor3A_211, %lt3A_213 : vector<16xi32>
        %add3A_215 = arith.constant 16 : i32
        %add3A_216 = vector.broadcast %add3A_215 : i32 to vector<16xi32>
        %add3A_217 = arith.addi %xor3A_211, %add3A_216 : vector<16xi32>
        %select_n3A_218 = arith.select %lt3A_214, %add3A_217, %xor3A_211 : vector<16xi1>, vector<16xi32>
        %broadcast_in_dim3A_219 = vector.shape_cast %select_n3A_218 : vector<16xi32> to vector<16x1xi32>
        %gather3A_220 = vector.shape_cast %broadcast_in_dim3A_219 : vector<16x1xi32> to vector<16xi32>
        %gather3A_221 = tpu.dynamic_gather %add3A_208[%gather3A_220] in [0] : vector<16xf32>, vector<16xi32> -> vector<16xf32>
        %add3A_222 = arith.addf %add3A_208, %gather3A_221 : vector<16xf32>
        %xor3A_223 = arith.constant 2 : i32
        %xor3A_224 = vector.broadcast %xor3A_223 : i32 to vector<16xi32>
        %xor3A_225 = arith.xori %iota3A, %xor3A_224 : vector<16xi32>
        %lt3A_226 = arith.constant 0 : i32
        %lt3A_227 = vector.broadcast %lt3A_226 : i32 to vector<16xi32>
        %lt3A_228 = arith.cmpi slt, %xor3A_225, %lt3A_227 : vector<16xi32>
        %add3A_229 = arith.constant 16 : i32
        %add3A_230 = vector.broadcast %add3A_229 : i32 to vector<16xi32>
        %add3A_231 = arith.addi %xor3A_225, %add3A_230 : vector<16xi32>
        %select_n3A_232 = arith.select %lt3A_228, %add3A_231, %xor3A_225 : vector<16xi1>, vector<16xi32>
        %broadcast_in_dim3A_233 = vector.shape_cast %select_n3A_232 : vector<16xi32> to vector<16x1xi32>
        %gather3A_234 = vector.shape_cast %broadcast_in_dim3A_233 : vector<16x1xi32> to vector<16xi32>
        %gather3A_235 = tpu.dynamic_gather %add3A_222[%gather3A_234] in [0] : vector<16xf32>, vector<16xi32> -> vector<16xf32>
        %add3A_236 = arith.addf %add3A_222, %gather3A_235 : vector<16xf32>
        %xor3A_237 = arith.constant 1 : i32
        %xor3A_238 = vector.broadcast %xor3A_237 : i32 to vector<16xi32>
        %xor3A_239 = arith.xori %iota3A, %xor3A_238 : vector<16xi32>
        %lt3A_240 = arith.constant 0 : i32
        %lt3A_241 = vector.broadcast %lt3A_240 : i32 to vector<16xi32>
        %lt3A_242 = arith.cmpi slt, %xor3A_239, %lt3A_241 : vector<16xi32>
        %add3A_243 = arith.constant 16 : i32
        %add3A_244 = vector.broadcast %add3A_243 : i32 to vector<16xi32>
        %add3A_245 = arith.addi %xor3A_239, %add3A_244 : vector<16xi32>
        %select_n3A_246 = arith.select %lt3A_242, %add3A_245, %xor3A_239 : vector<16xi1>, vector<16xi32>
        %broadcast_in_dim3A_247 = vector.shape_cast %select_n3A_246 : vector<16xi32> to vector<16x1xi32>
        %gather3A_248 = vector.shape_cast %broadcast_in_dim3A_247 : vector<16x1xi32> to vector<16xi32>
        %gather3A_249 = tpu.dynamic_gather %add3A_236[%gather3A_248] in [0] : vector<16xf32>, vector<16xi32> -> vector<16xf32>
        %add3A_250 = arith.addf %add3A_236, %gather3A_249 : vector<16xf32>
        %mul3A_251 = arith.constant 1.250000e-01 : f32
        %mul3A_252 = vector.broadcast %mul3A_251 : f32 to vector<16xf32>
        %mul3A_253 = arith.mulf %add3A_250, %mul3A_252 : vector<16xf32>
        %exp3A = math.exp %mul3A_253 : vector<16xf32>
        %xor3A_254 = arith.constant 8 : i32
        %xor3A_255 = vector.broadcast %xor3A_254 : i32 to vector<16xi32>
        %xor3A_256 = arith.xori %iota3A, %xor3A_255 : vector<16xi32>
        %lt3A_257 = arith.constant 0 : i32
        %lt3A_258 = vector.broadcast %lt3A_257 : i32 to vector<16xi32>
        %lt3A_259 = arith.cmpi slt, %xor3A_256, %lt3A_258 : vector<16xi32>
        %add3A_260 = arith.constant 16 : i32
        %add3A_261 = vector.broadcast %add3A_260 : i32 to vector<16xi32>
        %add3A_262 = arith.addi %xor3A_256, %add3A_261 : vector<16xi32>
        %select_n3A_263 = arith.select %lt3A_259, %add3A_262, %xor3A_256 : vector<16xi1>, vector<16xi32>
        %broadcast_in_dim3A_264 = vector.shape_cast %select_n3A_263 : vector<16xi32> to vector<16x1xi32>
        %gather3A_265 = vector.shape_cast %broadcast_in_dim3A_264 : vector<16x1xi32> to vector<16xi32>
        %gather3A_266 = tpu.dynamic_gather %add3A_198[%gather3A_265] in [0] : vector<16xf32>, vector<16xi32> -> vector<16xf32>
        %add3A_267 = arith.addf %add3A_198, %gather3A_266 : vector<16xf32>
        %xor3A_268 = arith.constant 4 : i32
        %xor3A_269 = vector.broadcast %xor3A_268 : i32 to vector<16xi32>
        %xor3A_270 = arith.xori %iota3A, %xor3A_269 : vector<16xi32>
        %lt3A_271 = arith.constant 0 : i32
        %lt3A_272 = vector.broadcast %lt3A_271 : i32 to vector<16xi32>
        %lt3A_273 = arith.cmpi slt, %xor3A_270, %lt3A_272 : vector<16xi32>
        %add3A_274 = arith.constant 16 : i32
        %add3A_275 = vector.broadcast %add3A_274 : i32 to vector<16xi32>
        %add3A_276 = arith.addi %xor3A_270, %add3A_275 : vector<16xi32>
        %select_n3A_277 = arith.select %lt3A_273, %add3A_276, %xor3A_270 : vector<16xi1>, vector<16xi32>
        %broadcast_in_dim3A_278 = vector.shape_cast %select_n3A_277 : vector<16xi32> to vector<16x1xi32>
        %gather3A_279 = vector.shape_cast %broadcast_in_dim3A_278 : vector<16x1xi32> to vector<16xi32>
        %gather3A_280 = tpu.dynamic_gather %add3A_267[%gather3A_279] in [0] : vector<16xf32>, vector<16xi32> -> vector<16xf32>
        %add3A_281 = arith.addf %add3A_267, %gather3A_280 : vector<16xf32>
        %xor3A_282 = arith.constant 2 : i32
        %xor3A_283 = vector.broadcast %xor3A_282 : i32 to vector<16xi32>
        %xor3A_284 = arith.xori %iota3A, %xor3A_283 : vector<16xi32>
        %lt3A_285 = arith.constant 0 : i32
        %lt3A_286 = vector.broadcast %lt3A_285 : i32 to vector<16xi32>
        %lt3A_287 = arith.cmpi slt, %xor3A_284, %lt3A_286 : vector<16xi32>
        %add3A_288 = arith.constant 16 : i32
        %add3A_289 = vector.broadcast %add3A_288 : i32 to vector<16xi32>
        %add3A_290 = arith.addi %xor3A_284, %add3A_289 : vector<16xi32>
        %select_n3A_291 = arith.select %lt3A_287, %add3A_290, %xor3A_284 : vector<16xi1>, vector<16xi32>
        %broadcast_in_dim3A_292 = vector.shape_cast %select_n3A_291 : vector<16xi32> to vector<16x1xi32>
        %gather3A_293 = vector.shape_cast %broadcast_in_dim3A_292 : vector<16x1xi32> to vector<16xi32>
        %gather3A_294 = tpu.dynamic_gather %add3A_281[%gather3A_293] in [0] : vector<16xf32>, vector<16xi32> -> vector<16xf32>
        %add3A_295 = arith.addf %add3A_281, %gather3A_294 : vector<16xf32>
        %xor3A_296 = arith.constant 1 : i32
        %xor3A_297 = vector.broadcast %xor3A_296 : i32 to vector<16xi32>
        %xor3A_298 = arith.xori %iota3A, %xor3A_297 : vector<16xi32>
        %lt3A_299 = arith.constant 0 : i32
        %lt3A_300 = vector.broadcast %lt3A_299 : i32 to vector<16xi32>
        %lt3A_301 = arith.cmpi slt, %xor3A_298, %lt3A_300 : vector<16xi32>
        %add3A_302 = arith.constant 16 : i32
        %add3A_303 = vector.broadcast %add3A_302 : i32 to vector<16xi32>
        %add3A_304 = arith.addi %xor3A_298, %add3A_303 : vector<16xi32>
        %select_n3A_305 = arith.select %lt3A_301, %add3A_304, %xor3A_298 : vector<16xi1>, vector<16xi32>
        %broadcast_in_dim3A_306 = vector.shape_cast %select_n3A_305 : vector<16xi32> to vector<16x1xi32>
        %gather3A_307 = vector.shape_cast %broadcast_in_dim3A_306 : vector<16x1xi32> to vector<16xi32>
        %gather3A_308 = tpu.dynamic_gather %add3A_295[%gather3A_307] in [0] : vector<16xf32>, vector<16xi32> -> vector<16xf32>
        %add3A_309 = arith.addf %add3A_295, %gather3A_308 : vector<16xf32>
        %mul3A_310 = arith.constant 1.250000e-01 : f32
        %mul3A_311 = vector.broadcast %mul3A_310 : f32 to vector<16xf32>
        %mul3A_312 = arith.mulf %add3A_309, %mul3A_311 : vector<16xf32>
        %exp3A_313 = math.exp %mul3A_312 : vector<16xf32>
        %get3A_314 = arith.index_cast %scan3A_75 : i32 to index
        %get3A_315 = arith.constant 0 : index
        %get3A_316 = tpu.vector_load %arg14[%get3A_314, %get3A_315] {strides = array<i32>} : memref<40x128xf32, #tpu.memory_space<vmem>>, vector<1x16xf32>,
        %get3A_317 = vector.shape_cast %get3A_316 : vector<1x16xf32> to vector<16xf32>
        %get3A_318 = arith.index_cast %scan3A_75 : i32 to index
        %get3A_319 = arith.constant 128 : index
        %get3A_320 = tpu.vector_load %arg15[%get3A_318, %get3A_319] {strides = array<i32>} : memref<40x256xf32, #tpu.memory_space<vmem>>, vector<1x16xf32>,
        %get3A_321 = vector.shape_cast %get3A_320 : vector<1x16xf32> to vector<16xf32>
        %add3A_322 = arith.addf %get3A_317, %get3A_321 : vector<16xf32>
        %mul3A_323 = arith.mulf %exp3A, %add3A_322 : vector<16xf32>
        %swap3A = arith.index_cast %scan3A_75 : i32 to index
        %swap3A_324 = arith.constant 0 : index
        %swap3A_325 = tpu.vector_load %arg16[%swap3A, %swap3A_324] {strides = array<i32>} : memref<40x128xf32, #tpu.memory_space<vmem>>, vector<1x16xf32>,
        %swap3A_326 = vector.shape_cast %swap3A_325 : vector<1x16xf32> to vector<16xf32>
        %swap3A_327 = vector.shape_cast %mul3A_323 : vector<16xf32> to vector<1x16xf32>
        tpu.vector_store %arg16[%swap3A, %swap3A_324], %swap3A_327 {strides = array<i32>} : memref<40x128xf32, #tpu.memory_space<vmem>>, vector<1x16xf32>,
        %get3A_328 = arith.index_cast %scan3A_75 : i32 to index
        %get3A_329 = arith.constant 16 : index
        %get3A_330 = tpu.vector_load %arg14[%get3A_328, %get3A_329] {strides = array<i32>} : memref<40x128xf32, #tpu.memory_space<vmem>>, vector<1x16xf32>,
        %get3A_331 = vector.shape_cast %get3A_330 : vector<1x16xf32> to vector<16xf32>
        %get3A_332 = arith.index_cast %scan3A_75 : i32 to index
        %get3A_333 = arith.constant 144 : index
        %get3A_334 = tpu.vector_load %arg15[%get3A_332, %get3A_333] {strides = array<i32>} : memref<40x256xf32, #tpu.memory_space<vmem>>, vector<1x16xf32>,
        %get3A_335 = vector.shape_cast %get3A_334 : vector<1x16xf32> to vector<16xf32>
        %add3A_336 = arith.addf %get3A_331, %get3A_335 : vector<16xf32>
        %mul3A_337 = arith.mulf %exp3A, %add3A_336 : vector<16xf32>
        %swap3A_338 = arith.index_cast %scan3A_75 : i32 to index
        %swap3A_339 = arith.constant 16 : index
        %swap3A_340 = tpu.vector_load %arg16[%swap3A_338, %swap3A_339] {strides = array<i32>} : memref<40x128xf32, #tpu.memory_space<vmem>>, vector<1x16xf32>,
        %swap3A_341 = vector.shape_cast %swap3A_340 : vector<1x16xf32> to vector<16xf32>
        %swap3A_342 = vector.shape_cast %mul3A_337 : vector<16xf32> to vector<1x16xf32>
        tpu.vector_store %arg16[%swap3A_338, %swap3A_339], %swap3A_342 {strides = array<i32>} : memref<40x128xf32, #tpu.memory_space<vmem>>, vector<1x16xf32>,
        %get3A_343 = arith.index_cast %scan3A_75 : i32 to index
        %get3A_344 = arith.constant 32 : index
        %get3A_345 = tpu.vector_load %arg14[%get3A_343, %get3A_344] {strides = array<i32>} : memref<40x128xf32, #tpu.memory_space<vmem>>, vector<1x16xf32>,
        %get3A_346 = vector.shape_cast %get3A_345 : vector<1x16xf32> to vector<16xf32>
        %get3A_347 = arith.index_cast %scan3A_75 : i32 to index
        %get3A_348 = arith.constant 160 : index
        %get3A_349 = tpu.vector_load %arg15[%get3A_347, %get3A_348] {strides = array<i32>} : memref<40x256xf32, #tpu.memory_space<vmem>>, vector<1x16xf32>,
        %get3A_350 = vector.shape_cast %get3A_349 : vector<1x16xf32> to vector<16xf32>
        %add3A_351 = arith.addf %get3A_346, %get3A_350 : vector<16xf32>
        %mul3A_352 = arith.mulf %exp3A, %add3A_351 : vector<16xf32>
        %swap3A_353 = arith.index_cast %scan3A_75 : i32 to index
        %swap3A_354 = arith.constant 32 : index
        %swap3A_355 = tpu.vector_load %arg16[%swap3A_353, %swap3A_354] {strides = array<i32>} : memref<40x128xf32, #tpu.memory_space<vmem>>, vector<1x16xf32>,
        %swap3A_356 = vector.shape_cast %swap3A_355 : vector<1x16xf32> to vector<16xf32>
        %swap3A_357 = vector.shape_cast %mul3A_352 : vector<16xf32> to vector<1x16xf32>
        tpu.vector_store %arg16[%swap3A_353, %swap3A_354], %swap3A_357 {strides = array<i32>} : memref<40x128xf32, #tpu.memory_space<vmem>>, vector<1x16xf32>,
        %get3A_358 = arith.index_cast %scan3A_75 : i32 to index
        %get3A_359 = arith.constant 48 : index
        %get3A_360 = tpu.vector_load %arg14[%get3A_358, %get3A_359] {strides = array<i32>} : memref<40x128xf32, #tpu.memory_space<vmem>>, vector<1x16xf32>,
        %get3A_361 = vector.shape_cast %get3A_360 : vector<1x16xf32> to vector<16xf32>
        %get3A_362 = arith.index_cast %scan3A_75 : i32 to index
        %get3A_363 = arith.constant 176 : index
        %get3A_364 = tpu.vector_load %arg15[%get3A_362, %get3A_363] {strides = array<i32>} : memref<40x256xf32, #tpu.memory_space<vmem>>, vector<1x16xf32>,
        %get3A_365 = vector.shape_cast %get3A_364 : vector<1x16xf32> to vector<16xf32>
        %add3A_366 = arith.addf %get3A_361, %get3A_365 : vector<16xf32>
        %mul3A_367 = arith.mulf %exp3A, %add3A_366 : vector<16xf32>
        %swap3A_368 = arith.index_cast %scan3A_75 : i32 to index
        %swap3A_369 = arith.constant 48 : index
        %swap3A_370 = tpu.vector_load %arg16[%swap3A_368, %swap3A_369] {strides = array<i32>} : memref<40x128xf32, #tpu.memory_space<vmem>>, vector<1x16xf32>,
        %swap3A_371 = vector.shape_cast %swap3A_370 : vector<1x16xf32> to vector<16xf32>
        %swap3A_372 = vector.shape_cast %mul3A_367 : vector<16xf32> to vector<1x16xf32>
        tpu.vector_store %arg16[%swap3A_368, %swap3A_369], %swap3A_372 {strides = array<i32>} : memref<40x128xf32, #tpu.memory_space<vmem>>, vector<1x16xf32>,
        %get3A_373 = arith.index_cast %scan3A_75 : i32 to index
        %get3A_374 = arith.constant 64 : index
        %get3A_375 = tpu.vector_load %arg14[%get3A_373, %get3A_374] {strides = array<i32>} : memref<40x128xf32, #tpu.memory_space<vmem>>, vector<1x16xf32>,
        %get3A_376 = vector.shape_cast %get3A_375 : vector<1x16xf32> to vector<16xf32>
        %get3A_377 = arith.index_cast %scan3A_75 : i32 to index
        %get3A_378 = arith.constant 192 : index
        %get3A_379 = tpu.vector_load %arg15[%get3A_377, %get3A_378] {strides = array<i32>} : memref<40x256xf32, #tpu.memory_space<vmem>>, vector<1x16xf32>,
        %get3A_380 = vector.shape_cast %get3A_379 : vector<1x16xf32> to vector<16xf32>
        %add3A_381 = arith.addf %get3A_376, %get3A_380 : vector<16xf32>
        %mul3A_382 = arith.mulf %exp3A_313, %add3A_381 : vector<16xf32>
        %swap3A_383 = arith.index_cast %scan3A_75 : i32 to index
        %swap3A_384 = arith.constant 64 : index
        %swap3A_385 = tpu.vector_load %arg16[%swap3A_383, %swap3A_384] {strides = array<i32>} : memref<40x128xf32, #tpu.memory_space<vmem>>, vector<1x16xf32>,
        %swap3A_386 = vector.shape_cast %swap3A_385 : vector<1x16xf32> to vector<16xf32>
        %swap3A_387 = vector.shape_cast %mul3A_382 : vector<16xf32> to vector<1x16xf32>
        tpu.vector_store %arg16[%swap3A_383, %swap3A_384], %swap3A_387 {strides = array<i32>} : memref<40x128xf32, #tpu.memory_space<vmem>>, vector<1x16xf32>,
        %get3A_388 = arith.index_cast %scan3A_75 : i32 to index
        %get3A_389 = arith.constant 80 : index
        %get3A_390 = tpu.vector_load %arg14[%get3A_388, %get3A_389] {strides = array<i32>} : memref<40x128xf32, #tpu.memory_space<vmem>>, vector<1x16xf32>,
        %get3A_391 = vector.shape_cast %get3A_390 : vector<1x16xf32> to vector<16xf32>
        %get3A_392 = arith.index_cast %scan3A_75 : i32 to index
        %get3A_393 = arith.constant 208 : index
        %get3A_394 = tpu.vector_load %arg15[%get3A_392, %get3A_393] {strides = array<i32>} : memref<40x256xf32, #tpu.memory_space<vmem>>, vector<1x16xf32>,
        %get3A_395 = vector.shape_cast %get3A_394 : vector<1x16xf32> to vector<16xf32>
        %add3A_396 = arith.addf %get3A_391, %get3A_395 : vector<16xf32>
        %mul3A_397 = arith.mulf %exp3A_313, %add3A_396 : vector<16xf32>
        %swap3A_398 = arith.index_cast %scan3A_75 : i32 to index
        %swap3A_399 = arith.constant 80 : index
        %swap3A_400 = tpu.vector_load %arg16[%swap3A_398, %swap3A_399] {strides = array<i32>} : memref<40x128xf32, #tpu.memory_space<vmem>>, vector<1x16xf32>,
        %swap3A_401 = vector.shape_cast %swap3A_400 : vector<1x16xf32> to vector<16xf32>
        %swap3A_402 = vector.shape_cast %mul3A_397 : vector<16xf32> to vector<1x16xf32>
        tpu.vector_store %arg16[%swap3A_398, %swap3A_399], %swap3A_402 {strides = array<i32>} : memref<40x128xf32, #tpu.memory_space<vmem>>, vector<1x16xf32>,
        %get3A_403 = arith.index_cast %scan3A_75 : i32 to index
        %get3A_404 = arith.constant 96 : index
        %get3A_405 = tpu.vector_load %arg14[%get3A_403, %get3A_404] {strides = array<i32>} : memref<40x128xf32, #tpu.memory_space<vmem>>, vector<1x16xf32>,
        %get3A_406 = vector.shape_cast %get3A_405 : vector<1x16xf32> to vector<16xf32>
        %get3A_407 = arith.index_cast %scan3A_75 : i32 to index
        %get3A_408 = arith.constant 224 : index
        %get3A_409 = tpu.vector_load %arg15[%get3A_407, %get3A_408] {strides = array<i32>} : memref<40x256xf32, #tpu.memory_space<vmem>>, vector<1x16xf32>,
        %get3A_410 = vector.shape_cast %get3A_409 : vector<1x16xf32> to vector<16xf32>
        %add3A_411 = arith.addf %get3A_406, %get3A_410 : vector<16xf32>
        %mul3A_412 = arith.mulf %exp3A_313, %add3A_411 : vector<16xf32>
        %swap3A_413 = arith.index_cast %scan3A_75 : i32 to index
        %swap3A_414 = arith.constant 96 : index
        %swap3A_415 = tpu.vector_load %arg16[%swap3A_413, %swap3A_414] {strides = array<i32>} : memref<40x128xf32, #tpu.memory_space<vmem>>, vector<1x16xf32>,
        %swap3A_416 = vector.shape_cast %swap3A_415 : vector<1x16xf32> to vector<16xf32>
        %swap3A_417 = vector.shape_cast %mul3A_412 : vector<16xf32> to vector<1x16xf32>
        tpu.vector_store %arg16[%swap3A_413, %swap3A_414], %swap3A_417 {strides = array<i32>} : memref<40x128xf32, #tpu.memory_space<vmem>>, vector<1x16xf32>,
        %get3A_418 = arith.index_cast %scan3A_75 : i32 to index
        %get3A_419 = arith.constant 112 : index
        %get3A_420 = tpu.vector_load %arg14[%get3A_418, %get3A_419] {strides = array<i32>} : memref<40x128xf32, #tpu.memory_space<vmem>>, vector<1x16xf32>,
        %get3A_421 = vector.shape_cast %get3A_420 : vector<1x16xf32> to vector<16xf32>
        %get3A_422 = arith.index_cast %scan3A_75 : i32 to index
        %get3A_423 = arith.constant 240 : index
        %get3A_424 = tpu.vector_load %arg15[%get3A_422, %get3A_423] {strides = array<i32>} : memref<40x256xf32, #tpu.memory_space<vmem>>, vector<1x16xf32>,
        %get3A_425 = vector.shape_cast %get3A_424 : vector<1x16xf32> to vector<16xf32>
        %add3A_426 = arith.addf %get3A_421, %get3A_425 : vector<16xf32>
        %mul3A_427 = arith.mulf %exp3A_313, %add3A_426 : vector<16xf32>
        %swap3A_428 = arith.index_cast %scan3A_75 : i32 to index
        %swap3A_429 = arith.constant 112 : index
        %swap3A_430 = tpu.vector_load %arg16[%swap3A_428, %swap3A_429] {strides = array<i32>} : memref<40x128xf32, #tpu.memory_space<vmem>>, vector<1x16xf32>,
        %swap3A_431 = vector.shape_cast %swap3A_430 : vector<1x16xf32> to vector<16xf32>
        %swap3A_432 = vector.shape_cast %mul3A_427 : vector<16xf32> to vector<1x16xf32>
        tpu.vector_store %arg16[%swap3A_428, %swap3A_429], %swap3A_432 {strides = array<i32>} : memref<40x128xf32, #tpu.memory_space<vmem>>, vector<1x16xf32>,
        %eq3A_433 = arith.constant 0 : i32
        %eq3A_434 = vector.broadcast %eq3A_433 : i32 to vector<16xi32>
        %eq3A_435 = arith.cmpi eq, %iota3A, %eq3A_434 : vector<16xi32>
        %eq3A_436 = arith.constant 1 : i32
        %eq3A_437 = vector.broadcast %eq3A_436 : i32 to vector<16xi32>
        %eq3A_438 = arith.cmpi eq, %iota3A, %eq3A_437 : vector<16xi32>
        %jit3A = arith.constant 0.000000e+00 : f32
        %broadcast_in_dim3A_439 = vector.broadcast %jit3A : f32 to vector<16xf32>
        %select_n3A_440 = arith.select %eq3A_438, %exp3A_313, %broadcast_in_dim3A_439 : vector<16xi1>, vector<16xf32>
        %select_n3A_441 = arith.select %eq3A_435, %exp3A, %select_n3A_440 : vector<16xi1>, vector<16xf32>
        %swap3A_442 = arith.index_cast %scan3A_75 : i32 to index
        %swap3A_443 = arith.constant 0 : index
        %swap3A_444 = tpu.vector_load %arg17[%swap3A_442, %swap3A_443] {strides = array<i32>} : memref<40x16xf32, #tpu.memory_space<vmem>>, vector<1x16xf32>,
        %swap3A_445 = vector.shape_cast %swap3A_444 : vector<1x16xf32> to vector<16xf32>
        %swap3A_446 = vector.shape_cast %select_n3A_441 : vector<16xf32> to vector<1x16xf32>
        tpu.vector_store %arg17[%swap3A_442, %swap3A_443], %swap3A_446 {strides = array<i32>} : memref<40x16xf32, #tpu.memory_space<vmem>>, vector<1x16xf32>,
        %scan3A_447 = arith.constant 0 : i32
        scf.yield %scan3A_447 : i32
      }
      %scan3A_73 = arith.constant 40 : i32
      "tpu.region"() ({
        %run_scoped3A = tpu.sem_alloc : memref<!tpu.dma_semaphore, #tpu.memory_space<semaphore_mem>>
        %dma_start3A_75 = arith.constant 0 : i32
        %dma_start3A_76 = arith.constant 0 : i32
        %dma_start3A_77 = tpu.memref_slice %arg18[%dma_start3A_75, %dma_start3A_76] : memref<10000x128xf32, #tpu.memory_space<vmem_shared>> -> memref<10000x128xf32, #tpu.memory_space<vmem_shared>>
        tpu.enqueue_indirect_dma source(%arg16 : memref<40x128xf32, #tpu.memory_space<vmem>>) target(%dma_start3A_77 : memref<10000x128xf32, #tpu.memory_space<vmem_shared>>) offsets(%arg10 : memref<40xi32, #tpu.memory_space<vmem>>) semaphore(%run_scoped3A : memref<!tpu.dma_semaphore, #tpu.memory_space<semaphore_mem>>) {add = true}
        %dma_wait3A_78 = arith.constant 0 : i32
        %dma_wait3A_79 = arith.constant 0 : i32
        %dma_wait3A_80 = tpu.memref_slice %arg18[%dma_wait3A_78, %dma_wait3A_79] : memref<10000x128xf32, #tpu.memory_space<vmem_shared>> -> memref<10000x128xf32, #tpu.memory_space<vmem_shared>>
        tpu.wait_indirect_dma semaphore(%run_scoped3A : memref<!tpu.dma_semaphore, #tpu.memory_space<semaphore_mem>>) src(%arg16 : memref<40x128xf32, #tpu.memory_space<vmem>>) dst(%dma_wait3A_80 : memref<10000x128xf32, #tpu.memory_space<vmem_shared>>)
        tpu.yield
      }) : () -> ()
      "tpu.region"() ({
        %run_scoped3A = tpu.sem_alloc : memref<!tpu.dma_semaphore, #tpu.memory_space<semaphore_mem>>
        %dma_start3A_75 = arith.constant 0 : i32
        %dma_start3A_76 = tpu.memref_slice %arg9[%add3A_50, %dma_start3A_75] : memref<320000x16xf32, #tpu.memory_space<hbm>> -> memref<40x16xf32, #tpu.memory_space<hbm>>
        %dma_start3A_77 = arith.constant 0 : i32
        %dma_start3A_78 = tpu.memref_slice %arg9[%add3A_50, %dma_start3A_77] : memref<320000x16xf32, #tpu.memory_space<hbm>> -> memref<40x16xf32, #tpu.memory_space<hbm>>
        tpu.enqueue_dma source(%arg17 : memref<40x16xf32, #tpu.memory_space<vmem>>) target(%dma_start3A_78 : memref<40x16xf32, #tpu.memory_space<hbm>>) target_semaphore(%run_scoped3A : memref<!tpu.dma_semaphore, #tpu.memory_space<semaphore_mem>>)
        %dma_wait3A_79 = arith.constant 0 : i32
        %dma_wait3A_80 = tpu.memref_slice %arg9[%add3A_50, %dma_wait3A_79] : memref<320000x16xf32, #tpu.memory_space<hbm>> -> memref<40x16xf32, #tpu.memory_space<hbm>>
        %dma_wait3A_81 = arith.constant 0 : i32
        %dma_wait3A_82 = tpu.memref_slice %arg9[%add3A_50, %dma_wait3A_81] : memref<320000x16xf32, #tpu.memory_space<hbm>> -> memref<40x16xf32, #tpu.memory_space<hbm>>
        tpu.wait_dma2 semaphore(%run_scoped3A : memref<!tpu.dma_semaphore, #tpu.memory_space<semaphore_mem>>) src(%arg17 : memref<40x16xf32, #tpu.memory_space<vmem>>) dst(%dma_wait3A_82 : memref<40x16xf32, #tpu.memory_space<hbm>>)
        tpu.yield
      }) : () -> ()
      %scan3A_74 = arith.constant 0 : i32
      scf.yield %scan3A_74 : i32
    }
    %scan3A_26 = arith.constant 250 : i32
    %barrier3A_27 = arith.constant 0 : index
    tpu.barrier barrier_id(%barrier3A_27)
    %scan3A_28 = arith.constant 0 : i32
    %scan3A_29 = arith.constant 0 : i32
    %scan3A_30 = arith.constant 15 : i32
    %scan3A_31 = arith.addi %scan3A_29, %scan3A_30 : i32
    %scan3A_32 = arith.constant 1 : i32
    %scan3A_33 = scf.for %scan3A_44 = %scan3A_29 to %scan3A_31 step %scan3A_32 iter_args(%scan3A_45 = %scan3A_28) -> (i32)  : i32 {
      %mul3A_46 = arith.constant 624 : i32
      %mul3A_47 = arith.muli %arg1, %mul3A_46 : i32
      %mul3A_48 = arith.constant 40 : i32
      %mul3A_49 = arith.muli %scan3A_44, %mul3A_48 : i32
      %add3A_50 = arith.addi %mul3A_47, %mul3A_49 : i32
      "tpu.region"() ({
        %run_scoped3A = tpu.sem_alloc : memref<!tpu.dma_semaphore, #tpu.memory_space<semaphore_mem>>
        %dma_start3A = arith.constant 0 : i32
        %dma_start3A_52 = tpu.memref_slice %arg18[%add3A_50, %dma_start3A] : memref<10000x128xf32, #tpu.memory_space<vmem_shared>> -> memref<40x128xf32, #tpu.memory_space<vmem_shared>>
        %dma_start3A_53 = arith.constant 0 : i32
        %dma_start3A_54 = tpu.memref_slice %arg18[%add3A_50, %dma_start3A_53] : memref<10000x128xf32, #tpu.memory_space<vmem_shared>> -> memref<40x128xf32, #tpu.memory_space<vmem_shared>>
        tpu.enqueue_dma source(%dma_start3A_54 : memref<40x128xf32, #tpu.memory_space<vmem_shared>>) target(%arg16 : memref<40x128xf32, #tpu.memory_space<vmem>>) target_semaphore(%run_scoped3A : memref<!tpu.dma_semaphore, #tpu.memory_space<semaphore_mem>>)
        %dma_wait3A = arith.constant 0 : i32
        %dma_wait3A_55 = tpu.memref_slice %arg18[%add3A_50, %dma_wait3A] : memref<10000x128xf32, #tpu.memory_space<vmem_shared>> -> memref<40x128xf32, #tpu.memory_space<vmem_shared>>
        %dma_wait3A_56 = arith.constant 0 : i32
        %dma_wait3A_57 = tpu.memref_slice %arg18[%add3A_50, %dma_wait3A_56] : memref<10000x128xf32, #tpu.memory_space<vmem_shared>> -> memref<40x128xf32, #tpu.memory_space<vmem_shared>>
        tpu.wait_dma2 semaphore(%run_scoped3A : memref<!tpu.dma_semaphore, #tpu.memory_space<semaphore_mem>>) src(%dma_wait3A_57 : memref<40x128xf32, #tpu.memory_space<vmem_shared>>) dst(%arg16 : memref<40x128xf32, #tpu.memory_space<vmem>>)
        tpu.yield
      }) : () -> ()
      "tpu.region"() ({
        %run_scoped3A = tpu.sem_alloc : memref<!tpu.dma_semaphore, #tpu.memory_space<semaphore_mem>>
        %dma_start3A = arith.constant 0 : i32
        %dma_start3A_52 = tpu.memref_slice %arg8[%arg0, %add3A_50, %dma_start3A] : memref<2x10000x128xf32, #tpu.memory_space<hbm>> -> memref<1x40x128xf32, #tpu.memory_space<hbm>>
        %dma_start3A_53 = tpu.memref_squeeze %dma_start3A_52 : memref<1x40x128xf32, #tpu.memory_space<hbm>> -> memref<40x128xf32, #tpu.memory_space<hbm>>
        %dma_start3A_54 = arith.constant 0 : i32
        %dma_start3A_55 = tpu.memref_slice %arg8[%arg0, %add3A_50, %dma_start3A_54] : memref<2x10000x128xf32, #tpu.memory_space<hbm>> -> memref<1x40x128xf32, #tpu.memory_space<hbm>>
        %dma_start3A_56 = tpu.memref_squeeze %dma_start3A_55 : memref<1x40x128xf32, #tpu.memory_space<hbm>> -> memref<40x128xf32, #tpu.memory_space<hbm>>
        tpu.enqueue_dma source(%arg16 : memref<40x128xf32, #tpu.memory_space<vmem>>) target(%dma_start3A_56 : memref<40x128xf32, #tpu.memory_space<hbm>>) target_semaphore(%run_scoped3A : memref<!tpu.dma_semaphore, #tpu.memory_space<semaphore_mem>>)
        %dma_wait3A = arith.constant 0 : i32
        %dma_wait3A_57 = tpu.memref_slice %arg8[%arg0, %add3A_50, %dma_wait3A] : memref<2x10000x128xf32, #tpu.memory_space<hbm>> -> memref<1x40x128xf32, #tpu.memory_space<hbm>>
        %dma_wait3A_58 = tpu.memref_squeeze %dma_wait3A_57 : memref<1x40x128xf32, #tpu.memory_space<hbm>> -> memref<40x128xf32, #tpu.memory_space<hbm>>
        %dma_wait3A_59 = arith.constant 0 : i32
        %dma_wait3A_60 = tpu.memref_slice %arg8[%arg0, %add3A_50, %dma_wait3A_59] : memref<2x10000x128xf32, #tpu.memory_space<hbm>> -> memref<1x40x128xf32, #tpu.memory_space<hbm>>
        %dma_wait3A_61 = tpu.memref_squeeze %dma_wait3A_60 : memref<1x40x128xf32, #tpu.memory_space<hbm>> -> memref<40x128xf32, #tpu.memory_space<hbm>>
        tpu.wait_dma2 semaphore(%run_scoped3A : memref<!tpu.dma_semaphore, #tpu.memory_space<semaphore_mem>>) src(%arg16 : memref<40x128xf32, #tpu.memory_space<vmem>>) dst(%dma_wait3A_61 : memref<40x128xf32, #tpu.memory_space<hbm>>)
        tpu.yield
      }) : () -> ()
      %scan3A_51 = arith.constant 0 : i32
      scf.yield %scan3A_51 : i32
    }
    %scan3A_34 = arith.constant 15 : i32
    %mul3A_35 = arith.constant 624 : i32
    %mul3A_36 = arith.muli %arg1, %mul3A_35 : i32
    %add3A_37 = arith.constant 600 : i32
    %add3A_38 = arith.addi %mul3A_36, %add3A_37 : i32
    "tpu.region"() ({
      %run_scoped3A = tpu.sem_alloc : memref<!tpu.dma_semaphore, #tpu.memory_space<semaphore_mem>>
      %dma_start3A = arith.constant 0 : i32
      %dma_start3A_44 = arith.constant 0 : i32
      %dma_start3A_45 = tpu.memref_slice %arg16[%dma_start3A, %dma_start3A_44] : memref<40x128xf32, #tpu.memory_space<vmem>> -> memref<24x128xf32, #tpu.memory_space<vmem>>
      %dma_start3A_46 = arith.constant 0 : i32
      %dma_start3A_47 = tpu.memref_slice %arg18[%add3A_38, %dma_start3A_46] : memref<10000x128xf32, #tpu.memory_space<vmem_shared>> -> memref<24x128xf32, #tpu.memory_space<vmem_shared>>
      %dma_start3A_48 = arith.constant 0 : i32
      %dma_start3A_49 = arith.constant 0 : i32
      %dma_start3A_50 = tpu.memref_slice %arg16[%dma_start3A_48, %dma_start3A_49] : memref<40x128xf32, #tpu.memory_space<vmem>> -> memref<24x128xf32, #tpu.memory_space<vmem>>
      %dma_start3A_51 = arith.constant 0 : i32
      %dma_start3A_52 = tpu.memref_slice %arg18[%add3A_38, %dma_start3A_51] : memref<10000x128xf32, #tpu.memory_space<vmem_shared>> -> memref<24x128xf32, #tpu.memory_space<vmem_shared>>
      tpu.enqueue_dma source(%dma_start3A_52 : memref<24x128xf32, #tpu.memory_space<vmem_shared>>) target(%dma_start3A_50 : memref<24x128xf32, #tpu.memory_space<vmem>>) target_semaphore(%run_scoped3A : memref<!tpu.dma_semaphore, #tpu.memory_space<semaphore_mem>>)
      %dma_wait3A = arith.constant 0 : i32
      %dma_wait3A_53 = arith.constant 0 : i32
      %dma_wait3A_54 = tpu.memref_slice %arg16[%dma_wait3A, %dma_wait3A_53] : memref<40x128xf32, #tpu.memory_space<vmem>> -> memref<24x128xf32, #tpu.memory_space<vmem>>
      %dma_wait3A_55 = arith.constant 0 : i32
      %dma_wait3A_56 = tpu.memref_slice %arg18[%add3A_38, %dma_wait3A_55] : memref<10000x128xf32, #tpu.memory_space<vmem_shared>> -> memref<24x128xf32, #tpu.memory_space<vmem_shared>>
      %dma_wait3A_57 = arith.constant 0 : i32
      %dma_wait3A_58 = arith.constant 0 : i32
      %dma_wait3A_59 = tpu.memref_slice %arg16[%dma_wait3A_57, %dma_wait3A_58] : memref<40x128xf32, #tpu.memory_space<vmem>> -> memref<24x128xf32, #tpu.memory_space<vmem>>
      %dma_wait3A_60 = arith.constant 0 : i32
      %dma_wait3A_61 = tpu.memref_slice %arg18[%add3A_38, %dma_wait3A_60] : memref<10000x128xf32, #tpu.memory_space<vmem_shared>> -> memref<24x128xf32, #tpu.memory_space<vmem_shared>>
      tpu.wait_dma2 semaphore(%run_scoped3A : memref<!tpu.dma_semaphore, #tpu.memory_space<semaphore_mem>>) src(%dma_wait3A_61 : memref<24x128xf32, #tpu.memory_space<vmem_shared>>) dst(%dma_wait3A_59 : memref<24x128xf32, #tpu.memory_space<vmem>>)
      tpu.yield
    }) : () -> ()
    "tpu.region"() ({
      %run_scoped3A = tpu.sem_alloc : memref<!tpu.dma_semaphore, #tpu.memory_space<semaphore_mem>>
      %dma_start3A = arith.constant 0 : i32
      %dma_start3A_44 = arith.constant 0 : i32
      %dma_start3A_45 = tpu.memref_slice %arg16[%dma_start3A, %dma_start3A_44] : memref<40x128xf32, #tpu.memory_space<vmem>> -> memref<24x128xf32, #tpu.memory_space<vmem>>
      %dma_start3A_46 = arith.constant 0 : i32
      %dma_start3A_47 = tpu.memref_slice %arg8[%arg0, %add3A_38, %dma_start3A_46] : memref<2x10000x128xf32, #tpu.memory_space<hbm>> -> memref<1x24x128xf32, #tpu.memory_space<hbm>>
      %dma_start3A_48 = tpu.memref_squeeze %dma_start3A_47 : memref<1x24x128xf32, #tpu.memory_space<hbm>> -> memref<24x128xf32, #tpu.memory_space<hbm>>
      %dma_start3A_49 = arith.constant 0 : i32
      %dma_start3A_50 = tpu.memref_slice %arg8[%arg0, %add3A_38, %dma_start3A_49] : memref<2x10000x128xf32, #tpu.memory_space<hbm>> -> memref<1x24x128xf32, #tpu.memory_space<hbm>>
      %dma_start3A_51 = tpu.memref_squeeze %dma_start3A_50 : memref<1x24x128xf32, #tpu.memory_space<hbm>> -> memref<24x128xf32, #tpu.memory_space<hbm>>
      %dma_start3A_52 = arith.constant 0 : i32
      %dma_start3A_53 = arith.constant 0 : i32
      %dma_start3A_54 = tpu.memref_slice %arg16[%dma_start3A_52, %dma_start3A_53] : memref<40x128xf32, #tpu.memory_space<vmem>> -> memref<24x128xf32, #tpu.memory_space<vmem>>
      tpu.enqueue_dma source(%dma_start3A_54 : memref<24x128xf32, #tpu.memory_space<vmem>>) target(%dma_start3A_51 : memref<24x128xf32, #tpu.memory_space<hbm>>) target_semaphore(%run_scoped3A : memref<!tpu.dma_semaphore, #tpu.memory_space<semaphore_mem>>)
      %dma_wait3A = arith.constant 0 : i32
      %dma_wait3A_55 = arith.constant 0 : i32
      %dma_wait3A_56 = tpu.memref_slice %arg16[%dma_wait3A, %dma_wait3A_55] : memref<40x128xf32, #tpu.memory_space<vmem>> -> memref<24x128xf32, #tpu.memory_space<vmem>>
      %dma_wait3A_57 = arith.constant 0 : i32
      %dma_wait3A_58 = tpu.memref_slice %arg8[%arg0, %add3A_38, %dma_wait3A_57] : memref<2x10000x128xf32, #tpu.memory_space<hbm>> -> memref<1x24x128xf32, #tpu.memory_space<hbm>>
      %dma_wait3A_59 = tpu.memref_squeeze %dma_wait3A_58 : memref<1x24x128xf32, #tpu.memory_space<hbm>> -> memref<24x128xf32, #tpu.memory_space<hbm>>
      %dma_wait3A_60 = arith.constant 0 : i32
      %dma_wait3A_61 = tpu.memref_slice %arg8[%arg0, %add3A_38, %dma_wait3A_60] : memref<2x10000x128xf32, #tpu.memory_space<hbm>> -> memref<1x24x128xf32, #tpu.memory_space<hbm>>
      %dma_wait3A_62 = tpu.memref_squeeze %dma_wait3A_61 : memref<1x24x128xf32, #tpu.memory_space<hbm>> -> memref<24x128xf32, #tpu.memory_space<hbm>>
      %dma_wait3A_63 = arith.constant 0 : i32
      %dma_wait3A_64 = arith.constant 0 : i32
      %dma_wait3A_65 = tpu.memref_slice %arg16[%dma_wait3A_63, %dma_wait3A_64] : memref<40x128xf32, #tpu.memory_space<vmem>> -> memref<24x128xf32, #tpu.memory_space<vmem>>
      tpu.wait_dma2 semaphore(%run_scoped3A : memref<!tpu.dma_semaphore, #tpu.memory_space<semaphore_mem>>) src(%dma_wait3A_65 : memref<24x128xf32, #tpu.memory_space<vmem>>) dst(%dma_wait3A_62 : memref<24x128xf32, #tpu.memory_space<hbm>>)
      tpu.yield
    }) : () -> ()
    %eq3A_39 = arith.constant 0 : i32
    %eq3A_40 = arith.cmpi eq, %arg1, %eq3A_39 : i32
    %convert_element_type3A_41 = arith.extui %eq3A_40 : i1 to i32
    %cond3A_42 = arith.constant 0 : i32
    %cond3A_43 = arith.cmpi ne, %convert_element_type3A_41, %cond3A_42 : i32
    scf.if %cond3A_43 {
      "tpu.region"() ({
        %run_scoped3A = tpu.sem_alloc : memref<!tpu.dma_semaphore, #tpu.memory_space<semaphore_mem>>
        %dma_start3A = arith.constant 0 : i32
        %dma_start3A_44 = arith.constant 0 : i32
        %dma_start3A_45 = tpu.memref_slice %arg16[%dma_start3A, %dma_start3A_44] : memref<40x128xf32, #tpu.memory_space<vmem>> -> memref<16x128xf32, #tpu.memory_space<vmem>>
        %dma_start3A_46 = arith.constant 9984 : i32
        %dma_start3A_47 = arith.constant 0 : i32
        %dma_start3A_48 = tpu.memref_slice %arg18[%dma_start3A_46, %dma_start3A_47] : memref<10000x128xf32, #tpu.memory_space<vmem_shared>> -> memref<16x128xf32, #tpu.memory_space<vmem_shared>>
        %dma_start3A_49 = arith.constant 0 : i32
        %dma_start3A_50 = arith.constant 0 : i32
        %dma_start3A_51 = tpu.memref_slice %arg16[%dma_start3A_49, %dma_start3A_50] : memref<40x128xf32, #tpu.memory_space<vmem>> -> memref<16x128xf32, #tpu.memory_space<vmem>>
        %dma_start3A_52 = arith.constant 9984 : i32
        %dma_start3A_53 = arith.constant 0 : i32
        %dma_start3A_54 = tpu.memref_slice %arg18[%dma_start3A_52, %dma_start3A_53] : memref<10000x128xf32, #tpu.memory_space<vmem_shared>> -> memref<16x128xf32, #tpu.memory_space<vmem_shared>>
        tpu.enqueue_dma source(%dma_start3A_54 : memref<16x128xf32, #tpu.memory_space<vmem_shared>>) target(%dma_start3A_51 : memref<16x128xf32, #tpu.memory_space<vmem>>) target_semaphore(%run_scoped3A : memref<!tpu.dma_semaphore, #tpu.memory_space<semaphore_mem>>)
        %dma_wait3A = arith.constant 0 : i32
        %dma_wait3A_55 = arith.constant 0 : i32
        %dma_wait3A_56 = tpu.memref_slice %arg16[%dma_wait3A, %dma_wait3A_55] : memref<40x128xf32, #tpu.memory_space<vmem>> -> memref<16x128xf32, #tpu.memory_space<vmem>>
        %dma_wait3A_57 = arith.constant 9984 : i32
        %dma_wait3A_58 = arith.constant 0 : i32
        %dma_wait3A_59 = tpu.memref_slice %arg18[%dma_wait3A_57, %dma_wait3A_58] : memref<10000x128xf32, #tpu.memory_space<vmem_shared>> -> memref<16x128xf32, #tpu.memory_space<vmem_shared>>
        %dma_wait3A_60 = arith.constant 0 : i32
        %dma_wait3A_61 = arith.constant 0 : i32
        %dma_wait3A_62 = tpu.memref_slice %arg16[%dma_wait3A_60, %dma_wait3A_61] : memref<40x128xf32, #tpu.memory_space<vmem>> -> memref<16x128xf32, #tpu.memory_space<vmem>>
        %dma_wait3A_63 = arith.constant 9984 : i32
        %dma_wait3A_64 = arith.constant 0 : i32
        %dma_wait3A_65 = tpu.memref_slice %arg18[%dma_wait3A_63, %dma_wait3A_64] : memref<10000x128xf32, #tpu.memory_space<vmem_shared>> -> memref<16x128xf32, #tpu.memory_space<vmem_shared>>
        tpu.wait_dma2 semaphore(%run_scoped3A : memref<!tpu.dma_semaphore, #tpu.memory_space<semaphore_mem>>) src(%dma_wait3A_65 : memref<16x128xf32, #tpu.memory_space<vmem_shared>>) dst(%dma_wait3A_62 : memref<16x128xf32, #tpu.memory_space<vmem>>)
        tpu.yield
      }) : () -> ()
      "tpu.region"() ({
        %run_scoped3A = tpu.sem_alloc : memref<!tpu.dma_semaphore, #tpu.memory_space<semaphore_mem>>
        %dma_start3A = arith.constant 0 : i32
        %dma_start3A_44 = arith.constant 0 : i32
        %dma_start3A_45 = tpu.memref_slice %arg16[%dma_start3A, %dma_start3A_44] : memref<40x128xf32, #tpu.memory_space<vmem>> -> memref<16x128xf32, #tpu.memory_space<vmem>>
        %dma_start3A_46 = arith.constant 9984 : i32
        %dma_start3A_47 = arith.constant 0 : i32
        %dma_start3A_48 = tpu.memref_slice %arg8[%arg0, %dma_start3A_46, %dma_start3A_47] : memref<2x10000x128xf32, #tpu.memory_space<hbm>> -> memref<1x16x128xf32, #tpu.memory_space<hbm>>
        %dma_start3A_49 = tpu.memref_squeeze %dma_start3A_48 : memref<1x16x128xf32, #tpu.memory_space<hbm>> -> memref<16x128xf32, #tpu.memory_space<hbm>>
        %dma_start3A_50 = arith.constant 9984 : i32
        %dma_start3A_51 = arith.constant 0 : i32
        %dma_start3A_52 = tpu.memref_slice %arg8[%arg0, %dma_start3A_50, %dma_start3A_51] : memref<2x10000x128xf32, #tpu.memory_space<hbm>> -> memref<1x16x128xf32, #tpu.memory_space<hbm>>
        %dma_start3A_53 = tpu.memref_squeeze %dma_start3A_52 : memref<1x16x128xf32, #tpu.memory_space<hbm>> -> memref<16x128xf32, #tpu.memory_space<hbm>>
        %dma_start3A_54 = arith.constant 0 : i32
        %dma_start3A_55 = arith.constant 0 : i32
        %dma_start3A_56 = tpu.memref_slice %arg16[%dma_start3A_54, %dma_start3A_55] : memref<40x128xf32, #tpu.memory_space<vmem>> -> memref<16x128xf32, #tpu.memory_space<vmem>>
        tpu.enqueue_dma source(%dma_start3A_56 : memref<16x128xf32, #tpu.memory_space<vmem>>) target(%dma_start3A_53 : memref<16x128xf32, #tpu.memory_space<hbm>>) target_semaphore(%run_scoped3A : memref<!tpu.dma_semaphore, #tpu.memory_space<semaphore_mem>>)
        %dma_wait3A = arith.constant 0 : i32
        %dma_wait3A_57 = arith.constant 0 : i32
        %dma_wait3A_58 = tpu.memref_slice %arg16[%dma_wait3A, %dma_wait3A_57] : memref<40x128xf32, #tpu.memory_space<vmem>> -> memref<16x128xf32, #tpu.memory_space<vmem>>
        %dma_wait3A_59 = arith.constant 9984 : i32
        %dma_wait3A_60 = arith.constant 0 : i32
        %dma_wait3A_61 = tpu.memref_slice %arg8[%arg0, %dma_wait3A_59, %dma_wait3A_60] : memref<2x10000x128xf32, #tpu.memory_space<hbm>> -> memref<1x16x128xf32, #tpu.memory_space<hbm>>
        %dma_wait3A_62 = tpu.memref_squeeze %dma_wait3A_61 : memref<1x16x128xf32, #tpu.memory_space<hbm>> -> memref<16x128xf32, #tpu.memory_space<hbm>>
        %dma_wait3A_63 = arith.constant 9984 : i32
        %dma_wait3A_64 = arith.constant 0 : i32
        %dma_wait3A_65 = tpu.memref_slice %arg8[%arg0, %dma_wait3A_63, %dma_wait3A_64] : memref<2x10000x128xf32, #tpu.memory_space<hbm>> -> memref<1x16x128xf32, #tpu.memory_space<hbm>>
        %dma_wait3A_66 = tpu.memref_squeeze %dma_wait3A_65 : memref<1x16x128xf32, #tpu.memory_space<hbm>> -> memref<16x128xf32, #tpu.memory_space<hbm>>
        %dma_wait3A_67 = arith.constant 0 : i32
        %dma_wait3A_68 = arith.constant 0 : i32
        %dma_wait3A_69 = tpu.memref_slice %arg16[%dma_wait3A_67, %dma_wait3A_68] : memref<40x128xf32, #tpu.memory_space<vmem>> -> memref<16x128xf32, #tpu.memory_space<vmem>>
        tpu.wait_dma2 semaphore(%run_scoped3A : memref<!tpu.dma_semaphore, #tpu.memory_space<semaphore_mem>>) src(%dma_wait3A_69 : memref<16x128xf32, #tpu.memory_space<vmem>>) dst(%dma_wait3A_66 : memref<16x128xf32, #tpu.memory_space<hbm>>)
        tpu.yield
      }) : () -> ()
    } else {
    }
    return
  }
}

module attributes {stable_mosaic.version = 14 : i64} {
  func.func @_proj_body(%arg0: i32, %arg1: memref<512x128xf32, #tpu.memory_space<vmem>>, %arg2: memref<128x384xf32, #tpu.memory_space<vmem>>, %arg3: memref<1x384xf32, #tpu.memory_space<vmem>>, %arg4: memref<512x384xf32, #tpu.memory_space<vmem>>) attributes {dimension_semantics = [#tpu.dimension_semantics<arbitrary>], iteration_bounds = array<i64: 20>, scalar_prefetch = 0 : i64, scratch_operands = 0 : i64, tpu.core_type = #tpu.core_type<tc>, window_params = [{transform_indices = @transform_0, window_bounds = array<i64: 512, 128>}, {pipeline_mode = #tpu.pipeline_mode<synchronous>, transform_indices = @transform_1, window_bounds = array<i64: 128, 384>}, {pipeline_mode = #tpu.pipeline_mode<synchronous>, transform_indices = @transform_2, window_bounds = array<i64: 1, 384>}, {transform_indices = @transform_3, window_bounds = array<i64: 512, 384>}]} {
    %get3A = arith.constant 0 : index
    %get3A_0 = arith.constant 0 : index
    %get3A_1 = vector.load %arg1[%get3A, %get3A_0] : memref<512x128xf32, #tpu.memory_space<vmem>>, vector<512x128xf32>
    %get3A_2 = arith.constant 0 : index
    %get3A_3 = arith.constant 0 : index
    %get3A_4 = vector.load %arg2[%get3A_2, %get3A_3] : memref<128x384xf32, #tpu.memory_space<vmem>>, vector<128x384xf32>
    %dot_general3A = arith.constant dense<0.000000e+00> : vector<512x384xf32>
    %dot_general3A_5 = tpu.matmul %get3A_1, %get3A_4, %dot_general3A {dimension_numbers = #tpu.dot_dimension_numbers<[1], [0], [0], [1], [0, 0, 1, 1], [], []>, transpose_lhs_hint = false} : vector<512x128xf32>, vector<128x384xf32>, vector<512x384xf32> -> vector<512x384xf32>
    %get3A_6 = arith.constant 0 : index
    %get3A_7 = arith.constant 0 : index
    %get3A_8 = vector.load %arg3[%get3A_6, %get3A_7] : memref<1x384xf32, #tpu.memory_space<vmem>>, vector<1x384xf32>
    %add3A = vector.broadcast %get3A_8 : vector<1x384xf32> to vector<512x384xf32>
    %add3A_9 = arith.addf %dot_general3A_5, %add3A : vector<512x384xf32>
    %swap3A = arith.constant 0 : index
    %swap3A_10 = arith.constant 0 : index
    %swap3A_11 = vector.load %arg4[%swap3A, %swap3A_10] : memref<512x384xf32, #tpu.memory_space<vmem>>, vector<512x384xf32>
    tpu.vector_store %arg4[%swap3A, %swap3A_10], %add3A_9 {strides = array<i32>} : memref<512x384xf32, #tpu.memory_space<vmem>>, vector<512x384xf32>,
    return
  }
  func.func @transform_0(%arg0: i32) -> (i32, i32) {
    %c0_i32 = arith.constant 0 : i32
    %c0_i32_0 = arith.constant 0 : i32
    return %arg0, %c0_i32 : i32, i32
  }
  func.func @transform_1(%arg0: i32) -> (i32, i32) {
    %c0_i32 = arith.constant 0 : i32
    %c0_i32_0 = arith.constant 0 : i32
    %c0_i32_1 = arith.constant 0 : i32
    return %c0_i32, %c0_i32_0 : i32, i32
  }
  func.func @transform_2(%arg0: i32) -> (i32, i32) {
    %c0_i32 = arith.constant 0 : i32
    %c0_i32_0 = arith.constant 0 : i32
    %c0_i32_1 = arith.constant 0 : i32
    return %c0_i32, %c0_i32_0 : i32, i32
  }
  func.func @transform_3(%arg0: i32) -> (i32, i32) {
    %c0_i32 = arith.constant 0 : i32
    %c0_i32_0 = arith.constant 0 : i32
    return %arg0, %c0_i32 : i32, i32
  }
}

module attributes {stable_mosaic.version = 14 : i64} {
  func.func @_mlp2_body(%arg0: i32, %arg1: memref<512x128xf32, #tpu.memory_space<vmem>>, %arg2: memref<128x128xf32, #tpu.memory_space<vmem>>, %arg3: memref<1x128xf32, #tpu.memory_space<vmem>>, %arg4: memref<128x128xf32, #tpu.memory_space<vmem>>, %arg5: memref<1x128xf32, #tpu.memory_space<vmem>>, %arg6: memref<512x128xf32, #tpu.memory_space<vmem>>) attributes {dimension_semantics = [#tpu.dimension_semantics<arbitrary>], iteration_bounds = array<i64: 20>, scalar_prefetch = 0 : i64, scratch_operands = 0 : i64, tpu.core_type = #tpu.core_type<tc>, window_params = [{transform_indices = @transform_0, window_bounds = array<i64: 512, 128>}, {pipeline_mode = #tpu.pipeline_mode<synchronous>, transform_indices = @transform_1, window_bounds = array<i64: 128, 128>}, {pipeline_mode = #tpu.pipeline_mode<synchronous>, transform_indices = @transform_2, window_bounds = array<i64: 1, 128>}, {pipeline_mode = #tpu.pipeline_mode<synchronous>, transform_indices = @transform_3, window_bounds = array<i64: 128, 128>}, {pipeline_mode = #tpu.pipeline_mode<synchronous>, transform_indices = @transform_4, window_bounds = array<i64: 1, 128>}, {transform_indices = @transform_5, window_bounds = array<i64: 512, 128>}]} {
    %get3A = arith.constant 0 : index
    %get3A_0 = arith.constant 0 : index
    %get3A_1 = vector.load %arg1[%get3A, %get3A_0] : memref<512x128xf32, #tpu.memory_space<vmem>>, vector<512x128xf32>
    %get3A_2 = arith.constant 0 : index
    %get3A_3 = arith.constant 0 : index
    %get3A_4 = vector.load %arg2[%get3A_2, %get3A_3] : memref<128x128xf32, #tpu.memory_space<vmem>>, vector<128x128xf32>
    %dot_general3A = arith.constant dense<0.000000e+00> : vector<512x128xf32>
    %dot_general3A_5 = tpu.matmul %get3A_1, %get3A_4, %dot_general3A {dimension_numbers = #tpu.dot_dimension_numbers<[1], [0], [0], [1], [0, 0, 1, 1], [], []>, transpose_lhs_hint = false} : vector<512x128xf32>, vector<128x128xf32>, vector<512x128xf32> -> vector<512x128xf32>
    %get3A_6 = arith.constant 0 : index
    %get3A_7 = arith.constant 0 : index
    %get3A_8 = vector.load %arg3[%get3A_6, %get3A_7] : memref<1x128xf32, #tpu.memory_space<vmem>>, vector<1x128xf32>
    %add3A = vector.broadcast %get3A_8 : vector<1x128xf32> to vector<512x128xf32>
    %add3A_9 = arith.addf %dot_general3A_5, %add3A : vector<512x128xf32>
    %max3A = arith.constant 0.000000e+00 : f32
    %max3A_10 = vector.broadcast %max3A : f32 to vector<512x128xf32>
    %max3A_11 = arith.maximumf %add3A_9, %max3A_10 : vector<512x128xf32>
    %get3A_12 = arith.constant 0 : index
    %get3A_13 = arith.constant 0 : index
    %get3A_14 = vector.load %arg4[%get3A_12, %get3A_13] : memref<128x128xf32, #tpu.memory_space<vmem>>, vector<128x128xf32>
    %dot_general3A_15 = arith.constant dense<0.000000e+00> : vector<512x128xf32>
    %dot_general3A_16 = tpu.matmul %max3A_11, %get3A_14, %dot_general3A_15 {dimension_numbers = #tpu.dot_dimension_numbers<[1], [0], [0], [1], [0, 0, 1, 1], [], []>, transpose_lhs_hint = false} : vector<512x128xf32>, vector<128x128xf32>, vector<512x128xf32> -> vector<512x128xf32>
    %get3A_17 = arith.constant 0 : index
    %get3A_18 = arith.constant 0 : index
    %get3A_19 = vector.load %arg5[%get3A_17, %get3A_18] : memref<1x128xf32, #tpu.memory_space<vmem>>, vector<1x128xf32>
    %add3A_20 = vector.broadcast %get3A_19 : vector<1x128xf32> to vector<512x128xf32>
    %add3A_21 = arith.addf %dot_general3A_16, %add3A_20 : vector<512x128xf32>
    %swap3A = arith.constant 0 : index
    %swap3A_22 = arith.constant 0 : index
    %swap3A_23 = vector.load %arg6[%swap3A, %swap3A_22] : memref<512x128xf32, #tpu.memory_space<vmem>>, vector<512x128xf32>
    tpu.vector_store %arg6[%swap3A, %swap3A_22], %add3A_21 {strides = array<i32>} : memref<512x128xf32, #tpu.memory_space<vmem>>, vector<512x128xf32>,
    return
  }
  func.func @transform_0(%arg0: i32) -> (i32, i32) {
    %c0_i32 = arith.constant 0 : i32
    %c0_i32_0 = arith.constant 0 : i32
    return %arg0, %c0_i32 : i32, i32
  }
  func.func @transform_1(%arg0: i32) -> (i32, i32) {
    %c0_i32 = arith.constant 0 : i32
    %c0_i32_0 = arith.constant 0 : i32
    %c0_i32_1 = arith.constant 0 : i32
    return %c0_i32, %c0_i32_0 : i32, i32
  }
  func.func @transform_2(%arg0: i32) -> (i32, i32) {
    %c0_i32 = arith.constant 0 : i32
    %c0_i32_0 = arith.constant 0 : i32
    %c0_i32_1 = arith.constant 0 : i32
    return %c0_i32, %c0_i32_0 : i32, i32
  }
  func.func @transform_3(%arg0: i32) -> (i32, i32) {
    %c0_i32 = arith.constant 0 : i32
    %c0_i32_0 = arith.constant 0 : i32
    %c0_i32_1 = arith.constant 0 : i32
    return %c0_i32, %c0_i32_0 : i32, i32
  }
  func.func @transform_4(%arg0: i32) -> (i32, i32) {
    %c0_i32 = arith.constant 0 : i32
    %c0_i32_0 = arith.constant 0 : i32
    %c0_i32_1 = arith.constant 0 : i32
    return %c0_i32, %c0_i32_0 : i32, i32
  }
  func.func @transform_5(%arg0: i32) -> (i32, i32) {
    %c0_i32 = arith.constant 0 : i32
    %c0_i32_0 = arith.constant 0 : i32
    return %arg0, %c0_i32 : i32, i32
  }
}

module attributes {stable_mosaic.version = 14 : i64} {
  func.func @_edge_body(%arg0: i32, %arg1: memref<512x128xf32, #tpu.memory_space<vmem>>, %arg2: memref<512x1xf32, #tpu.memory_space<vmem>>, %arg3: memref<128x128xf32, #tpu.memory_space<vmem>>, %arg4: memref<1x128xf32, #tpu.memory_space<vmem>>, %arg5: memref<128x128xf32, #tpu.memory_space<vmem>>, %arg6: memref<1x128xf32, #tpu.memory_space<vmem>>, %arg7: memref<128x512xf32, #tpu.memory_space<vmem>>, %arg8: memref<128x512xf32, #tpu.memory_space<vmem>>, %arg9: memref<1x128xf32, #tpu.memory_space<vmem>>, %arg10: memref<1x128xf32, #tpu.memory_space<vmem>>, %arg11: memref<512x256xf32, #tpu.memory_space<vmem>>, %arg12: memref<512x256xf32, #tpu.memory_space<vmem>>) attributes {dimension_semantics = [#tpu.dimension_semantics<arbitrary>], iteration_bounds = array<i64: 625>, scalar_prefetch = 0 : i64, scratch_operands = 0 : i64, tpu.core_type = #tpu.core_type<tc>, window_params = [{transform_indices = @transform_0, window_bounds = array<i64: 512, 128>}, {transform_indices = @transform_1, window_bounds = array<i64: 512, 1>}, {pipeline_mode = #tpu.pipeline_mode<synchronous>, transform_indices = @transform_2, window_bounds = array<i64: 128, 128>}, {pipeline_mode = #tpu.pipeline_mode<synchronous>, transform_indices = @transform_3, window_bounds = array<i64: 1, 128>}, {pipeline_mode = #tpu.pipeline_mode<synchronous>, transform_indices = @transform_4, window_bounds = array<i64: 128, 128>}, {pipeline_mode = #tpu.pipeline_mode<synchronous>, transform_indices = @transform_5, window_bounds = array<i64: 1, 128>}, {pipeline_mode = #tpu.pipeline_mode<synchronous>, transform_indices = @transform_6, window_bounds = array<i64: 128, 512>}, {pipeline_mode = #tpu.pipeline_mode<synchronous>, transform_indices = @transform_7, window_bounds = array<i64: 128, 512>}, {pipeline_mode = #tpu.pipeline_mode<synchronous>, transform_indices = @transform_8, window_bounds = array<i64: 1, 128>}, {pipeline_mode = #tpu.pipeline_mode<synchronous>, transform_indices = @transform_9, window_bounds = array<i64: 1, 128>}, {transform_indices = @transform_10, window_bounds = array<i64: 512, 256>}, {transform_indices = @transform_11, window_bounds = array<i64: 512, 256>}]} {
    %get3A = arith.constant 0 : index
    %get3A_0 = arith.constant 0 : index
    %get3A_1 = vector.load %arg1[%get3A, %get3A_0] : memref<512x128xf32, #tpu.memory_space<vmem>>, vector<512x128xf32>
    %get3A_2 = arith.constant 0 : index
    %get3A_3 = arith.constant 0 : index
    %get3A_4 = vector.load %arg3[%get3A_2, %get3A_3] : memref<128x128xf32, #tpu.memory_space<vmem>>, vector<128x128xf32>
    %dot_general3A = arith.constant dense<0.000000e+00> : vector<512x128xf32>
    %dot_general3A_5 = tpu.matmul %get3A_1, %get3A_4, %dot_general3A {dimension_numbers = #tpu.dot_dimension_numbers<[1], [0], [0], [1], [0, 0, 1, 1], [], []>, transpose_lhs_hint = false} : vector<512x128xf32>, vector<128x128xf32>, vector<512x128xf32> -> vector<512x128xf32>
    %get3A_6 = arith.constant 0 : index
    %get3A_7 = arith.constant 0 : index
    %get3A_8 = vector.load %arg4[%get3A_6, %get3A_7] : memref<1x128xf32, #tpu.memory_space<vmem>>, vector<1x128xf32>
    %add3A = vector.broadcast %get3A_8 : vector<1x128xf32> to vector<512x128xf32>
    %add3A_9 = arith.addf %dot_general3A_5, %add3A : vector<512x128xf32>
    %max3A = arith.constant 0.000000e+00 : f32
    %max3A_10 = vector.broadcast %max3A : f32 to vector<512x128xf32>
    %max3A_11 = arith.maximumf %add3A_9, %max3A_10 : vector<512x128xf32>
    %get3A_12 = arith.constant 0 : index
    %get3A_13 = arith.constant 0 : index
    %get3A_14 = vector.load %arg5[%get3A_12, %get3A_13] : memref<128x128xf32, #tpu.memory_space<vmem>>, vector<128x128xf32>
    %dot_general3A_15 = arith.constant dense<0.000000e+00> : vector<512x128xf32>
    %dot_general3A_16 = tpu.matmul %max3A_11, %get3A_14, %dot_general3A_15 {dimension_numbers = #tpu.dot_dimension_numbers<[1], [0], [0], [1], [0, 0, 1, 1], [], []>, transpose_lhs_hint = false} : vector<512x128xf32>, vector<128x128xf32>, vector<512x128xf32> -> vector<512x128xf32>
    %get3A_17 = arith.constant 0 : index
    %get3A_18 = arith.constant 0 : index
    %get3A_19 = vector.load %arg6[%get3A_17, %get3A_18] : memref<1x128xf32, #tpu.memory_space<vmem>>, vector<1x128xf32>
    %add3A_20 = vector.broadcast %get3A_19 : vector<1x128xf32> to vector<512x128xf32>
    %add3A_21 = arith.addf %dot_general3A_16, %add3A_20 : vector<512x128xf32>
    %get3A_22 = arith.constant 0 : index
    %get3A_23 = arith.constant 0 : index
    %get3A_24 = vector.load %arg2[%get3A_22, %get3A_23] : memref<512x1xf32, #tpu.memory_space<vmem>>, vector<512x1xf32>
    %get3A_25 = arith.constant 0 : index
    %get3A_26 = arith.constant 0 : index
    %get3A_27 = vector.load %arg9[%get3A_25, %get3A_26] : memref<1x128xf32, #tpu.memory_space<vmem>>, vector<1x128xf32>
    %mul3A = vector.broadcast %get3A_24 : vector<512x1xf32> to vector<512x128xf32>
    %mul3A_28 = vector.broadcast %get3A_27 : vector<1x128xf32> to vector<512x128xf32>
    %mul3A_29 = arith.mulf %mul3A, %mul3A_28 : vector<512x128xf32>
    %get3A_30 = arith.constant 0 : index
    %get3A_31 = arith.constant 0 : index
    %get3A_32 = vector.load %arg10[%get3A_30, %get3A_31] : memref<1x128xf32, #tpu.memory_space<vmem>>, vector<1x128xf32>
    %add3A_33 = vector.broadcast %get3A_32 : vector<1x128xf32> to vector<512x128xf32>
    %add3A_34 = arith.addf %mul3A_29, %add3A_33 : vector<512x128xf32>
    %cos3A = math.cos %add3A_34 : vector<512x128xf32>
    %get3A_35 = arith.constant 0 : index
    %get3A_36 = arith.constant 0 : index
    %get3A_37 = vector.load %arg7[%get3A_35, %get3A_36] : memref<128x512xf32, #tpu.memory_space<vmem>>, vector<128x512xf32>
    %dot_general3A_38 = arith.constant dense<0.000000e+00> : vector<512x512xf32>
    %dot_general3A_39 = tpu.matmul %add3A_21, %get3A_37, %dot_general3A_38 {dimension_numbers = #tpu.dot_dimension_numbers<[1], [0], [0], [1], [0, 0, 1, 1], [], []>, transpose_lhs_hint = false} : vector<512x128xf32>, vector<128x512xf32>, vector<512x512xf32> -> vector<512x512xf32>
    %get3A_40 = arith.constant 0 : index
    %get3A_41 = arith.constant 0 : index
    %get3A_42 = vector.load %arg8[%get3A_40, %get3A_41] : memref<128x512xf32, #tpu.memory_space<vmem>>, vector<128x512xf32>
    %dot_general3A_43 = arith.constant dense<0.000000e+00> : vector<512x512xf32>
    %dot_general3A_44 = tpu.matmul %cos3A, %get3A_42, %dot_general3A_43 {dimension_numbers = #tpu.dot_dimension_numbers<[1], [0], [0], [1], [0, 0, 1, 1], [], []>, transpose_lhs_hint = false} : vector<512x128xf32>, vector<128x512xf32>, vector<512x512xf32> -> vector<512x512xf32>
    %add3A_45 = arith.addf %dot_general3A_39, %dot_general3A_44 : vector<512x512xf32>
    %slice3A = vector.extract_strided_slice %add3A_45 {offsets = [0, 0], sizes = [512, 256], strides = [1, 1]} : vector<512x512xf32> to vector<512x256xf32>
    %swap3A = arith.constant 0 : index
    %swap3A_46 = arith.constant 0 : index
    %swap3A_47 = vector.load %arg11[%swap3A, %swap3A_46] : memref<512x256xf32, #tpu.memory_space<vmem>>, vector<512x256xf32>
    tpu.vector_store %arg11[%swap3A, %swap3A_46], %slice3A {strides = array<i32>} : memref<512x256xf32, #tpu.memory_space<vmem>>, vector<512x256xf32>,
    %slice3A_48 = vector.extract_strided_slice %add3A_45 {offsets = [0, 256], sizes = [512, 256], strides = [1, 1]} : vector<512x512xf32> to vector<512x256xf32>
    %swap3A_49 = arith.constant 0 : index
    %swap3A_50 = arith.constant 0 : index
    %swap3A_51 = vector.load %arg12[%swap3A_49, %swap3A_50] : memref<512x256xf32, #tpu.memory_space<vmem>>, vector<512x256xf32>
    tpu.vector_store %arg12[%swap3A_49, %swap3A_50], %slice3A_48 {strides = array<i32>} : memref<512x256xf32, #tpu.memory_space<vmem>>, vector<512x256xf32>,
    return
  }
  func.func @transform_0(%arg0: i32) -> (i32, i32) {
    %c0_i32 = arith.constant 0 : i32
    %c0_i32_0 = arith.constant 0 : i32
    return %arg0, %c0_i32 : i32, i32
  }
  func.func @transform_1(%arg0: i32) -> (i32, i32) {
    %c0_i32 = arith.constant 0 : i32
    %c0_i32_0 = arith.constant 0 : i32
    return %arg0, %c0_i32 : i32, i32
  }
  func.func @transform_2(%arg0: i32) -> (i32, i32) {
    %c0_i32 = arith.constant 0 : i32
    %c0_i32_0 = arith.constant 0 : i32
    %c0_i32_1 = arith.constant 0 : i32
    return %c0_i32, %c0_i32_0 : i32, i32
  }
  func.func @transform_3(%arg0: i32) -> (i32, i32) {
    %c0_i32 = arith.constant 0 : i32
    %c0_i32_0 = arith.constant 0 : i32
    %c0_i32_1 = arith.constant 0 : i32
    return %c0_i32, %c0_i32_0 : i32, i32
  }
  func.func @transform_4(%arg0: i32) -> (i32, i32) {
    %c0_i32 = arith.constant 0 : i32
    %c0_i32_0 = arith.constant 0 : i32
    %c0_i32_1 = arith.constant 0 : i32
    return %c0_i32, %c0_i32_0 : i32, i32
  }
  func.func @transform_5(%arg0: i32) -> (i32, i32) {
    %c0_i32 = arith.constant 0 : i32
    %c0_i32_0 = arith.constant 0 : i32
    %c0_i32_1 = arith.constant 0 : i32
    return %c0_i32, %c0_i32_0 : i32, i32
  }
  func.func @transform_6(%arg0: i32) -> (i32, i32) {
    %c0_i32 = arith.constant 0 : i32
    %c0_i32_0 = arith.constant 0 : i32
    %c0_i32_1 = arith.constant 0 : i32
    return %c0_i32, %c0_i32_0 : i32, i32
  }
  func.func @transform_7(%arg0: i32) -> (i32, i32) {
    %c0_i32 = arith.constant 0 : i32
    %c0_i32_0 = arith.constant 0 : i32
    %c0_i32_1 = arith.constant 0 : i32
    return %c0_i32, %c0_i32_0 : i32, i32
  }
  func.func @transform_8(%arg0: i32) -> (i32, i32) {
    %c0_i32 = arith.constant 0 : i32
    %c0_i32_0 = arith.constant 0 : i32
    %c0_i32_1 = arith.constant 0 : i32
    return %c0_i32, %c0_i32_0 : i32, i32
  }
  func.func @transform_9(%arg0: i32) -> (i32, i32) {
    %c0_i32 = arith.constant 0 : i32
    %c0_i32_0 = arith.constant 0 : i32
    %c0_i32_1 = arith.constant 0 : i32
    return %c0_i32, %c0_i32_0 : i32, i32
  }
  func.func @transform_10(%arg0: i32) -> (i32, i32) {
    %c0_i32 = arith.constant 0 : i32
    %c0_i32_0 = arith.constant 0 : i32
    return %arg0, %c0_i32 : i32, i32
  }
  func.func @transform_11(%arg0: i32) -> (i32, i32) {
    %c0_i32 = arith.constant 0 : i32
    %c0_i32_0 = arith.constant 0 : i32
    return %arg0, %c0_i32 : i32, i32
  }
}

module attributes {stable_mosaic.version = 14 : i64} {
  func.func @_upd_body(%arg0: i32, %arg1: memref<1x512x128xf32, #tpu.memory_space<vmem>>, %arg2: memref<1x512x128xf32, #tpu.memory_space<vmem>>, %arg3: memref<1x512x128xf32, #tpu.memory_space<vmem>>, %arg4: memref<1x512x128xf32, #tpu.memory_space<vmem>>, %arg5: memref<512x128xf32, #tpu.memory_space<vmem>>, %arg6: memref<128x128xf32, #tpu.memory_space<vmem>>, %arg7: memref<128x128xf32, #tpu.memory_space<vmem>>, %arg8: memref<1x128xf32, #tpu.memory_space<vmem>>, %arg9: memref<128x128xf32, #tpu.memory_space<vmem>>, %arg10: memref<1x128xf32, #tpu.memory_space<vmem>>, %arg11: memref<512x128xf32, #tpu.memory_space<vmem>>) attributes {dimension_semantics = [#tpu.dimension_semantics<arbitrary>], iteration_bounds = array<i64: 20>, scalar_prefetch = 0 : i64, scratch_operands = 0 : i64, tpu.core_type = #tpu.core_type<tc>, window_params = [{transform_indices = @transform_0, window_bounds = array<i64: 1, 512, 128>}, {transform_indices = @transform_1, window_bounds = array<i64: 1, 512, 128>}, {transform_indices = @transform_2, window_bounds = array<i64: 1, 512, 128>}, {transform_indices = @transform_3, window_bounds = array<i64: 1, 512, 128>}, {transform_indices = @transform_4, window_bounds = array<i64: 512, 128>}, {pipeline_mode = #tpu.pipeline_mode<synchronous>, transform_indices = @transform_5, window_bounds = array<i64: 128, 128>}, {pipeline_mode = #tpu.pipeline_mode<synchronous>, transform_indices = @transform_6, window_bounds = array<i64: 128, 128>}, {pipeline_mode = #tpu.pipeline_mode<synchronous>, transform_indices = @transform_7, window_bounds = array<i64: 1, 128>}, {pipeline_mode = #tpu.pipeline_mode<synchronous>, transform_indices = @transform_8, window_bounds = array<i64: 128, 128>}, {pipeline_mode = #tpu.pipeline_mode<synchronous>, transform_indices = @transform_9, window_bounds = array<i64: 1, 128>}, {transform_indices = @transform_10, window_bounds = array<i64: 512, 128>}]} {
    %get3A = arith.constant 0 : index
    %get3A_0 = arith.constant 0 : index
    %get3A_1 = arith.constant 0 : index
    %get3A_2 = vector.load %arg3[%get3A, %get3A_0, %get3A_1] : memref<1x512x128xf32, #tpu.memory_space<vmem>>, vector<1x512x128xf32>
    %get3A_3 = vector.shape_cast %get3A_2 : vector<1x512x128xf32> to vector<512x128xf32>
    %get3A_4 = arith.constant 0 : index
    %get3A_5 = arith.constant 0 : index
    %get3A_6 = arith.constant 0 : index
    %get3A_7 = vector.load %arg4[%get3A_4, %get3A_5, %get3A_6] : memref<1x512x128xf32, #tpu.memory_space<vmem>>, vector<1x512x128xf32>
    %get3A_8 = vector.shape_cast %get3A_7 : vector<1x512x128xf32> to vector<512x128xf32>
    %add3A = arith.addf %get3A_3, %get3A_8 : vector<512x128xf32>
    %slice3A = vector.extract_strided_slice %add3A {offsets = [0, 0], sizes = [512, 1], strides = [1, 1]} : vector<512x128xf32> to vector<512x1xf32>
    %broadcast_in_dim3A = vector.shape_cast %slice3A : vector<512x1xf32> to vector<512x1xf32>
    %broadcast_in_dim3A_9 = vector.broadcast %broadcast_in_dim3A : vector<512x1xf32> to vector<512x64xf32>
    %slice3A_10 = vector.extract_strided_slice %add3A {offsets = [0, 1], sizes = [512, 1], strides = [1, 1]} : vector<512x128xf32> to vector<512x1xf32>
    %broadcast_in_dim3A_11 = vector.shape_cast %slice3A_10 : vector<512x1xf32> to vector<512x1xf32>
    %broadcast_in_dim3A_12 = vector.broadcast %broadcast_in_dim3A_11 : vector<512x1xf32> to vector<512x64xf32>
    %concatenate3A = tpu.concatenate %broadcast_in_dim3A_9, %broadcast_in_dim3A_12 in 1 : vector<512x64xf32>, vector<512x64xf32> -> vector<512x128xf32>
    %add3A_13 = arith.constant 1.000000e-10 : f32
    %add3A_14 = vector.broadcast %add3A_13 : f32 to vector<512x128xf32>
    %add3A_15 = arith.addf %concatenate3A, %add3A_14 : vector<512x128xf32>
    %get3A_16 = arith.constant 0 : index
    %get3A_17 = arith.constant 0 : index
    %get3A_18 = arith.constant 0 : index
    %get3A_19 = vector.load %arg1[%get3A_16, %get3A_17, %get3A_18] : memref<1x512x128xf32, #tpu.memory_space<vmem>>, vector<1x512x128xf32>
    %get3A_20 = vector.shape_cast %get3A_19 : vector<1x512x128xf32> to vector<512x128xf32>
    %get3A_21 = arith.constant 0 : index
    %get3A_22 = arith.constant 0 : index
    %get3A_23 = arith.constant 0 : index
    %get3A_24 = vector.load %arg2[%get3A_21, %get3A_22, %get3A_23] : memref<1x512x128xf32, #tpu.memory_space<vmem>>, vector<1x512x128xf32>
    %get3A_25 = vector.shape_cast %get3A_24 : vector<1x512x128xf32> to vector<512x128xf32>
    %add3A_26 = arith.addf %get3A_20, %get3A_25 : vector<512x128xf32>
    %div3A = arith.divf %add3A_26, %add3A_15 : vector<512x128xf32>
    %get3A_27 = arith.constant 0 : index
    %get3A_28 = arith.constant 0 : index
    %get3A_29 = vector.load %arg6[%get3A_27, %get3A_28] : memref<128x128xf32, #tpu.memory_space<vmem>>, vector<128x128xf32>
    %dot_general3A = arith.constant dense<0.000000e+00> : vector<512x128xf32>
    %dot_general3A_30 = tpu.matmul %div3A, %get3A_29, %dot_general3A {dimension_numbers = #tpu.dot_dimension_numbers<[1], [0], [0], [1], [0, 0, 1, 1], [], []>, transpose_lhs_hint = false} : vector<512x128xf32>, vector<128x128xf32>, vector<512x128xf32> -> vector<512x128xf32>
    %get3A_31 = arith.constant 0 : index
    %get3A_32 = arith.constant 0 : index
    %get3A_33 = vector.load %arg5[%get3A_31, %get3A_32] : memref<512x128xf32, #tpu.memory_space<vmem>>, vector<512x128xf32>
    %get3A_34 = arith.constant 0 : index
    %get3A_35 = arith.constant 0 : index
    %get3A_36 = vector.load %arg7[%get3A_34, %get3A_35] : memref<128x128xf32, #tpu.memory_space<vmem>>, vector<128x128xf32>
    %dot_general3A_37 = arith.constant dense<0.000000e+00> : vector<512x128xf32>
    %dot_general3A_38 = tpu.matmul %get3A_33, %get3A_36, %dot_general3A_37 {dimension_numbers = #tpu.dot_dimension_numbers<[1], [0], [0], [1], [0, 0, 1, 1], [], []>, transpose_lhs_hint = false} : vector<512x128xf32>, vector<128x128xf32>, vector<512x128xf32> -> vector<512x128xf32>
    %add3A_39 = arith.addf %dot_general3A_30, %dot_general3A_38 : vector<512x128xf32>
    %get3A_40 = arith.constant 0 : index
    %get3A_41 = arith.constant 0 : index
    %get3A_42 = vector.load %arg8[%get3A_40, %get3A_41] : memref<1x128xf32, #tpu.memory_space<vmem>>, vector<1x128xf32>
    %add3A_43 = vector.broadcast %get3A_42 : vector<1x128xf32> to vector<512x128xf32>
    %add3A_44 = arith.addf %add3A_39, %add3A_43 : vector<512x128xf32>
    %max3A = arith.constant 0.000000e+00 : f32
    %max3A_45 = vector.broadcast %max3A : f32 to vector<512x128xf32>
    %max3A_46 = arith.maximumf %add3A_44, %max3A_45 : vector<512x128xf32>
    %get3A_47 = arith.constant 0 : index
    %get3A_48 = arith.constant 0 : index
    %get3A_49 = vector.load %arg9[%get3A_47, %get3A_48] : memref<128x128xf32, #tpu.memory_space<vmem>>, vector<128x128xf32>
    %dot_general3A_50 = arith.constant dense<0.000000e+00> : vector<512x128xf32>
    %dot_general3A_51 = tpu.matmul %max3A_46, %get3A_49, %dot_general3A_50 {dimension_numbers = #tpu.dot_dimension_numbers<[1], [0], [0], [1], [0, 0, 1, 1], [], []>, transpose_lhs_hint = false} : vector<512x128xf32>, vector<128x128xf32>, vector<512x128xf32> -> vector<512x128xf32>
    %get3A_52 = arith.constant 0 : index
    %get3A_53 = arith.constant 0 : index
    %get3A_54 = vector.load %arg10[%get3A_52, %get3A_53] : memref<1x128xf32, #tpu.memory_space<vmem>>, vector<1x128xf32>
    %add3A_55 = vector.broadcast %get3A_54 : vector<1x128xf32> to vector<512x128xf32>
    %add3A_56 = arith.addf %dot_general3A_51, %add3A_55 : vector<512x128xf32>
    %swap3A = arith.constant 0 : index
    %swap3A_57 = arith.constant 0 : index
    %swap3A_58 = vector.load %arg11[%swap3A, %swap3A_57] : memref<512x128xf32, #tpu.memory_space<vmem>>, vector<512x128xf32>
    tpu.vector_store %arg11[%swap3A, %swap3A_57], %add3A_56 {strides = array<i32>} : memref<512x128xf32, #tpu.memory_space<vmem>>, vector<512x128xf32>,
    return
  }
  func.func @transform_0(%arg0: i32) -> (i32, i32, i32) {
    %c0_i32 = arith.constant 0 : i32
    %c0_i32_0 = arith.constant 0 : i32
    %c0_i32_1 = arith.constant 0 : i32
    return %c0_i32, %arg0, %c0_i32_0 : i32, i32, i32
  }
  func.func @transform_1(%arg0: i32) -> (i32, i32, i32) {
    %c1_i32 = arith.constant 1 : i32
    %c0_i32 = arith.constant 0 : i32
    %c0_i32_0 = arith.constant 0 : i32
    return %c1_i32, %arg0, %c0_i32 : i32, i32, i32
  }
  func.func @transform_2(%arg0: i32) -> (i32, i32, i32) {
    %c0_i32 = arith.constant 0 : i32
    %c0_i32_0 = arith.constant 0 : i32
    %c0_i32_1 = arith.constant 0 : i32
    return %c0_i32, %arg0, %c0_i32_0 : i32, i32, i32
  }
  func.func @transform_3(%arg0: i32) -> (i32, i32, i32) {
    %c1_i32 = arith.constant 1 : i32
    %c0_i32 = arith.constant 0 : i32
    %c0_i32_0 = arith.constant 0 : i32
    return %c1_i32, %arg0, %c0_i32 : i32, i32, i32
  }
  func.func @transform_4(%arg0: i32) -> (i32, i32) {
    %c0_i32 = arith.constant 0 : i32
    %c0_i32_0 = arith.constant 0 : i32
    return %arg0, %c0_i32 : i32, i32
  }
  func.func @transform_5(%arg0: i32) -> (i32, i32) {
    %c0_i32 = arith.constant 0 : i32
    %c0_i32_0 = arith.constant 0 : i32
    %c0_i32_1 = arith.constant 0 : i32
    return %c0_i32, %c0_i32_0 : i32, i32
  }
  func.func @transform_6(%arg0: i32) -> (i32, i32) {
    %c0_i32 = arith.constant 0 : i32
    %c0_i32_0 = arith.constant 0 : i32
    %c0_i32_1 = arith.constant 0 : i32
    return %c0_i32, %c0_i32_0 : i32, i32
  }
  func.func @transform_7(%arg0: i32) -> (i32, i32) {
    %c0_i32 = arith.constant 0 : i32
    %c0_i32_0 = arith.constant 0 : i32
    %c0_i32_1 = arith.constant 0 : i32
    return %c0_i32, %c0_i32_0 : i32, i32
  }
  func.func @transform_8(%arg0: i32) -> (i32, i32) {
    %c0_i32 = arith.constant 0 : i32
    %c0_i32_0 = arith.constant 0 : i32
    %c0_i32_1 = arith.constant 0 : i32
    return %c0_i32, %c0_i32_0 : i32, i32
  }
  func.func @transform_9(%arg0: i32) -> (i32, i32) {
    %c0_i32 = arith.constant 0 : i32
    %c0_i32_0 = arith.constant 0 : i32
    %c0_i32_1 = arith.constant 0 : i32
    return %c0_i32, %c0_i32_0 : i32, i32
  }
  func.func @transform_10(%arg0: i32) -> (i32, i32) {
    %c0_i32 = arith.constant 0 : i32
    %c0_i32_0 = arith.constant 0 : i32
    return %arg0, %c0_i32 : i32, i32
  }
}

module attributes {stable_mosaic.version = 14 : i64} {
  func.func @_mlp2_body(%arg0: i32, %arg1: memref<1024x128xf32, #tpu.memory_space<vmem>>, %arg2: memref<128x128xf32, #tpu.memory_space<vmem>>, %arg3: memref<1x128xf32, #tpu.memory_space<vmem>>, %arg4: memref<128x1xf32, #tpu.memory_space<vmem>>, %arg5: memref<1x1xf32, #tpu.memory_space<vmem>>, %arg6: memref<1024x1xf32, #tpu.memory_space<vmem>>) attributes {dimension_semantics = [#tpu.dimension_semantics<arbitrary>], iteration_bounds = array<i64: 1>, scalar_prefetch = 0 : i64, scratch_operands = 0 : i64, tpu.core_type = #tpu.core_type<tc>, window_params = [{transform_indices = @transform_0, window_bounds = array<i64: 1024, 128>}, {pipeline_mode = #tpu.pipeline_mode<synchronous>, transform_indices = @transform_1, window_bounds = array<i64: 128, 128>}, {pipeline_mode = #tpu.pipeline_mode<synchronous>, transform_indices = @transform_2, window_bounds = array<i64: 1, 128>}, {pipeline_mode = #tpu.pipeline_mode<synchronous>, transform_indices = @transform_3, window_bounds = array<i64: 128, 1>}, {pipeline_mode = #tpu.pipeline_mode<synchronous>, transform_indices = @transform_4, window_bounds = array<i64: 1, 1>}, {transform_indices = @transform_5, window_bounds = array<i64: 1024, 1>}]} {
    %get3A = arith.constant 0 : index
    %get3A_0 = arith.constant 0 : index
    %get3A_1 = vector.load %arg1[%get3A, %get3A_0] : memref<1024x128xf32, #tpu.memory_space<vmem>>, vector<1024x128xf32>
    %get3A_2 = arith.constant 0 : index
    %get3A_3 = arith.constant 0 : index
    %get3A_4 = vector.load %arg2[%get3A_2, %get3A_3] : memref<128x128xf32, #tpu.memory_space<vmem>>, vector<128x128xf32>
    %dot_general3A = arith.constant dense<0.000000e+00> : vector<1024x128xf32>
    %dot_general3A_5 = tpu.matmul %get3A_1, %get3A_4, %dot_general3A {dimension_numbers = #tpu.dot_dimension_numbers<[1], [0], [0], [1], [0, 0, 1, 1], [], []>, transpose_lhs_hint = false} : vector<1024x128xf32>, vector<128x128xf32>, vector<1024x128xf32> -> vector<1024x128xf32>
    %get3A_6 = arith.constant 0 : index
    %get3A_7 = arith.constant 0 : index
    %get3A_8 = vector.load %arg3[%get3A_6, %get3A_7] : memref<1x128xf32, #tpu.memory_space<vmem>>, vector<1x128xf32>
    %add3A = vector.broadcast %get3A_8 : vector<1x128xf32> to vector<1024x128xf32>
    %add3A_9 = arith.addf %dot_general3A_5, %add3A : vector<1024x128xf32>
    %max3A = arith.constant 0.000000e+00 : f32
    %max3A_10 = vector.broadcast %max3A : f32 to vector<1024x128xf32>
    %max3A_11 = arith.maximumf %add3A_9, %max3A_10 : vector<1024x128xf32>
    %get3A_12 = arith.constant 0 : index
    %get3A_13 = arith.constant 0 : index
    %get3A_14 = vector.load %arg4[%get3A_12, %get3A_13] : memref<128x1xf32, #tpu.memory_space<vmem>>, vector<128x1xf32>
    %dot_general3A_15 = arith.constant dense<0.000000e+00> : vector<1024x1xf32>
    %dot_general3A_16 = tpu.matmul %max3A_11, %get3A_14, %dot_general3A_15 {dimension_numbers = #tpu.dot_dimension_numbers<[1], [0], [0], [1], [0, 0, 1, 1], [], []>, transpose_lhs_hint = false} : vector<1024x128xf32>, vector<128x1xf32>, vector<1024x1xf32> -> vector<1024x1xf32>
    %get3A_17 = arith.constant 0 : index
    %get3A_18 = arith.constant 0 : index
    %get3A_19 = vector.load %arg5[%get3A_17, %get3A_18] : memref<1x1xf32, #tpu.memory_space<vmem>>, vector<1x1xf32>
    %add3A_20 = vector.broadcast %get3A_19 : vector<1x1xf32> to vector<1024x1xf32>
    %add3A_21 = arith.addf %dot_general3A_16, %add3A_20 : vector<1024x1xf32>
    %swap3A = arith.constant 0 : index
    %swap3A_22 = arith.constant 0 : index
    %swap3A_23 = vector.load %arg6[%swap3A, %swap3A_22] : memref<1024x1xf32, #tpu.memory_space<vmem>>, vector<1024x1xf32>
    tpu.vector_store %arg6[%swap3A, %swap3A_22], %add3A_21 {strides = array<i32>} : memref<1024x1xf32, #tpu.memory_space<vmem>>, vector<1024x1xf32>,
    return
  }
  func.func @transform_0(%arg0: i32) -> (i32, i32) {
    %c0_i32 = arith.constant 0 : i32
    %c0_i32_0 = arith.constant 0 : i32
    return %arg0, %c0_i32 : i32, i32
  }
  func.func @transform_1(%arg0: i32) -> (i32, i32) {
    %c0_i32 = arith.constant 0 : i32
    %c0_i32_0 = arith.constant 0 : i32
    %c0_i32_1 = arith.constant 0 : i32
    return %c0_i32, %c0_i32_0 : i32, i32
  }
  func.func @transform_2(%arg0: i32) -> (i32, i32) {
    %c0_i32 = arith.constant 0 : i32
    %c0_i32_0 = arith.constant 0 : i32
    %c0_i32_1 = arith.constant 0 : i32
    return %c0_i32, %c0_i32_0 : i32, i32
  }
  func.func @transform_3(%arg0: i32) -> (i32, i32) {
    %c0_i32 = arith.constant 0 : i32
    %c0_i32_0 = arith.constant 0 : i32
    %c0_i32_1 = arith.constant 0 : i32
    return %c0_i32, %c0_i32_0 : i32, i32
  }
  func.func @transform_4(%arg0: i32) -> (i32, i32) {
    %c0_i32 = arith.constant 0 : i32
    %c0_i32_0 = arith.constant 0 : i32
    %c0_i32_1 = arith.constant 0 : i32
    return %c0_i32, %c0_i32_0 : i32, i32
  }
  func.func @transform_5(%arg0: i32) -> (i32, i32) {
    %c0_i32 = arith.constant 0 : i32
    %c0_i32_0 = arith.constant 0 : i32
    return %arg0, %c0_i32 : i32, i32
  }
}

</mosaic_0001>

<sc_bundles>
// kernel: kernel.13.cloned.1.call-start
scs
__scs_entry_jumppad:
0x0: {  	(pc) =	sbr.rel $0x88, $3  }
0x1: {  	(tag) =	ssettag $0x0;
	lr =	simm.s32 $0x1  }
0x2: {  	[smem:$0x3F80] =	sst lr;
	_ =	strace $0xD0000000  }
0x3: {  	_ = 	snop  }
0x4: {  	_ = 	snop  }
0x5: {  	_ = 	snop  }
0x6: {  	_ = 	snop  }
0x7: {  	_ = 	snop  }
__scs_overlays_trampoline_lowered:
0x8: {  	[smem:$0x3F8F] =	sst s0  }
0x9: {  	[smem:$0x3F90] =	sst s1  }
0xa: {  	[smem:$0x3F91] =	sst s2  }
0xb: {  	[smem:$0x3F92] =	sst s3  }
0xc: {  	[smem:$0x3F93] =	sst s4  }
0xd: {  	[smem:$0x3F94] =	sst s5  }
0xe: {  	[smem:$0x3F95] =	sst s6  }
0xf: {  	[smem:$0x3F96] =	sst s7  }
0x10: {  	[smem:$0x3F97] =	sst s8  }
0x11: {  	[smem:$0x3F98] =	sst s9;
	s0 =	simm.s32 @!p0 $0x0  }
0x12: {  	s1 =	sld [smem:$0x3F7E];
	s0 =	simm.s32 @p0 $0x1  }
0x13: {  	[smem:$0x3F99] =	sst s0;
	s0 =	simm.s32 @!p1 $0x0  }
0x14: {  	s2 =	sld [smem:$0x3F7D];
	s0 =	simm.s32 @p1 $0x1  }
0x15: {  	[smem:$0x3F9A] =	sst s0;
	s0 =	simm.s32 @!p2 $0x0  }
0x16: {  	s3 =	sld [smem:$0x3FDB];
	s0 =	simm.s32 @p2 $0x1  }
0x17: {  	s4 =	simm.s32 $0x1BF5;
	[smem:$0x3F9C] =	sst s0  }
0x18: {  	s0 =	sld [smem:$0x3F7F];
	_ =	swait.ge [sflag:s4], $0x0  }
0x19: {  	s7 =	sld [smem:$0x3F80]  }
0x1a: {  	s8 =	sadd.s32 $0xFFFFE003, lr  }
0x1b: {  	s9 =	sadd.s32 $0xFFFFFEF7, lr;
	s5 =	simm.s32 $0xFFFFFFFF;
	p2 =	slt.u32 s8, $0xFFFFF086  }
0x1c: {  	p1 =	slt.u32 s9, $0xF7A;
	s5 =	simm.s32 @!p2 $0x0  }
0x1d: {  	s5 =	simm.s32 @p1 $0x1;
	p0 =	seq.s32 s7, s2  }
0x1e: {  	s7 =	smul.u32 @!p0 $0xF7A, s2;
	p2 =	seq.s32 @!p0 s5, $0x0  }
0x1f: {  	s9 =	smul.u32 $0xF7A, s1;
	s8 =	simm.s32 @!p0 $0x1BF5;
	p2 =	por !p2, p0  }
0x20: {  	[sflag:s8] =	ssyncset.s32 @!p0 $0xFFFFF086;
	s6 =	sadd.s32 @!p0 s3, s7;
	s7 =	simm.s32 @!p0 $0x108  }
0x21: {  	s3 =	sadd.s32 s3, s9;
	s6 =	sadd.s32 @!p0 $0x88, s6;
	s7 =	simm.s32 @p2 $0x1082  }
0x22: {  	[simem:s7], [sflag:s8] =	dma.local @!p0 [hbm:s6], $0xF7A  }
0x23: {  	s9 =	sor.u32 $0xD0000000, s2;
	s6 =	simm.s32 $0x108;
	_ =	swait.ge @!p0 [sflag:s8], $0x0  }
0x24: {  	s3 =	sadd.s32 $0x88, s3;
	s6 =	simm.s32 @!p1 $0x1082;
	[sflag:s4] =	ssyncset.s32 $0xFFFFF086  }
0x25: {  	[simem:s6], [sflag:s4] =	dma.local [hbm:s3], $0xF7A  }
0x26: {  	[smem:$0x3F80] =	sst s1;
	(tag) =	ssettag s2;
	_ =	strace s9  }
0x27: {  	s1 =	sld [smem:$0x3F90]  }
0x28: {  	s2 =	sld [smem:$0x3F91]  }
0x29: {  	s4 =	sld [smem:$0x3F93]  }
0x2a: {  	p0 =	seq.s32 s5, $0x0;
	s5 =	sld [smem:$0x3F94]  }
0x2b: {  	s6 =	sld [smem:$0x3F95]  }
0x2c: {  	s7 =	sld [smem:$0x3F96]  }
0x2d: {  	s3 =	simm.s32 $0x108;
	s8 =	sld [smem:$0x3F97]  }
0x2e: {  	s3 =	simm.s32 @!p0 $0x1082;
	s9 =	sld [smem:$0x3F98]  }
0x2f: {  	lr =	sadd.s32 s0, s3;
	s0 =	sld [smem:$0x3F8F]  }
0x30: {  	s3 =	sld [smem:$0x3F92]  }
0x31: {  	[smem:$0x3F9B] =	sst s10  }
0x32: {  	s10 =	sld [smem:$0x3F99];
	_ =	sdelay $0x3  }
0x33: {  	p0 =	seq.s32 s10, $0x1;
	s10 =	sld [smem:$0x3F9B];
	_ =	sdelay $0x3  }
0x34: {  	[smem:$0x3F9B] =	sst s10  }
0x35: {  	s10 =	sld [smem:$0x3F9A];
	_ =	sdelay $0x3  }
0x36: {  	p1 =	seq.s32 s10, $0x1;
	s10 =	sld [smem:$0x3F9B];
	_ =	sdelay $0x3  }
0x37: {  	[smem:$0x3F9B] =	sst s10  }
0x38: {  	s10 =	sld [smem:$0x3F9C]  }
0x39: {  	_ = 	snop;
	(pc) =	sbr.ind lr, $3  }
0x3a: {  	_ = 	snop  }
0x3b: {  	_ = 	snop  }
0x3c: {  	p2 =	seq.s32 s10, $0x1;
	s10 =	sld [smem:$0x3F9B]  }
0x3d: {  	_ =	shalt  }
0x3e: {  	_ =	shalt  }
0x3f: {  	_ =	shalt  }
0x40: {  	_ =	shalt  }
0x41: {  	_ =	shalt  }
0x42: {  	_ =	shalt  }
0x43: {  	_ =	shalt  }
0x44: {  	_ =	shalt  }
0x45: {  	_ =	shalt  }
0x46: {  	_ =	shalt  }
0x47: {  	_ =	shalt  }
0x48: {  	_ =	shalt  }
0x49: {  	_ =	shalt  }
0x4a: {  	_ =	shalt  }
0x4b: {  	_ =	shalt  }
0x4c: {  	_ =	shalt  }
0x4d: {  	_ =	shalt  }
0x4e: {  	_ =	shalt  }
0x4f: {  	_ =	shalt  }
0x50: {  	_ =	shalt  }
0x51: {  	_ =	shalt  }
0x52: {  	_ =	shalt  }
0x53: {  	_ =	shalt  }
0x54: {  	_ =	shalt  }
0x55: {  	_ =	shalt  }
0x56: {  	_ =	shalt  }
0x57: {  	_ =	shalt  }
0x58: {  	_ =	shalt  }
0x59: {  	_ =	shalt  }
0x5a: {  	_ =	shalt  }
0x5b: {  	_ =	shalt  }
0x5c: {  	_ =	shalt  }
0x5d: {  	_ =	shalt  }
0x5e: {  	_ =	shalt  }
0x5f: {  	_ =	shalt  }
0x60: {  	_ =	shalt  }
0x61: {  	_ =	shalt  }
0x62: {  	_ =	shalt  }
0x63: {  	_ =	shalt  }
0x64: {  	_ =	shalt  }
0x65: {  	_ =	shalt  }
0x66: {  	_ =	shalt  }
0x67: {  	_ =	shalt  }
0x68: {  	_ =	shalt  }
0x69: {  	_ =	shalt  }
0x6a: {  	_ =	shalt  }
0x6b: {  	_ =	shalt  }
0x6c: {  	_ =	shalt  }
0x6d: {  	_ =	shalt  }
0x6e: {  	_ =	shalt  }
0x6f: {  	_ =	shalt  }
0x70: {  	_ =	shalt  }
0x71: {  	_ =	shalt  }
0x72: {  	_ =	shalt  }
0x73: {  	_ =	shalt  }
0x74: {  	_ =	shalt  }
0x75: {  	_ =	shalt  }
0x76: {  	_ =	shalt  }
0x77: {  	_ =	shalt  }
0x78: {  	_ =	shalt  }
0x79: {  	_ =	shalt  }
0x7a: {  	_ =	shalt  }
0x7b: {  	_ =	shalt  }
0x7c: {  	_ =	shalt  }
0x7d: {  	_ =	shalt  }
0x7e: {  	_ =	shalt  }
0x7f: {  	_ =	shalt  }
0x80: {  	_ =	shalt  }
0x81: {  	_ =	shalt  }
0x82: {  	_ =	shalt  }
0x83: {  	_ =	shalt  }
0x84: {  	_ =	shalt  }
0x85: {  	_ =	shalt  }
0x86: {  	_ =	shalt  }
0x87: {  	_ =	shalt  }
.Lfunc_end0:
.L_simem_size_0:
called_computation_lowered:
.L_overlay_start_0:
0x88: {  	s2 =	sld [smem:$0x3FD9]  }
0x89: {  	s3 =	sld [smem:$0x3FFE];
	_ =	sdelay $0x1  }
0x8a: {  	s1 =	srdreg.scid  }
0x8b: {  	s0 =	sand.u32 $0x1, s1  }
0x8c: {  	s16 =	sshll.u32 s0, $0xA;
	s2 =	sadd.s32 s3, s2  }
0x8d: {  	s2 =	sadd.s32 s2, s16  }
0x8e: {  	[smem:$0x3FA7] =	sst s2  }
0x8f: {  	_ = 	snop  }
0x90: {  	(tm) =	ssettm $0x1  }
0x91: {  	s17 =	sld [smem:$0x3FFB];
	_ =	sdelay $0x3  }
0x92: {  	_ =	strace s17  }
0x93: {  	s2 =	sld [smem:$0x3FFC];
	_ =	sdelay $0x3  }
0x94: {  	_ =	strace s2  }
0x95: {  	s2 =	sld [smem:$0x3FFD];
	_ =	sdelay $0x3  }
0x96: {  	_ =	strace s2  }
0x97: {  	_ =	strace $0x8FFFFFFF  }
0x98: {  	s18 =	sld [smem:$0x3FDB];
	_ =	sdelay $0x1  }
0x99: {  	s19 =	simm.s32 $_scs_section_size  }
0x9a: {  	s4 =	simm.s32 $_size__tile_overlayer_lowered;
	s5 =	simm.s32 $_tile_overlayer_lowered  }
0x9b: {  	s22 =	simm.s32 $0x1BFF;
	s21 =	sshll.u32 s5, $0x1;
	s2 =	sadd.s32 s19, s18  }
0x9c: {  	s6 =	simm.s32 $0x0;
	s20 =	sshll.u32 s4, $0x1;
	s4 =	sadd.s32 s21, s2  }
0x9d: {  	[timem:s6], [sflag:s22] =	dma.local [hbm:s4], s20  }
0x9e: {  	_ =	swait.ge [sflag:s22], s20  }
0x9f: {  	s3 =	ssub.s32 $0x0, s20;
	[sflag:s22] =	ssyncset.done $0x0  }
0xa0: {  	[sflag:s22] =	ssyncadd.s32 s3;
	_ =	sdelay $0x1  }
0xa1: {  	s23 =	simm.s32 $0x1B8B  }
0xa2: {  	_ =	swait.ge [sflag:s23], $0x1  }
0xa3: {  	[sflag:s23] =	ssyncset.done $0x0  }
0xa4: {  	s25 =	simm.s32 $0x1B8E;
	s24 =	sld [smem:$0x3FFE];
	[sflag:s23] =	ssyncadd.s32 $0xFFFFFFFF  }
0xa5: {  	s26 =	simm.s32 $execute0_lowered;
	[smem:$0x3FD2] =	sst s25  }
0xa6: {  	s4 =	sshll.u32 s26, $0x1;
	_ =	strace $0x80000046;
	[dreg:$0x1] =	wrdreg $0xFFFFFFFF  }
0xa7: {  	s28 =	simm.s32 $_size_execute0_lowered;
	s2 =	sadd.s32 s2, s4;
	[dreg:$0x0] =	wrdreg $0x0  }
0xa8: {  	s4 =	sshll.u32 s28, $0x1;
	[dreg:$0x2] =	wrdreg s2  }
0xa9: {  	[dreg:$0x3] =	wrdreg s4  }
0xaa: {  	[dreg:$0x4] =	wrdreg $0xC0  }
0xab: {  	_ =	task [dreg:s6], $0x5FFFF  }
0xac: {  	[dreg:$0x1] =	wrdreg $0xFFFFFFFF  }
0xad: {  	[dreg:$0x0] =	wrdreg $0x60  }
0xae: {  	[dreg:$0x2] =	wrdreg s24  }
0xaf: {  	[dreg:$0x3] =	wrdreg $0x8D000  }
0xb0: {  	[dreg:$0x4] =	wrdreg $0x9  }
0xb1: {  	_ =	task.clear_ibuf [dreg:s6], $0x5FFFF;
	_ =	strace $0x90000046  }
0xb2: {  	s29 =	simm.s32 $0x9;
	_ =	strace $0x80000048  }
0xb3: {  	_ =	swait.ge [sflag:s29], $0x1  }
0xb4: {  	[sflag:s29] =	ssyncadd.s32 $0xFFFFFFFF  }
0xb5: {  	_ =	strace $0x90000048  }
0xb6: {  	_ =	sfence  }
0xb7: {  	s30 =	sld [smem:$0x0];
	_ =	sdelay $0x2  }
0xb8: {  	s31 =	sshll.u32 s1, $0xD;
	s1 =	sshrl.u32 s1, $0x2  }
0xb9: {  	s3 =	sand.u32 $0x4000, s31;
	s1 =	sadd.s32 s1, s30  }
0xba: {  	s0 =	sor.u32 s3, s0;
	s1 =	sshll.u32 s1, $0x11  }
0xbb: {  	s0 =	sor.u32 s1, s0  }
0xbc: {  	s0 =	sadd.s32 $0x8F2B, s0  }
0xbd: {  	[sflag:s0] =	ssyncadd.remote.s32 $0x1  }
0xbe: {  	_ =	sfence.sel $0xFFFF  }
0xbf: {  	[dreg:$0x0] =	wrdreg $0xFFFFFFFF;
	(pc) =	sbr.abs _section_cstart, $3  }
0xc0: {  	[dreg:$0x1] =	wrdreg $0xFFFFFFFF  }
0xc1: {  	_ =	task.clear_ibuf [dreg:s6], $0x2FFFF;
	_ =	strace $0x9FFFFFFF  }
0xc2: {  	(tm) =	ssettm $0x7FFFFFFF  }
0xc3: {  	_ =	shalt  }
tec
execute0_lowered:
.L_overlay_start_1:
0x0: {  	(tag) =	ssettag $0x1  }
0x1: {  	s0 =	rddreg [dreg:$0x0]  }
0x2: {  	s18 =	rddreg [dreg:$0x1];
	s2 =	simm.s32 $0x0  }
0x3: {  	[smem:$0x7FF] =	sst s2;
	s3 =	sadd.s32 $0x586C00, s0  }
0x4: {  	s1 =	srdreg.scid;
	s4 =	sadd.s32 $0x5A6C00, s0;
	s5 =	sadd.s32 $0x55FA00, s0  }
0x5: {  	s11 =	stileid.u32;
	s6 =	sadd.s32 $0x538800, s0;
	s7 =	sadd.s32 $0x511600, s0  }
0x6: {  	s8 =	sadd.s32 $0x5C6C00, s0;
	s12 =	sadd.s32 $0x194EC00, s0;
	s1 =	sand.u32 $0x1, s1  }
0x7: {  	s9 =	sshll.u32 s11, $0x1;
	s15 =	smul.u32 $0x13800, s11;
	s22 =	sadd.s32 $0x138000, s18  }
0x8: {  	s17 =	smul.u32 $0x4E000, s11;
	_ =	strace $0x80000047;
	s13 =	ssub.s32 $0x2, s1  }
0x9: {  	s14 =	sor.u32 s1, s9;
	s9 =	sadd.s32 $0x8400, s0;
	s1 =	smul.u32 $0x138800, s1  }
0xa: {  	[dreg:$0x4] =	wrdreg s22;
	s23 =	sshrl.u32 s13, $0x1;
	s16 =	sadd.s32 $0x12C00, s15  }
0xb: {  	s10 =	smul.u32 $0x2710, s14;
	s0 =	ssub.s32 s13, s23;
	s20 =	sadd.s32 s16, s18  }
0xc: {  	s13 =	sshll.u32 s14, $0xC;
	s24 =	sadd.s32 s1, s16;
	s25 =	sshrl.u32 s1, $0x3  }
0xd: {  	s14 =	sshrl.u32 s24, $0x3;
	s0 =	smax.u32 s0, $0x1;
	[dreg:$0x3] =	wrdreg s20  }
0xe: {  	s16 =	sadd.s32 s12, s25;
	s14 =	sadd.s32 s12, s14;
	[dreg:$0x8] =	wrdreg s0  }
0xf: {  	s17 =	sshrl.u32 s17, $0x2;
	s26 =	sadd.s32 $0x27000, s16;
	[dreg:$0x5] =	wrdreg s14  }
0x10: {  	[dreg:$0x6] =	wrdreg s26;
	s14 =	sadd.s32 s17, s18  }
0x11: {  	s28 =	sadd.s32 $0x1400, s14;
	[dreg:$0x7] =	wrdreg s14  }
0x12: {  	s31 =	sadd.s32 $0x2800, s14;
	[dreg:$0x9] =	wrdreg s28  }
0x13: {  	s30 =	sadd.s32 s15, s1;
	s15 =	sadd.s32 $0x3C00, s14;
	[dreg:$0xa] =	wrdreg s31  }
0x14: {  	v0 =	vimm.s32 $0x76543210;
	v1 =	vimm.s32 $0xFEDCBA98;
	s16 =	sadd.s32 $0x5000, s14;
	[dreg:$0xb] =	wrdreg s15  }
0x15: {  	v2 =	vimm.s32 $0xBA98FEDC;
	v3 =	vimm.s32 $0x32107654;
	s17 =	sadd.s32 $0x6400, s14;
	[dreg:$0xc] =	wrdreg s16  }
0x16: {  	v4 =	vimm.s32 $0xDCFE98BA;
	v5 =	vimm.s32 $0x54761032;
	s18 =	sadd.s32 $0x7800, s14;
	[dreg:$0xd] =	wrdreg s17  }
0x17: {  	v6 =	vimm.s32 $0xEFCDAB89;
	v7 =	vimm.s32 $0x67452301;
	s19 =	sadd.s32 $0x8C00, s14;
	[dreg:$0xe] =	wrdreg s18  }
0x18: {  	v0 =	vunpack.c.l.s4.s8 v0;
	v1 =	vunpack.c.l.s4.s8 v1;
	v2 =	vunpack.c.l.s4.s8 v2;
	s21 =	sadd.s32 $0xA000, s14;
	[dreg:$0xf] =	wrdreg s19  }
0x19: {  	s29 =	simm.s32 $0x0;
	v3 =	vunpack.c.l.s4.s8 v3;
	v4 =	vunpack.c.l.s4.s8 v4;
	v5 =	vunpack.c.l.s4.s8 v5;
	s24 =	sadd.s32 $0xB400, s14;
	[dreg:$0x10] =	wrdreg s21  }
0x1a: {  	p0 =	sne.s32 s11, $0x0;
	v6 =	vunpack.c.l.s4.s8 v6;
	v7 =	vunpack.c.l.s4.s8 v7;
	v2 =	vunpack.c.0.s8.s32 v2;
	s25 =	sadd.s32 $0xC800, s14;
	[dreg:$0x11] =	wrdreg s24  }
0x1b: {  	s11 =	simm.s32 $0x0;
	v3 =	vunpack.c.0.s8.s32 v3;
	v4 =	vunpack.c.0.s8.s32 v4;
	v5 =	vunpack.c.0.s8.s32 v5;
	s26 =	sadd.s32 $0xDC00, s14;
	[dreg:$0x12] =	wrdreg s25  }
0x1c: {  	v1 =	vunpack.c.0.s8.s32 v1;
	v6 =	vunpack.c.0.s8.s32 v6;
	v7 =	vunpack.c.0.s8.s32 v7;
	s0 =	sshrl.u32 s30, $0x3;
	s30 =	sadd.s32 $0x10400, s14;
	[dreg:$0x13] =	wrdreg s26  }
0x1d: {  	v2 =	vcombine.low v3, v2;
	v3 =	vcombine.low v5, v4;
	v4 =	vunpack.c.0.s8.s32 v0;
	s23 =	sadd.s32 s0, s12;
	s28 =	sadd.s32 $0xF000, s14;
	[dreg:$0x15] =	wrdreg s30  }
0x1e: {  	vm0 =	vcmask $0x3F08;
	v5 =	vcombine.low v7, v6;
	v1 =	vand.u32 $0xF, v1;
	s31 =	sadd.s32 $0x11800, s14;
	s15 =	simm.s32 $0x6500;
	s17 =	simm.s32 $0x2  }
0x1f: {  	vm1 =	vmmov $0x1;
	v0 =	vimm.f32 $0.0e+00;
	v1 =	vcombine.low v1, v4;
	s18 =	simm.s32 $0x80;
	s19 =	simm.s32 $0x28;
	[dreg:$0x14] =	wrdreg s28  }
0x20: {  	v2 =	vand.u32 $0xF, v2;
	v3 =	vand.u32 $0xF, v3;
	v4 =	vand.u32 $0xF, v5;
	s21 =	simm.s32 $0x1;
	s26 =	simm.s32 $0x7900;
	[dreg:$0x16] =	wrdreg s31  }
.LBB2_1:
0x21: {  	[dreg:$0x17] =	wrdreg s11;
	s0 =	simm.s32 $0x0;
	s1 =	simm.s32 $0x200  }
.LBB2_2:
0x22: {  	p1 =	sne.s32 s1, $0x4E00;
	[tilespmem:s0+$0x6570] =	vst v0  }
0x23: {  	[tilespmem:s0+$0x6500] =	vst v0  }
0x24: {  	[tilespmem:s0+$0x6510] =	vst v0  }
.Ltmp0:
0x25: {  	[tilespmem:s0+$0x6520] =	vst v0;
	(pc) =	sbr.rel @p1 .LBB2_2-.Ltmp0, $4  }
0x26: {  	[tilespmem:s0+$0x6530] =	vst v0  }
0x27: {  	[tilespmem:s0+$0x6540] =	vst v0  }
0x28: {  	[tilespmem:s0+$0x6550] =	vst v0  }
0x29: {  	[tilespmem:s0+$0x6560] =	vst v0;
	s0 =	sshra.s32 s1, $0x2;
	s1 =	sadd.s32 $0x200, s1  }
0x2a: {  	[tilespmem:s0+$0x6570] =	vst v0  }
0x2b: {  	[tilespmem:s0+$0x6500] =	vst v0  }
0x2c: {  	[tilespmem:s0+$0x6510] =	vst v0  }
0x2d: {  	[tilespmem:s0+$0x6520] =	vst v0  }
0x2e: {  	[tilespmem:s0+$0x6530] =	vst v0  }
0x2f: {  	[tilespmem:s0+$0x6540] =	vst v0  }
0x30: {  	[tilespmem:s0+$0x6550] =	vst v0  }
0x31: {  	[tilespmem:s0+$0x6560] =	vst v0  }
0x32: {  	[spmem:s14] =	stream.linear.scatter [tilespmem:s15], [sflag:$0x2], $0x1400, $0x38;
	[tilespmem:$0x1C580] =	vst v63  }
0x33: {  	_ =	swait.ge [sflag:s17], $0x1400  }
0x34: {  	[sflag:s17] =	ssyncset.done $0x0  }
0x35: {  	s16 =	rddreg [dreg:$0x9];
	[sflag:s17] =	ssyncadd.s32 $0xFFFFEC00  }
0x36: {  	[spmem:s16] =	stream.linear.scatter [tilespmem:s15], [sflag:$0x2], $0x1400, $0x38;
	[tilespmem:$0x1C580] =	vst v63  }
0x37: {  	_ =	swait.ge [sflag:s17], $0x1400  }
0x38: {  	[sflag:s17] =	ssyncset.done $0x0  }
0x39: {  	s24 =	rddreg [dreg:$0xa];
	[sflag:s17] =	ssyncadd.s32 $0xFFFFEC00  }
0x3a: {  	[spmem:s24] =	stream.linear.scatter [tilespmem:s15], [sflag:$0x2], $0x1400, $0x38;
	[tilespmem:$0x1C580] =	vst v63  }
0x3b: {  	_ =	swait.ge [sflag:s17], $0x1400  }
0x3c: {  	[sflag:s17] =	ssyncset.done $0x0  }
0x3d: {  	s25 =	rddreg [dreg:$0xb];
	[sflag:s17] =	ssyncadd.s32 $0xFFFFEC00  }
0x3e: {  	[spmem:s25] =	stream.linear.scatter [tilespmem:s15], [sflag:$0x2], $0x1400, $0x38;
	[tilespmem:$0x1C580] =	vst v63  }
0x3f: {  	_ =	swait.ge [sflag:s17], $0x1400  }
0x40: {  	[sflag:s17] =	ssyncset.done $0x0  }
0x41: {  	s28 =	rddreg [dreg:$0xc];
	[sflag:s17] =	ssyncadd.s32 $0xFFFFEC00  }
0x42: {  	[spmem:s28] =	stream.linear.scatter [tilespmem:s15], [sflag:$0x2], $0x1400, $0x38;
	[tilespmem:$0x1C580] =	vst v63  }
0x43: {  	_ =	swait.ge [sflag:s17], $0x1400  }
0x44: {  	[sflag:s17] =	ssyncset.done $0x0  }
0x45: {  	s31 =	rddreg [dreg:$0xd];
	[sflag:s17] =	ssyncadd.s32 $0xFFFFEC00  }
0x46: {  	[spmem:s31] =	stream.linear.scatter [tilespmem:s15], [sflag:$0x2], $0x1400, $0x38;
	[tilespmem:$0x1C580] =	vst v63  }
0x47: {  	_ =	swait.ge [sflag:s17], $0x1400  }
0x48: {  	[sflag:s17] =	ssyncset.done $0x0  }
0x49: {  	s1 =	rddreg [dreg:$0xe];
	[sflag:s17] =	ssyncadd.s32 $0xFFFFEC00  }
0x4a: {  	[spmem:s1] =	stream.linear.scatter [tilespmem:s15], [sflag:$0x2], $0x1400, $0x38;
	[tilespmem:$0x1C580] =	vst v63  }
0x4b: {  	_ =	swait.ge [sflag:s17], $0x1400  }
0x4c: {  	[sflag:s17] =	ssyncset.done $0x0  }
0x4d: {  	s11 =	rddreg [dreg:$0xf];
	[sflag:s17] =	ssyncadd.s32 $0xFFFFEC00  }
0x4e: {  	[spmem:s11] =	stream.linear.scatter [tilespmem:s15], [sflag:$0x2], $0x1400, $0x38;
	[tilespmem:$0x1C580] =	vst v63  }
0x4f: {  	_ =	swait.ge [sflag:s17], $0x1400  }
0x50: {  	[sflag:s17] =	ssyncset.done $0x0  }
0x51: {  	s12 =	rddreg [dreg:$0x10];
	[sflag:s17] =	ssyncadd.s32 $0xFFFFEC00  }
0x52: {  	[spmem:s12] =	stream.linear.scatter [tilespmem:s15], [sflag:$0x2], $0x1400, $0x38;
	[tilespmem:$0x1C580] =	vst v63  }
0x53: {  	_ =	swait.ge [sflag:s17], $0x1400  }
0x54: {  	[sflag:s17] =	ssyncset.done $0x0  }
0x55: {  	s14 =	rddreg [dreg:$0x11];
	[sflag:s17] =	ssyncadd.s32 $0xFFFFEC00  }
0x56: {  	[spmem:s14] =	stream.linear.scatter [tilespmem:s15], [sflag:$0x2], $0x1400, $0x38;
	[tilespmem:$0x1C580] =	vst v63  }
0x57: {  	_ =	swait.ge [sflag:s17], $0x1400  }
0x58: {  	[sflag:s17] =	ssyncset.done $0x0  }
0x59: {  	s16 =	rddreg [dreg:$0x12];
	[sflag:s17] =	ssyncadd.s32 $0xFFFFEC00  }
0x5a: {  	[spmem:s16] =	stream.linear.scatter [tilespmem:s15], [sflag:$0x2], $0x1400, $0x38;
	[tilespmem:$0x1C580] =	vst v63  }
0x5b: {  	_ =	swait.ge [sflag:s17], $0x1400  }
0x5c: {  	[sflag:s17] =	ssyncset.done $0x0  }
0x5d: {  	s24 =	rddreg [dreg:$0x13];
	[sflag:s17] =	ssyncadd.s32 $0xFFFFEC00  }
0x5e: {  	[spmem:s24] =	stream.linear.scatter [tilespmem:s15], [sflag:$0x2], $0x1400, $0x38;
	[tilespmem:$0x1C580] =	vst v63  }
0x5f: {  	_ =	swait.ge [sflag:s17], $0x1400  }
0x60: {  	[sflag:s17] =	ssyncset.done $0x0  }
0x61: {  	s25 =	rddreg [dreg:$0x14];
	[sflag:s17] =	ssyncadd.s32 $0xFFFFEC00  }
0x62: {  	[spmem:s25] =	stream.linear.scatter [tilespmem:s15], [sflag:$0x2], $0x1400, $0x38;
	[tilespmem:$0x1C580] =	vst v63  }
0x63: {  	_ =	swait.ge [sflag:s17], $0x1400  }
0x64: {  	[sflag:s17] =	ssyncset.done $0x0  }
0x65: {  	s28 =	rddreg [dreg:$0x15];
	[sflag:s17] =	ssyncadd.s32 $0xFFFFEC00  }
0x66: {  	[spmem:s28] =	stream.linear.scatter [tilespmem:s15], [sflag:$0x2], $0x1400, $0x38;
	[tilespmem:$0x1C580] =	vst v63  }
0x67: {  	_ =	swait.ge [sflag:s17], $0x1400  }
0x68: {  	[sflag:s17] =	ssyncset.done $0x0  }
0x69: {  	s31 =	rddreg [dreg:$0x16];
	[sflag:s17] =	ssyncadd.s32 $0xFFFFEC00  }
0x6a: {  	[spmem:s31] =	stream.linear.scatter [tilespmem:s15], [sflag:$0x2], $0x1400, $0x38;
	[tilespmem:$0x1C580] =	vst v63  }
0x6b: {  	_ =	swait.ge [sflag:s17], $0x1400  }
0x6c: {  	[sflag:s17] =	ssyncset.done $0x0  }
0x6d: {  	[sflag:s17] =	ssyncadd.s32 $0xFFFFEC00  }
0x6e: {  	[spmem:s20] =	stream.linear.scatter [tilespmem:s15], [sflag:$0x2], $0xC00, $0x38;
	[tilespmem:$0x1C580] =	vst v63  }
0x6f: {  	_ =	swait.ge [sflag:s17], $0xC00  }
0x70: {  	[sflag:s17] =	ssyncset.done $0x0  }
0x71: {  	s0 =	simm.s32 @!p0 $0x6500;
	[sflag:s17] =	ssyncadd.s32 $0xFFFFF400  }
0x72: {  	[spmem:s22] =	stream.linear.scatter @!p0 [tilespmem:s0], [sflag:$0x2], $0x800, $0x38;
	[tilespmem:$0x1C580] =	vst v63  }
0x73: {  	s0 =	simm.s32 @!p0 $0x2  }
0x74: {  	_ =	swait.ge @!p0 [sflag:s0], $0x800  }
0x75: {  	[sflag:s0] =	ssyncset.done @!p0 $0x0  }
0x76: {  	[sflag:s0] =	ssyncadd.s32 @!p0 $0xFFFFF800  }
0x77: {  	s30 =	simm.s32 $0x0;
	[bflag:$0x0] =	sbarrier.arrive $0xFFFF  }
.LBB2_4:
0x78: {  	s0 =	sshll.u32 s30, $0x4  }
0x79: {  	s0 =	sadd.s32 s13, s0  }
0x7a: {  	s1 =	sadd.s32 s3, s0  }
0x7b: {  	[tilespmem:s29], [sflag:$0x2] =	stream.linear.gather [hbm4b:s1+s29], $0x80, $0x38;
	[tilespmem:$0x1C580] =	vst v63  }
0x7c: {  	_ =	swait.ge [sflag:s17], $0x80  }
0x7d: {  	[sflag:s17] =	ssyncset.done $0x0  }
0x7e: {  	s0 =	sadd.s32 s4, s0;
	[sflag:s17] =	ssyncadd.s32 $0xFFFFFF80  }
0x7f: {  	[tilespmem:s18], [sflag:$0x2] =	stream.linear.gather [hbm4b:s0+s29], $0x80, $0x38;
	[tilespmem:$0x1C580] =	vst v63  }
0x80: {  	_ =	swait.ge [sflag:s17], $0x80  }
0x81: {  	[sflag:s17] =	ssyncset.done $0x0  }
0x82: {  	s14 =	simm.s32 $0x100;
	[sflag:s17] =	ssyncadd.s32 $0xFFFFFF80  }
0x83: {  	[tilespmem:s14], [sflag:$0x1] =	stream.indirect.gather [hbm4b:s5+s19], $0x80, s29, s19, $0xb8;
	[tilespmem:$0x1C580] =	vst v63  }
0x84: {  	_ =	swait.ge [sflag:s21], $0x1400  }
0x85: {  	[sflag:s21] =	ssyncset.done $0x0  }
0x86: {  	s16 =	simm.s32 $0x1500;
	[sflag:s21] =	ssyncadd.s32 $0xFFFFEC00  }
0x87: {  	[tilespmem:s16], [sflag:$0x1] =	stream.indirect.gather [hbm4b:s6+s19], $0x80, s18, s19, $0xb8;
	[tilespmem:$0x1C580] =	vst v63  }
0x88: {  	_ =	swait.ge [sflag:s21], $0x1400  }
0x89: {  	[sflag:s21] =	ssyncset.done $0x0  }
0x8a: {  	s20 =	smul.u32 $0x28, s30;
	s22 =	simm.s32 $0x2900;
	[sflag:s21] =	ssyncadd.s32 $0xFFFFEC00  }
0x8b: {  	[tilespmem:s22], [sflag:$0x1] =	stream.indirect.gather [hbm4b:s7+s19], $0x80, s18, s19, $0xb8;
	[tilespmem:$0x1C580] =	vst v63  }
0x8c: {  	s31 =	sadd.s32 s10, s20;
	_ =	swait.ge [sflag:s21], $0x1400  }
0x8d: {  	s0 =	sshll.u32 s31, $0x5;
	[sflag:s21] =	ssyncset.done $0x0  }
0x8e: {  	s24 =	simm.s32 $0x3D00;
	s0 =	sadd.s32 s8, s0;
	[sflag:s21] =	ssyncadd.s32 $0xFFFFEC00  }
0x8f: {  	[tilespmem:s24], [sflag:$0x2] =	stream.linear.gather [hbm4b:s0+s29], $0x2800, $0x38;
	[tilespmem:$0x1C580] =	vst v63  }
0x90: {  	_ =	swait.ge [sflag:s17], $0x2800  }
0x91: {  	[sflag:s17] =	ssyncset.done $0x0  }
0x92: {  	s0 =	simm.s32 $0x1540;
	[sflag:s17] =	ssyncadd.s32 $0xFFFFD800  }
0x93: {  	v5 =	vld [tilespmem:s0+$0xFFFFFFF0]  }
0x94: {  	s11 =	simm.s32 $0x140;
	v6 =	vld [tilespmem:s0+$0xFFFFFFE0]  }
0x95: {  	s25 =	sand.u32 $0x3800, s29;
	s12 =	sand.u32 $0x380, s29;
	v7 =	vld [tilespmem:s11+$0xFFFFFFC0]  }
0x96: {  	s1 =	sor.u32 s12, s25;
	v8 =	vld [tilespmem:s0+$0xFFFFFFC0]  }
0x97: {  	v9 =	vld [tilespmem:s1+$0x3D00]  }
0x98: {  	v10 =	vld [tilespmem:s0+$0xFFFFFFD0]  }
0x99: {  	v11 =	vld [tilespmem:s1+$0x3D10]  }
0x9a: {  	v12 =	vld [tilespmem:s11+$0xFFFFFFD0]  }
0x9b: {  	v13 =	vld [tilespmem:s1+$0x3D20]  }
0x9c: {  	v14 =	vld [tilespmem:s1+$0x3D30];
	v8 =	vadd.f32 v9, v8  }
0x9d: {  	v9 =	vld [tilespmem:s11+$0xFFFFFFE0]  }
0x9e: {  	v7 =	vmul.f32 v8, v7;
	v8 =	vadd.f32 v11, v10  }
0x9f: {  	v10 =	vld [tilespmem:s11+$0xFFFFFFF0]  }
0xa0: {  	v6 =	vadd.f32 v13, v6;
	v7 =	vadd.f32 $0.0e+00, v7;
	v8 =	vmul.f32 v8, v12;
	_ =	sdelay $0x1  }
0xa1: {  	v5 =	vadd.f32 v14, v5;
	v6 =	vmul.f32 v6, v9;
	v7 =	vadd.f32 v8, v7;
	_ =	sdelay $0x1  }
0xa2: {  	v5 =	vmul.f32 v5, v10;
	v6 =	vadd.f32 v6, v7;
	_ =	sdelay $0x1  }
0xa3: {  	v5 =	vadd.f32 v5, v6;
	_ =	sdelay $0x1  }
0xa4: {  	v6 =	vperm.xlane v5, v1;
	_ =	sdelay $0x1  }
0xa5: {  	v5 =	vadd.f32 v6, v5;
	_ =	sdelay $0x1  }
0xa6: {  	v6 =	vperm.xlane v5, v2;
	_ =	sdelay $0x1  }
0xa7: {  	v5 =	vadd.f32 v6, v5;
	_ =	sdelay $0x1  }
0xa8: {  	v6 =	vperm.xlane v5, v3;
	_ =	sdelay $0x1  }
0xa9: {  	v5 =	vadd.f32 v6, v5;
	_ =	sdelay $0x1  }
0xaa: {  	v6 =	vperm.xlane v5, v4;
	_ =	sdelay $0x1  }
0xab: {  	v5 =	vadd.f32 v6, v5;
	_ =	sdelay $0x1  }
0xac: {  	v5 =	vmul.f32 $1.250000000e-01, v5;
	_ =	sdelay $0x1  }
0xad: {  	v5 =	vmul.f32 $1.442695020e+00, v5  }
0xae: {  	v61 =	vld [tilespmem:s11+$0x0]  }
0xaf: {  	v62 =	vld [tilespmem:s1+$0x3D50];
	(erf) = vpow2.f32 v5  }
0xb0: {  	v63 =	vld [tilespmem:s11+$0x10]  }
0xb1: {  	s16 =	simm.s32 $0x2940;
	v10 =	vld [tilespmem:s1+$0x4100]  }
0xb2: {  	v5 =	vld [tilespmem:s16+$0xFFFFFFC0]  }
0xb3: {  	v15 =	vld [tilespmem:s1+$0x3D60]  }
0xb4: {  	v17 =	vld [tilespmem:s1+$0x3D70]  }
0xb5: {  	v11 =	vld [tilespmem:s1+$0x3D40]  }
0xb6: {  	v9 =	vld [tilespmem:s0+$0x0]  }
0xb7: {  	v18 =	vld [tilespmem:s11+$0x30];
	v5 =	vadd.f32 v10, v5  }
0xb8: {  	v8 =	vld [tilespmem:s0+$0x10];
	v16 =	vpop (erf)  }
0xb9: {  	v7 =	vld [tilespmem:s0+$0x20];
	v5 =	vmul.f32 v5, v16  }
0xba: {  	s14 =	simm.s32 $0x6540;
	v6 =	vld [tilespmem:s0+$0x30]  }
0xbb: {  	v9 =	vadd.f32 v11, v9;
	v10 =	vld [tilespmem:s11+$0x20];
	[tilespmem:s14+$0xFFFFFFC0] =	vst v5  }
0xbc: {  	v5 =	vld [tilespmem:s16+$0xFFFFFFD0]  }
0xbd: {  	v8 =	vadd.f32 v62, v8;
	v9 =	vmul.f32 v9, v61;
	v11 =	vld [tilespmem:s1+$0x4110];
	_ =	sdelay $0x1  }
0xbe: {  	v8 =	vmul.f32 v8, v63;
	v7 =	vadd.f32 v15, v7;
	v9 =	vadd.f32 $0.0e+00, v9;
	_ =	sdelay $0x1  }
0xbf: {  	v8 =	vadd.f32 v8, v9;
	v6 =	vadd.f32 v17, v6;
	v7 =	vmul.f32 v7, v10  }
0xc0: {  	v5 =	vadd.f32 v11, v5  }
0xc1: {  	v6 =	vmul.f32 v6, v18;
	v7 =	vadd.f32 v7, v8  }
0xc2: {  	v5 =	vmul.f32 v5, v16  }
0xc3: {  	v6 =	vadd.f32 v6, v7  }
0xc4: {  	[tilespmem:s14+$0xFFFFFFD0] =	vst v5  }
0xc5: {  	v5 =	vperm.xlane v6, v1;
	v7 =	vld [tilespmem:s16+$0xFFFFFFE0]  }
0xc6: {  	v8 =	vld [tilespmem:s1+$0x4120]  }
0xc7: {  	v5 =	vadd.f32 v5, v6;
	_ =	sdelay $0x1  }
0xc8: {  	v6 =	vperm.xlane v5, v2;
	_ =	sdelay $0x1  }
0xc9: {  	v5 =	vadd.f32 v6, v5;
	v6 =	vadd.f32 v8, v7;
	_ =	sdelay $0x1  }
0xca: {  	v7 =	vperm.xlane v5, v3;
	v6 =	vmul.f32 v6, v16;
	_ =	sdelay $0x1  }
0xcb: {  	v5 =	vadd.f32 v7, v5;
	[tilespmem:s14+$0xFFFFFFE0] =	vst v6  }
0xcc: {  	v6 =	vld [tilespmem:s16+$0xFFFFFFF0]  }
0xcd: {  	v8 =	vld [tilespmem:s1+$0x4130];
	v7 =	vperm.xlane v5, v4;
	_ =	sdelay $0x1  }
0xce: {  	v5 =	vadd.f32 v7, v5;
	_ =	sdelay $0x1  }
0xcf: {  	v5 =	vmul.f32 $1.250000000e-01, v5  }
0xd0: {  	v6 =	vadd.f32 v8, v6  }
0xd1: {  	v5 =	vmul.f32 $1.442695020e+00, v5  }
0xd2: {  	v6 =	vmul.f32 v6, v16  }
0xd3: {  	(erf) = vpow2.f32 v5  }
0xd4: {  	[tilespmem:s14+$0xFFFFFFF0] =	vst v6  }
0xd5: {  	v5 =	vld [tilespmem:s16+$0x0]  }
0xd6: {  	v6 =	vld [tilespmem:s1+$0x4140];
	_ =	sdelay $0x4  }
0xd7: {  	v6 =	vadd.f32 v6, v5  }
0xd8: {  	v5 =	vpop (erf)  }
0xd9: {  	v6 =	vmul.f32 v6, v5;
	_ =	sdelay $0x1  }
0xda: {  	[tilespmem:s14+$0x0] =	vst v6  }
0xdb: {  	v6 =	vld [tilespmem:s16+$0x10]  }
0xdc: {  	v7 =	vld [tilespmem:s1+$0x4150];
	_ =	sdelay $0x4  }
0xdd: {  	v6 =	vadd.f32 v7, v6;
	_ =	sdelay $0x1  }
0xde: {  	v6 =	vmul.f32 v6, v5;
	_ =	sdelay $0x1  }
0xdf: {  	[tilespmem:s14+$0x10] =	vst v6  }
0xe0: {  	v6 =	vld [tilespmem:s16+$0x20]  }
0xe1: {  	v7 =	vld [tilespmem:s1+$0x4160];
	_ =	sdelay $0x4  }
0xe2: {  	v6 =	vadd.f32 v7, v6;
	_ =	sdelay $0x1  }
0xe3: {  	v6 =	vmul.f32 v6, v5;
	_ =	sdelay $0x1  }
0xe4: {  	[tilespmem:s14+$0x20] =	vst v6  }
0xe5: {  	v7 =	vld [tilespmem:s16+$0x30]  }
0xe6: {  	s28 =	simm.s32 $0x65C0;
	v8 =	vld [tilespmem:s1+$0x4170]  }
0xe7: {  	s20 =	simm.s32 $0x1C0;
	s12 =	simm.s32 $0x80;
	s22 =	simm.s32 $0x0;
	v6 =	vsel vm0, $0x0, v5  }
0xe8: {  	s11 =	simm.s32 $0x7900;
	s16 =	simm.s32 $0x29C0;
	v6 =	vsel vm1, v16, v6;
	s1 =	simm.s32 $0x7900  }
.LBB2_5:
0xe9: {  	s22 =	sadd.s32 $0x100, s22;
	s11 =	sadd.s32 $0x80, s11;
	s0 =	sadd.s32 $0x80, s0  }
0xea: {  	p1 =	sne.s32 s12, $0x1380;
	s24 =	smov.u32 s12;
	s12 =	sadd.s32 $0x80, s12  }
0xeb: {  	v7 =	vadd.f32 v8, v7;
	_ =	sdelay $0x1  }
0xec: {  	v5 =	vmul.f32 v7, v5;
	_ =	sdelay $0x1  }
0xed: {  	[tilespmem:s14+$0x30] =	vst v5;
	s14 =	smov.u32 s28  }
0xee: {  	[tilespmem:s1+$0x0] =	vst v6;
	s1 =	smov.u32 s11  }
0xef: {  	v5 =	vld [tilespmem:s0+$0xFFFFFFF0]  }
0xf0: {  	v6 =	vld [tilespmem:s0+$0xFFFFFFE0]  }
0xf1: {  	s25 =	sand.u32 $0x3800, s22;
	s24 =	sand.u32 $0x380, s24;
	v7 =	vld [tilespmem:s20+$0xFFFFFFC0]  }
0xf2: {  	s24 =	sor.u32 s24, s25;
	v8 =	vld [tilespmem:s0+$0xFFFFFFC0]  }
0xf3: {  	v9 =	vld [tilespmem:s24+$0x3D00]  }
0xf4: {  	v10 =	vld [tilespmem:s0+$0xFFFFFFD0]  }
0xf5: {  	v11 =	vld [tilespmem:s24+$0x3D10]  }
0xf6: {  	v12 =	vld [tilespmem:s20+$0xFFFFFFD0]  }
0xf7: {  	v13 =	vld [tilespmem:s24+$0x3D20]  }
0xf8: {  	v8 =	vadd.f32 v9, v8;
	v9 =	vld [tilespmem:s20+$0xFFFFFFE0]  }
0xf9: {  	v14 =	vld [tilespmem:s24+$0x3D30]  }
0xfa: {  	v7 =	vmul.f32 v8, v7;
	v8 =	vadd.f32 v11, v10  }
0xfb: {  	v10 =	vld [tilespmem:s20+$0xFFFFFFF0]  }
0xfc: {  	v7 =	vadd.f32 $0.0e+00, v7;
	v8 =	vmul.f32 v8, v12;
	v6 =	vadd.f32 v13, v6;
	_ =	sdelay $0x1  }
0xfd: {  	v7 =	vadd.f32 v8, v7;
	v6 =	vmul.f32 v6, v9;
	v5 =	vadd.f32 v14, v5;
	_ =	sdelay $0x1  }
0xfe: {  	v6 =	vadd.f32 v6, v7;
	v5 =	vmul.f32 v5, v10;
	_ =	sdelay $0x1  }
0xff: {  	v5 =	vadd.f32 v5, v6;
	_ =	sdelay $0x1  }
0x100: {  	v6 =	vperm.xlane v5, v1;
	_ =	sdelay $0x1  }
0x101: {  	v5 =	vadd.f32 v6, v5;
	_ =	sdelay $0x1  }
0x102: {  	v6 =	vperm.xlane v5, v2;
	_ =	sdelay $0x1  }
0x103: {  	v5 =	vadd.f32 v6, v5;
	_ =	sdelay $0x1  }
0x104: {  	v6 =	vperm.xlane v5, v3;
	_ =	sdelay $0x1  }
0x105: {  	v5 =	vadd.f32 v6, v5;
	_ =	sdelay $0x1  }
0x106: {  	v6 =	vperm.xlane v5, v4;
	_ =	sdelay $0x1  }
0x107: {  	v5 =	vadd.f32 v6, v5;
	_ =	sdelay $0x1  }
0x108: {  	v5 =	vmul.f32 $1.250000000e-01, v5  }
0x109: {  	v6 =	vld [tilespmem:s0+$0x30]  }
0x10a: {  	v7 =	vld [tilespmem:s0+$0x20];
	v5 =	vmul.f32 $1.442695020e+00, v5  }
0x10b: {  	v8 =	vld [tilespmem:s0+$0x10]  }
0x10c: {  	v9 =	vld [tilespmem:s16+$0xFFFFFFC0];
	(erf) = vpow2.f32 v5  }
0x10d: {  	v5 =	vld [tilespmem:s0+$0x0]  }
0x10e: {  	v10 =	vld [tilespmem:s24+$0x4100]  }
0x10f: {  	v11 =	vld [tilespmem:s24+$0x3D40]  }
0x110: {  	v12 =	vld [tilespmem:s20+$0x0]  }
0x111: {  	v13 =	vld [tilespmem:s24+$0x3D50]  }
0x112: {  	v14 =	vld [tilespmem:s20+$0x10]  }
0x113: {  	v15 =	vld [tilespmem:s24+$0x3D60]  }
0x114: {  	v9 =	vadd.f32 v10, v9;
	v5 =	vadd.f32 v11, v5;
	v11 =	vld [tilespmem:s20+$0x20]  }
0x115: {  	v10 =	vld [tilespmem:s24+$0x3D70];
	v16 =	vpop (erf)  }
0x116: {  	v5 =	vmul.f32 v5, v12;
	v8 =	vadd.f32 v13, v8;
	v9 =	vmul.f32 v9, v16  }
0x117: {  	v12 =	vld [tilespmem:s20+$0x30]  }
0x118: {  	v5 =	vadd.f32 $0.0e+00, v5;
	v8 =	vmul.f32 v8, v14;
	v7 =	vadd.f32 v15, v7;
	[tilespmem:s28+$0xFFFFFFC0] =	vst v9  }
0x119: {  	v9 =	vld [tilespmem:s16+$0xFFFFFFD0]  }
0x11a: {  	v5 =	vadd.f32 v8, v5;
	v7 =	vmul.f32 v7, v11;
	v6 =	vadd.f32 v10, v6;
	v8 =	vld [tilespmem:s24+$0x4110];
	_ =	sdelay $0x1  }
0x11b: {  	v5 =	vadd.f32 v7, v5;
	v6 =	vmul.f32 v6, v12;
	_ =	sdelay $0x1  }
0x11c: {  	v5 =	vadd.f32 v6, v5  }
0x11d: {  	v6 =	vadd.f32 v8, v9  }
0x11e: {  	v7 =	vperm.xlane v5, v1  }
0x11f: {  	v6 =	vmul.f32 v6, v16  }
0x120: {  	v5 =	vadd.f32 v7, v5  }
0x121: {  	[tilespmem:s28+$0xFFFFFFD0] =	vst v6  }
0x122: {  	v6 =	vperm.xlane v5, v2;
	v7 =	vld [tilespmem:s16+$0xFFFFFFE0]  }
0x123: {  	v8 =	vld [tilespmem:s24+$0x4120]  }
0x124: {  	v5 =	vadd.f32 v6, v5;
	_ =	sdelay $0x1  }
0x125: {  	v6 =	vperm.xlane v5, v3;
	_ =	sdelay $0x1  }
0x126: {  	v5 =	vadd.f32 v6, v5;
	v6 =	vadd.f32 v8, v7;
	_ =	sdelay $0x1  }
0x127: {  	v7 =	vperm.xlane v5, v4;
	v6 =	vmul.f32 v6, v16;
	_ =	sdelay $0x1  }
0x128: {  	v5 =	vadd.f32 v7, v5;
	[tilespmem:s28+$0xFFFFFFE0] =	vst v6  }
0x129: {  	v6 =	vld [tilespmem:s16+$0xFFFFFFF0]  }
0x12a: {  	v5 =	vmul.f32 $1.250000000e-01, v5;
	v7 =	vld [tilespmem:s24+$0x4130];
	_ =	sdelay $0x1  }
0x12b: {  	v5 =	vmul.f32 $1.442695020e+00, v5;
	_ =	sdelay $0x1  }
0x12c: {  	(erf) = vpow2.f32 v5  }
0x12d: {  	v5 =	vadd.f32 v7, v6;
	_ =	sdelay $0x1  }
0x12e: {  	v5 =	vmul.f32 v5, v16;
	_ =	sdelay $0x1  }
0x12f: {  	[tilespmem:s28+$0xFFFFFFF0] =	vst v5  }
0x130: {  	v7 =	vld [tilespmem:s16+$0x0]  }
0x131: {  	v8 =	vld [tilespmem:s24+$0x4140];
	_ =	sdelay $0x1  }
0x132: {  	v5 =	vpop (erf)  }
0x133: {  	v6 =	vsel vm0, $0x0, v5  }
0x134: {  	v6 =	vsel vm1, v16, v6  }
0x135: {  	v7 =	vadd.f32 v8, v7;
	_ =	sdelay $0x1  }
0x136: {  	v7 =	vmul.f32 v7, v5;
	_ =	sdelay $0x1  }
0x137: {  	[tilespmem:s28+$0x0] =	vst v7  }
0x138: {  	v7 =	vld [tilespmem:s16+$0x10]  }
0x139: {  	v8 =	vld [tilespmem:s24+$0x4150];
	_ =	sdelay $0x4  }
0x13a: {  	v7 =	vadd.f32 v8, v7;
	_ =	sdelay $0x1  }
0x13b: {  	v7 =	vmul.f32 v7, v5;
	_ =	sdelay $0x1  }
0x13c: {  	[tilespmem:s28+$0x10] =	vst v7  }
0x13d: {  	v7 =	vld [tilespmem:s16+$0x20]  }
0x13e: {  	v8 =	vld [tilespmem:s24+$0x4160];
	_ =	sdelay $0x4  }
0x13f: {  	v7 =	vadd.f32 v8, v7;
	_ =	sdelay $0x1  }
0x140: {  	v7 =	vmul.f32 v7, v5;
	_ =	sdelay $0x1  }
.Ltmp1:
0x141: {  	[tilespmem:s28+$0x20] =	vst v7;
	(pc) =	sbr.rel @p1 .LBB2_5-.Ltmp1, $3  }
0x142: {  	v7 =	vld [tilespmem:s16+$0x30]  }
0x143: {  	v8 =	vld [tilespmem:s24+$0x4170];
	_ =	sdelay $0x1  }
0x144: {  	s20 =	sadd.s32 $0x80, s20;
	s28 =	sadd.s32 $0x80, s28;
	s16 =	sadd.s32 $0x80, s16  }
0x145: {  	_ =	sdelay $0x1  }
0x146: {  	v7 =	vadd.f32 v8, v7;
	_ =	sdelay $0x1  }
0x147: {  	v5 =	vmul.f32 v7, v5;
	_ =	sdelay $0x1  }
0x148: {  	[tilespmem:s14+$0x30] =	vst v5  }
0x149: {  	s0 =	rddreg [dreg:$0x1];
	[tilespmem:s1+$0x0] =	vst v6  }
0x14a: {  	[spmem:s0] =	stream.indirect.scatter.add.f32 [tilespmem:s15], [sflag:$0x2], $0x80, s2, s19, $0xb8;
	[tilespmem:$0x1C580] =	vst v63  }
0x14b: {  	s30 =	sadd.s32 $0x1, s30;
	_ =	swait.ge [sflag:s17], $0x1400  }
0x14c: {  	s31 =	sshll.u32 s31, $0x4;
	p1 =	sne.s32 s30, $0xFA;
	[sflag:s17] =	ssyncset.done $0x0  }
.Ltmp2:
0x14d: {  	s0 =	sadd.s32 s9, s31;
	[sflag:s17] =	ssyncadd.s32 $0xFFFFEC00;
	(pc) =	sbr.rel @p1 .LBB2_4-.Ltmp2, $4  }
0x14e: {  	[hbm4b:s0+s2] =	stream.linear.scatter [tilespmem:s26], [sflag:$0x2], $0x1400, $0x38;
	[tilespmem:$0x1C580] =	vst v63  }
0x14f: {  	_ =	swait.ge [sflag:s17], $0x1400  }
0x150: {  	[sflag:s17] =	ssyncset.done $0x0  }
0x151: {  	[sflag:s17] =	ssyncadd.s32 $0xFFFFEC00  }
0x152: {  	[bflag:$0x0] =	sbarrier.arrive $0xFFFF  }
0x153: {  	s14 =	rddreg [dreg:$0x7]  }
0x154: {  	[tilespmem:s15], [sflag:$0x2] =	stream.linear.gather [spmem:s14], $0x1400, $0x38;
	[tilespmem:$0x1C580] =	vst v63  }
0x155: {  	_ =	swait.ge [sflag:s17], $0x1400  }
0x156: {  	[sflag:s17] =	ssyncset.done $0x0  }
0x157: {  	s0 =	sadd.s32 $0x0, s23;
	[sflag:s17] =	ssyncadd.s32 $0xFFFFEC00  }
0x158: {  	[hbm4b:s0+s2] =	stream.linear.scatter [tilespmem:s15], [sflag:$0x2], $0x1400, $0x38;
	[tilespmem:$0x1C580] =	vst v63  }
0x159: {  	_ =	swait.ge [sflag:s17], $0x1400  }
0x15a: {  	s1 =	smov.u32 s14;
	s0 =	simm.s32 $0x280;
	[sflag:s17] =	ssyncset.done $0x0  }
.LBB2_8:
0x15b: {  	p1 =	sne.s32 s0, $0x2300;
	[sflag:s17] =	ssyncadd.s32 $0xFFFFEC00;
	s1 =	sadd.s32 $0x1400, s1  }
0x15c: {  	[tilespmem:s15], [sflag:$0x2] =	stream.linear.gather [spmem:s1], $0x1400, $0x38;
	[tilespmem:$0x1C580] =	vst v63  }
0x15d: {  	s11 =	smov.u32 s0;
	s0 =	sadd.s32 $0x280, s0;
	_ =	swait.ge [sflag:s17], $0x1400  }
.Ltmp3:
0x15e: {  	[sflag:s17] =	ssyncset.done $0x0;
	(pc) =	sbr.rel @p1 .LBB2_8-.Ltmp3, $4  }
0x15f: {  	s11 =	sadd.s32 s11, s23;
	[sflag:s17] =	ssyncadd.s32 $0xFFFFEC00  }
0x160: {  	[hbm4b:s11+s2] =	stream.linear.scatter [tilespmem:s15], [sflag:$0x2], $0x1400, $0x38;
	[tilespmem:$0x1C580] =	vst v63  }
0x161: {  	_ =	swait.ge [sflag:s17], $0x1400  }
0x162: {  	[sflag:s17] =	ssyncset.done $0x0  }
0x163: {  	[sflag:s17] =	ssyncadd.s32 $0xFFFFEC00;
	s20 =	rddreg [dreg:$0x3]  }
0x164: {  	[tilespmem:s15], [sflag:$0x2] =	stream.linear.gather [spmem:s20], $0xC00, $0x38;
	[tilespmem:$0x1C580] =	vst v63  }
0x165: {  	_ =	swait.ge [sflag:s17], $0xC00  }
0x166: {  	[sflag:s17] =	ssyncset.done $0x0  }
0x167: {  	s0 =	rddreg [dreg:$0x5];
	[sflag:s17] =	ssyncadd.s32 $0xFFFFF400  }
0x168: {  	[hbm4b:s0+s2] =	stream.linear.scatter [tilespmem:s15], [sflag:$0x2], $0xC00, $0x38;
	[tilespmem:$0x1C580] =	vst v63  }
0x169: {  	_ =	swait.ge [sflag:s17], $0xC00  }
0x16a: {  	s1 =	simm.s32 @!p0 $0x2;
	[sflag:s17] =	ssyncset.done $0x0  }
0x16b: {  	s0 =	simm.s32 @!p0 $0x6500;
	s22 =	rddreg [dreg:$0x4];
	[sflag:s17] =	ssyncadd.s32 $0xFFFFF400  }
0x16c: {  	[tilespmem:s0], [sflag:$0x2] =	stream.linear.gather @!p0 [spmem:s22], $0x800, $0x38;
	[tilespmem:$0x1C580] =	vst v63  }
0x16d: {  	_ =	swait.ge @!p0 [sflag:s1], $0x800  }
0x16e: {  	[sflag:s1] =	ssyncset.done @!p0 $0x0  }
0x16f: {  	s11 =	simm.s32 @!p0 $0x0;
	s12 =	rddreg [dreg:$0x6];
	[sflag:s1] =	ssyncadd.s32 @!p0 $0xFFFFF800  }
0x170: {  	[hbm4b:s12+s11] =	stream.linear.scatter @!p0 [tilespmem:s0], [sflag:$0x2], $0x800, $0x38;
	[tilespmem:$0x1C580] =	vst v63  }
0x171: {  	_ =	swait.ge @!p0 [sflag:s1], $0x800  }
0x172: {  	s30 =	rddreg [dreg:$0x17]  }
0x173: {  	s31 =	rddreg [dreg:$0x8];
	s11 =	sadd.s32 $0x1, s30  }
0x174: {  	p1 =	sne.s32 s11, s31  }
.Ltmp4:
0x175: {  	_ = 	snop;
	(pc) =	sbr.rel @p1 .LBB2_1-.Ltmp4, $3  }
0x176: {  	_ =	sdelay $0x1  }
0x177: {  	[sflag:s1] =	ssyncset.done @!p0 $0x0  }
0x178: {  	[sflag:s1] =	ssyncadd.s32 @!p0 $0xFFFFF800  }
0x179: {  	_ =	sfence.sel $0x180000  }
0x17a: {  	[bflag:$0x0] =	sbarrier.arrive $0xFFFF  }
0x17b: {  	_ =	strace $0x90000047  }
0x17c: {  	[bflag:$0x2] =	sbarrier.arrive $0xFFFF  }
0x17d: {  	s0 =	rddreg [dreg:$0x2]  }
0x17e: {  	s0 =	sadd.s32 @!p0 $0x100000, s0  }
0x17f: {  	[sflag:s0] =	ssyncadd.tile.s32 @!p0 $0x1;
	_ =	shalt  }
.Lfunc_end2:
_tile_overlayer_lowered:
.L_overlay_start_2:
0x180: {  	(tag) =	ssettag $0x2  }
0x181: {  	s0 =	rddreg [dreg:$0x0];
	s2 =	stileid.u32  }
0x182: {  	s1 =	rddreg [dreg:$0x1];
	p0 =	sne.s32 s2, $0x0  }
0x183: {  	s3 =	rddreg [dreg:$0x2];
	[bflag:$0x3] =	sbarrier.arrive $0xFFFF;
	s2 =	simm.s32 @!p0 $0x1C02  }
0x184: {  	[timem:s3], [sflag:s2] =	dma.local @!p0 [hbm:s0], s1  }
0x185: {  	s0 =	simm.s32 @!p0 $0x2  }
0x186: {  	_ =	swait.ge @!p0 [sflag:s0], s1  }
0x187: {  	s1 =	ssub.s32 @!p0 $0x0, s1;
	[sflag:s0] =	ssyncset.done @!p0 $0x0  }
0x188: {  	[sflag:s0] =	ssyncadd.s32 @!p0 s1  }
0x189: {  	[bflag:$0x3] =	sbarrier.arrive $0xFFFF  }
0x18a: {  	_ =	shalt  }

// kernel: kernel.16.cloned.1.call-start
scs
__scs_entry_jumppad:
0x0: {  	(pc) =	sbr.rel $0x88, $3  }
0x1: {  	(tag) =	ssettag $0x0;
	lr =	simm.s32 $0x1  }
0x2: {  	[smem:$0x3F80] =	sst lr;
	_ =	strace $0xD0000000  }
0x3: {  	_ = 	snop  }
0x4: {  	_ = 	snop  }
0x5: {  	_ = 	snop  }
0x6: {  	_ = 	snop  }
0x7: {  	_ = 	snop  }
__scs_overlays_trampoline_lowered:
0x8: {  	[smem:$0x3F8F] =	sst s0  }
0x9: {  	[smem:$0x3F90] =	sst s1  }
0xa: {  	[smem:$0x3F91] =	sst s2  }
0xb: {  	[smem:$0x3F92] =	sst s3  }
0xc: {  	[smem:$0x3F93] =	sst s4  }
0xd: {  	[smem:$0x3F94] =	sst s5  }
0xe: {  	[smem:$0x3F95] =	sst s6  }
0xf: {  	[smem:$0x3F96] =	sst s7  }
0x10: {  	[smem:$0x3F97] =	sst s8  }
0x11: {  	[smem:$0x3F98] =	sst s9;
	s0 =	simm.s32 @!p0 $0x0  }
0x12: {  	s1 =	sld [smem:$0x3F7E];
	s0 =	simm.s32 @p0 $0x1  }
0x13: {  	[smem:$0x3F99] =	sst s0;
	s0 =	simm.s32 @!p1 $0x0  }
0x14: {  	s2 =	sld [smem:$0x3F7D];
	s0 =	simm.s32 @p1 $0x1  }
0x15: {  	[smem:$0x3F9A] =	sst s0;
	s0 =	simm.s32 @!p2 $0x0  }
0x16: {  	s3 =	sld [smem:$0x3FDB];
	s0 =	simm.s32 @p2 $0x1  }
0x17: {  	s4 =	simm.s32 $0x1BF5;
	[smem:$0x3F9C] =	sst s0  }
0x18: {  	s0 =	sld [smem:$0x3F7F];
	_ =	swait.ge [sflag:s4], $0x0  }
0x19: {  	s7 =	sld [smem:$0x3F80]  }
0x1a: {  	s8 =	sadd.s32 $0xFFFFE003, lr  }
0x1b: {  	s9 =	sadd.s32 $0xFFFFFEF7, lr;
	s5 =	simm.s32 $0xFFFFFFFF;
	p2 =	slt.u32 s8, $0xFFFFF086  }
0x1c: {  	p1 =	slt.u32 s9, $0xF7A;
	s5 =	simm.s32 @!p2 $0x0  }
0x1d: {  	s5 =	simm.s32 @p1 $0x1;
	p0 =	seq.s32 s7, s2  }
0x1e: {  	s7 =	smul.u32 @!p0 $0xF7A, s2;
	p2 =	seq.s32 @!p0 s5, $0x0  }
0x1f: {  	s9 =	smul.u32 $0xF7A, s1;
	s8 =	simm.s32 @!p0 $0x1BF5;
	p2 =	por !p2, p0  }
0x20: {  	[sflag:s8] =	ssyncset.s32 @!p0 $0xFFFFF086;
	s6 =	sadd.s32 @!p0 s3, s7;
	s7 =	simm.s32 @!p0 $0x108  }
0x21: {  	s3 =	sadd.s32 s3, s9;
	s6 =	sadd.s32 @!p0 $0x88, s6;
	s7 =	simm.s32 @p2 $0x1082  }
0x22: {  	[simem:s7], [sflag:s8] =	dma.local @!p0 [hbm:s6], $0xF7A  }
0x23: {  	s9 =	sor.u32 $0xD0000000, s2;
	s6 =	simm.s32 $0x108;
	_ =	swait.ge @!p0 [sflag:s8], $0x0  }
0x24: {  	s3 =	sadd.s32 $0x88, s3;
	s6 =	simm.s32 @!p1 $0x1082;
	[sflag:s4] =	ssyncset.s32 $0xFFFFF086  }
0x25: {  	[simem:s6], [sflag:s4] =	dma.local [hbm:s3], $0xF7A  }
0x26: {  	[smem:$0x3F80] =	sst s1;
	(tag) =	ssettag s2;
	_ =	strace s9  }
0x27: {  	s1 =	sld [smem:$0x3F90]  }
0x28: {  	s2 =	sld [smem:$0x3F91]  }
0x29: {  	s4 =	sld [smem:$0x3F93]  }
0x2a: {  	p0 =	seq.s32 s5, $0x0;
	s5 =	sld [smem:$0x3F94]  }
0x2b: {  	s6 =	sld [smem:$0x3F95]  }
0x2c: {  	s7 =	sld [smem:$0x3F96]  }
0x2d: {  	s3 =	simm.s32 $0x108;
	s8 =	sld [smem:$0x3F97]  }
0x2e: {  	s3 =	simm.s32 @!p0 $0x1082;
	s9 =	sld [smem:$0x3F98]  }
0x2f: {  	lr =	sadd.s32 s0, s3;
	s0 =	sld [smem:$0x3F8F]  }
0x30: {  	s3 =	sld [smem:$0x3F92]  }
0x31: {  	[smem:$0x3F9B] =	sst s10  }
0x32: {  	s10 =	sld [smem:$0x3F99];
	_ =	sdelay $0x3  }
0x33: {  	p0 =	seq.s32 s10, $0x1;
	s10 =	sld [smem:$0x3F9B];
	_ =	sdelay $0x3  }
0x34: {  	[smem:$0x3F9B] =	sst s10  }
0x35: {  	s10 =	sld [smem:$0x3F9A];
	_ =	sdelay $0x3  }
0x36: {  	p1 =	seq.s32 s10, $0x1;
	s10 =	sld [smem:$0x3F9B];
	_ =	sdelay $0x3  }
0x37: {  	[smem:$0x3F9B] =	sst s10  }
0x38: {  	s10 =	sld [smem:$0x3F9C]  }
0x39: {  	_ = 	snop;
	(pc) =	sbr.ind lr, $3  }
0x3a: {  	_ = 	snop  }
0x3b: {  	_ = 	snop  }
0x3c: {  	p2 =	seq.s32 s10, $0x1;
	s10 =	sld [smem:$0x3F9B]  }
0x3d: {  	_ =	shalt  }
0x3e: {  	_ =	shalt  }
0x3f: {  	_ =	shalt  }
0x40: {  	_ =	shalt  }
0x41: {  	_ =	shalt  }
0x42: {  	_ =	shalt  }
0x43: {  	_ =	shalt  }
0x44: {  	_ =	shalt  }
0x45: {  	_ =	shalt  }
0x46: {  	_ =	shalt  }
0x47: {  	_ =	shalt  }
0x48: {  	_ =	shalt  }
0x49: {  	_ =	shalt  }
0x4a: {  	_ =	shalt  }
0x4b: {  	_ =	shalt  }
0x4c: {  	_ =	shalt  }
0x4d: {  	_ =	shalt  }
0x4e: {  	_ =	shalt  }
0x4f: {  	_ =	shalt  }
0x50: {  	_ =	shalt  }
0x51: {  	_ =	shalt  }
0x52: {  	_ =	shalt  }
0x53: {  	_ =	shalt  }
0x54: {  	_ =	shalt  }
0x55: {  	_ =	shalt  }
0x56: {  	_ =	shalt  }
0x57: {  	_ =	shalt  }
0x58: {  	_ =	shalt  }
0x59: {  	_ =	shalt  }
0x5a: {  	_ =	shalt  }
0x5b: {  	_ =	shalt  }
0x5c: {  	_ =	shalt  }
0x5d: {  	_ =	shalt  }
0x5e: {  	_ =	shalt  }
0x5f: {  	_ =	shalt  }
0x60: {  	_ =	shalt  }
0x61: {  	_ =	shalt  }
0x62: {  	_ =	shalt  }
0x63: {  	_ =	shalt  }
0x64: {  	_ =	shalt  }
0x65: {  	_ =	shalt  }
0x66: {  	_ =	shalt  }
0x67: {  	_ =	shalt  }
0x68: {  	_ =	shalt  }
0x69: {  	_ =	shalt  }
0x6a: {  	_ =	shalt  }
0x6b: {  	_ =	shalt  }
0x6c: {  	_ =	shalt  }
0x6d: {  	_ =	shalt  }
0x6e: {  	_ =	shalt  }
0x6f: {  	_ =	shalt  }
0x70: {  	_ =	shalt  }
0x71: {  	_ =	shalt  }
0x72: {  	_ =	shalt  }
0x73: {  	_ =	shalt  }
0x74: {  	_ =	shalt  }
0x75: {  	_ =	shalt  }
0x76: {  	_ =	shalt  }
0x77: {  	_ =	shalt  }
0x78: {  	_ =	shalt  }
0x79: {  	_ =	shalt  }
0x7a: {  	_ =	shalt  }
0x7b: {  	_ =	shalt  }
0x7c: {  	_ =	shalt  }
0x7d: {  	_ =	shalt  }
0x7e: {  	_ =	shalt  }
0x7f: {  	_ =	shalt  }
0x80: {  	_ =	shalt  }
0x81: {  	_ =	shalt  }
0x82: {  	_ =	shalt  }
0x83: {  	_ =	shalt  }
0x84: {  	_ =	shalt  }
0x85: {  	_ =	shalt  }
0x86: {  	_ =	shalt  }
0x87: {  	_ =	shalt  }
.Lfunc_end0:
.L_simem_size_0:
called_computation.1_lowered:
.L_overlay_start_0:
0x88: {  	s2 =	sld [smem:$0x3FD9]  }
0x89: {  	s3 =	sld [smem:$0x3FFE];
	_ =	sdelay $0x1  }
0x8a: {  	s1 =	srdreg.scid  }
0x8b: {  	s0 =	sand.u32 $0x1, s1  }
0x8c: {  	s16 =	sshll.u32 s0, $0xA;
	s2 =	sadd.s32 s3, s2  }
0x8d: {  	s2 =	sadd.s32 s2, s16  }
0x8e: {  	[smem:$0x3FA7] =	sst s2  }
0x8f: {  	_ = 	snop  }
0x90: {  	(tm) =	ssettm $0x1  }
0x91: {  	s17 =	sld [smem:$0x3FFB];
	_ =	sdelay $0x3  }
0x92: {  	_ =	strace s17  }
0x93: {  	s2 =	sld [smem:$0x3FFC];
	_ =	sdelay $0x3  }
0x94: {  	_ =	strace s2  }
0x95: {  	s2 =	sld [smem:$0x3FFD];
	_ =	sdelay $0x3  }
0x96: {  	_ =	strace s2  }
0x97: {  	_ =	strace $0x8FFFFFFF  }
0x98: {  	s18 =	sld [smem:$0x3FDB];
	_ =	sdelay $0x1  }
0x99: {  	s19 =	simm.s32 $_scs_section_size  }
0x9a: {  	s4 =	simm.s32 $_size__tile_overlayer_lowered;
	s5 =	simm.s32 $_tile_overlayer_lowered  }
0x9b: {  	s22 =	simm.s32 $0x1BFF;
	s21 =	sshll.u32 s5, $0x1;
	s2 =	sadd.s32 s19, s18  }
0x9c: {  	s6 =	simm.s32 $0x0;
	s20 =	sshll.u32 s4, $0x1;
	s4 =	sadd.s32 s21, s2  }
0x9d: {  	[timem:s6], [sflag:s22] =	dma.local [hbm:s4], s20  }
0x9e: {  	_ =	swait.ge [sflag:s22], s20  }
0x9f: {  	s3 =	ssub.s32 $0x0, s20;
	[sflag:s22] =	ssyncset.done $0x0  }
0xa0: {  	[sflag:s22] =	ssyncadd.s32 s3;
	_ =	sdelay $0x1  }
0xa1: {  	s23 =	simm.s32 $0x1B8B  }
0xa2: {  	_ =	swait.ge [sflag:s23], $0x1  }
0xa3: {  	[sflag:s23] =	ssyncset.done $0x0  }
0xa4: {  	s25 =	simm.s32 $0x1B8E;
	s24 =	sld [smem:$0x3FFE];
	[sflag:s23] =	ssyncadd.s32 $0xFFFFFFFF  }
0xa5: {  	s26 =	simm.s32 $execute0_lowered;
	[smem:$0x3FD2] =	sst s25  }
0xa6: {  	s4 =	sshll.u32 s26, $0x1;
	_ =	strace $0x80000049;
	[dreg:$0x1] =	wrdreg $0xFFFFFFFF  }
0xa7: {  	s28 =	simm.s32 $_size_execute0_lowered;
	s2 =	sadd.s32 s2, s4;
	[dreg:$0x0] =	wrdreg $0x0  }
0xa8: {  	s4 =	sshll.u32 s28, $0x1;
	[dreg:$0x2] =	wrdreg s2  }
0xa9: {  	[dreg:$0x3] =	wrdreg s4  }
0xaa: {  	[dreg:$0x4] =	wrdreg $0xC0  }
0xab: {  	_ =	task [dreg:s6], $0x5FFFF  }
0xac: {  	[dreg:$0x1] =	wrdreg $0xFFFFFFFF  }
0xad: {  	[dreg:$0x0] =	wrdreg $0x60  }
0xae: {  	[dreg:$0x2] =	wrdreg s24  }
0xaf: {  	[dreg:$0x3] =	wrdreg $0x28800  }
0xb0: {  	[dreg:$0x4] =	wrdreg $0x9  }
0xb1: {  	_ =	task.clear_ibuf [dreg:s6], $0x5FFFF;
	_ =	strace $0x90000049  }
0xb2: {  	s29 =	simm.s32 $0x9;
	_ =	strace $0x8000004B  }
0xb3: {  	_ =	swait.ge [sflag:s29], $0x1  }
0xb4: {  	[sflag:s29] =	ssyncadd.s32 $0xFFFFFFFF  }
0xb5: {  	_ =	strace $0x9000004B  }
0xb6: {  	_ =	sfence  }
0xb7: {  	s30 =	sld [smem:$0x0];
	_ =	sdelay $0x2  }
0xb8: {  	s31 =	sshll.u32 s1, $0xD;
	s1 =	sshrl.u32 s1, $0x2  }
0xb9: {  	s3 =	sand.u32 $0x4000, s31;
	s1 =	sadd.s32 s1, s30  }
0xba: {  	s0 =	sor.u32 s3, s0;
	s1 =	sshll.u32 s1, $0x11  }
0xbb: {  	s0 =	sor.u32 s1, s0  }
0xbc: {  	s0 =	sadd.s32 $0x8F2B, s0  }
0xbd: {  	[sflag:s0] =	ssyncadd.remote.s32 $0x1  }
0xbe: {  	_ =	sfence.sel $0xFFFF  }
0xbf: {  	[dreg:$0x0] =	wrdreg $0xFFFFFFFF;
	(pc) =	sbr.abs _section_cstart, $3  }
0xc0: {  	[dreg:$0x1] =	wrdreg $0xFFFFFFFF  }
0xc1: {  	_ =	task.clear_ibuf [dreg:s6], $0x2FFFF;
	_ =	strace $0x9FFFFFFF  }
0xc2: {  	(tm) =	ssettm $0x7FFFFFFF  }
0xc3: {  	_ =	shalt  }
tec
execute0_lowered:
.L_overlay_start_1:
0x0: {  	(tag) =	ssettag $0x1  }
0x1: {  	s0 =	rddreg [dreg:$0x0];
	s2 =	srdreg.scid  }
0x2: {  	s8 =	stileid.u32;
	s1 =	rddreg [dreg:$0x1]  }
0x3: {  	s28 =	simm.s32 $0x1480;
	s29 =	simm.s32 $0x1;
	s30 =	simm.s32 $0x80  }
0x4: {  	s31 =	simm.s32 $0x28;
	s5 =	sand.u32 $0x1, s2;
	s9 =	smul.u32 $0x13800, s8  }
0x5: {  	s3 =	sshll.u32 s8, $0x1;
	s2 =	simm.s32 $0x0;
	s13 =	smul.u32 $0x4E000, s8  }
0x6: {  	p0 =	sne.s32 s8, $0x0;
	s4 =	sor.u32 s5, s3;
	[smem:$0x7FF] =	sst s2  }
0x7: {  	s6 =	ssub.s32 $0x2, s5;
	s12 =	smul.u32 $0x138800, s5;
	s3 =	sshll.u32 s4, $0xC  }
0x8: {  	_ =	strace $0x8000004A;
	s10 =	sshrl.u32 s6, $0x1;
	s4 =	smul.u32 $0x2710, s4  }
0x9: {  	s24 =	sadd.s32 $0x12C00, s9;
	s13 =	sshrl.u32 s13, $0x2;
	s7 =	sadd.s32 s3, s0  }
0xa: {  	s3 =	sadd.s32 $0x8400, s0;
	s0 =	sadd.s32 $0x511600, s0;
	s11 =	ssub.s32 s6, s10  }
0xb: {  	s5 =	sadd.s32 s24, s1;
	s6 =	sadd.s32 $0x138000, s1;
	s10 =	sadd.s32 s12, s24  }
0xc: {  	s14 =	sshrl.u32 s12, $0x3;
	s9 =	sadd.s32 s9, s12;
	s7 =	sadd.s32 $0x586C00, s7  }
0xd: {  	s10 =	sshrl.u32 s10, $0x3;
	s14 =	sadd.s32 s0, s14;
	s11 =	smax.u32 s11, $0x1  }
0xe: {  	s9 =	sshrl.u32 s9, $0x3;
	s10 =	sadd.s32 s0, s10;
	[dreg:$0x5] =	wrdreg s11  }
0xf: {  	s25 =	sadd.s32 $0x27000, s14;
	s23 =	sadd.s32 s9, s0;
	[dreg:$0x3] =	wrdreg s10  }
0x10: {  	s0 =	simm.s32 $0x0;
	[dreg:$0x4] =	wrdreg s25;
	s10 =	sadd.s32 s13, s1  }
0x11: {  	s26 =	sadd.s32 $0x1400, s10;
	s13 =	sadd.s32 $0x2800, s10;
	s14 =	sadd.s32 $0x3C00, s10  }
0x12: {  	s15 =	sadd.s32 $0x5000, s10;
	s16 =	sadd.s32 $0x6400, s10;
	s17 =	sadd.s32 $0x7800, s10  }
0x13: {  	s18 =	sadd.s32 $0x8C00, s10;
	s19 =	sadd.s32 $0xA000, s10;
	s20 =	sadd.s32 $0xB400, s10  }
0x14: {  	s21 =	sadd.s32 $0xC800, s10;
	s22 =	sadd.s32 $0xDC00, s10;
	s24 =	sadd.s32 $0xF000, s10  }
0x15: {  	v0 =	vimm.f32 $0.0e+00;
	s25 =	sadd.s32 $0x10400, s10;
	[dreg:$0x6] =	wrdreg s26;
	s26 =	sadd.s32 $0x11800, s10  }
.LBB2_1:
0x16: {  	s8 =	simm.s32 $0x0;
	s9 =	simm.s32 $0x200  }
.LBB2_2:
0x17: {  	p1 =	sne.s32 s9, $0x4E00;
	[tilespmem:s8+$0x14F0] =	vst v0  }
0x18: {  	[tilespmem:s8+$0x1480] =	vst v0  }
0x19: {  	[tilespmem:s8+$0x1490] =	vst v0  }
.Ltmp0:
0x1a: {  	[tilespmem:s8+$0x14A0] =	vst v0;
	(pc) =	sbr.rel @p1 .LBB2_2-.Ltmp0, $4  }
0x1b: {  	[tilespmem:s8+$0x14B0] =	vst v0  }
0x1c: {  	[tilespmem:s8+$0x14C0] =	vst v0  }
0x1d: {  	[tilespmem:s8+$0x14D0] =	vst v0  }
0x1e: {  	[tilespmem:s8+$0x14E0] =	vst v0;
	s8 =	sshra.s32 s9, $0x2;
	s9 =	sadd.s32 $0x200, s9  }
0x1f: {  	[tilespmem:s8+$0x14F0] =	vst v0  }
0x20: {  	[tilespmem:s8+$0x1480] =	vst v0  }
0x21: {  	[tilespmem:s8+$0x1490] =	vst v0  }
0x22: {  	[tilespmem:s8+$0x14A0] =	vst v0  }
0x23: {  	[tilespmem:s8+$0x14B0] =	vst v0  }
0x24: {  	[tilespmem:s8+$0x14C0] =	vst v0  }
0x25: {  	[tilespmem:s8+$0x14D0] =	vst v0  }
0x26: {  	[tilespmem:s8+$0x14E0] =	vst v0  }
0x27: {  	[spmem:s10] =	stream.linear.scatter [tilespmem:s28], [sflag:$0x1], $0x1400, $0x38;
	[tilespmem:$0x16100] =	vst v63  }
0x28: {  	_ =	swait.ge [sflag:s29], $0x1400  }
0x29: {  	[sflag:s29] =	ssyncset.done $0x0  }
0x2a: {  	s12 =	rddreg [dreg:$0x6];
	[sflag:s29] =	ssyncadd.s32 $0xFFFFEC00  }
0x2b: {  	[spmem:s12] =	stream.linear.scatter [tilespmem:s28], [sflag:$0x1], $0x1400, $0x38;
	[tilespmem:$0x16100] =	vst v63  }
0x2c: {  	_ =	swait.ge [sflag:s29], $0x1400  }
0x2d: {  	[sflag:s29] =	ssyncset.done $0x0  }
0x2e: {  	[sflag:s29] =	ssyncadd.s32 $0xFFFFEC00  }
0x2f: {  	[spmem:s13] =	stream.linear.scatter [tilespmem:s28], [sflag:$0x1], $0x1400, $0x38;
	[tilespmem:$0x16100] =	vst v63  }
0x30: {  	_ =	swait.ge [sflag:s29], $0x1400  }
0x31: {  	[sflag:s29] =	ssyncset.done $0x0  }
0x32: {  	[sflag:s29] =	ssyncadd.s32 $0xFFFFEC00  }
0x33: {  	[spmem:s14] =	stream.linear.scatter [tilespmem:s28], [sflag:$0x1], $0x1400, $0x38;
	[tilespmem:$0x16100] =	vst v63  }
0x34: {  	_ =	swait.ge [sflag:s29], $0x1400  }
0x35: {  	[sflag:s29] =	ssyncset.done $0x0  }
0x36: {  	[sflag:s29] =	ssyncadd.s32 $0xFFFFEC00  }
0x37: {  	[spmem:s15] =	stream.linear.scatter [tilespmem:s28], [sflag:$0x1], $0x1400, $0x38;
	[tilespmem:$0x16100] =	vst v63  }
0x38: {  	_ =	swait.ge [sflag:s29], $0x1400  }
0x39: {  	[sflag:s29] =	ssyncset.done $0x0  }
0x3a: {  	[sflag:s29] =	ssyncadd.s32 $0xFFFFEC00  }
0x3b: {  	[spmem:s16] =	stream.linear.scatter [tilespmem:s28], [sflag:$0x1], $0x1400, $0x38;
	[tilespmem:$0x16100] =	vst v63  }
0x3c: {  	_ =	swait.ge [sflag:s29], $0x1400  }
0x3d: {  	[sflag:s29] =	ssyncset.done $0x0  }
0x3e: {  	[sflag:s29] =	ssyncadd.s32 $0xFFFFEC00  }
0x3f: {  	[spmem:s17] =	stream.linear.scatter [tilespmem:s28], [sflag:$0x1], $0x1400, $0x38;
	[tilespmem:$0x16100] =	vst v63  }
0x40: {  	_ =	swait.ge [sflag:s29], $0x1400  }
0x41: {  	[sflag:s29] =	ssyncset.done $0x0  }
0x42: {  	[sflag:s29] =	ssyncadd.s32 $0xFFFFEC00  }
0x43: {  	[spmem:s18] =	stream.linear.scatter [tilespmem:s28], [sflag:$0x1], $0x1400, $0x38;
	[tilespmem:$0x16100] =	vst v63  }
0x44: {  	_ =	swait.ge [sflag:s29], $0x1400  }
0x45: {  	[sflag:s29] =	ssyncset.done $0x0  }
0x46: {  	[sflag:s29] =	ssyncadd.s32 $0xFFFFEC00  }
0x47: {  	[spmem:s19] =	stream.linear.scatter [tilespmem:s28], [sflag:$0x1], $0x1400, $0x38;
	[tilespmem:$0x16100] =	vst v63  }
0x48: {  	_ =	swait.ge [sflag:s29], $0x1400  }
0x49: {  	[sflag:s29] =	ssyncset.done $0x0  }
0x4a: {  	[sflag:s29] =	ssyncadd.s32 $0xFFFFEC00  }
0x4b: {  	[spmem:s20] =	stream.linear.scatter [tilespmem:s28], [sflag:$0x1], $0x1400, $0x38;
	[tilespmem:$0x16100] =	vst v63  }
0x4c: {  	_ =	swait.ge [sflag:s29], $0x1400  }
0x4d: {  	[sflag:s29] =	ssyncset.done $0x0  }
0x4e: {  	[sflag:s29] =	ssyncadd.s32 $0xFFFFEC00  }
0x4f: {  	[spmem:s21] =	stream.linear.scatter [tilespmem:s28], [sflag:$0x1], $0x1400, $0x38;
	[tilespmem:$0x16100] =	vst v63  }
0x50: {  	_ =	swait.ge [sflag:s29], $0x1400  }
0x51: {  	[sflag:s29] =	ssyncset.done $0x0  }
0x52: {  	[sflag:s29] =	ssyncadd.s32 $0xFFFFEC00  }
0x53: {  	[spmem:s22] =	stream.linear.scatter [tilespmem:s28], [sflag:$0x1], $0x1400, $0x38;
	[tilespmem:$0x16100] =	vst v63  }
0x54: {  	_ =	swait.ge [sflag:s29], $0x1400  }
0x55: {  	[sflag:s29] =	ssyncset.done $0x0  }
0x56: {  	[sflag:s29] =	ssyncadd.s32 $0xFFFFEC00  }
0x57: {  	[spmem:s24] =	stream.linear.scatter [tilespmem:s28], [sflag:$0x1], $0x1400, $0x38;
	[tilespmem:$0x16100] =	vst v63  }
0x58: {  	_ =	swait.ge [sflag:s29], $0x1400  }
0x59: {  	[sflag:s29] =	ssyncset.done $0x0  }
0x5a: {  	[sflag:s29] =	ssyncadd.s32 $0xFFFFEC00  }
0x5b: {  	[spmem:s25] =	stream.linear.scatter [tilespmem:s28], [sflag:$0x1], $0x1400, $0x38;
	[tilespmem:$0x16100] =	vst v63  }
0x5c: {  	_ =	swait.ge [sflag:s29], $0x1400  }
0x5d: {  	[sflag:s29] =	ssyncset.done $0x0  }
0x5e: {  	[sflag:s29] =	ssyncadd.s32 $0xFFFFEC00  }
0x5f: {  	[spmem:s26] =	stream.linear.scatter [tilespmem:s28], [sflag:$0x1], $0x1400, $0x38;
	[tilespmem:$0x16100] =	vst v63  }
0x60: {  	_ =	swait.ge [sflag:s29], $0x1400  }
0x61: {  	[sflag:s29] =	ssyncset.done $0x0  }
0x62: {  	[sflag:s29] =	ssyncadd.s32 $0xFFFFEC00  }
0x63: {  	[spmem:s5] =	stream.linear.scatter [tilespmem:s28], [sflag:$0x1], $0xC00, $0x38;
	[tilespmem:$0x16100] =	vst v63  }
0x64: {  	_ =	swait.ge [sflag:s29], $0xC00  }
0x65: {  	[sflag:s29] =	ssyncset.done $0x0  }
0x66: {  	s8 =	simm.s32 @!p0 $0x1480;
	[sflag:s29] =	ssyncadd.s32 $0xFFFFF400  }
0x67: {  	[spmem:s6] =	stream.linear.scatter @!p0 [tilespmem:s8], [sflag:$0x1], $0x800, $0x38;
	[tilespmem:$0x16100] =	vst v63  }
0x68: {  	s8 =	simm.s32 @!p0 $0x1  }
0x69: {  	_ =	swait.ge @!p0 [sflag:s8], $0x800  }
0x6a: {  	[sflag:s8] =	ssyncset.done @!p0 $0x0  }
0x6b: {  	[sflag:s8] =	ssyncadd.s32 @!p0 $0xFFFFF800  }
0x6c: {  	s9 =	simm.s32 $0x0;
	s8 =	simm.s32 $0x0;
	[bflag:$0x0] =	sbarrier.arrive $0xFFFF  }
.LBB2_4:
0x6d: {  	s11 =	sshll.u32 s9, $0x4  }
0x6e: {  	s12 =	smul.u32 $0x28, s9;
	s11 =	sadd.s32 s11, s7  }
0x6f: {  	[tilespmem:s8], [sflag:$0x1] =	stream.linear.gather [hbm4b:s11+s8], $0x80, $0x38;
	[tilespmem:$0x16100] =	vst v63  }
0x70: {  	s12 =	sadd.s32 s4, s12;
	_ =	swait.ge [sflag:s29], $0x80  }
0x71: {  	s11 =	sshll.u32 s12, $0x4;
	[sflag:s29] =	ssyncset.done $0x0  }
0x72: {  	s11 =	sadd.s32 s3, s11;
	[sflag:s29] =	ssyncadd.s32 $0xFFFFFF80  }
0x73: {  	[tilespmem:s30], [sflag:$0x1] =	stream.linear.gather [hbm4b:s11+s8], $0x1400, $0x38;
	[tilespmem:$0x16100] =	vst v63  }
0x74: {  	_ =	swait.ge [sflag:s29], $0x1400  }
0x75: {  	[sflag:s29] =	ssyncset.done $0x0  }
0x76: {  	s11 =	simm.s32 $0x0;
	[sflag:s29] =	ssyncadd.s32 $0xFFFFEC00  }
0x77: {  	s12 =	simm.s32 $0x200;
	v1 =	vld [tilespmem:s11+$0x80]  }
.LBB2_5:
0x78: {  	p1 =	sne.s32 s12, $0x4E00  }
.Ltmp1:
0x79: {  	_ = 	snop;
	(pc) =	sbr.rel @p1 .LBB2_5-.Ltmp1, $3  }
0x7a: {  	_ =	sdelay $0x1  }
0x7b: {  	[tilespmem:s11+$0x1480] =	vst v1;
	s11 =	sshra.s32 s12, $0x2;
	s12 =	sadd.s32 $0x200, s12  }
0x7c: {  	v1 =	vld [tilespmem:s11+$0x80]  }
0x7d: {  	_ =	sdelay $0x1  }
0x7e: {  	s9 =	sadd.s32 $0x1, s9  }
0x7f: {  	p1 =	sne.s32 s9, $0xFA  }
.Ltmp2:
0x80: {  	[tilespmem:s11+$0x1480] =	vst v1;
	(pc) =	sbr.rel @p1 .LBB2_4-.Ltmp2, $4  }
0x81: {  	[spmem:s1] =	stream.indirect.scatter.add.f32 [tilespmem:s28], [sflag:$0x1], $0x80, s2, s31, $0xb8;
	[tilespmem:$0x16100] =	vst v63  }
0x82: {  	_ =	swait.ge [sflag:s29], $0x1400  }
0x83: {  	[sflag:s29] =	ssyncset.done $0x0  }
0x84: {  	[sflag:s29] =	ssyncadd.s32 $0xFFFFEC00  }
0x85: {  	[bflag:$0x0] =	sbarrier.arrive $0xFFFF  }
0x86: {  	[tilespmem:s28], [sflag:$0x1] =	stream.linear.gather [spmem:s10], $0x1400, $0x38;
	[tilespmem:$0x16100] =	vst v63  }
0x87: {  	_ =	swait.ge [sflag:s29], $0x1400  }
0x88: {  	[sflag:s29] =	ssyncset.done $0x0  }
0x89: {  	s8 =	sadd.s32 $0x0, s23;
	[sflag:s29] =	ssyncadd.s32 $0xFFFFEC00  }
0x8a: {  	[hbm4b:s8+s2] =	stream.linear.scatter [tilespmem:s28], [sflag:$0x1], $0x1400, $0x38;
	[tilespmem:$0x16100] =	vst v63  }
0x8b: {  	_ =	swait.ge [sflag:s29], $0x1400  }
0x8c: {  	s9 =	smov.u32 s10;
	s8 =	simm.s32 $0x280;
	[sflag:s29] =	ssyncset.done $0x0  }
.LBB2_8:
0x8d: {  	p1 =	sne.s32 s8, $0x2300;
	[sflag:s29] =	ssyncadd.s32 $0xFFFFEC00;
	s9 =	sadd.s32 $0x1400, s9  }
0x8e: {  	[tilespmem:s28], [sflag:$0x1] =	stream.linear.gather [spmem:s9], $0x1400, $0x38;
	[tilespmem:$0x16100] =	vst v63  }
0x8f: {  	s11 =	smov.u32 s8;
	s8 =	sadd.s32 $0x280, s8;
	_ =	swait.ge [sflag:s29], $0x1400  }
.Ltmp3:
0x90: {  	[sflag:s29] =	ssyncset.done $0x0;
	(pc) =	sbr.rel @p1 .LBB2_8-.Ltmp3, $4  }
0x91: {  	s11 =	sadd.s32 s11, s23;
	[sflag:s29] =	ssyncadd.s32 $0xFFFFEC00  }
0x92: {  	[hbm4b:s11+s2] =	stream.linear.scatter [tilespmem:s28], [sflag:$0x1], $0x1400, $0x38;
	[tilespmem:$0x16100] =	vst v63  }
0x93: {  	_ =	swait.ge [sflag:s29], $0x1400  }
0x94: {  	[sflag:s29] =	ssyncset.done $0x0  }
0x95: {  	[sflag:s29] =	ssyncadd.s32 $0xFFFFEC00  }
0x96: {  	[tilespmem:s28], [sflag:$0x1] =	stream.linear.gather [spmem:s5], $0xC00, $0x38;
	[tilespmem:$0x16100] =	vst v63  }
0x97: {  	_ =	swait.ge [sflag:s29], $0xC00  }
0x98: {  	[sflag:s29] =	ssyncset.done $0x0  }
0x99: {  	s8 =	rddreg [dreg:$0x3];
	[sflag:s29] =	ssyncadd.s32 $0xFFFFF400  }
0x9a: {  	[hbm4b:s8+s2] =	stream.linear.scatter [tilespmem:s28], [sflag:$0x1], $0xC00, $0x38;
	[tilespmem:$0x16100] =	vst v63  }
0x9b: {  	_ =	swait.ge [sflag:s29], $0xC00  }
0x9c: {  	[sflag:s29] =	ssyncset.done $0x0  }
0x9d: {  	s9 =	simm.s32 @!p0 $0x1;
	s8 =	simm.s32 @!p0 $0x1480;
	[sflag:s29] =	ssyncadd.s32 $0xFFFFF400  }
0x9e: {  	[tilespmem:s8], [sflag:$0x1] =	stream.linear.gather @!p0 [spmem:s6], $0x800, $0x38;
	[tilespmem:$0x16100] =	vst v63  }
0x9f: {  	_ =	swait.ge @!p0 [sflag:s9], $0x800  }
0xa0: {  	[sflag:s9] =	ssyncset.done @!p0 $0x0  }
0xa1: {  	s11 =	simm.s32 @!p0 $0x0;
	s12 =	rddreg [dreg:$0x4];
	[sflag:s9] =	ssyncadd.s32 @!p0 $0xFFFFF800  }
0xa2: {  	[hbm4b:s12+s11] =	stream.linear.scatter @!p0 [tilespmem:s8], [sflag:$0x1], $0x800, $0x38;
	[tilespmem:$0x16100] =	vst v63  }
0xa3: {  	_ =	swait.ge @!p0 [sflag:s9], $0x800  }
0xa4: {  	s0 =	sadd.s32 $0x1, s0;
	s12 =	rddreg [dreg:$0x5]  }
0xa5: {  	p1 =	sne.s32 s0, s12  }
.Ltmp4:
0xa6: {  	_ = 	snop;
	(pc) =	sbr.rel @p1 .LBB2_1-.Ltmp4, $3  }
0xa7: {  	_ =	sdelay $0x1  }
0xa8: {  	[sflag:s9] =	ssyncset.done @!p0 $0x0  }
0xa9: {  	[sflag:s9] =	ssyncadd.s32 @!p0 $0xFFFFF800  }
0xaa: {  	_ =	sfence.sel $0x180000  }
0xab: {  	[bflag:$0x0] =	sbarrier.arrive $0xFFFF  }
0xac: {  	_ =	strace $0x9000004A  }
0xad: {  	[bflag:$0x2] =	sbarrier.arrive $0xFFFF  }
0xae: {  	s0 =	rddreg [dreg:$0x2]  }
0xaf: {  	s0 =	sadd.s32 @!p0 $0x100000, s0  }
0xb0: {  	[sflag:s0] =	ssyncadd.tile.s32 @!p0 $0x1;
	_ =	shalt  }
.Lfunc_end2:
_tile_overlayer_lowered:
.L_overlay_start_2:
0xb1: {  	(tag) =	ssettag $0x2  }
0xb2: {  	s0 =	rddreg [dreg:$0x0];
	s2 =	stileid.u32  }
0xb3: {  	s1 =	rddreg [dreg:$0x1];
	p0 =	sne.s32 s2, $0x0  }
0xb4: {  	s3 =	rddreg [dreg:$0x2];
	[bflag:$0x3] =	sbarrier.arrive $0xFFFF;
	s2 =	simm.s32 @!p0 $0x1C01  }
0xb5: {  	[timem:s3], [sflag:s2] =	dma.local @!p0 [hbm:s0], s1  }
0xb6: {  	s0 =	simm.s32 @!p0 $0x1  }
0xb7: {  	_ =	swait.ge @!p0 [sflag:s0], s1  }
0xb8: {  	s1 =	ssub.s32 @!p0 $0x0, s1;
	[sflag:s0] =	ssyncset.done @!p0 $0x0  }
0xb9: {  	[sflag:s0] =	ssyncadd.s32 @!p0 s1  }
0xba: {  	[bflag:$0x3] =	sbarrier.arrive $0xFFFF  }
0xbb: {  	_ =	shalt  }

// kernel: kernel.19.cloned.1.call-start
scs
__scs_entry_jumppad:
0x0: {  	(pc) =	sbr.rel $0x88, $3  }
0x1: {  	(tag) =	ssettag $0x0;
	lr =	simm.s32 $0x1  }
0x2: {  	[smem:$0x3F80] =	sst lr;
	_ =	strace $0xD0000000  }
0x3: {  	_ = 	snop  }
0x4: {  	_ = 	snop  }
0x5: {  	_ = 	snop  }
0x6: {  	_ = 	snop  }
0x7: {  	_ = 	snop  }
__scs_overlays_trampoline_lowered:
0x8: {  	[smem:$0x3F8F] =	sst s0  }
0x9: {  	[smem:$0x3F90] =	sst s1  }
0xa: {  	[smem:$0x3F91] =	sst s2  }
0xb: {  	[smem:$0x3F92] =	sst s3  }
0xc: {  	[smem:$0x3F93] =	sst s4  }
0xd: {  	[smem:$0x3F94] =	sst s5  }
0xe: {  	[smem:$0x3F95] =	sst s6  }
0xf: {  	[smem:$0x3F96] =	sst s7  }
0x10: {  	[smem:$0x3F97] =	sst s8  }
0x11: {  	[smem:$0x3F98] =	sst s9;
	s0 =	simm.s32 @!p0 $0x0  }
0x12: {  	s1 =	sld [smem:$0x3F7E];
	s0 =	simm.s32 @p0 $0x1  }
0x13: {  	[smem:$0x3F99] =	sst s0;
	s0 =	simm.s32 @!p1 $0x0  }
0x14: {  	s2 =	sld [smem:$0x3F7D];
	s0 =	simm.s32 @p1 $0x1  }
0x15: {  	[smem:$0x3F9A] =	sst s0;
	s0 =	simm.s32 @!p2 $0x0  }
0x16: {  	s3 =	sld [smem:$0x3FDB];
	s0 =	simm.s32 @p2 $0x1  }
0x17: {  	s4 =	simm.s32 $0x1BF5;
	[smem:$0x3F9C] =	sst s0  }
0x18: {  	s0 =	sld [smem:$0x3F7F];
	_ =	swait.ge [sflag:s4], $0x0  }
0x19: {  	s7 =	sld [smem:$0x3F80]  }
0x1a: {  	s8 =	sadd.s32 $0xFFFFE003, lr  }
0x1b: {  	s9 =	sadd.s32 $0xFFFFFEF7, lr;
	s5 =	simm.s32 $0xFFFFFFFF;
	p2 =	slt.u32 s8, $0xFFFFF086  }
0x1c: {  	p1 =	slt.u32 s9, $0xF7A;
	s5 =	simm.s32 @!p2 $0x0  }
0x1d: {  	s5 =	simm.s32 @p1 $0x1;
	p0 =	seq.s32 s7, s2  }
0x1e: {  	s7 =	smul.u32 @!p0 $0xF7A, s2;
	p2 =	seq.s32 @!p0 s5, $0x0  }
0x1f: {  	s9 =	smul.u32 $0xF7A, s1;
	s8 =	simm.s32 @!p0 $0x1BF5;
	p2 =	por !p2, p0  }
0x20: {  	[sflag:s8] =	ssyncset.s32 @!p0 $0xFFFFF086;
	s6 =	sadd.s32 @!p0 s3, s7;
	s7 =	simm.s32 @!p0 $0x108  }
0x21: {  	s3 =	sadd.s32 s3, s9;
	s6 =	sadd.s32 @!p0 $0x88, s6;
	s7 =	simm.s32 @p2 $0x1082  }
0x22: {  	[simem:s7], [sflag:s8] =	dma.local @!p0 [hbm:s6], $0xF7A  }
0x23: {  	s9 =	sor.u32 $0xD0000000, s2;
	s6 =	simm.s32 $0x108;
	_ =	swait.ge @!p0 [sflag:s8], $0x0  }
0x24: {  	s3 =	sadd.s32 $0x88, s3;
	s6 =	simm.s32 @!p1 $0x1082;
	[sflag:s4] =	ssyncset.s32 $0xFFFFF086  }
0x25: {  	[simem:s6], [sflag:s4] =	dma.local [hbm:s3], $0xF7A  }
0x26: {  	[smem:$0x3F80] =	sst s1;
	(tag) =	ssettag s2;
	_ =	strace s9  }
0x27: {  	s1 =	sld [smem:$0x3F90]  }
0x28: {  	s2 =	sld [smem:$0x3F91]  }
0x29: {  	s4 =	sld [smem:$0x3F93]  }
0x2a: {  	p0 =	seq.s32 s5, $0x0;
	s5 =	sld [smem:$0x3F94]  }
0x2b: {  	s6 =	sld [smem:$0x3F95]  }
0x2c: {  	s7 =	sld [smem:$0x3F96]  }
0x2d: {  	s3 =	simm.s32 $0x108;
	s8 =	sld [smem:$0x3F97]  }
0x2e: {  	s3 =	simm.s32 @!p0 $0x1082;
	s9 =	sld [smem:$0x3F98]  }
0x2f: {  	lr =	sadd.s32 s0, s3;
	s0 =	sld [smem:$0x3F8F]  }
0x30: {  	s3 =	sld [smem:$0x3F92]  }
0x31: {  	[smem:$0x3F9B] =	sst s10  }
0x32: {  	s10 =	sld [smem:$0x3F99];
	_ =	sdelay $0x3  }
0x33: {  	p0 =	seq.s32 s10, $0x1;
	s10 =	sld [smem:$0x3F9B];
	_ =	sdelay $0x3  }
0x34: {  	[smem:$0x3F9B] =	sst s10  }
0x35: {  	s10 =	sld [smem:$0x3F9A];
	_ =	sdelay $0x3  }
0x36: {  	p1 =	seq.s32 s10, $0x1;
	s10 =	sld [smem:$0x3F9B];
	_ =	sdelay $0x3  }
0x37: {  	[smem:$0x3F9B] =	sst s10  }
0x38: {  	s10 =	sld [smem:$0x3F9C]  }
0x39: {  	_ = 	snop;
	(pc) =	sbr.ind lr, $3  }
0x3a: {  	_ = 	snop  }
0x3b: {  	_ = 	snop  }
0x3c: {  	p2 =	seq.s32 s10, $0x1;
	s10 =	sld [smem:$0x3F9B]  }
0x3d: {  	_ =	shalt  }
0x3e: {  	_ =	shalt  }
0x3f: {  	_ =	shalt  }
0x40: {  	_ =	shalt  }
0x41: {  	_ =	shalt  }
0x42: {  	_ =	shalt  }
0x43: {  	_ =	shalt  }
0x44: {  	_ =	shalt  }
0x45: {  	_ =	shalt  }
0x46: {  	_ =	shalt  }
0x47: {  	_ =	shalt  }
0x48: {  	_ =	shalt  }
0x49: {  	_ =	shalt  }
0x4a: {  	_ =	shalt  }
0x4b: {  	_ =	shalt  }
0x4c: {  	_ =	shalt  }
0x4d: {  	_ =	shalt  }
0x4e: {  	_ =	shalt  }
0x4f: {  	_ =	shalt  }
0x50: {  	_ =	shalt  }
0x51: {  	_ =	shalt  }
0x52: {  	_ =	shalt  }
0x53: {  	_ =	shalt  }
0x54: {  	_ =	shalt  }
0x55: {  	_ =	shalt  }
0x56: {  	_ =	shalt  }
0x57: {  	_ =	shalt  }
0x58: {  	_ =	shalt  }
0x59: {  	_ =	shalt  }
0x5a: {  	_ =	shalt  }
0x5b: {  	_ =	shalt  }
0x5c: {  	_ =	shalt  }
0x5d: {  	_ =	shalt  }
0x5e: {  	_ =	shalt  }
0x5f: {  	_ =	shalt  }
0x60: {  	_ =	shalt  }
0x61: {  	_ =	shalt  }
0x62: {  	_ =	shalt  }
0x63: {  	_ =	shalt  }
0x64: {  	_ =	shalt  }
0x65: {  	_ =	shalt  }
0x66: {  	_ =	shalt  }
0x67: {  	_ =	shalt  }
0x68: {  	_ =	shalt  }
0x69: {  	_ =	shalt  }
0x6a: {  	_ =	shalt  }
0x6b: {  	_ =	shalt  }
0x6c: {  	_ =	shalt  }
0x6d: {  	_ =	shalt  }
0x6e: {  	_ =	shalt  }
0x6f: {  	_ =	shalt  }
0x70: {  	_ =	shalt  }
0x71: {  	_ =	shalt  }
0x72: {  	_ =	shalt  }
0x73: {  	_ =	shalt  }
0x74: {  	_ =	shalt  }
0x75: {  	_ =	shalt  }
0x76: {  	_ =	shalt  }
0x77: {  	_ =	shalt  }
0x78: {  	_ =	shalt  }
0x79: {  	_ =	shalt  }
0x7a: {  	_ =	shalt  }
0x7b: {  	_ =	shalt  }
0x7c: {  	_ =	shalt  }
0x7d: {  	_ =	shalt  }
0x7e: {  	_ =	shalt  }
0x7f: {  	_ =	shalt  }
0x80: {  	_ =	shalt  }
0x81: {  	_ =	shalt  }
0x82: {  	_ =	shalt  }
0x83: {  	_ =	shalt  }
0x84: {  	_ =	shalt  }
0x85: {  	_ =	shalt  }
0x86: {  	_ =	shalt  }
0x87: {  	_ =	shalt  }
.Lfunc_end0:
.L_simem_size_0:
called_computation.2_lowered:
.L_overlay_start_0:
0x88: {  	s2 =	sld [smem:$0x3FD9]  }
0x89: {  	s3 =	sld [smem:$0x3FFE];
	_ =	sdelay $0x1  }
0x8a: {  	s1 =	srdreg.scid  }
0x8b: {  	s0 =	sand.u32 $0x1, s1  }
0x8c: {  	s16 =	sshll.u32 s0, $0xA;
	s2 =	sadd.s32 s3, s2  }
0x8d: {  	s2 =	sadd.s32 s2, s16  }
0x8e: {  	[smem:$0x3FA7] =	sst s2  }
0x8f: {  	_ = 	snop  }
0x90: {  	(tm) =	ssettm $0x1  }
0x91: {  	s17 =	sld [smem:$0x3FFB];
	_ =	sdelay $0x3  }
0x92: {  	_ =	strace s17  }
0x93: {  	s2 =	sld [smem:$0x3FFC];
	_ =	sdelay $0x3  }
0x94: {  	_ =	strace s2  }
0x95: {  	s2 =	sld [smem:$0x3FFD];
	_ =	sdelay $0x3  }
0x96: {  	_ =	strace s2  }
0x97: {  	_ =	strace $0x8FFFFFFF  }
0x98: {  	s18 =	sld [smem:$0x3FDB];
	_ =	sdelay $0x1  }
0x99: {  	s19 =	simm.s32 $_scs_section_size  }
0x9a: {  	s4 =	simm.s32 $_size__tile_overlayer_lowered;
	s5 =	simm.s32 $_tile_overlayer_lowered  }
0x9b: {  	s22 =	simm.s32 $0x1BFF;
	s21 =	sshll.u32 s5, $0x1;
	s2 =	sadd.s32 s19, s18  }
0x9c: {  	s6 =	simm.s32 $0x0;
	s20 =	sshll.u32 s4, $0x1;
	s4 =	sadd.s32 s21, s2  }
0x9d: {  	[timem:s6], [sflag:s22] =	dma.local [hbm:s4], s20  }
0x9e: {  	_ =	swait.ge [sflag:s22], s20  }
0x9f: {  	s3 =	ssub.s32 $0x0, s20;
	[sflag:s22] =	ssyncset.done $0x0  }
0xa0: {  	[sflag:s22] =	ssyncadd.s32 s3;
	_ =	sdelay $0x1  }
0xa1: {  	s23 =	simm.s32 $0x1B8B  }
0xa2: {  	_ =	swait.ge [sflag:s23], $0x1  }
0xa3: {  	[sflag:s23] =	ssyncset.done $0x0  }
0xa4: {  	s25 =	simm.s32 $0x1B8E;
	s24 =	sld [smem:$0x3FFE];
	[sflag:s23] =	ssyncadd.s32 $0xFFFFFFFF  }
0xa5: {  	s26 =	simm.s32 $execute0_lowered;
	[smem:$0x3FD2] =	sst s25  }
0xa6: {  	s4 =	sshll.u32 s26, $0x1;
	_ =	strace $0x8000004C;
	[dreg:$0x1] =	wrdreg $0xFFFFFFFF  }
0xa7: {  	s28 =	simm.s32 $_size_execute0_lowered;
	s2 =	sadd.s32 s2, s4;
	[dreg:$0x0] =	wrdreg $0x0  }
0xa8: {  	s4 =	sshll.u32 s28, $0x1;
	[dreg:$0x2] =	wrdreg s2  }
0xa9: {  	[dreg:$0x3] =	wrdreg s4  }
0xaa: {  	[dreg:$0x4] =	wrdreg $0xC0  }
0xab: {  	_ =	task [dreg:s6], $0x5FFFF  }
0xac: {  	[dreg:$0x1] =	wrdreg $0xFFFFFFFF  }
0xad: {  	[dreg:$0x0] =	wrdreg $0x60  }
0xae: {  	[dreg:$0x2] =	wrdreg s24  }
0xaf: {  	[dreg:$0x3] =	wrdreg $0x8D000  }
0xb0: {  	[dreg:$0x4] =	wrdreg $0x9  }
0xb1: {  	_ =	task.clear_ibuf [dreg:s6], $0x5FFFF;
	_ =	strace $0x9000004C  }
0xb2: {  	s29 =	simm.s32 $0x9;
	_ =	strace $0x8000004E  }
0xb3: {  	_ =	swait.ge [sflag:s29], $0x1  }
0xb4: {  	[sflag:s29] =	ssyncadd.s32 $0xFFFFFFFF  }
0xb5: {  	_ =	strace $0x9000004E  }
0xb6: {  	_ =	sfence  }
0xb7: {  	s30 =	sld [smem:$0x0];
	_ =	sdelay $0x2  }
0xb8: {  	s31 =	sshll.u32 s1, $0xD;
	s1 =	sshrl.u32 s1, $0x2  }
0xb9: {  	s3 =	sand.u32 $0x4000, s31;
	s1 =	sadd.s32 s1, s30  }
0xba: {  	s0 =	sor.u32 s3, s0;
	s1 =	sshll.u32 s1, $0x11  }
0xbb: {  	s0 =	sor.u32 s1, s0  }
0xbc: {  	s0 =	sadd.s32 $0x8F2B, s0  }
0xbd: {  	[sflag:s0] =	ssyncadd.remote.s32 $0x1  }
0xbe: {  	_ =	sfence.sel $0xFFFF  }
0xbf: {  	[dreg:$0x0] =	wrdreg $0xFFFFFFFF;
	(pc) =	sbr.abs _section_cstart, $3  }
0xc0: {  	[dreg:$0x1] =	wrdreg $0xFFFFFFFF  }
0xc1: {  	_ =	task.clear_ibuf [dreg:s6], $0x2FFFF;
	_ =	strace $0x9FFFFFFF  }
0xc2: {  	(tm) =	ssettm $0x7FFFFFFF  }
0xc3: {  	_ =	shalt  }
tec
execute0_lowered:
.L_overlay_start_1:
0x0: {  	(tag) =	ssettag $0x1  }
0x1: {  	s0 =	rddreg [dreg:$0x0]  }
0x2: {  	s18 =	rddreg [dreg:$0x1];
	s2 =	simm.s32 $0x0  }
0x3: {  	s1 =	srdreg.scid;
	[smem:$0x7FF] =	sst s2  }
0x4: {  	s11 =	stileid.u32;
	s3 =	sadd.s32 $0x586C00, s0;
	s4 =	sadd.s32 $0x5A6C00, s0  }
0x5: {  	s5 =	sadd.s32 $0x7CA00, s0;
	s6 =	sadd.s32 $0x55800, s0;
	s7 =	sadd.s32 $0x2E600, s0  }
0x6: {  	s8 =	sadd.s32 $0xF8AC00, s0;
	s12 =	sadd.s32 $0x5C6C00, s0;
	s1 =	sand.u32 $0x1, s1  }
0x7: {  	s9 =	sshll.u32 s11, $0x1;
	s15 =	smul.u32 $0x13800, s11;
	s22 =	sadd.s32 $0x138000, s18  }
0x8: {  	s17 =	smul.u32 $0x4E000, s11;
	_ =	strace $0x8000004D;
	s13 =	ssub.s32 $0x2, s1  }
0x9: {  	s14 =	sor.u32 s1, s9;
	s9 =	sadd.s32 $0xA3C00, s0;
	s1 =	smul.u32 $0x138800, s1  }
0xa: {  	[dreg:$0x4] =	wrdreg s22;
	s23 =	sshrl.u32 s13, $0x1;
	s16 =	sadd.s32 $0x12C00, s15  }
0xb: {  	s10 =	smul.u32 $0x2710, s14;
	s0 =	ssub.s32 s13, s23;
	s20 =	sadd.s32 s16, s18  }
0xc: {  	s13 =	sshll.u32 s14, $0xC;
	s24 =	sadd.s32 s1, s16;
	s25 =	sshrl.u32 s1, $0x3  }
0xd: {  	s14 =	sshrl.u32 s24, $0x3;
	s0 =	smax.u32 s0, $0x1;
	[dreg:$0x3] =	wrdreg s20  }
0xe: {  	s16 =	sadd.s32 s12, s25;
	s14 =	sadd.s32 s12, s14;
	[dreg:$0x8] =	wrdreg s0  }
0xf: {  	s17 =	sshrl.u32 s17, $0x2;
	s26 =	sadd.s32 $0x27000, s16;
	[dreg:$0x5] =	wrdreg s14  }
0x10: {  	[dreg:$0x6] =	wrdreg s26;
	s14 =	sadd.s32 s17, s18  }
0x11: {  	s28 =	sadd.s32 $0x1400, s14;
	[dreg:$0x7] =	wrdreg s14  }
0x12: {  	s31 =	sadd.s32 $0x2800, s14;
	[dreg:$0x9] =	wrdreg s28  }
0x13: {  	s30 =	sadd.s32 s15, s1;
	s15 =	sadd.s32 $0x3C00, s14;
	[dreg:$0xa] =	wrdreg s31  }
0x14: {  	v0 =	vimm.s32 $0x76543210;
	v1 =	vimm.s32 $0xFEDCBA98;
	s16 =	sadd.s32 $0x5000, s14;
	[dreg:$0xb] =	wrdreg s15  }
0x15: {  	v2 =	vimm.s32 $0xBA98FEDC;
	v3 =	vimm.s32 $0x32107654;
	s17 =	sadd.s32 $0x6400, s14;
	[dreg:$0xc] =	wrdreg s16  }
0x16: {  	v4 =	vimm.s32 $0xDCFE98BA;
	v5 =	vimm.s32 $0x54761032;
	s18 =	sadd.s32 $0x7800, s14;
	[dreg:$0xd] =	wrdreg s17  }
0x17: {  	v6 =	vimm.s32 $0xEFCDAB89;
	v7 =	vimm.s32 $0x67452301;
	s19 =	sadd.s32 $0x8C00, s14;
	[dreg:$0xe] =	wrdreg s18  }
0x18: {  	v0 =	vunpack.c.l.s4.s8 v0;
	v1 =	vunpack.c.l.s4.s8 v1;
	v2 =	vunpack.c.l.s4.s8 v2;
	s21 =	sadd.s32 $0xA000, s14;
	[dreg:$0xf] =	wrdreg s19  }
0x19: {  	s29 =	simm.s32 $0x0;
	v3 =	vunpack.c.l.s4.s8 v3;
	v4 =	vunpack.c.l.s4.s8 v4;
	v5 =	vunpack.c.l.s4.s8 v5;
	s24 =	sadd.s32 $0xB400, s14;
	[dreg:$0x10] =	wrdreg s21  }
0x1a: {  	p0 =	sne.s32 s11, $0x0;
	v6 =	vunpack.c.l.s4.s8 v6;
	v7 =	vunpack.c.l.s4.s8 v7;
	v2 =	vunpack.c.0.s8.s32 v2;
	s25 =	sadd.s32 $0xC800, s14;
	[dreg:$0x11] =	wrdreg s24  }
0x1b: {  	s11 =	simm.s32 $0x0;
	v3 =	vunpack.c.0.s8.s32 v3;
	v4 =	vunpack.c.0.s8.s32 v4;
	v5 =	vunpack.c.0.s8.s32 v5;
	s26 =	sadd.s32 $0xDC00, s14;
	[dreg:$0x12] =	wrdreg s25  }
0x1c: {  	v1 =	vunpack.c.0.s8.s32 v1;
	v6 =	vunpack.c.0.s8.s32 v6;
	v7 =	vunpack.c.0.s8.s32 v7;
	s0 =	sshrl.u32 s30, $0x3;
	s30 =	sadd.s32 $0x10400, s14;
	[dreg:$0x13] =	wrdreg s26  }
0x1d: {  	v2 =	vcombine.low v3, v2;
	v3 =	vcombine.low v5, v4;
	v4 =	vunpack.c.0.s8.s32 v0;
	s23 =	sadd.s32 s0, s12;
	s28 =	sadd.s32 $0xF000, s14;
	[dreg:$0x15] =	wrdreg s30  }
0x1e: {  	vm0 =	vcmask $0x3F08;
	v5 =	vcombine.low v7, v6;
	v1 =	vand.u32 $0xF, v1;
	s31 =	sadd.s32 $0x11800, s14;
	s15 =	simm.s32 $0x6500;
	s17 =	simm.s32 $0x2  }
0x1f: {  	vm1 =	vmmov $0x1;
	v0 =	vimm.f32 $0.0e+00;
	v1 =	vcombine.low v1, v4;
	s18 =	simm.s32 $0x80;
	s19 =	simm.s32 $0x28;
	[dreg:$0x14] =	wrdreg s28  }
0x20: {  	v2 =	vand.u32 $0xF, v2;
	v3 =	vand.u32 $0xF, v3;
	v4 =	vand.u32 $0xF, v5;
	s21 =	simm.s32 $0x1;
	s26 =	simm.s32 $0x7900;
	[dreg:$0x16] =	wrdreg s31  }
.LBB2_1:
0x21: {  	[dreg:$0x17] =	wrdreg s11;
	s0 =	simm.s32 $0x0;
	s1 =	simm.s32 $0x200  }
.LBB2_2:
0x22: {  	p1 =	sne.s32 s1, $0x4E00;
	[tilespmem:s0+$0x6570] =	vst v0  }
0x23: {  	[tilespmem:s0+$0x6500] =	vst v0  }
0x24: {  	[tilespmem:s0+$0x6510] =	vst v0  }
.Ltmp0:
0x25: {  	[tilespmem:s0+$0x6520] =	vst v0;
	(pc) =	sbr.rel @p1 .LBB2_2-.Ltmp0, $4  }
0x26: {  	[tilespmem:s0+$0x6530] =	vst v0  }
0x27: {  	[tilespmem:s0+$0x6540] =	vst v0  }
0x28: {  	[tilespmem:s0+$0x6550] =	vst v0  }
0x29: {  	[tilespmem:s0+$0x6560] =	vst v0;
	s0 =	sshra.s32 s1, $0x2;
	s1 =	sadd.s32 $0x200, s1  }
0x2a: {  	[tilespmem:s0+$0x6570] =	vst v0  }
0x2b: {  	[tilespmem:s0+$0x6500] =	vst v0  }
0x2c: {  	[tilespmem:s0+$0x6510] =	vst v0  }
0x2d: {  	[tilespmem:s0+$0x6520] =	vst v0  }
0x2e: {  	[tilespmem:s0+$0x6530] =	vst v0  }
0x2f: {  	[tilespmem:s0+$0x6540] =	vst v0  }
0x30: {  	[tilespmem:s0+$0x6550] =	vst v0  }
0x31: {  	[tilespmem:s0+$0x6560] =	vst v0  }
0x32: {  	[spmem:s14] =	stream.linear.scatter [tilespmem:s15], [sflag:$0x2], $0x1400, $0x38;
	[tilespmem:$0x1C580] =	vst v63  }
0x33: {  	_ =	swait.ge [sflag:s17], $0x1400  }
0x34: {  	[sflag:s17] =	ssyncset.done $0x0  }
0x35: {  	s16 =	rddreg [dreg:$0x9];
	[sflag:s17] =	ssyncadd.s32 $0xFFFFEC00  }
0x36: {  	[spmem:s16] =	stream.linear.scatter [tilespmem:s15], [sflag:$0x2], $0x1400, $0x38;
	[tilespmem:$0x1C580] =	vst v63  }
0x37: {  	_ =	swait.ge [sflag:s17], $0x1400  }
0x38: {  	[sflag:s17] =	ssyncset.done $0x0  }
0x39: {  	s24 =	rddreg [dreg:$0xa];
	[sflag:s17] =	ssyncadd.s32 $0xFFFFEC00  }
0x3a: {  	[spmem:s24] =	stream.linear.scatter [tilespmem:s15], [sflag:$0x2], $0x1400, $0x38;
	[tilespmem:$0x1C580] =	vst v63  }
0x3b: {  	_ =	swait.ge [sflag:s17], $0x1400  }
0x3c: {  	[sflag:s17] =	ssyncset.done $0x0  }
0x3d: {  	s25 =	rddreg [dreg:$0xb];
	[sflag:s17] =	ssyncadd.s32 $0xFFFFEC00  }
0x3e: {  	[spmem:s25] =	stream.linear.scatter [tilespmem:s15], [sflag:$0x2], $0x1400, $0x38;
	[tilespmem:$0x1C580] =	vst v63  }
0x3f: {  	_ =	swait.ge [sflag:s17], $0x1400  }
0x40: {  	[sflag:s17] =	ssyncset.done $0x0  }
0x41: {  	s28 =	rddreg [dreg:$0xc];
	[sflag:s17] =	ssyncadd.s32 $0xFFFFEC00  }
0x42: {  	[spmem:s28] =	stream.linear.scatter [tilespmem:s15], [sflag:$0x2], $0x1400, $0x38;
	[tilespmem:$0x1C580] =	vst v63  }
0x43: {  	_ =	swait.ge [sflag:s17], $0x1400  }
0x44: {  	[sflag:s17] =	ssyncset.done $0x0  }
0x45: {  	s31 =	rddreg [dreg:$0xd];
	[sflag:s17] =	ssyncadd.s32 $0xFFFFEC00  }
0x46: {  	[spmem:s31] =	stream.linear.scatter [tilespmem:s15], [sflag:$0x2], $0x1400, $0x38;
	[tilespmem:$0x1C580] =	vst v63  }
0x47: {  	_ =	swait.ge [sflag:s17], $0x1400  }
0x48: {  	[sflag:s17] =	ssyncset.done $0x0  }
0x49: {  	s1 =	rddreg [dreg:$0xe];
	[sflag:s17] =	ssyncadd.s32 $0xFFFFEC00  }
0x4a: {  	[spmem:s1] =	stream.linear.scatter [tilespmem:s15], [sflag:$0x2], $0x1400, $0x38;
	[tilespmem:$0x1C580] =	vst v63  }
0x4b: {  	_ =	swait.ge [sflag:s17], $0x1400  }
0x4c: {  	[sflag:s17] =	ssyncset.done $0x0  }
0x4d: {  	s11 =	rddreg [dreg:$0xf];
	[sflag:s17] =	ssyncadd.s32 $0xFFFFEC00  }
0x4e: {  	[spmem:s11] =	stream.linear.scatter [tilespmem:s15], [sflag:$0x2], $0x1400, $0x38;
	[tilespmem:$0x1C580] =	vst v63  }
0x4f: {  	_ =	swait.ge [sflag:s17], $0x1400  }
0x50: {  	[sflag:s17] =	ssyncset.done $0x0  }
0x51: {  	s12 =	rddreg [dreg:$0x10];
	[sflag:s17] =	ssyncadd.s32 $0xFFFFEC00  }
0x52: {  	[spmem:s12] =	stream.linear.scatter [tilespmem:s15], [sflag:$0x2], $0x1400, $0x38;
	[tilespmem:$0x1C580] =	vst v63  }
0x53: {  	_ =	swait.ge [sflag:s17], $0x1400  }
0x54: {  	[sflag:s17] =	ssyncset.done $0x0  }
0x55: {  	s14 =	rddreg [dreg:$0x11];
	[sflag:s17] =	ssyncadd.s32 $0xFFFFEC00  }
0x56: {  	[spmem:s14] =	stream.linear.scatter [tilespmem:s15], [sflag:$0x2], $0x1400, $0x38;
	[tilespmem:$0x1C580] =	vst v63  }
0x57: {  	_ =	swait.ge [sflag:s17], $0x1400  }
0x58: {  	[sflag:s17] =	ssyncset.done $0x0  }
0x59: {  	s16 =	rddreg [dreg:$0x12];
	[sflag:s17] =	ssyncadd.s32 $0xFFFFEC00  }
0x5a: {  	[spmem:s16] =	stream.linear.scatter [tilespmem:s15], [sflag:$0x2], $0x1400, $0x38;
	[tilespmem:$0x1C580] =	vst v63  }
0x5b: {  	_ =	swait.ge [sflag:s17], $0x1400  }
0x5c: {  	[sflag:s17] =	ssyncset.done $0x0  }
0x5d: {  	s24 =	rddreg [dreg:$0x13];
	[sflag:s17] =	ssyncadd.s32 $0xFFFFEC00  }
0x5e: {  	[spmem:s24] =	stream.linear.scatter [tilespmem:s15], [sflag:$0x2], $0x1400, $0x38;
	[tilespmem:$0x1C580] =	vst v63  }
0x5f: {  	_ =	swait.ge [sflag:s17], $0x1400  }
0x60: {  	[sflag:s17] =	ssyncset.done $0x0  }
0x61: {  	s25 =	rddreg [dreg:$0x14];
	[sflag:s17] =	ssyncadd.s32 $0xFFFFEC00  }
0x62: {  	[spmem:s25] =	stream.linear.scatter [tilespmem:s15], [sflag:$0x2], $0x1400, $0x38;
	[tilespmem:$0x1C580] =	vst v63  }
0x63: {  	_ =	swait.ge [sflag:s17], $0x1400  }
0x64: {  	[sflag:s17] =	ssyncset.done $0x0  }
0x65: {  	s28 =	rddreg [dreg:$0x15];
	[sflag:s17] =	ssyncadd.s32 $0xFFFFEC00  }
0x66: {  	[spmem:s28] =	stream.linear.scatter [tilespmem:s15], [sflag:$0x2], $0x1400, $0x38;
	[tilespmem:$0x1C580] =	vst v63  }
0x67: {  	_ =	swait.ge [sflag:s17], $0x1400  }
0x68: {  	[sflag:s17] =	ssyncset.done $0x0  }
0x69: {  	s31 =	rddreg [dreg:$0x16];
	[sflag:s17] =	ssyncadd.s32 $0xFFFFEC00  }
0x6a: {  	[spmem:s31] =	stream.linear.scatter [tilespmem:s15], [sflag:$0x2], $0x1400, $0x38;
	[tilespmem:$0x1C580] =	vst v63  }
0x6b: {  	_ =	swait.ge [sflag:s17], $0x1400  }
0x6c: {  	[sflag:s17] =	ssyncset.done $0x0  }
0x6d: {  	[sflag:s17] =	ssyncadd.s32 $0xFFFFEC00  }
0x6e: {  	[spmem:s20] =	stream.linear.scatter [tilespmem:s15], [sflag:$0x2], $0xC00, $0x38;
	[tilespmem:$0x1C580] =	vst v63  }
0x6f: {  	_ =	swait.ge [sflag:s17], $0xC00  }
0x70: {  	[sflag:s17] =	ssyncset.done $0x0  }
0x71: {  	s0 =	simm.s32 @!p0 $0x6500;
	[sflag:s17] =	ssyncadd.s32 $0xFFFFF400  }
0x72: {  	[spmem:s22] =	stream.linear.scatter @!p0 [tilespmem:s0], [sflag:$0x2], $0x800, $0x38;
	[tilespmem:$0x1C580] =	vst v63  }
0x73: {  	s0 =	simm.s32 @!p0 $0x2  }
0x74: {  	_ =	swait.ge @!p0 [sflag:s0], $0x800  }
0x75: {  	[sflag:s0] =	ssyncset.done @!p0 $0x0  }
0x76: {  	[sflag:s0] =	ssyncadd.s32 @!p0 $0xFFFFF800  }
0x77: {  	s30 =	simm.s32 $0x0;
	[bflag:$0x0] =	sbarrier.arrive $0xFFFF  }
.LBB2_4:
0x78: {  	s0 =	sshll.u32 s30, $0x4  }
0x79: {  	s0 =	sadd.s32 s13, s0  }
0x7a: {  	s1 =	sadd.s32 s3, s0  }
0x7b: {  	[tilespmem:s29], [sflag:$0x2] =	stream.linear.gather [hbm4b:s1+s29], $0x80, $0x38;
	[tilespmem:$0x1C580] =	vst v63  }
0x7c: {  	_ =	swait.ge [sflag:s17], $0x80  }
0x7d: {  	[sflag:s17] =	ssyncset.done $0x0  }
0x7e: {  	s0 =	sadd.s32 s4, s0;
	[sflag:s17] =	ssyncadd.s32 $0xFFFFFF80  }
0x7f: {  	[tilespmem:s18], [sflag:$0x2] =	stream.linear.gather [hbm4b:s0+s29], $0x80, $0x38;
	[tilespmem:$0x1C580] =	vst v63  }
0x80: {  	_ =	swait.ge [sflag:s17], $0x80  }
0x81: {  	[sflag:s17] =	ssyncset.done $0x0  }
0x82: {  	s14 =	simm.s32 $0x100;
	[sflag:s17] =	ssyncadd.s32 $0xFFFFFF80  }
0x83: {  	[tilespmem:s14], [sflag:$0x1] =	stream.indirect.gather [hbm4b:s5+s19], $0x80, s29, s19, $0xb8;
	[tilespmem:$0x1C580] =	vst v63  }
0x84: {  	_ =	swait.ge [sflag:s21], $0x1400  }
0x85: {  	[sflag:s21] =	ssyncset.done $0x0  }
0x86: {  	s16 =	simm.s32 $0x1500;
	[sflag:s21] =	ssyncadd.s32 $0xFFFFEC00  }
0x87: {  	[tilespmem:s16], [sflag:$0x1] =	stream.indirect.gather [hbm4b:s6+s19], $0x80, s18, s19, $0xb8;
	[tilespmem:$0x1C580] =	vst v63  }
0x88: {  	_ =	swait.ge [sflag:s21], $0x1400  }
0x89: {  	[sflag:s21] =	ssyncset.done $0x0  }
0x8a: {  	s20 =	smul.u32 $0x28, s30;
	s22 =	simm.s32 $0x2900;
	[sflag:s21] =	ssyncadd.s32 $0xFFFFEC00  }
0x8b: {  	[tilespmem:s22], [sflag:$0x1] =	stream.indirect.gather [hbm4b:s7+s19], $0x80, s18, s19, $0xb8;
	[tilespmem:$0x1C580] =	vst v63  }
0x8c: {  	s31 =	sadd.s32 s10, s20;
	_ =	swait.ge [sflag:s21], $0x1400  }
0x8d: {  	s0 =	sshll.u32 s31, $0x5;
	[sflag:s21] =	ssyncset.done $0x0  }
0x8e: {  	s24 =	simm.s32 $0x3D00;
	s0 =	sadd.s32 s8, s0;
	[sflag:s21] =	ssyncadd.s32 $0xFFFFEC00  }
0x8f: {  	[tilespmem:s24], [sflag:$0x2] =	stream.linear.gather [hbm4b:s0+s29], $0x2800, $0x38;
	[tilespmem:$0x1C580] =	vst v63  }
0x90: {  	_ =	swait.ge [sflag:s17], $0x2800  }
0x91: {  	[sflag:s17] =	ssyncset.done $0x0  }
0x92: {  	s0 =	simm.s32 $0x1540;
	[sflag:s17] =	ssyncadd.s32 $0xFFFFD800  }
0x93: {  	v5 =	vld [tilespmem:s0+$0xFFFFFFF0]  }
0x94: {  	s11 =	simm.s32 $0x140;
	v6 =	vld [tilespmem:s0+$0xFFFFFFE0]  }
0x95: {  	s25 =	sand.u32 $0x3800, s29;
	s12 =	sand.u32 $0x380, s29;
	v7 =	vld [tilespmem:s11+$0xFFFFFFC0]  }
0x96: {  	s1 =	sor.u32 s12, s25;
	v8 =	vld [tilespmem:s0+$0xFFFFFFC0]  }
0x97: {  	v9 =	vld [tilespmem:s1+$0x3D00]  }
0x98: {  	v10 =	vld [tilespmem:s0+$0xFFFFFFD0]  }
0x99: {  	v11 =	vld [tilespmem:s1+$0x3D10]  }
0x9a: {  	v12 =	vld [tilespmem:s11+$0xFFFFFFD0]  }
0x9b: {  	v13 =	vld [tilespmem:s1+$0x3D20]  }
0x9c: {  	v14 =	vld [tilespmem:s1+$0x3D30];
	v8 =	vadd.f32 v9, v8  }
0x9d: {  	v9 =	vld [tilespmem:s11+$0xFFFFFFE0]  }
0x9e: {  	v7 =	vmul.f32 v8, v7;
	v8 =	vadd.f32 v11, v10  }
0x9f: {  	v10 =	vld [tilespmem:s11+$0xFFFFFFF0]  }
0xa0: {  	v6 =	vadd.f32 v13, v6;
	v7 =	vadd.f32 $0.0e+00, v7;
	v8 =	vmul.f32 v8, v12;
	_ =	sdelay $0x1  }
0xa1: {  	v5 =	vadd.f32 v14, v5;
	v6 =	vmul.f32 v6, v9;
	v7 =	vadd.f32 v8, v7;
	_ =	sdelay $0x1  }
0xa2: {  	v5 =	vmul.f32 v5, v10;
	v6 =	vadd.f32 v6, v7;
	_ =	sdelay $0x1  }
0xa3: {  	v5 =	vadd.f32 v5, v6;
	_ =	sdelay $0x1  }
0xa4: {  	v6 =	vperm.xlane v5, v1;
	_ =	sdelay $0x1  }
0xa5: {  	v5 =	vadd.f32 v6, v5;
	_ =	sdelay $0x1  }
0xa6: {  	v6 =	vperm.xlane v5, v2;
	_ =	sdelay $0x1  }
0xa7: {  	v5 =	vadd.f32 v6, v5;
	_ =	sdelay $0x1  }
0xa8: {  	v6 =	vperm.xlane v5, v3;
	_ =	sdelay $0x1  }
0xa9: {  	v5 =	vadd.f32 v6, v5;
	_ =	sdelay $0x1  }
0xaa: {  	v6 =	vperm.xlane v5, v4;
	_ =	sdelay $0x1  }
0xab: {  	v5 =	vadd.f32 v6, v5;
	_ =	sdelay $0x1  }
0xac: {  	v5 =	vmul.f32 $1.250000000e-01, v5;
	_ =	sdelay $0x1  }
0xad: {  	v5 =	vmul.f32 $1.442695020e+00, v5  }
0xae: {  	v61 =	vld [tilespmem:s11+$0x0]  }
0xaf: {  	v62 =	vld [tilespmem:s1+$0x3D50];
	(erf) = vpow2.f32 v5  }
0xb0: {  	v63 =	vld [tilespmem:s11+$0x10]  }
0xb1: {  	s16 =	simm.s32 $0x2940;
	v10 =	vld [tilespmem:s1+$0x4100]  }
0xb2: {  	v5 =	vld [tilespmem:s16+$0xFFFFFFC0]  }
0xb3: {  	v15 =	vld [tilespmem:s1+$0x3D60]  }
0xb4: {  	v17 =	vld [tilespmem:s1+$0x3D70]  }
0xb5: {  	v11 =	vld [tilespmem:s1+$0x3D40]  }
0xb6: {  	v9 =	vld [tilespmem:s0+$0x0]  }
0xb7: {  	v18 =	vld [tilespmem:s11+$0x30];
	v5 =	vadd.f32 v10, v5  }
0xb8: {  	v8 =	vld [tilespmem:s0+$0x10];
	v16 =	vpop (erf)  }
0xb9: {  	v7 =	vld [tilespmem:s0+$0x20];
	v5 =	vmul.f32 v5, v16  }
0xba: {  	s14 =	simm.s32 $0x6540;
	v6 =	vld [tilespmem:s0+$0x30]  }
0xbb: {  	v9 =	vadd.f32 v11, v9;
	v10 =	vld [tilespmem:s11+$0x20];
	[tilespmem:s14+$0xFFFFFFC0] =	vst v5  }
0xbc: {  	v5 =	vld [tilespmem:s16+$0xFFFFFFD0]  }
0xbd: {  	v8 =	vadd.f32 v62, v8;
	v9 =	vmul.f32 v9, v61;
	v11 =	vld [tilespmem:s1+$0x4110];
	_ =	sdelay $0x1  }
0xbe: {  	v8 =	vmul.f32 v8, v63;
	v7 =	vadd.f32 v15, v7;
	v9 =	vadd.f32 $0.0e+00, v9;
	_ =	sdelay $0x1  }
0xbf: {  	v8 =	vadd.f32 v8, v9;
	v6 =	vadd.f32 v17, v6;
	v7 =	vmul.f32 v7, v10  }
0xc0: {  	v5 =	vadd.f32 v11, v5  }
0xc1: {  	v6 =	vmul.f32 v6, v18;
	v7 =	vadd.f32 v7, v8  }
0xc2: {  	v5 =	vmul.f32 v5, v16  }
0xc3: {  	v6 =	vadd.f32 v6, v7  }
0xc4: {  	[tilespmem:s14+$0xFFFFFFD0] =	vst v5  }
0xc5: {  	v5 =	vperm.xlane v6, v1;
	v7 =	vld [tilespmem:s16+$0xFFFFFFE0]  }
0xc6: {  	v8 =	vld [tilespmem:s1+$0x4120]  }
0xc7: {  	v5 =	vadd.f32 v5, v6;
	_ =	sdelay $0x1  }
0xc8: {  	v6 =	vperm.xlane v5, v2;
	_ =	sdelay $0x1  }
0xc9: {  	v5 =	vadd.f32 v6, v5;
	v6 =	vadd.f32 v8, v7;
	_ =	sdelay $0x1  }
0xca: {  	v7 =	vperm.xlane v5, v3;
	v6 =	vmul.f32 v6, v16;
	_ =	sdelay $0x1  }
0xcb: {  	v5 =	vadd.f32 v7, v5;
	[tilespmem:s14+$0xFFFFFFE0] =	vst v6  }
0xcc: {  	v6 =	vld [tilespmem:s16+$0xFFFFFFF0]  }
0xcd: {  	v8 =	vld [tilespmem:s1+$0x4130];
	v7 =	vperm.xlane v5, v4;
	_ =	sdelay $0x1  }
0xce: {  	v5 =	vadd.f32 v7, v5;
	_ =	sdelay $0x1  }
0xcf: {  	v5 =	vmul.f32 $1.250000000e-01, v5  }
0xd0: {  	v6 =	vadd.f32 v8, v6  }
0xd1: {  	v5 =	vmul.f32 $1.442695020e+00, v5  }
0xd2: {  	v6 =	vmul.f32 v6, v16  }
0xd3: {  	(erf) = vpow2.f32 v5  }
0xd4: {  	[tilespmem:s14+$0xFFFFFFF0] =	vst v6  }
0xd5: {  	v5 =	vld [tilespmem:s16+$0x0]  }
0xd6: {  	v6 =	vld [tilespmem:s1+$0x4140];
	_ =	sdelay $0x4  }
0xd7: {  	v6 =	vadd.f32 v6, v5  }
0xd8: {  	v5 =	vpop (erf)  }
0xd9: {  	v6 =	vmul.f32 v6, v5;
	_ =	sdelay $0x1  }
0xda: {  	[tilespmem:s14+$0x0] =	vst v6  }
0xdb: {  	v6 =	vld [tilespmem:s16+$0x10]  }
0xdc: {  	v7 =	vld [tilespmem:s1+$0x4150];
	_ =	sdelay $0x4  }
0xdd: {  	v6 =	vadd.f32 v7, v6;
	_ =	sdelay $0x1  }
0xde: {  	v6 =	vmul.f32 v6, v5;
	_ =	sdelay $0x1  }
0xdf: {  	[tilespmem:s14+$0x10] =	vst v6  }
0xe0: {  	v6 =	vld [tilespmem:s16+$0x20]  }
0xe1: {  	v7 =	vld [tilespmem:s1+$0x4160];
	_ =	sdelay $0x4  }
0xe2: {  	v6 =	vadd.f32 v7, v6;
	_ =	sdelay $0x1  }
0xe3: {  	v6 =	vmul.f32 v6, v5;
	_ =	sdelay $0x1  }
0xe4: {  	[tilespmem:s14+$0x20] =	vst v6  }
0xe5: {  	v7 =	vld [tilespmem:s16+$0x30]  }
0xe6: {  	s28 =	simm.s32 $0x65C0;
	v8 =	vld [tilespmem:s1+$0x4170]  }
0xe7: {  	s20 =	simm.s32 $0x1C0;
	s12 =	simm.s32 $0x80;
	s22 =	simm.s32 $0x0;
	v6 =	vsel vm0, $0x0, v5  }
0xe8: {  	s11 =	simm.s32 $0x7900;
	s16 =	simm.s32 $0x29C0;
	v6 =	vsel vm1, v16, v6;
	s1 =	simm.s32 $0x7900  }
.LBB2_5:
0xe9: {  	s22 =	sadd.s32 $0x100, s22;
	s11 =	sadd.s32 $0x80, s11;
	s0 =	sadd.s32 $0x80, s0  }
0xea: {  	p1 =	sne.s32 s12, $0x1380;
	s24 =	smov.u32 s12;
	s12 =	sadd.s32 $0x80, s12  }
0xeb: {  	v7 =	vadd.f32 v8, v7;
	_ =	sdelay $0x1  }
0xec: {  	v5 =	vmul.f32 v7, v5;
	_ =	sdelay $0x1  }
0xed: {  	[tilespmem:s14+$0x30] =	vst v5;
	s14 =	smov.u32 s28  }
0xee: {  	[tilespmem:s1+$0x0] =	vst v6;
	s1 =	smov.u32 s11  }
0xef: {  	v5 =	vld [tilespmem:s0+$0xFFFFFFF0]  }
0xf0: {  	v6 =	vld [tilespmem:s0+$0xFFFFFFE0]  }
0xf1: {  	s25 =	sand.u32 $0x3800, s22;
	s24 =	sand.u32 $0x380, s24;
	v7 =	vld [tilespmem:s20+$0xFFFFFFC0]  }
0xf2: {  	s24 =	sor.u32 s24, s25;
	v8 =	vld [tilespmem:s0+$0xFFFFFFC0]  }
0xf3: {  	v9 =	vld [tilespmem:s24+$0x3D00]  }
0xf4: {  	v10 =	vld [tilespmem:s0+$0xFFFFFFD0]  }
0xf5: {  	v11 =	vld [tilespmem:s24+$0x3D10]  }
0xf6: {  	v12 =	vld [tilespmem:s20+$0xFFFFFFD0]  }
0xf7: {  	v13 =	vld [tilespmem:s24+$0x3D20]  }
0xf8: {  	v8 =	vadd.f32 v9, v8;
	v9 =	vld [tilespmem:s20+$0xFFFFFFE0]  }
0xf9: {  	v14 =	vld [tilespmem:s24+$0x3D30]  }
0xfa: {  	v7 =	vmul.f32 v8, v7;
	v8 =	vadd.f32 v11, v10  }
0xfb: {  	v10 =	vld [tilespmem:s20+$0xFFFFFFF0]  }
0xfc: {  	v7 =	vadd.f32 $0.0e+00, v7;
	v8 =	vmul.f32 v8, v12;
	v6 =	vadd.f32 v13, v6;
	_ =	sdelay $0x1  }
0xfd: {  	v7 =	vadd.f32 v8, v7;
	v6 =	vmul.f32 v6, v9;
	v5 =	vadd.f32 v14, v5;
	_ =	sdelay $0x1  }
0xfe: {  	v6 =	vadd.f32 v6, v7;
	v5 =	vmul.f32 v5, v10;
	_ =	sdelay $0x1  }
0xff: {  	v5 =	vadd.f32 v5, v6;
	_ =	sdelay $0x1  }
0x100: {  	v6 =	vperm.xlane v5, v1;
	_ =	sdelay $0x1  }
0x101: {  	v5 =	vadd.f32 v6, v5;
	_ =	sdelay $0x1  }
0x102: {  	v6 =	vperm.xlane v5, v2;
	_ =	sdelay $0x1  }
0x103: {  	v5 =	vadd.f32 v6, v5;
	_ =	sdelay $0x1  }
0x104: {  	v6 =	vperm.xlane v5, v3;
	_ =	sdelay $0x1  }
0x105: {  	v5 =	vadd.f32 v6, v5;
	_ =	sdelay $0x1  }
0x106: {  	v6 =	vperm.xlane v5, v4;
	_ =	sdelay $0x1  }
0x107: {  	v5 =	vadd.f32 v6, v5;
	_ =	sdelay $0x1  }
0x108: {  	v5 =	vmul.f32 $1.250000000e-01, v5  }
0x109: {  	v6 =	vld [tilespmem:s0+$0x30]  }
0x10a: {  	v7 =	vld [tilespmem:s0+$0x20];
	v5 =	vmul.f32 $1.442695020e+00, v5  }
0x10b: {  	v8 =	vld [tilespmem:s0+$0x10]  }
0x10c: {  	v9 =	vld [tilespmem:s16+$0xFFFFFFC0];
	(erf) = vpow2.f32 v5  }
0x10d: {  	v5 =	vld [tilespmem:s0+$0x0]  }
0x10e: {  	v10 =	vld [tilespmem:s24+$0x4100]  }
0x10f: {  	v11 =	vld [tilespmem:s24+$0x3D40]  }
0x110: {  	v12 =	vld [tilespmem:s20+$0x0]  }
0x111: {  	v13 =	vld [tilespmem:s24+$0x3D50]  }
0x112: {  	v14 =	vld [tilespmem:s20+$0x10]  }
0x113: {  	v15 =	vld [tilespmem:s24+$0x3D60]  }
0x114: {  	v9 =	vadd.f32 v10, v9;
	v5 =	vadd.f32 v11, v5;
	v11 =	vld [tilespmem:s20+$0x20]  }
0x115: {  	v10 =	vld [tilespmem:s24+$0x3D70];
	v16 =	vpop (erf)  }
0x116: {  	v5 =	vmul.f32 v5, v12;
	v8 =	vadd.f32 v13, v8;
	v9 =	vmul.f32 v9, v16  }
0x117: {  	v12 =	vld [tilespmem:s20+$0x30]  }
0x118: {  	v5 =	vadd.f32 $0.0e+00, v5;
	v8 =	vmul.f32 v8, v14;
	v7 =	vadd.f32 v15, v7;
	[tilespmem:s28+$0xFFFFFFC0] =	vst v9  }
0x119: {  	v9 =	vld [tilespmem:s16+$0xFFFFFFD0]  }
0x11a: {  	v5 =	vadd.f32 v8, v5;
	v7 =	vmul.f32 v7, v11;
	v6 =	vadd.f32 v10, v6;
	v8 =	vld [tilespmem:s24+$0x4110];
	_ =	sdelay $0x1  }
0x11b: {  	v5 =	vadd.f32 v7, v5;
	v6 =	vmul.f32 v6, v12;
	_ =	sdelay $0x1  }
0x11c: {  	v5 =	vadd.f32 v6, v5  }
0x11d: {  	v6 =	vadd.f32 v8, v9  }
0x11e: {  	v7 =	vperm.xlane v5, v1  }
0x11f: {  	v6 =	vmul.f32 v6, v16  }
0x120: {  	v5 =	vadd.f32 v7, v5  }
0x121: {  	[tilespmem:s28+$0xFFFFFFD0] =	vst v6  }
0x122: {  	v6 =	vperm.xlane v5, v2;
	v7 =	vld [tilespmem:s16+$0xFFFFFFE0]  }
0x123: {  	v8 =	vld [tilespmem:s24+$0x4120]  }
0x124: {  	v5 =	vadd.f32 v6, v5;
	_ =	sdelay $0x1  }
0x125: {  	v6 =	vperm.xlane v5, v3;
	_ =	sdelay $0x1  }
0x126: {  	v5 =	vadd.f32 v6, v5;
	v6 =	vadd.f32 v8, v7;
	_ =	sdelay $0x1  }
0x127: {  	v7 =	vperm.xlane v5, v4;
	v6 =	vmul.f32 v6, v16;
	_ =	sdelay $0x1  }
0x128: {  	v5 =	vadd.f32 v7, v5;
	[tilespmem:s28+$0xFFFFFFE0] =	vst v6  }
0x129: {  	v6 =	vld [tilespmem:s16+$0xFFFFFFF0]  }
0x12a: {  	v5 =	vmul.f32 $1.250000000e-01, v5;
	v7 =	vld [tilespmem:s24+$0x4130];
	_ =	sdelay $0x1  }
0x12b: {  	v5 =	vmul.f32 $1.442695020e+00, v5;
	_ =	sdelay $0x1  }
0x12c: {  	(erf) = vpow2.f32 v5  }
0x12d: {  	v5 =	vadd.f32 v7, v6;
	_ =	sdelay $0x1  }
0x12e: {  	v5 =	vmul.f32 v5, v16;
	_ =	sdelay $0x1  }
0x12f: {  	[tilespmem:s28+$0xFFFFFFF0] =	vst v5  }
0x130: {  	v7 =	vld [tilespmem:s16+$0x0]  }
0x131: {  	v8 =	vld [tilespmem:s24+$0x4140];
	_ =	sdelay $0x1  }
0x132: {  	v5 =	vpop (erf)  }
0x133: {  	v6 =	vsel vm0, $0x0, v5  }
0x134: {  	v6 =	vsel vm1, v16, v6  }
0x135: {  	v7 =	vadd.f32 v8, v7;
	_ =	sdelay $0x1  }
0x136: {  	v7 =	vmul.f32 v7, v5;
	_ =	sdelay $0x1  }
0x137: {  	[tilespmem:s28+$0x0] =	vst v7  }
0x138: {  	v7 =	vld [tilespmem:s16+$0x10]  }
0x139: {  	v8 =	vld [tilespmem:s24+$0x4150];
	_ =	sdelay $0x4  }
0x13a: {  	v7 =	vadd.f32 v8, v7;
	_ =	sdelay $0x1  }
0x13b: {  	v7 =	vmul.f32 v7, v5;
	_ =	sdelay $0x1  }
0x13c: {  	[tilespmem:s28+$0x10] =	vst v7  }
0x13d: {  	v7 =	vld [tilespmem:s16+$0x20]  }
0x13e: {  	v8 =	vld [tilespmem:s24+$0x4160];
	_ =	sdelay $0x4  }
0x13f: {  	v7 =	vadd.f32 v8, v7;
	_ =	sdelay $0x1  }
0x140: {  	v7 =	vmul.f32 v7, v5;
	_ =	sdelay $0x1  }
.Ltmp1:
0x141: {  	[tilespmem:s28+$0x20] =	vst v7;
	(pc) =	sbr.rel @p1 .LBB2_5-.Ltmp1, $3  }
0x142: {  	v7 =	vld [tilespmem:s16+$0x30]  }
0x143: {  	v8 =	vld [tilespmem:s24+$0x4170];
	_ =	sdelay $0x1  }
0x144: {  	s20 =	sadd.s32 $0x80, s20;
	s28 =	sadd.s32 $0x80, s28;
	s16 =	sadd.s32 $0x80, s16  }
0x145: {  	_ =	sdelay $0x1  }
0x146: {  	v7 =	vadd.f32 v8, v7;
	_ =	sdelay $0x1  }
0x147: {  	v5 =	vmul.f32 v7, v5;
	_ =	sdelay $0x1  }
0x148: {  	[tilespmem:s14+$0x30] =	vst v5  }
0x149: {  	s0 =	rddreg [dreg:$0x1];
	[tilespmem:s1+$0x0] =	vst v6  }
0x14a: {  	[spmem:s0] =	stream.indirect.scatter.add.f32 [tilespmem:s15], [sflag:$0x2], $0x80, s2, s19, $0xb8;
	[tilespmem:$0x1C580] =	vst v63  }
0x14b: {  	s30 =	sadd.s32 $0x1, s30;
	_ =	swait.ge [sflag:s17], $0x1400  }
0x14c: {  	s31 =	sshll.u32 s31, $0x4;
	p1 =	sne.s32 s30, $0xFA;
	[sflag:s17] =	ssyncset.done $0x0  }
.Ltmp2:
0x14d: {  	s0 =	sadd.s32 s9, s31;
	[sflag:s17] =	ssyncadd.s32 $0xFFFFEC00;
	(pc) =	sbr.rel @p1 .LBB2_4-.Ltmp2, $4  }
0x14e: {  	[hbm4b:s0+s2] =	stream.linear.scatter [tilespmem:s26], [sflag:$0x2], $0x1400, $0x38;
	[tilespmem:$0x1C580] =	vst v63  }
0x14f: {  	_ =	swait.ge [sflag:s17], $0x1400  }
0x150: {  	[sflag:s17] =	ssyncset.done $0x0  }
0x151: {  	[sflag:s17] =	ssyncadd.s32 $0xFFFFEC00  }
0x152: {  	[bflag:$0x0] =	sbarrier.arrive $0xFFFF  }
0x153: {  	s14 =	rddreg [dreg:$0x7]  }
0x154: {  	[tilespmem:s15], [sflag:$0x2] =	stream.linear.gather [spmem:s14], $0x1400, $0x38;
	[tilespmem:$0x1C580] =	vst v63  }
0x155: {  	_ =	swait.ge [sflag:s17], $0x1400  }
0x156: {  	[sflag:s17] =	ssyncset.done $0x0  }
0x157: {  	s0 =	sadd.s32 $0x0, s23;
	[sflag:s17] =	ssyncadd.s32 $0xFFFFEC00  }
0x158: {  	[hbm4b:s0+s2] =	stream.linear.scatter [tilespmem:s15], [sflag:$0x2], $0x1400, $0x38;
	[tilespmem:$0x1C580] =	vst v63  }
0x159: {  	_ =	swait.ge [sflag:s17], $0x1400  }
0x15a: {  	s1 =	smov.u32 s14;
	s0 =	simm.s32 $0x280;
	[sflag:s17] =	ssyncset.done $0x0  }
.LBB2_8:
0x15b: {  	p1 =	sne.s32 s0, $0x2300;
	[sflag:s17] =	ssyncadd.s32 $0xFFFFEC00;
	s1 =	sadd.s32 $0x1400, s1  }
0x15c: {  	[tilespmem:s15], [sflag:$0x2] =	stream.linear.gather [spmem:s1], $0x1400, $0x38;
	[tilespmem:$0x1C580] =	vst v63  }
0x15d: {  	s11 =	smov.u32 s0;
	s0 =	sadd.s32 $0x280, s0;
	_ =	swait.ge [sflag:s17], $0x1400  }
.Ltmp3:
0x15e: {  	[sflag:s17] =	ssyncset.done $0x0;
	(pc) =	sbr.rel @p1 .LBB2_8-.Ltmp3, $4  }
0x15f: {  	s11 =	sadd.s32 s11, s23;
	[sflag:s17] =	ssyncadd.s32 $0xFFFFEC00  }
0x160: {  	[hbm4b:s11+s2] =	stream.linear.scatter [tilespmem:s15], [sflag:$0x2], $0x1400, $0x38;
	[tilespmem:$0x1C580] =	vst v63  }
0x161: {  	_ =	swait.ge [sflag:s17], $0x1400  }
0x162: {  	[sflag:s17] =	ssyncset.done $0x0  }
0x163: {  	[sflag:s17] =	ssyncadd.s32 $0xFFFFEC00;
	s20 =	rddreg [dreg:$0x3]  }
0x164: {  	[tilespmem:s15], [sflag:$0x2] =	stream.linear.gather [spmem:s20], $0xC00, $0x38;
	[tilespmem:$0x1C580] =	vst v63  }
0x165: {  	_ =	swait.ge [sflag:s17], $0xC00  }
0x166: {  	[sflag:s17] =	ssyncset.done $0x0  }
0x167: {  	s0 =	rddreg [dreg:$0x5];
	[sflag:s17] =	ssyncadd.s32 $0xFFFFF400  }
0x168: {  	[hbm4b:s0+s2] =	stream.linear.scatter [tilespmem:s15], [sflag:$0x2], $0xC00, $0x38;
	[tilespmem:$0x1C580] =	vst v63  }
0x169: {  	_ =	swait.ge [sflag:s17], $0xC00  }
0x16a: {  	s1 =	simm.s32 @!p0 $0x2;
	[sflag:s17] =	ssyncset.done $0x0  }
0x16b: {  	s0 =	simm.s32 @!p0 $0x6500;
	s22 =	rddreg [dreg:$0x4];
	[sflag:s17] =	ssyncadd.s32 $0xFFFFF400  }
0x16c: {  	[tilespmem:s0], [sflag:$0x2] =	stream.linear.gather @!p0 [spmem:s22], $0x800, $0x38;
	[tilespmem:$0x1C580] =	vst v63  }
0x16d: {  	_ =	swait.ge @!p0 [sflag:s1], $0x800  }
0x16e: {  	[sflag:s1] =	ssyncset.done @!p0 $0x0  }
0x16f: {  	s11 =	simm.s32 @!p0 $0x0;
	s12 =	rddreg [dreg:$0x6];
	[sflag:s1] =	ssyncadd.s32 @!p0 $0xFFFFF800  }
0x170: {  	[hbm4b:s12+s11] =	stream.linear.scatter @!p0 [tilespmem:s0], [sflag:$0x2], $0x800, $0x38;
	[tilespmem:$0x1C580] =	vst v63  }
0x171: {  	_ =	swait.ge @!p0 [sflag:s1], $0x800  }
0x172: {  	s30 =	rddreg [dreg:$0x17]  }
0x173: {  	s31 =	rddreg [dreg:$0x8];
	s11 =	sadd.s32 $0x1, s30  }
0x174: {  	p1 =	sne.s32 s11, s31  }
.Ltmp4:
0x175: {  	_ = 	snop;
	(pc) =	sbr.rel @p1 .LBB2_1-.Ltmp4, $3  }
0x176: {  	_ =	sdelay $0x1  }
0x177: {  	[sflag:s1] =	ssyncset.done @!p0 $0x0  }
0x178: {  	[sflag:s1] =	ssyncadd.s32 @!p0 $0xFFFFF800  }
0x179: {  	_ =	sfence.sel $0x180000  }
0x17a: {  	[bflag:$0x0] =	sbarrier.arrive $0xFFFF  }
0x17b: {  	_ =	strace $0x9000004D  }
0x17c: {  	[bflag:$0x2] =	sbarrier.arrive $0xFFFF  }
0x17d: {  	s0 =	rddreg [dreg:$0x2]  }
0x17e: {  	s0 =	sadd.s32 @!p0 $0x100000, s0  }
0x17f: {  	[sflag:s0] =	ssyncadd.tile.s32 @!p0 $0x1;
	_ =	shalt  }
.Lfunc_end2:
_tile_overlayer_lowered:
.L_overlay_start_2:
0x180: {  	(tag) =	ssettag $0x2  }
0x181: {  	s0 =	rddreg [dreg:$0x0];
	s2 =	stileid.u32  }
0x182: {  	s1 =	rddreg [dreg:$0x1];
	p0 =	sne.s32 s2, $0x0  }
0x183: {  	s3 =	rddreg [dreg:$0x2];
	[bflag:$0x3] =	sbarrier.arrive $0xFFFF;
	s2 =	simm.s32 @!p0 $0x1C02  }
0x184: {  	[timem:s3], [sflag:s2] =	dma.local @!p0 [hbm:s0], s1  }
0x185: {  	s0 =	simm.s32 @!p0 $0x2  }
0x186: {  	_ =	swait.ge @!p0 [sflag:s0], s1  }
0x187: {  	s1 =	ssub.s32 @!p0 $0x0, s1;
	[sflag:s0] =	ssyncset.done @!p0 $0x0  }
0x188: {  	[sflag:s0] =	ssyncadd.s32 @!p0 s1  }
0x189: {  	[bflag:$0x3] =	sbarrier.arrive $0xFFFF  }
0x18a: {  	_ =	shalt  }

// kernel: kernel.22.cloned.1.call-start
scs
__scs_entry_jumppad:
0x0: {  	(pc) =	sbr.rel $0x88, $3  }
0x1: {  	(tag) =	ssettag $0x0;
	lr =	simm.s32 $0x1  }
0x2: {  	[smem:$0x3F80] =	sst lr;
	_ =	strace $0xD0000000  }
0x3: {  	_ = 	snop  }
0x4: {  	_ = 	snop  }
0x5: {  	_ = 	snop  }
0x6: {  	_ = 	snop  }
0x7: {  	_ = 	snop  }
__scs_overlays_trampoline_lowered:
0x8: {  	[smem:$0x3F8F] =	sst s0  }
0x9: {  	[smem:$0x3F90] =	sst s1  }
0xa: {  	[smem:$0x3F91] =	sst s2  }
0xb: {  	[smem:$0x3F92] =	sst s3  }
0xc: {  	[smem:$0x3F93] =	sst s4  }
0xd: {  	[smem:$0x3F94] =	sst s5  }
0xe: {  	[smem:$0x3F95] =	sst s6  }
0xf: {  	[smem:$0x3F96] =	sst s7  }
0x10: {  	[smem:$0x3F97] =	sst s8  }
0x11: {  	[smem:$0x3F98] =	sst s9;
	s0 =	simm.s32 @!p0 $0x0  }
0x12: {  	s1 =	sld [smem:$0x3F7E];
	s0 =	simm.s32 @p0 $0x1  }
0x13: {  	[smem:$0x3F99] =	sst s0;
	s0 =	simm.s32 @!p1 $0x0  }
0x14: {  	s2 =	sld [smem:$0x3F7D];
	s0 =	simm.s32 @p1 $0x1  }
0x15: {  	[smem:$0x3F9A] =	sst s0;
	s0 =	simm.s32 @!p2 $0x0  }
0x16: {  	s3 =	sld [smem:$0x3FDB];
	s0 =	simm.s32 @p2 $0x1  }
0x17: {  	s4 =	simm.s32 $0x1BF5;
	[smem:$0x3F9C] =	sst s0  }
0x18: {  	s0 =	sld [smem:$0x3F7F];
	_ =	swait.ge [sflag:s4], $0x0  }
0x19: {  	s7 =	sld [smem:$0x3F80]  }
0x1a: {  	s8 =	sadd.s32 $0xFFFFE003, lr  }
0x1b: {  	s9 =	sadd.s32 $0xFFFFFEF7, lr;
	s5 =	simm.s32 $0xFFFFFFFF;
	p2 =	slt.u32 s8, $0xFFFFF086  }
0x1c: {  	p1 =	slt.u32 s9, $0xF7A;
	s5 =	simm.s32 @!p2 $0x0  }
0x1d: {  	s5 =	simm.s32 @p1 $0x1;
	p0 =	seq.s32 s7, s2  }
0x1e: {  	s7 =	smul.u32 @!p0 $0xF7A, s2;
	p2 =	seq.s32 @!p0 s5, $0x0  }
0x1f: {  	s9 =	smul.u32 $0xF7A, s1;
	s8 =	simm.s32 @!p0 $0x1BF5;
	p2 =	por !p2, p0  }
0x20: {  	[sflag:s8] =	ssyncset.s32 @!p0 $0xFFFFF086;
	s6 =	sadd.s32 @!p0 s3, s7;
	s7 =	simm.s32 @!p0 $0x108  }
0x21: {  	s3 =	sadd.s32 s3, s9;
	s6 =	sadd.s32 @!p0 $0x88, s6;
	s7 =	simm.s32 @p2 $0x1082  }
0x22: {  	[simem:s7], [sflag:s8] =	dma.local @!p0 [hbm:s6], $0xF7A  }
0x23: {  	s9 =	sor.u32 $0xD0000000, s2;
	s6 =	simm.s32 $0x108;
	_ =	swait.ge @!p0 [sflag:s8], $0x0  }
0x24: {  	s3 =	sadd.s32 $0x88, s3;
	s6 =	simm.s32 @!p1 $0x1082;
	[sflag:s4] =	ssyncset.s32 $0xFFFFF086  }
0x25: {  	[simem:s6], [sflag:s4] =	dma.local [hbm:s3], $0xF7A  }
0x26: {  	[smem:$0x3F80] =	sst s1;
	(tag) =	ssettag s2;
	_ =	strace s9  }
0x27: {  	s1 =	sld [smem:$0x3F90]  }
0x28: {  	s2 =	sld [smem:$0x3F91]  }
0x29: {  	s4 =	sld [smem:$0x3F93]  }
0x2a: {  	p0 =	seq.s32 s5, $0x0;
	s5 =	sld [smem:$0x3F94]  }
0x2b: {  	s6 =	sld [smem:$0x3F95]  }
0x2c: {  	s7 =	sld [smem:$0x3F96]  }
0x2d: {  	s3 =	simm.s32 $0x108;
	s8 =	sld [smem:$0x3F97]  }
0x2e: {  	s3 =	simm.s32 @!p0 $0x1082;
	s9 =	sld [smem:$0x3F98]  }
0x2f: {  	lr =	sadd.s32 s0, s3;
	s0 =	sld [smem:$0x3F8F]  }
0x30: {  	s3 =	sld [smem:$0x3F92]  }
0x31: {  	[smem:$0x3F9B] =	sst s10  }
0x32: {  	s10 =	sld [smem:$0x3F99];
	_ =	sdelay $0x3  }
0x33: {  	p0 =	seq.s32 s10, $0x1;
	s10 =	sld [smem:$0x3F9B];
	_ =	sdelay $0x3  }
0x34: {  	[smem:$0x3F9B] =	sst s10  }
0x35: {  	s10 =	sld [smem:$0x3F9A];
	_ =	sdelay $0x3  }
0x36: {  	p1 =	seq.s32 s10, $0x1;
	s10 =	sld [smem:$0x3F9B];
	_ =	sdelay $0x3  }
0x37: {  	[smem:$0x3F9B] =	sst s10  }
0x38: {  	s10 =	sld [smem:$0x3F9C]  }
0x39: {  	_ = 	snop;
	(pc) =	sbr.ind lr, $3  }
0x3a: {  	_ = 	snop  }
0x3b: {  	_ = 	snop  }
0x3c: {  	p2 =	seq.s32 s10, $0x1;
	s10 =	sld [smem:$0x3F9B]  }
0x3d: {  	_ =	shalt  }
0x3e: {  	_ =	shalt  }
0x3f: {  	_ =	shalt  }
0x40: {  	_ =	shalt  }
0x41: {  	_ =	shalt  }
0x42: {  	_ =	shalt  }
0x43: {  	_ =	shalt  }
0x44: {  	_ =	shalt  }
0x45: {  	_ =	shalt  }
0x46: {  	_ =	shalt  }
0x47: {  	_ =	shalt  }
0x48: {  	_ =	shalt  }
0x49: {  	_ =	shalt  }
0x4a: {  	_ =	shalt  }
0x4b: {  	_ =	shalt  }
0x4c: {  	_ =	shalt  }
0x4d: {  	_ =	shalt  }
0x4e: {  	_ =	shalt  }
0x4f: {  	_ =	shalt  }
0x50: {  	_ =	shalt  }
0x51: {  	_ =	shalt  }
0x52: {  	_ =	shalt  }
0x53: {  	_ =	shalt  }
0x54: {  	_ =	shalt  }
0x55: {  	_ =	shalt  }
0x56: {  	_ =	shalt  }
0x57: {  	_ =	shalt  }
0x58: {  	_ =	shalt  }
0x59: {  	_ =	shalt  }
0x5a: {  	_ =	shalt  }
0x5b: {  	_ =	shalt  }
0x5c: {  	_ =	shalt  }
0x5d: {  	_ =	shalt  }
0x5e: {  	_ =	shalt  }
0x5f: {  	_ =	shalt  }
0x60: {  	_ =	shalt  }
0x61: {  	_ =	shalt  }
0x62: {  	_ =	shalt  }
0x63: {  	_ =	shalt  }
0x64: {  	_ =	shalt  }
0x65: {  	_ =	shalt  }
0x66: {  	_ =	shalt  }
0x67: {  	_ =	shalt  }
0x68: {  	_ =	shalt  }
0x69: {  	_ =	shalt  }
0x6a: {  	_ =	shalt  }
0x6b: {  	_ =	shalt  }
0x6c: {  	_ =	shalt  }
0x6d: {  	_ =	shalt  }
0x6e: {  	_ =	shalt  }
0x6f: {  	_ =	shalt  }
0x70: {  	_ =	shalt  }
0x71: {  	_ =	shalt  }
0x72: {  	_ =	shalt  }
0x73: {  	_ =	shalt  }
0x74: {  	_ =	shalt  }
0x75: {  	_ =	shalt  }
0x76: {  	_ =	shalt  }
0x77: {  	_ =	shalt  }
0x78: {  	_ =	shalt  }
0x79: {  	_ =	shalt  }
0x7a: {  	_ =	shalt  }
0x7b: {  	_ =	shalt  }
0x7c: {  	_ =	shalt  }
0x7d: {  	_ =	shalt  }
0x7e: {  	_ =	shalt  }
0x7f: {  	_ =	shalt  }
0x80: {  	_ =	shalt  }
0x81: {  	_ =	shalt  }
0x82: {  	_ =	shalt  }
0x83: {  	_ =	shalt  }
0x84: {  	_ =	shalt  }
0x85: {  	_ =	shalt  }
0x86: {  	_ =	shalt  }
0x87: {  	_ =	shalt  }
.Lfunc_end0:
.L_simem_size_0:
called_computation.3_lowered:
.L_overlay_start_0:
0x88: {  	s2 =	sld [smem:$0x3FD9]  }
0x89: {  	s3 =	sld [smem:$0x3FFE];
	_ =	sdelay $0x1  }
0x8a: {  	s1 =	srdreg.scid  }
0x8b: {  	s0 =	sand.u32 $0x1, s1  }
0x8c: {  	s16 =	sshll.u32 s0, $0xA;
	s2 =	sadd.s32 s3, s2  }
0x8d: {  	s2 =	sadd.s32 s2, s16  }
0x8e: {  	[smem:$0x3FA7] =	sst s2  }
0x8f: {  	_ = 	snop  }
0x90: {  	(tm) =	ssettm $0x1  }
0x91: {  	s17 =	sld [smem:$0x3FFB];
	_ =	sdelay $0x3  }
0x92: {  	_ =	strace s17  }
0x93: {  	s2 =	sld [smem:$0x3FFC];
	_ =	sdelay $0x3  }
0x94: {  	_ =	strace s2  }
0x95: {  	s2 =	sld [smem:$0x3FFD];
	_ =	sdelay $0x3  }
0x96: {  	_ =	strace s2  }
0x97: {  	_ =	strace $0x8FFFFFFF  }
0x98: {  	s18 =	sld [smem:$0x3FDB];
	_ =	sdelay $0x1  }
0x99: {  	s19 =	simm.s32 $_scs_section_size  }
0x9a: {  	s4 =	simm.s32 $_size__tile_overlayer_lowered;
	s5 =	simm.s32 $_tile_overlayer_lowered  }
0x9b: {  	s22 =	simm.s32 $0x1BFF;
	s21 =	sshll.u32 s5, $0x1;
	s2 =	sadd.s32 s19, s18  }
0x9c: {  	s6 =	simm.s32 $0x0;
	s20 =	sshll.u32 s4, $0x1;
	s4 =	sadd.s32 s21, s2  }
0x9d: {  	[timem:s6], [sflag:s22] =	dma.local [hbm:s4], s20  }
0x9e: {  	_ =	swait.ge [sflag:s22], s20  }
0x9f: {  	s3 =	ssub.s32 $0x0, s20;
	[sflag:s22] =	ssyncset.done $0x0  }
0xa0: {  	[sflag:s22] =	ssyncadd.s32 s3;
	_ =	sdelay $0x1  }
0xa1: {  	s23 =	simm.s32 $0x1B8B  }
0xa2: {  	_ =	swait.ge [sflag:s23], $0x1  }
0xa3: {  	[sflag:s23] =	ssyncset.done $0x0  }
0xa4: {  	s25 =	simm.s32 $0x1B8E;
	s24 =	sld [smem:$0x3FFE];
	[sflag:s23] =	ssyncadd.s32 $0xFFFFFFFF  }
0xa5: {  	s26 =	simm.s32 $execute0_lowered;
	[smem:$0x3FD2] =	sst s25  }
0xa6: {  	s4 =	sshll.u32 s26, $0x1;
	_ =	strace $0x8000004F;
	[dreg:$0x1] =	wrdreg $0xFFFFFFFF  }
0xa7: {  	s28 =	simm.s32 $_size_execute0_lowered;
	s2 =	sadd.s32 s2, s4;
	[dreg:$0x0] =	wrdreg $0x0  }
0xa8: {  	s4 =	sshll.u32 s28, $0x1;
	[dreg:$0x2] =	wrdreg s2  }
0xa9: {  	[dreg:$0x3] =	wrdreg s4  }
0xaa: {  	[dreg:$0x4] =	wrdreg $0xC0  }
0xab: {  	_ =	task [dreg:s6], $0x5FFFF  }
0xac: {  	[dreg:$0x1] =	wrdreg $0xFFFFFFFF  }
0xad: {  	[dreg:$0x0] =	wrdreg $0x60  }
0xae: {  	[dreg:$0x2] =	wrdreg s24  }
0xaf: {  	[dreg:$0x3] =	wrdreg $0x28800  }
0xb0: {  	[dreg:$0x4] =	wrdreg $0x9  }
0xb1: {  	_ =	task.clear_ibuf [dreg:s6], $0x5FFFF;
	_ =	strace $0x9000004F  }
0xb2: {  	s29 =	simm.s32 $0x9;
	_ =	strace $0x80000051  }
0xb3: {  	_ =	swait.ge [sflag:s29], $0x1  }
0xb4: {  	[sflag:s29] =	ssyncadd.s32 $0xFFFFFFFF  }
0xb5: {  	_ =	strace $0x90000051  }
0xb6: {  	_ =	sfence  }
0xb7: {  	s30 =	sld [smem:$0x0];
	_ =	sdelay $0x2  }
0xb8: {  	s31 =	sshll.u32 s1, $0xD;
	s1 =	sshrl.u32 s1, $0x2  }
0xb9: {  	s3 =	sand.u32 $0x4000, s31;
	s1 =	sadd.s32 s1, s30  }
0xba: {  	s0 =	sor.u32 s3, s0;
	s1 =	sshll.u32 s1, $0x11  }
0xbb: {  	s0 =	sor.u32 s1, s0  }
0xbc: {  	s0 =	sadd.s32 $0x8F2B, s0  }
0xbd: {  	[sflag:s0] =	ssyncadd.remote.s32 $0x1  }
0xbe: {  	_ =	sfence.sel $0xFFFF  }
0xbf: {  	[dreg:$0x0] =	wrdreg $0xFFFFFFFF;
	(pc) =	sbr.abs _section_cstart, $3  }
0xc0: {  	[dreg:$0x1] =	wrdreg $0xFFFFFFFF  }
0xc1: {  	_ =	task.clear_ibuf [dreg:s6], $0x2FFFF;
	_ =	strace $0x9FFFFFFF  }
0xc2: {  	(tm) =	ssettm $0x7FFFFFFF  }
0xc3: {  	_ =	shalt  }
tec
execute0_lowered:
.L_overlay_start_1:
0x0: {  	(tag) =	ssettag $0x1  }
0x1: {  	s0 =	rddreg [dreg:$0x0];
	s2 =	srdreg.scid  }
0x2: {  	s8 =	stileid.u32;
	s1 =	rddreg [dreg:$0x1]  }
0x3: {  	s28 =	simm.s32 $0x1480;
	s29 =	simm.s32 $0x1;
	s30 =	simm.s32 $0x80  }
0x4: {  	s31 =	simm.s32 $0x28;
	s5 =	sand.u32 $0x1, s2;
	s9 =	smul.u32 $0x13800, s8  }
0x5: {  	s3 =	sshll.u32 s8, $0x1;
	s2 =	simm.s32 $0x0;
	s13 =	smul.u32 $0x4E000, s8  }
0x6: {  	p0 =	sne.s32 s8, $0x0;
	s4 =	sor.u32 s5, s3;
	[smem:$0x7FF] =	sst s2  }
0x7: {  	s6 =	ssub.s32 $0x2, s5;
	s12 =	smul.u32 $0x138800, s5;
	s3 =	sshll.u32 s4, $0xC  }
0x8: {  	_ =	strace $0x80000050;
	s10 =	sshrl.u32 s6, $0x1;
	s4 =	smul.u32 $0x2710, s4  }
0x9: {  	s24 =	sadd.s32 $0x12C00, s9;
	s13 =	sshrl.u32 s13, $0x2;
	s7 =	sadd.s32 s3, s0  }
0xa: {  	s3 =	sadd.s32 $0xA3C00, s0;
	s0 =	sadd.s32 $0x2E600, s0;
	s11 =	ssub.s32 s6, s10  }
0xb: {  	s5 =	sadd.s32 s24, s1;
	s6 =	sadd.s32 $0x138000, s1;
	s10 =	sadd.s32 s12, s24  }
0xc: {  	s14 =	sshrl.u32 s12, $0x3;
	s9 =	sadd.s32 s9, s12;
	s7 =	sadd.s32 $0x586C00, s7  }
0xd: {  	s10 =	sshrl.u32 s10, $0x3;
	s14 =	sadd.s32 s0, s14;
	s11 =	smax.u32 s11, $0x1  }
0xe: {  	s9 =	sshrl.u32 s9, $0x3;
	s10 =	sadd.s32 s0, s10;
	[dreg:$0x5] =	wrdreg s11  }
0xf: {  	s25 =	sadd.s32 $0x27000, s14;
	s23 =	sadd.s32 s9, s0;
	[dreg:$0x3] =	wrdreg s10  }
0x10: {  	s0 =	simm.s32 $0x0;
	[dreg:$0x4] =	wrdreg s25;
	s10 =	sadd.s32 s13, s1  }
0x11: {  	s26 =	sadd.s32 $0x1400, s10;
	s13 =	sadd.s32 $0x2800, s10;
	s14 =	sadd.s32 $0x3C00, s10  }
0x12: {  	s15 =	sadd.s32 $0x5000, s10;
	s16 =	sadd.s32 $0x6400, s10;
	s17 =	sadd.s32 $0x7800, s10  }
0x13: {  	s18 =	sadd.s32 $0x8C00, s10;
	s19 =	sadd.s32 $0xA000, s10;
	s20 =	sadd.s32 $0xB400, s10  }
0x14: {  	s21 =	sadd.s32 $0xC800, s10;
	s22 =	sadd.s32 $0xDC00, s10;
	s24 =	sadd.s32 $0xF000, s10  }
0x15: {  	v0 =	vimm.f32 $0.0e+00;
	s25 =	sadd.s32 $0x10400, s10;
	[dreg:$0x6] =	wrdreg s26;
	s26 =	sadd.s32 $0x11800, s10  }
.LBB2_1:
0x16: {  	s8 =	simm.s32 $0x0;
	s9 =	simm.s32 $0x200  }
.LBB2_2:
0x17: {  	p1 =	sne.s32 s9, $0x4E00;
	[tilespmem:s8+$0x14F0] =	vst v0  }
0x18: {  	[tilespmem:s8+$0x1480] =	vst v0  }
0x19: {  	[tilespmem:s8+$0x1490] =	vst v0  }
.Ltmp0:
0x1a: {  	[tilespmem:s8+$0x14A0] =	vst v0;
	(pc) =	sbr.rel @p1 .LBB2_2-.Ltmp0, $4  }
0x1b: {  	[tilespmem:s8+$0x14B0] =	vst v0  }
0x1c: {  	[tilespmem:s8+$0x14C0] =	vst v0  }
0x1d: {  	[tilespmem:s8+$0x14D0] =	vst v0  }
0x1e: {  	[tilespmem:s8+$0x14E0] =	vst v0;
	s8 =	sshra.s32 s9, $0x2;
	s9 =	sadd.s32 $0x200, s9  }
0x1f: {  	[tilespmem:s8+$0x14F0] =	vst v0  }
0x20: {  	[tilespmem:s8+$0x1480] =	vst v0  }
0x21: {  	[tilespmem:s8+$0x1490] =	vst v0  }
0x22: {  	[tilespmem:s8+$0x14A0] =	vst v0  }
0x23: {  	[tilespmem:s8+$0x14B0] =	vst v0  }
0x24: {  	[tilespmem:s8+$0x14C0] =	vst v0  }
0x25: {  	[tilespmem:s8+$0x14D0] =	vst v0  }
0x26: {  	[tilespmem:s8+$0x14E0] =	vst v0  }
0x27: {  	[spmem:s10] =	stream.linear.scatter [tilespmem:s28], [sflag:$0x1], $0x1400, $0x38;
	[tilespmem:$0x16100] =	vst v63  }
0x28: {  	_ =	swait.ge [sflag:s29], $0x1400  }
0x29: {  	[sflag:s29] =	ssyncset.done $0x0  }
0x2a: {  	s12 =	rddreg [dreg:$0x6];
	[sflag:s29] =	ssyncadd.s32 $0xFFFFEC00  }
0x2b: {  	[spmem:s12] =	stream.linear.scatter [tilespmem:s28], [sflag:$0x1], $0x1400, $0x38;
	[tilespmem:$0x16100] =	vst v63  }
0x2c: {  	_ =	swait.ge [sflag:s29], $0x1400  }
0x2d: {  	[sflag:s29] =	ssyncset.done $0x0  }
0x2e: {  	[sflag:s29] =	ssyncadd.s32 $0xFFFFEC00  }
0x2f: {  	[spmem:s13] =	stream.linear.scatter [tilespmem:s28], [sflag:$0x1], $0x1400, $0x38;
	[tilespmem:$0x16100] =	vst v63  }
0x30: {  	_ =	swait.ge [sflag:s29], $0x1400  }
0x31: {  	[sflag:s29] =	ssyncset.done $0x0  }
0x32: {  	[sflag:s29] =	ssyncadd.s32 $0xFFFFEC00  }
0x33: {  	[spmem:s14] =	stream.linear.scatter [tilespmem:s28], [sflag:$0x1], $0x1400, $0x38;
	[tilespmem:$0x16100] =	vst v63  }
0x34: {  	_ =	swait.ge [sflag:s29], $0x1400  }
0x35: {  	[sflag:s29] =	ssyncset.done $0x0  }
0x36: {  	[sflag:s29] =	ssyncadd.s32 $0xFFFFEC00  }
0x37: {  	[spmem:s15] =	stream.linear.scatter [tilespmem:s28], [sflag:$0x1], $0x1400, $0x38;
	[tilespmem:$0x16100] =	vst v63  }
0x38: {  	_ =	swait.ge [sflag:s29], $0x1400  }
0x39: {  	[sflag:s29] =	ssyncset.done $0x0  }
0x3a: {  	[sflag:s29] =	ssyncadd.s32 $0xFFFFEC00  }
0x3b: {  	[spmem:s16] =	stream.linear.scatter [tilespmem:s28], [sflag:$0x1], $0x1400, $0x38;
	[tilespmem:$0x16100] =	vst v63  }
0x3c: {  	_ =	swait.ge [sflag:s29], $0x1400  }
0x3d: {  	[sflag:s29] =	ssyncset.done $0x0  }
0x3e: {  	[sflag:s29] =	ssyncadd.s32 $0xFFFFEC00  }
0x3f: {  	[spmem:s17] =	stream.linear.scatter [tilespmem:s28], [sflag:$0x1], $0x1400, $0x38;
	[tilespmem:$0x16100] =	vst v63  }
0x40: {  	_ =	swait.ge [sflag:s29], $0x1400  }
0x41: {  	[sflag:s29] =	ssyncset.done $0x0  }
0x42: {  	[sflag:s29] =	ssyncadd.s32 $0xFFFFEC00  }
0x43: {  	[spmem:s18] =	stream.linear.scatter [tilespmem:s28], [sflag:$0x1], $0x1400, $0x38;
	[tilespmem:$0x16100] =	vst v63  }
0x44: {  	_ =	swait.ge [sflag:s29], $0x1400  }
0x45: {  	[sflag:s29] =	ssyncset.done $0x0  }
0x46: {  	[sflag:s29] =	ssyncadd.s32 $0xFFFFEC00  }
0x47: {  	[spmem:s19] =	stream.linear.scatter [tilespmem:s28], [sflag:$0x1], $0x1400, $0x38;
	[tilespmem:$0x16100] =	vst v63  }
0x48: {  	_ =	swait.ge [sflag:s29], $0x1400  }
0x49: {  	[sflag:s29] =	ssyncset.done $0x0  }
0x4a: {  	[sflag:s29] =	ssyncadd.s32 $0xFFFFEC00  }
0x4b: {  	[spmem:s20] =	stream.linear.scatter [tilespmem:s28], [sflag:$0x1], $0x1400, $0x38;
	[tilespmem:$0x16100] =	vst v63  }
0x4c: {  	_ =	swait.ge [sflag:s29], $0x1400  }
0x4d: {  	[sflag:s29] =	ssyncset.done $0x0  }
0x4e: {  	[sflag:s29] =	ssyncadd.s32 $0xFFFFEC00  }
0x4f: {  	[spmem:s21] =	stream.linear.scatter [tilespmem:s28], [sflag:$0x1], $0x1400, $0x38;
	[tilespmem:$0x16100] =	vst v63  }
0x50: {  	_ =	swait.ge [sflag:s29], $0x1400  }
0x51: {  	[sflag:s29] =	ssyncset.done $0x0  }
0x52: {  	[sflag:s29] =	ssyncadd.s32 $0xFFFFEC00  }
0x53: {  	[spmem:s22] =	stream.linear.scatter [tilespmem:s28], [sflag:$0x1], $0x1400, $0x38;
	[tilespmem:$0x16100] =	vst v63  }
0x54: {  	_ =	swait.ge [sflag:s29], $0x1400  }
0x55: {  	[sflag:s29] =	ssyncset.done $0x0  }
0x56: {  	[sflag:s29] =	ssyncadd.s32 $0xFFFFEC00  }
0x57: {  	[spmem:s24] =	stream.linear.scatter [tilespmem:s28], [sflag:$0x1], $0x1400, $0x38;
	[tilespmem:$0x16100] =	vst v63  }
0x58: {  	_ =	swait.ge [sflag:s29], $0x1400  }
0x59: {  	[sflag:s29] =	ssyncset.done $0x0  }
0x5a: {  	[sflag:s29] =	ssyncadd.s32 $0xFFFFEC00  }
0x5b: {  	[spmem:s25] =	stream.linear.scatter [tilespmem:s28], [sflag:$0x1], $0x1400, $0x38;
	[tilespmem:$0x16100] =	vst v63  }
0x5c: {  	_ =	swait.ge [sflag:s29], $0x1400  }
0x5d: {  	[sflag:s29] =	ssyncset.done $0x0  }
0x5e: {  	[sflag:s29] =	ssyncadd.s32 $0xFFFFEC00  }
0x5f: {  	[spmem:s26] =	stream.linear.scatter [tilespmem:s28], [sflag:$0x1], $0x1400, $0x38;
	[tilespmem:$0x16100] =	vst v63  }
0x60: {  	_ =	swait.ge [sflag:s29], $0x1400  }
0x61: {  	[sflag:s29] =	ssyncset.done $0x0  }
0x62: {  	[sflag:s29] =	ssyncadd.s32 $0xFFFFEC00  }
0x63: {  	[spmem:s5] =	stream.linear.scatter [tilespmem:s28], [sflag:$0x1], $0xC00, $0x38;
	[tilespmem:$0x16100] =	vst v63  }
0x64: {  	_ =	swait.ge [sflag:s29], $0xC00  }
0x65: {  	[sflag:s29] =	ssyncset.done $0x0  }
0x66: {  	s8 =	simm.s32 @!p0 $0x1480;
	[sflag:s29] =	ssyncadd.s32 $0xFFFFF400  }
0x67: {  	[spmem:s6] =	stream.linear.scatter @!p0 [tilespmem:s8], [sflag:$0x1], $0x800, $0x38;
	[tilespmem:$0x16100] =	vst v63  }
0x68: {  	s8 =	simm.s32 @!p0 $0x1  }
0x69: {  	_ =	swait.ge @!p0 [sflag:s8], $0x800  }
0x6a: {  	[sflag:s8] =	ssyncset.done @!p0 $0x0  }
0x6b: {  	[sflag:s8] =	ssyncadd.s32 @!p0 $0xFFFFF800  }
0x6c: {  	s9 =	simm.s32 $0x0;
	s8 =	simm.s32 $0x0;
	[bflag:$0x0] =	sbarrier.arrive $0xFFFF  }
.LBB2_4:
0x6d: {  	s11 =	sshll.u32 s9, $0x4  }
0x6e: {  	s12 =	smul.u32 $0x28, s9;
	s11 =	sadd.s32 s11, s7  }
0x6f: {  	[tilespmem:s8], [sflag:$0x1] =	stream.linear.gather [hbm4b:s11+s8], $0x80, $0x38;
	[tilespmem:$0x16100] =	vst v63  }
0x70: {  	s12 =	sadd.s32 s4, s12;
	_ =	swait.ge [sflag:s29], $0x80  }
0x71: {  	s11 =	sshll.u32 s12, $0x4;
	[sflag:s29] =	ssyncset.done $0x0  }
0x72: {  	s11 =	sadd.s32 s3, s11;
	[sflag:s29] =	ssyncadd.s32 $0xFFFFFF80  }
0x73: {  	[tilespmem:s30], [sflag:$0x1] =	stream.linear.gather [hbm4b:s11+s8], $0x1400, $0x38;
	[tilespmem:$0x16100] =	vst v63  }
0x74: {  	_ =	swait.ge [sflag:s29], $0x1400  }
0x75: {  	[sflag:s29] =	ssyncset.done $0x0  }
0x76: {  	s11 =	simm.s32 $0x0;
	[sflag:s29] =	ssyncadd.s32 $0xFFFFEC00  }
0x77: {  	s12 =	simm.s32 $0x200;
	v1 =	vld [tilespmem:s11+$0x80]  }
.LBB2_5:
0x78: {  	p1 =	sne.s32 s12, $0x4E00  }
.Ltmp1:
0x79: {  	_ = 	snop;
	(pc) =	sbr.rel @p1 .LBB2_5-.Ltmp1, $3  }
0x7a: {  	_ =	sdelay $0x1  }
0x7b: {  	[tilespmem:s11+$0x1480] =	vst v1;
	s11 =	sshra.s32 s12, $0x2;
	s12 =	sadd.s32 $0x200, s12  }
0x7c: {  	v1 =	vld [tilespmem:s11+$0x80]  }
0x7d: {  	_ =	sdelay $0x1  }
0x7e: {  	s9 =	sadd.s32 $0x1, s9  }
0x7f: {  	p1 =	sne.s32 s9, $0xFA  }
.Ltmp2:
0x80: {  	[tilespmem:s11+$0x1480] =	vst v1;
	(pc) =	sbr.rel @p1 .LBB2_4-.Ltmp2, $4  }
0x81: {  	[spmem:s1] =	stream.indirect.scatter.add.f32 [tilespmem:s28], [sflag:$0x1], $0x80, s2, s31, $0xb8;
	[tilespmem:$0x16100] =	vst v63  }
0x82: {  	_ =	swait.ge [sflag:s29], $0x1400  }
0x83: {  	[sflag:s29] =	ssyncset.done $0x0  }
0x84: {  	[sflag:s29] =	ssyncadd.s32 $0xFFFFEC00  }
0x85: {  	[bflag:$0x0] =	sbarrier.arrive $0xFFFF  }
0x86: {  	[tilespmem:s28], [sflag:$0x1] =	stream.linear.gather [spmem:s10], $0x1400, $0x38;
	[tilespmem:$0x16100] =	vst v63  }
0x87: {  	_ =	swait.ge [sflag:s29], $0x1400  }
0x88: {  	[sflag:s29] =	ssyncset.done $0x0  }
0x89: {  	s8 =	sadd.s32 $0x0, s23;
	[sflag:s29] =	ssyncadd.s32 $0xFFFFEC00  }
0x8a: {  	[hbm4b:s8+s2] =	stream.linear.scatter [tilespmem:s28], [sflag:$0x1], $0x1400, $0x38;
	[tilespmem:$0x16100] =	vst v63  }
0x8b: {  	_ =	swait.ge [sflag:s29], $0x1400  }
0x8c: {  	s9 =	smov.u32 s10;
	s8 =	simm.s32 $0x280;
	[sflag:s29] =	ssyncset.done $0x0  }
.LBB2_8:
0x8d: {  	p1 =	sne.s32 s8, $0x2300;
	[sflag:s29] =	ssyncadd.s32 $0xFFFFEC00;
	s9 =	sadd.s32 $0x1400, s9  }
0x8e: {  	[tilespmem:s28], [sflag:$0x1] =	stream.linear.gather [spmem:s9], $0x1400, $0x38;
	[tilespmem:$0x16100] =	vst v63  }
0x8f: {  	s11 =	smov.u32 s8;
	s8 =	sadd.s32 $0x280, s8;
	_ =	swait.ge [sflag:s29], $0x1400  }
.Ltmp3:
0x90: {  	[sflag:s29] =	ssyncset.done $0x0;
	(pc) =	sbr.rel @p1 .LBB2_8-.Ltmp3, $4  }
0x91: {  	s11 =	sadd.s32 s11, s23;
	[sflag:s29] =	ssyncadd.s32 $0xFFFFEC00  }
0x92: {  	[hbm4b:s11+s2] =	stream.linear.scatter [tilespmem:s28], [sflag:$0x1], $0x1400, $0x38;
	[tilespmem:$0x16100] =	vst v63  }
0x93: {  	_ =	swait.ge [sflag:s29], $0x1400  }
0x94: {  	[sflag:s29] =	ssyncset.done $0x0  }
0x95: {  	[sflag:s29] =	ssyncadd.s32 $0xFFFFEC00  }
0x96: {  	[tilespmem:s28], [sflag:$0x1] =	stream.linear.gather [spmem:s5], $0xC00, $0x38;
	[tilespmem:$0x16100] =	vst v63  }
0x97: {  	_ =	swait.ge [sflag:s29], $0xC00  }
0x98: {  	[sflag:s29] =	ssyncset.done $0x0  }
0x99: {  	s8 =	rddreg [dreg:$0x3];
	[sflag:s29] =	ssyncadd.s32 $0xFFFFF400  }
0x9a: {  	[hbm4b:s8+s2] =	stream.linear.scatter [tilespmem:s28], [sflag:$0x1], $0xC00, $0x38;
	[tilespmem:$0x16100] =	vst v63  }
0x9b: {  	_ =	swait.ge [sflag:s29], $0xC00  }
0x9c: {  	[sflag:s29] =	ssyncset.done $0x0  }
0x9d: {  	s9 =	simm.s32 @!p0 $0x1;
	s8 =	simm.s32 @!p0 $0x1480;
	[sflag:s29] =	ssyncadd.s32 $0xFFFFF400  }
0x9e: {  	[tilespmem:s8], [sflag:$0x1] =	stream.linear.gather @!p0 [spmem:s6], $0x800, $0x38;
	[tilespmem:$0x16100] =	vst v63  }
0x9f: {  	_ =	swait.ge @!p0 [sflag:s9], $0x800  }
0xa0: {  	[sflag:s9] =	ssyncset.done @!p0 $0x0  }
0xa1: {  	s11 =	simm.s32 @!p0 $0x0;
	s12 =	rddreg [dreg:$0x4];
	[sflag:s9] =	ssyncadd.s32 @!p0 $0xFFFFF800  }
0xa2: {  	[hbm4b:s12+s11] =	stream.linear.scatter @!p0 [tilespmem:s8], [sflag:$0x1], $0x800, $0x38;
	[tilespmem:$0x16100] =	vst v63  }
0xa3: {  	_ =	swait.ge @!p0 [sflag:s9], $0x800  }
0xa4: {  	s0 =	sadd.s32 $0x1, s0;
	s12 =	rddreg [dreg:$0x5]  }
0xa5: {  	p1 =	sne.s32 s0, s12  }
.Ltmp4:
0xa6: {  	_ = 	snop;
	(pc) =	sbr.rel @p1 .LBB2_1-.Ltmp4, $3  }
0xa7: {  	_ =	sdelay $0x1  }
0xa8: {  	[sflag:s9] =	ssyncset.done @!p0 $0x0  }
0xa9: {  	[sflag:s9] =	ssyncadd.s32 @!p0 $0xFFFFF800  }
0xaa: {  	_ =	sfence.sel $0x180000  }
0xab: {  	[bflag:$0x0] =	sbarrier.arrive $0xFFFF  }
0xac: {  	_ =	strace $0x90000050  }
0xad: {  	[bflag:$0x2] =	sbarrier.arrive $0xFFFF  }
0xae: {  	s0 =	rddreg [dreg:$0x2]  }
0xaf: {  	s0 =	sadd.s32 @!p0 $0x100000, s0  }
0xb0: {  	[sflag:s0] =	ssyncadd.tile.s32 @!p0 $0x1;
	_ =	shalt  }
.Lfunc_end2:
_tile_overlayer_lowered:
.L_overlay_start_2:
0xb1: {  	(tag) =	ssettag $0x2  }
0xb2: {  	s0 =	rddreg [dreg:$0x0];
	s2 =	stileid.u32  }
0xb3: {  	s1 =	rddreg [dreg:$0x1];
	p0 =	sne.s32 s2, $0x0  }
0xb4: {  	s3 =	rddreg [dreg:$0x2];
	[bflag:$0x3] =	sbarrier.arrive $0xFFFF;
	s2 =	simm.s32 @!p0 $0x1C01  }
0xb5: {  	[timem:s3], [sflag:s2] =	dma.local @!p0 [hbm:s0], s1  }
0xb6: {  	s0 =	simm.s32 @!p0 $0x1  }
0xb7: {  	_ =	swait.ge @!p0 [sflag:s0], s1  }
0xb8: {  	s1 =	ssub.s32 @!p0 $0x0, s1;
	[sflag:s0] =	ssyncset.done @!p0 $0x0  }
0xb9: {  	[sflag:s0] =	ssyncadd.s32 @!p0 s1  }
0xba: {  	[bflag:$0x3] =	sbarrier.arrive $0xFFFF  }
0xbb: {  	_ =	shalt  }

</sc_bundles>
